<compile_context>
chip_gen: v7x
topology: tpu7x:2x2x1
jax: 0.10.2.dev20260603
libtpu: 0.0.44.dev20260713+nightly
codegen_flags: <defaults>
</compile_context>

<pallas_src>
import functools

import jax
import jax.numpy as jnp
from jax import lax
from jax.experimental import pallas as pl
from jax.experimental.pallas import tpu as pltpu
from jax.experimental.pallas import tpu_sc as plsc

BATCH = 16384
HIDDEN = 64

NUM_CORES = 2
NUM_SUBCORES = 16
NUM_WORKERS = NUM_CORES * NUM_SUBCORES
LANES = 16

B_PER_W = BATCH // NUM_WORKERS
NBUF = 8
GROUPS = B_PER_W // LANES


def _gather_body(table_t_hbm, idx_hbm, out_t_hbm, idx_v, blk_v, cols_v, sem):
    wid = lax.axis_index("s") * NUM_CORES + lax.axis_index("c")
    base = wid * B_PER_W
    pltpu.sync_copy(idx_hbm.at[pl.ds(base, B_PER_W)], idx_v)

    lane_iota = lax.iota(jnp.int32, LANES)

    def fetch(slot, lbl):
        q128 = lax.shift_right_logical(lbl, 7) * 128
        return pltpu.async_copy(
            table_t_hbm.at[:, pl.ds(q128, 128)],
            blk_v.at[slot],
            sem,
        )

    def drain(slot):
        pltpu.make_async_copy(
            table_t_hbm.at[:, pl.ds(0, 128)], blk_v.at[slot], sem
        ).wait()

    def extract(slot, lbl, b):
        r = lbl & 127
        col = jnp.broadcast_to(r, (LANES,))
        dstc = jnp.broadcast_to(b, (LANES,))
        for g in range(HIDDEN // LANES):
            rows = lane_iota + (g * LANES)
            vals = plsc.load_gather(blk_v.at[slot], [rows, col])
            plsc.store_scatter(cols_v, [rows, dstc], vals)

    vlbl0 = idx_v[pl.ds(0, LANES)]
    for k in range(NBUF):
        fetch(k, vlbl0[k])

    def group(gi, vlbl):
        gb = gi * LANES
        nxt = (gi + 1) * LANES
        vnxt = idx_v[pl.ds(jnp.where(nxt < B_PER_W, nxt, 0), LANES)]
        for k in range(LANES):
            slot = k % NBUF
            drain(slot)
            extract(slot, vlbl[k], gb + k)
            if k + NBUF < LANES:
                fetch(slot, vlbl[k + NBUF])
            else:
                fetch(slot, vnxt[k + NBUF - LANES])
        return vnxt

    vlast = lax.fori_loop(0, GROUPS - 1, group, vlbl0)
    gb = (GROUPS - 1) * LANES
    for k in range(LANES):
        slot = k % NBUF
        drain(slot)
        extract(slot, vlast[k], gb + k)
        if k + NBUF < LANES:
            fetch(slot, vlast[k + NBUF])
    pltpu.sync_copy(cols_v, out_t_hbm.at[:, pl.ds(base, B_PER_W)])


_gather_call = functools.partial(
    pl.kernel,
    out_type=jax.ShapeDtypeStruct((HIDDEN, BATCH), jnp.float32),
    mesh=plsc.VectorSubcoreMesh(core_axis_name="c", subcore_axis_name="s"),
    scratch_types=[
        pltpu.VMEM((B_PER_W,), jnp.int32),
        pltpu.VMEM((NBUF, HIDDEN, 128), jnp.float32),
        pltpu.VMEM((HIDDEN, B_PER_W), jnp.float32),
        pltpu.SemaphoreType.DMA,
    ],
    compiler_params=pltpu.CompilerParams(
        use_tc_tiling_on_sc=True, needs_layout_passes=False
    ),
)(_gather_body)


@jax.jit
def kernel(labels, embedding_table):
    out_t = _gather_call(embedding_table.T, labels.astype(jnp.int32))
    return out_t.T

# --- scband reference (transcript-rebuilt; emitter-appended) ---
"""Pipeline reference for scband-di-tlabel-embedding-21887153341512 (READ-ONLY COPY).

The authoritative reference and input builder live on the scoring server;
editing this copy changes nothing except your own understanding.
"""

import jax, jax.numpy as jnp
import numpy as np

NUM_CLASSES = 1000000
HIDDEN_SIZE = 64
BATCH = 16384

def setup_inputs(seed: int = 0) -> dict:
    key = jax.random.key(seed)
    k1, k2 = jax.random.split(key)
    labels = jax.random.randint(k1, (BATCH,), 0, NUM_CLASSES)
    # embedding_table has num_classes + 1 rows (extra row for null/unconditional class)
    embedding_table = jax.random.normal(k2, (NUM_CLASSES + 1, HIDDEN_SIZE), dtype=jnp.float32) * 0.02
    return {"labels": labels, "embedding_table": embedding_table}

def reference(labels, embedding_table):
    # drop_prob == 0.0 and unconditional_override == False, so forward is a pure lookup
    embeddings = jnp.take(embedding_table, labels, axis=0)
    return embeddings

if __name__ == "__main__":
    import jax
    _d = setup_inputs()
    print(jax.jit(kernel)(*tuple(_d.values())))

</pallas_src>

<mosaic_0001>
#map = affine_map<(d0, d1) -> (0, 0)>
#map1 = affine_map<(d0, d1) -> (0)>
module attributes {stable_mosaic.version = 14 : i64} {
  func.func @_gather_body(%arg0: i32, %arg1: i32, %arg2: memref<64x1000001xf32, #tpu.memory_space<hbm>>, %arg3: memref<16384xi32, #tpu.memory_space<hbm>>, %arg4: memref<64x16384xf32, #tpu.memory_space<hbm>>, %arg5: memref<512xi32, #tpu.memory_space<vmem>>, %arg6: memref<8x64x128xf32, #tpu.memory_space<vmem>>, %arg7: memref<64x512xf32, #tpu.memory_space<vmem>>, %arg8: memref<!tpu.dma_semaphore, #tpu.memory_space<semaphore_mem>>) attributes {dimension_semantics = [#tpu.dimension_semantics<core_parallel>, #tpu.dimension_semantics<subcore_parallel>], iteration_bounds = array<i64: 2, 16>, scalar_prefetch = 0 : i64, scratch_operands = 4 : i64, tpu.core_type = #tpu.core_type<sc_vector_subcore>, window_params = [{transform_indices = #map}, {transform_indices = #map1}, {transform_indices = #map}]} {
    %mul3A = arith.constant 2 : i32
    %mul3A_0 = arith.muli %arg1, %mul3A : i32
    %add3A = arith.addi %mul3A_0, %arg0 : i32
    %mul3A_1 = arith.constant 512 : i32
    %mul3A_2 = arith.muli %add3A, %mul3A_1 : i32
    "tpu.region"() ({
      %run_scoped3A = tpu.sem_alloc : memref<!tpu.dma_semaphore, #tpu.memory_space<semaphore_mem>>
      %dma_start3A_1233 = tpu.memref_slice %arg3[%mul3A_2] : memref<16384xi32, #tpu.memory_space<hbm>> -> memref<512xi32, #tpu.memory_space<hbm>>
      %dma_start3A_1234 = tpu.memref_slice %arg3[%mul3A_2] : memref<16384xi32, #tpu.memory_space<hbm>> -> memref<512xi32, #tpu.memory_space<hbm>>
      tpu.enqueue_dma source(%dma_start3A_1234 : memref<512xi32, #tpu.memory_space<hbm>>) target(%arg5 : memref<512xi32, #tpu.memory_space<vmem>>) target_semaphore(%run_scoped3A : memref<!tpu.dma_semaphore, #tpu.memory_space<semaphore_mem>>)
      %dma_wait3A_1235 = tpu.memref_slice %arg3[%mul3A_2] : memref<16384xi32, #tpu.memory_space<hbm>> -> memref<512xi32, #tpu.memory_space<hbm>>
      %dma_wait3A_1236 = tpu.memref_slice %arg3[%mul3A_2] : memref<16384xi32, #tpu.memory_space<hbm>> -> memref<512xi32, #tpu.memory_space<hbm>>
      tpu.wait_dma2 semaphore(%run_scoped3A : memref<!tpu.dma_semaphore, #tpu.memory_space<semaphore_mem>>) src(%dma_wait3A_1236 : memref<512xi32, #tpu.memory_space<hbm>>) dst(%arg5 : memref<512xi32, #tpu.memory_space<vmem>>)
      tpu.yield
    }) : () -> ()
    %iota3A = tpu.iota {dimensions = array<i32: 0>} : vector<16xi32>
    %get3A = arith.constant 0 : index
    %get3A_3 = tpu.vector_load %arg5[%get3A] {strides = array<i32>} : memref<512xi32, #tpu.memory_space<vmem>>, vector<16xi32>,
    %slice3A = vector.extract_strided_slice %get3A_3 {offsets = [0], sizes = [1], strides = [1]} : vector<16xi32> to vector<1xi32>
    %squeeze3A = vector.extract %slice3A[0] : i32 from vector<1xi32>
    %shift_right_logical3A = arith.constant 7 : i32
    %shift_right_logical3A_4 = arith.shrui %squeeze3A, %shift_right_logical3A : i32
    %mul3A_5 = arith.constant 128 : i32
    %mul3A_6 = arith.muli %shift_right_logical3A_4, %mul3A_5 : i32
    %dma_start3A = arith.constant 0 : i32
    %dma_start3A_7 = arith.constant 0 : i32
    %dma_start3A_8 = arith.constant 0 : i32
    %dma_start3A_9 = tpu.memref_slice %arg6[%dma_start3A, %dma_start3A_7, %dma_start3A_8] : memref<8x64x128xf32, #tpu.memory_space<vmem>> -> memref<1x64x128xf32, #tpu.memory_space<vmem>>
    %dma_start3A_10 = tpu.memref_squeeze %dma_start3A_9 : memref<1x64x128xf32, #tpu.memory_space<vmem>> -> memref<64x128xf32, #tpu.memory_space<vmem>>
    %dma_start3A_11 = arith.constant 0 : i32
    %dma_start3A_12 = tpu.memref_slice %arg2[%dma_start3A_11, %mul3A_6] : memref<64x1000001xf32, #tpu.memory_space<hbm>> -> memref<64x128xf32, #tpu.memory_space<hbm>>
    %dma_start3A_13 = arith.constant 0 : i32
    %dma_start3A_14 = arith.constant 0 : i32
    %dma_start3A_15 = tpu.memref_slice %arg6[%dma_start3A, %dma_start3A_13, %dma_start3A_14] : memref<8x64x128xf32, #tpu.memory_space<vmem>> -> memref<1x64x128xf32, #tpu.memory_space<vmem>>
    %dma_start3A_16 = tpu.memref_squeeze %dma_start3A_15 : memref<1x64x128xf32, #tpu.memory_space<vmem>> -> memref<64x128xf32, #tpu.memory_space<vmem>>
    %dma_start3A_17 = arith.constant 0 : i32
    %dma_start3A_18 = tpu.memref_slice %arg2[%dma_start3A_17, %mul3A_6] : memref<64x1000001xf32, #tpu.memory_space<hbm>> -> memref<64x128xf32, #tpu.memory_space<hbm>>
    tpu.enqueue_dma source(%dma_start3A_18 : memref<64x128xf32, #tpu.memory_space<hbm>>) target(%dma_start3A_16 : memref<64x128xf32, #tpu.memory_space<vmem>>) target_semaphore(%arg8 : memref<!tpu.dma_semaphore, #tpu.memory_space<semaphore_mem>>)
    %slice3A_19 = vector.extract_strided_slice %get3A_3 {offsets = [1], sizes = [1], strides = [1]} : vector<16xi32> to vector<1xi32>
    %squeeze3A_20 = vector.extract %slice3A_19[0] : i32 from vector<1xi32>
    %shift_right_logical3A_21 = arith.constant 7 : i32
    %shift_right_logical3A_22 = arith.shrui %squeeze3A_20, %shift_right_logical3A_21 : i32
    %mul3A_23 = arith.constant 128 : i32
    %mul3A_24 = arith.muli %shift_right_logical3A_22, %mul3A_23 : i32
    %dma_start3A_25 = arith.constant 1 : i32
    %dma_start3A_26 = arith.constant 0 : i32
    %dma_start3A_27 = arith.constant 0 : i32
    %dma_start3A_28 = tpu.memref_slice %arg6[%dma_start3A_25, %dma_start3A_26, %dma_start3A_27] : memref<8x64x128xf32, #tpu.memory_space<vmem>> -> memref<1x64x128xf32, #tpu.memory_space<vmem>>
    %dma_start3A_29 = tpu.memref_squeeze %dma_start3A_28 : memref<1x64x128xf32, #tpu.memory_space<vmem>> -> memref<64x128xf32, #tpu.memory_space<vmem>>
    %dma_start3A_30 = arith.constant 0 : i32
    %dma_start3A_31 = tpu.memref_slice %arg2[%dma_start3A_30, %mul3A_24] : memref<64x1000001xf32, #tpu.memory_space<hbm>> -> memref<64x128xf32, #tpu.memory_space<hbm>>
    %dma_start3A_32 = arith.constant 0 : i32
    %dma_start3A_33 = arith.constant 0 : i32
    %dma_start3A_34 = tpu.memref_slice %arg6[%dma_start3A_25, %dma_start3A_32, %dma_start3A_33] : memref<8x64x128xf32, #tpu.memory_space<vmem>> -> memref<1x64x128xf32, #tpu.memory_space<vmem>>
    %dma_start3A_35 = tpu.memref_squeeze %dma_start3A_34 : memref<1x64x128xf32, #tpu.memory_space<vmem>> -> memref<64x128xf32, #tpu.memory_space<vmem>>
    %dma_start3A_36 = arith.constant 0 : i32
    %dma_start3A_37 = tpu.memref_slice %arg2[%dma_start3A_36, %mul3A_24] : memref<64x1000001xf32, #tpu.memory_space<hbm>> -> memref<64x128xf32, #tpu.memory_space<hbm>>
    tpu.enqueue_dma source(%dma_start3A_37 : memref<64x128xf32, #tpu.memory_space<hbm>>) target(%dma_start3A_35 : memref<64x128xf32, #tpu.memory_space<vmem>>) target_semaphore(%arg8 : memref<!tpu.dma_semaphore, #tpu.memory_space<semaphore_mem>>)
    %slice3A_38 = vector.extract_strided_slice %get3A_3 {offsets = [2], sizes = [1], strides = [1]} : vector<16xi32> to vector<1xi32>
    %squeeze3A_39 = vector.extract %slice3A_38[0] : i32 from vector<1xi32>
    %shift_right_logical3A_40 = arith.constant 7 : i32
    %shift_right_logical3A_41 = arith.shrui %squeeze3A_39, %shift_right_logical3A_40 : i32
    %mul3A_42 = arith.constant 128 : i32
    %mul3A_43 = arith.muli %shift_right_logical3A_41, %mul3A_42 : i32
    %dma_start3A_44 = arith.constant 2 : i32
    %dma_start3A_45 = arith.constant 0 : i32
    %dma_start3A_46 = arith.constant 0 : i32
    %dma_start3A_47 = tpu.memref_slice %arg6[%dma_start3A_44, %dma_start3A_45, %dma_start3A_46] : memref<8x64x128xf32, #tpu.memory_space<vmem>> -> memref<1x64x128xf32, #tpu.memory_space<vmem>>
    %dma_start3A_48 = tpu.memref_squeeze %dma_start3A_47 : memref<1x64x128xf32, #tpu.memory_space<vmem>> -> memref<64x128xf32, #tpu.memory_space<vmem>>
    %dma_start3A_49 = arith.constant 0 : i32
    %dma_start3A_50 = tpu.memref_slice %arg2[%dma_start3A_49, %mul3A_43] : memref<64x1000001xf32, #tpu.memory_space<hbm>> -> memref<64x128xf32, #tpu.memory_space<hbm>>
    %dma_start3A_51 = arith.constant 0 : i32
    %dma_start3A_52 = arith.constant 0 : i32
    %dma_start3A_53 = tpu.memref_slice %arg6[%dma_start3A_44, %dma_start3A_51, %dma_start3A_52] : memref<8x64x128xf32, #tpu.memory_space<vmem>> -> memref<1x64x128xf32, #tpu.memory_space<vmem>>
    %dma_start3A_54 = tpu.memref_squeeze %dma_start3A_53 : memref<1x64x128xf32, #tpu.memory_space<vmem>> -> memref<64x128xf32, #tpu.memory_space<vmem>>
    %dma_start3A_55 = arith.constant 0 : i32
    %dma_start3A_56 = tpu.memref_slice %arg2[%dma_start3A_55, %mul3A_43] : memref<64x1000001xf32, #tpu.memory_space<hbm>> -> memref<64x128xf32, #tpu.memory_space<hbm>>
    tpu.enqueue_dma source(%dma_start3A_56 : memref<64x128xf32, #tpu.memory_space<hbm>>) target(%dma_start3A_54 : memref<64x128xf32, #tpu.memory_space<vmem>>) target_semaphore(%arg8 : memref<!tpu.dma_semaphore, #tpu.memory_space<semaphore_mem>>)
    %slice3A_57 = vector.extract_strided_slice %get3A_3 {offsets = [3], sizes = [1], strides = [1]} : vector<16xi32> to vector<1xi32>
    %squeeze3A_58 = vector.extract %slice3A_57[0] : i32 from vector<1xi32>
    %shift_right_logical3A_59 = arith.constant 7 : i32
    %shift_right_logical3A_60 = arith.shrui %squeeze3A_58, %shift_right_logical3A_59 : i32
    %mul3A_61 = arith.constant 128 : i32
    %mul3A_62 = arith.muli %shift_right_logical3A_60, %mul3A_61 : i32
    %dma_start3A_63 = arith.constant 3 : i32
    %dma_start3A_64 = arith.constant 0 : i32
    %dma_start3A_65 = arith.constant 0 : i32
    %dma_start3A_66 = tpu.memref_slice %arg6[%dma_start3A_63, %dma_start3A_64, %dma_start3A_65] : memref<8x64x128xf32, #tpu.memory_space<vmem>> -> memref<1x64x128xf32, #tpu.memory_space<vmem>>
    %dma_start3A_67 = tpu.memref_squeeze %dma_start3A_66 : memref<1x64x128xf32, #tpu.memory_space<vmem>> -> memref<64x128xf32, #tpu.memory_space<vmem>>
    %dma_start3A_68 = arith.constant 0 : i32
    %dma_start3A_69 = tpu.memref_slice %arg2[%dma_start3A_68, %mul3A_62] : memref<64x1000001xf32, #tpu.memory_space<hbm>> -> memref<64x128xf32, #tpu.memory_space<hbm>>
    %dma_start3A_70 = arith.constant 0 : i32
    %dma_start3A_71 = arith.constant 0 : i32
    %dma_start3A_72 = tpu.memref_slice %arg6[%dma_start3A_63, %dma_start3A_70, %dma_start3A_71] : memref<8x64x128xf32, #tpu.memory_space<vmem>> -> memref<1x64x128xf32, #tpu.memory_space<vmem>>
    %dma_start3A_73 = tpu.memref_squeeze %dma_start3A_72 : memref<1x64x128xf32, #tpu.memory_space<vmem>> -> memref<64x128xf32, #tpu.memory_space<vmem>>
    %dma_start3A_74 = arith.constant 0 : i32
    %dma_start3A_75 = tpu.memref_slice %arg2[%dma_start3A_74, %mul3A_62] : memref<64x1000001xf32, #tpu.memory_space<hbm>> -> memref<64x128xf32, #tpu.memory_space<hbm>>
    tpu.enqueue_dma source(%dma_start3A_75 : memref<64x128xf32, #tpu.memory_space<hbm>>) target(%dma_start3A_73 : memref<64x128xf32, #tpu.memory_space<vmem>>) target_semaphore(%arg8 : memref<!tpu.dma_semaphore, #tpu.memory_space<semaphore_mem>>)
    %slice3A_76 = vector.extract_strided_slice %get3A_3 {offsets = [4], sizes = [1], strides = [1]} : vector<16xi32> to vector<1xi32>
    %squeeze3A_77 = vector.extract %slice3A_76[0] : i32 from vector<1xi32>
    %shift_right_logical3A_78 = arith.constant 7 : i32
    %shift_right_logical3A_79 = arith.shrui %squeeze3A_77, %shift_right_logical3A_78 : i32
    %mul3A_80 = arith.constant 128 : i32
    %mul3A_81 = arith.muli %shift_right_logical3A_79, %mul3A_80 : i32
    %dma_start3A_82 = arith.constant 4 : i32
    %dma_start3A_83 = arith.constant 0 : i32
    %dma_start3A_84 = arith.constant 0 : i32
    %dma_start3A_85 = tpu.memref_slice %arg6[%dma_start3A_82, %dma_start3A_83, %dma_start3A_84] : memref<8x64x128xf32, #tpu.memory_space<vmem>> -> memref<1x64x128xf32, #tpu.memory_space<vmem>>
    %dma_start3A_86 = tpu.memref_squeeze %dma_start3A_85 : memref<1x64x128xf32, #tpu.memory_space<vmem>> -> memref<64x128xf32, #tpu.memory_space<vmem>>
    %dma_start3A_87 = arith.constant 0 : i32
    %dma_start3A_88 = tpu.memref_slice %arg2[%dma_start3A_87, %mul3A_81] : memref<64x1000001xf32, #tpu.memory_space<hbm>> -> memref<64x128xf32, #tpu.memory_space<hbm>>
    %dma_start3A_89 = arith.constant 0 : i32
    %dma_start3A_90 = arith.constant 0 : i32
    %dma_start3A_91 = tpu.memref_slice %arg6[%dma_start3A_82, %dma_start3A_89, %dma_start3A_90] : memref<8x64x128xf32, #tpu.memory_space<vmem>> -> memref<1x64x128xf32, #tpu.memory_space<vmem>>
    %dma_start3A_92 = tpu.memref_squeeze %dma_start3A_91 : memref<1x64x128xf32, #tpu.memory_space<vmem>> -> memref<64x128xf32, #tpu.memory_space<vmem>>
    %dma_start3A_93 = arith.constant 0 : i32
    %dma_start3A_94 = tpu.memref_slice %arg2[%dma_start3A_93, %mul3A_81] : memref<64x1000001xf32, #tpu.memory_space<hbm>> -> memref<64x128xf32, #tpu.memory_space<hbm>>
    tpu.enqueue_dma source(%dma_start3A_94 : memref<64x128xf32, #tpu.memory_space<hbm>>) target(%dma_start3A_92 : memref<64x128xf32, #tpu.memory_space<vmem>>) target_semaphore(%arg8 : memref<!tpu.dma_semaphore, #tpu.memory_space<semaphore_mem>>)
    %slice3A_95 = vector.extract_strided_slice %get3A_3 {offsets = [5], sizes = [1], strides = [1]} : vector<16xi32> to vector<1xi32>
    %squeeze3A_96 = vector.extract %slice3A_95[0] : i32 from vector<1xi32>
    %shift_right_logical3A_97 = arith.constant 7 : i32
    %shift_right_logical3A_98 = arith.shrui %squeeze3A_96, %shift_right_logical3A_97 : i32
    %mul3A_99 = arith.constant 128 : i32
    %mul3A_100 = arith.muli %shift_right_logical3A_98, %mul3A_99 : i32
    %dma_start3A_101 = arith.constant 5 : i32
    %dma_start3A_102 = arith.constant 0 : i32
    %dma_start3A_103 = arith.constant 0 : i32
    %dma_start3A_104 = tpu.memref_slice %arg6[%dma_start3A_101, %dma_start3A_102, %dma_start3A_103] : memref<8x64x128xf32, #tpu.memory_space<vmem>> -> memref<1x64x128xf32, #tpu.memory_space<vmem>>
    %dma_start3A_105 = tpu.memref_squeeze %dma_start3A_104 : memref<1x64x128xf32, #tpu.memory_space<vmem>> -> memref<64x128xf32, #tpu.memory_space<vmem>>
    %dma_start3A_106 = arith.constant 0 : i32
    %dma_start3A_107 = tpu.memref_slice %arg2[%dma_start3A_106, %mul3A_100] : memref<64x1000001xf32, #tpu.memory_space<hbm>> -> memref<64x128xf32, #tpu.memory_space<hbm>>
    %dma_start3A_108 = arith.constant 0 : i32
    %dma_start3A_109 = arith.constant 0 : i32
    %dma_start3A_110 = tpu.memref_slice %arg6[%dma_start3A_101, %dma_start3A_108, %dma_start3A_109] : memref<8x64x128xf32, #tpu.memory_space<vmem>> -> memref<1x64x128xf32, #tpu.memory_space<vmem>>
    %dma_start3A_111 = tpu.memref_squeeze %dma_start3A_110 : memref<1x64x128xf32, #tpu.memory_space<vmem>> -> memref<64x128xf32, #tpu.memory_space<vmem>>
    %dma_start3A_112 = arith.constant 0 : i32
    %dma_start3A_113 = tpu.memref_slice %arg2[%dma_start3A_112, %mul3A_100] : memref<64x1000001xf32, #tpu.memory_space<hbm>> -> memref<64x128xf32, #tpu.memory_space<hbm>>
    tpu.enqueue_dma source(%dma_start3A_113 : memref<64x128xf32, #tpu.memory_space<hbm>>) target(%dma_start3A_111 : memref<64x128xf32, #tpu.memory_space<vmem>>) target_semaphore(%arg8 : memref<!tpu.dma_semaphore, #tpu.memory_space<semaphore_mem>>)
    %slice3A_114 = vector.extract_strided_slice %get3A_3 {offsets = [6], sizes = [1], strides = [1]} : vector<16xi32> to vector<1xi32>
    %squeeze3A_115 = vector.extract %slice3A_114[0] : i32 from vector<1xi32>
    %shift_right_logical3A_116 = arith.constant 7 : i32
    %shift_right_logical3A_117 = arith.shrui %squeeze3A_115, %shift_right_logical3A_116 : i32
    %mul3A_118 = arith.constant 128 : i32
    %mul3A_119 = arith.muli %shift_right_logical3A_117, %mul3A_118 : i32
    %dma_start3A_120 = arith.constant 6 : i32
    %dma_start3A_121 = arith.constant 0 : i32
    %dma_start3A_122 = arith.constant 0 : i32
    %dma_start3A_123 = tpu.memref_slice %arg6[%dma_start3A_120, %dma_start3A_121, %dma_start3A_122] : memref<8x64x128xf32, #tpu.memory_space<vmem>> -> memref<1x64x128xf32, #tpu.memory_space<vmem>>
    %dma_start3A_124 = tpu.memref_squeeze %dma_start3A_123 : memref<1x64x128xf32, #tpu.memory_space<vmem>> -> memref<64x128xf32, #tpu.memory_space<vmem>>
    %dma_start3A_125 = arith.constant 0 : i32
    %dma_start3A_126 = tpu.memref_slice %arg2[%dma_start3A_125, %mul3A_119] : memref<64x1000001xf32, #tpu.memory_space<hbm>> -> memref<64x128xf32, #tpu.memory_space<hbm>>
    %dma_start3A_127 = arith.constant 0 : i32
    %dma_start3A_128 = arith.constant 0 : i32
    %dma_start3A_129 = tpu.memref_slice %arg6[%dma_start3A_120, %dma_start3A_127, %dma_start3A_128] : memref<8x64x128xf32, #tpu.memory_space<vmem>> -> memref<1x64x128xf32, #tpu.memory_space<vmem>>
    %dma_start3A_130 = tpu.memref_squeeze %dma_start3A_129 : memref<1x64x128xf32, #tpu.memory_space<vmem>> -> memref<64x128xf32, #tpu.memory_space<vmem>>
    %dma_start3A_131 = arith.constant 0 : i32
    %dma_start3A_132 = tpu.memref_slice %arg2[%dma_start3A_131, %mul3A_119] : memref<64x1000001xf32, #tpu.memory_space<hbm>> -> memref<64x128xf32, #tpu.memory_space<hbm>>
    tpu.enqueue_dma source(%dma_start3A_132 : memref<64x128xf32, #tpu.memory_space<hbm>>) target(%dma_start3A_130 : memref<64x128xf32, #tpu.memory_space<vmem>>) target_semaphore(%arg8 : memref<!tpu.dma_semaphore, #tpu.memory_space<semaphore_mem>>)
    %slice3A_133 = vector.extract_strided_slice %get3A_3 {offsets = [7], sizes = [1], strides = [1]} : vector<16xi32> to vector<1xi32>
    %squeeze3A_134 = vector.extract %slice3A_133[0] : i32 from vector<1xi32>
    %shift_right_logical3A_135 = arith.constant 7 : i32
    %shift_right_logical3A_136 = arith.shrui %squeeze3A_134, %shift_right_logical3A_135 : i32
    %mul3A_137 = arith.constant 128 : i32
    %mul3A_138 = arith.muli %shift_right_logical3A_136, %mul3A_137 : i32
    %dma_start3A_139 = arith.constant 7 : i32
    %dma_start3A_140 = arith.constant 0 : i32
    %dma_start3A_141 = arith.constant 0 : i32
    %dma_start3A_142 = tpu.memref_slice %arg6[%dma_start3A_139, %dma_start3A_140, %dma_start3A_141] : memref<8x64x128xf32, #tpu.memory_space<vmem>> -> memref<1x64x128xf32, #tpu.memory_space<vmem>>
    %dma_start3A_143 = tpu.memref_squeeze %dma_start3A_142 : memref<1x64x128xf32, #tpu.memory_space<vmem>> -> memref<64x128xf32, #tpu.memory_space<vmem>>
    %dma_start3A_144 = arith.constant 0 : i32
    %dma_start3A_145 = tpu.memref_slice %arg2[%dma_start3A_144, %mul3A_138] : memref<64x1000001xf32, #tpu.memory_space<hbm>> -> memref<64x128xf32, #tpu.memory_space<hbm>>
    %dma_start3A_146 = arith.constant 0 : i32
    %dma_start3A_147 = arith.constant 0 : i32
    %dma_start3A_148 = tpu.memref_slice %arg6[%dma_start3A_139, %dma_start3A_146, %dma_start3A_147] : memref<8x64x128xf32, #tpu.memory_space<vmem>> -> memref<1x64x128xf32, #tpu.memory_space<vmem>>
    %dma_start3A_149 = tpu.memref_squeeze %dma_start3A_148 : memref<1x64x128xf32, #tpu.memory_space<vmem>> -> memref<64x128xf32, #tpu.memory_space<vmem>>
    %dma_start3A_150 = arith.constant 0 : i32
    %dma_start3A_151 = tpu.memref_slice %arg2[%dma_start3A_150, %mul3A_138] : memref<64x1000001xf32, #tpu.memory_space<hbm>> -> memref<64x128xf32, #tpu.memory_space<hbm>>
    tpu.enqueue_dma source(%dma_start3A_151 : memref<64x128xf32, #tpu.memory_space<hbm>>) target(%dma_start3A_149 : memref<64x128xf32, #tpu.memory_space<vmem>>) target_semaphore(%arg8 : memref<!tpu.dma_semaphore, #tpu.memory_space<semaphore_mem>>)
    %scan3A = arith.constant 0 : i32
    %scan3A_152 = arith.constant 31 : i32
    %scan3A_153 = arith.addi %scan3A, %scan3A_152 : i32
    %scan3A_154 = arith.constant 1 : i32
    %scan3A_155 = scf.for %scan3A_1233 = %scan3A to %scan3A_153 step %scan3A_154 iter_args(%scan3A_1234 = %get3A_3) -> (vector<16xi32>)  : i32 {
      %mul3A_1235 = arith.constant 16 : i32
      %mul3A_1236 = arith.muli %scan3A_1233, %mul3A_1235 : i32
      %add3A_1237 = arith.constant 1 : i32
      %add3A_1238 = arith.addi %scan3A_1233, %add3A_1237 : i32
      %mul3A_1239 = arith.constant 16 : i32
      %mul3A_1240 = arith.muli %add3A_1238, %mul3A_1239 : i32
      %lt3A = arith.constant 512 : i32
      %lt3A_1241 = arith.cmpi slt, %mul3A_1240, %lt3A : i32
      %jit3A = arith.constant 0 : i32
      %select_n3A = arith.select %lt3A_1241, %mul3A_1240, %jit3A : i32
      %get3A_1242 = arith.index_cast %select_n3A : i32 to index
      %get3A_1243 = tpu.vector_load %arg5[%get3A_1242] {strides = array<i32>} : memref<512xi32, #tpu.memory_space<vmem>>, vector<16xi32>,
      %dma_wait3A_1244 = arith.constant 0 : i32
      %dma_wait3A_1245 = arith.constant 0 : i32
      %dma_wait3A_1246 = arith.constant 0 : i32
      %dma_wait3A_1247 = tpu.memref_slice %arg6[%dma_wait3A_1244, %dma_wait3A_1245, %dma_wait3A_1246] : memref<8x64x128xf32, #tpu.memory_space<vmem>> -> memref<1x64x128xf32, #tpu.memory_space<vmem>>
      %dma_wait3A_1248 = tpu.memref_squeeze %dma_wait3A_1247 : memref<1x64x128xf32, #tpu.memory_space<vmem>> -> memref<64x128xf32, #tpu.memory_space<vmem>>
      %dma_wait3A_1249 = arith.constant 0 : i32
      %dma_wait3A_1250 = arith.constant 0 : i32
      %dma_wait3A_1251 = tpu.memref_slice %arg2[%dma_wait3A_1249, %dma_wait3A_1250] : memref<64x1000001xf32, #tpu.memory_space<hbm>> -> memref<64x128xf32, #tpu.memory_space<hbm>>
      %dma_wait3A_1252 = arith.constant 0 : i32
      %dma_wait3A_1253 = arith.constant 0 : i32
      %dma_wait3A_1254 = tpu.memref_slice %arg6[%dma_wait3A_1244, %dma_wait3A_1252, %dma_wait3A_1253] : memref<8x64x128xf32, #tpu.memory_space<vmem>> -> memref<1x64x128xf32, #tpu.memory_space<vmem>>
      %dma_wait3A_1255 = tpu.memref_squeeze %dma_wait3A_1254 : memref<1x64x128xf32, #tpu.memory_space<vmem>> -> memref<64x128xf32, #tpu.memory_space<vmem>>
      %dma_wait3A_1256 = arith.constant 0 : i32
      %dma_wait3A_1257 = arith.constant 0 : i32
      %dma_wait3A_1258 = tpu.memref_slice %arg2[%dma_wait3A_1256, %dma_wait3A_1257] : memref<64x1000001xf32, #tpu.memory_space<hbm>> -> memref<64x128xf32, #tpu.memory_space<hbm>>
      tpu.wait_dma2 semaphore(%arg8 : memref<!tpu.dma_semaphore, #tpu.memory_space<semaphore_mem>>) src(%dma_wait3A_1258 : memref<64x128xf32, #tpu.memory_space<hbm>>) dst(%dma_wait3A_1255 : memref<64x128xf32, #tpu.memory_space<vmem>>)
      %slice3A_1259 = vector.extract_strided_slice %scan3A_1234 {offsets = [0], sizes = [1], strides = [1]} : vector<16xi32> to vector<1xi32>
      %squeeze3A_1260 = vector.extract %slice3A_1259[0] : i32 from vector<1xi32>
      %add3A_1261 = arith.constant 0 : i32
      %add3A_1262 = arith.addi %mul3A_1236, %add3A_1261 : i32
      %and3A_1263 = arith.constant 127 : i32
      %and3A_1264 = arith.andi %squeeze3A_1260, %and3A_1263 : i32
      %broadcast_in_dim3A_1265 = vector.broadcast %and3A_1264 : i32 to vector<16xi32>
      %broadcast_in_dim3A_1266 = vector.broadcast %add3A_1262 : i32 to vector<16xi32>
      %add3A_1267 = arith.constant 0 : i32
      %add3A_1268 = vector.broadcast %add3A_1267 : i32 to vector<16xi32>
      %add3A_1269 = arith.addi %iota3A, %add3A_1268 : vector<16xi32>
      %gather3A_1270 = arith.constant 0 : i32
      %gather3A_1271 = arith.constant 0 : i32
      %gather3A_1272 = arith.constant 0 : i32
      %gather3A_1273 = tpu.memref_slice %arg6[%gather3A_1270, %gather3A_1271, %gather3A_1272] : memref<8x64x128xf32, #tpu.memory_space<vmem>> -> memref<1x64x128xf32, #tpu.memory_space<vmem>>
      %gather3A_1274 = tpu.memref_squeeze %gather3A_1273 : memref<1x64x128xf32, #tpu.memory_space<vmem>> -> memref<64x128xf32, #tpu.memory_space<vmem>>
      %gather3A_1275 = tpu.vector_load_idx %gather3A_1274[%add3A_1269, %broadcast_in_dim3A_1265] : memref<64x128xf32, #tpu.memory_space<vmem>>[vector<16xi32>, vector<16xi32>], vector<16xf32>,
      tpu.vector_store_idx %arg7[%add3A_1269, %broadcast_in_dim3A_1266], %gather3A_1275 : memref<64x512xf32, #tpu.memory_space<vmem>>[vector<16xi32>, vector<16xi32>], vector<16xf32>,
      %add3A_1276 = arith.constant 16 : i32
      %add3A_1277 = vector.broadcast %add3A_1276 : i32 to vector<16xi32>
      %add3A_1278 = arith.addi %iota3A, %add3A_1277 : vector<16xi32>
      %gather3A_1279 = arith.constant 0 : i32
      %gather3A_1280 = arith.constant 0 : i32
      %gather3A_1281 = arith.constant 0 : i32
      %gather3A_1282 = tpu.memref_slice %arg6[%gather3A_1279, %gather3A_1280, %gather3A_1281] : memref<8x64x128xf32, #tpu.memory_space<vmem>> -> memref<1x64x128xf32, #tpu.memory_space<vmem>>
      %gather3A_1283 = tpu.memref_squeeze %gather3A_1282 : memref<1x64x128xf32, #tpu.memory_space<vmem>> -> memref<64x128xf32, #tpu.memory_space<vmem>>
      %gather3A_1284 = tpu.vector_load_idx %gather3A_1283[%add3A_1278, %broadcast_in_dim3A_1265] : memref<64x128xf32, #tpu.memory_space<vmem>>[vector<16xi32>, vector<16xi32>], vector<16xf32>,
      tpu.vector_store_idx %arg7[%add3A_1278, %broadcast_in_dim3A_1266], %gather3A_1284 : memref<64x512xf32, #tpu.memory_space<vmem>>[vector<16xi32>, vector<16xi32>], vector<16xf32>,
      %add3A_1285 = arith.constant 32 : i32
      %add3A_1286 = vector.broadcast %add3A_1285 : i32 to vector<16xi32>
      %add3A_1287 = arith.addi %iota3A, %add3A_1286 : vector<16xi32>
      %gather3A_1288 = arith.constant 0 : i32
      %gather3A_1289 = arith.constant 0 : i32
      %gather3A_1290 = arith.constant 0 : i32
      %gather3A_1291 = tpu.memref_slice %arg6[%gather3A_1288, %gather3A_1289, %gather3A_1290] : memref<8x64x128xf32, #tpu.memory_space<vmem>> -> memref<1x64x128xf32, #tpu.memory_space<vmem>>
      %gather3A_1292 = tpu.memref_squeeze %gather3A_1291 : memref<1x64x128xf32, #tpu.memory_space<vmem>> -> memref<64x128xf32, #tpu.memory_space<vmem>>
      %gather3A_1293 = tpu.vector_load_idx %gather3A_1292[%add3A_1287, %broadcast_in_dim3A_1265] : memref<64x128xf32, #tpu.memory_space<vmem>>[vector<16xi32>, vector<16xi32>], vector<16xf32>,
      tpu.vector_store_idx %arg7[%add3A_1287, %broadcast_in_dim3A_1266], %gather3A_1293 : memref<64x512xf32, #tpu.memory_space<vmem>>[vector<16xi32>, vector<16xi32>], vector<16xf32>,
      %add3A_1294 = arith.constant 48 : i32
      %add3A_1295 = vector.broadcast %add3A_1294 : i32 to vector<16xi32>
      %add3A_1296 = arith.addi %iota3A, %add3A_1295 : vector<16xi32>
      %gather3A_1297 = arith.constant 0 : i32
      %gather3A_1298 = arith.constant 0 : i32
      %gather3A_1299 = arith.constant 0 : i32
      %gather3A_1300 = tpu.memref_slice %arg6[%gather3A_1297, %gather3A_1298, %gather3A_1299] : memref<8x64x128xf32, #tpu.memory_space<vmem>> -> memref<1x64x128xf32, #tpu.memory_space<vmem>>
      %gather3A_1301 = tpu.memref_squeeze %gather3A_1300 : memref<1x64x128xf32, #tpu.memory_space<vmem>> -> memref<64x128xf32, #tpu.memory_space<vmem>>
      %gather3A_1302 = tpu.vector_load_idx %gather3A_1301[%add3A_1296, %broadcast_in_dim3A_1265] : memref<64x128xf32, #tpu.memory_space<vmem>>[vector<16xi32>, vector<16xi32>], vector<16xf32>,
      tpu.vector_store_idx %arg7[%add3A_1296, %broadcast_in_dim3A_1266], %gather3A_1302 : memref<64x512xf32, #tpu.memory_space<vmem>>[vector<16xi32>, vector<16xi32>], vector<16xf32>,
      %slice3A_1303 = vector.extract_strided_slice %scan3A_1234 {offsets = [8], sizes = [1], strides = [1]} : vector<16xi32> to vector<1xi32>
      %squeeze3A_1304 = vector.extract %slice3A_1303[0] : i32 from vector<1xi32>
      %shift_right_logical3A_1305 = arith.constant 7 : i32
      %shift_right_logical3A_1306 = arith.shrui %squeeze3A_1304, %shift_right_logical3A_1305 : i32
      %mul3A_1307 = arith.constant 128 : i32
      %mul3A_1308 = arith.muli %shift_right_logical3A_1306, %mul3A_1307 : i32
      %dma_start3A_1309 = arith.constant 0 : i32
      %dma_start3A_1310 = arith.constant 0 : i32
      %dma_start3A_1311 = arith.constant 0 : i32
      %dma_start3A_1312 = tpu.memref_slice %arg6[%dma_start3A_1309, %dma_start3A_1310, %dma_start3A_1311] : memref<8x64x128xf32, #tpu.memory_space<vmem>> -> memref<1x64x128xf32, #tpu.memory_space<vmem>>
      %dma_start3A_1313 = tpu.memref_squeeze %dma_start3A_1312 : memref<1x64x128xf32, #tpu.memory_space<vmem>> -> memref<64x128xf32, #tpu.memory_space<vmem>>
      %dma_start3A_1314 = arith.constant 0 : i32
      %dma_start3A_1315 = tpu.memref_slice %arg2[%dma_start3A_1314, %mul3A_1308] : memref<64x1000001xf32, #tpu.memory_space<hbm>> -> memref<64x128xf32, #tpu.memory_space<hbm>>
      %dma_start3A_1316 = arith.constant 0 : i32
      %dma_start3A_1317 = arith.constant 0 : i32
      %dma_start3A_1318 = tpu.memref_slice %arg6[%dma_start3A_1309, %dma_start3A_1316, %dma_start3A_1317] : memref<8x64x128xf32, #tpu.memory_space<vmem>> -> memref<1x64x128xf32, #tpu.memory_space<vmem>>
      %dma_start3A_1319 = tpu.memref_squeeze %dma_start3A_1318 : memref<1x64x128xf32, #tpu.memory_space<vmem>> -> memref<64x128xf32, #tpu.memory_space<vmem>>
      %dma_start3A_1320 = arith.constant 0 : i32
      %dma_start3A_1321 = tpu.memref_slice %arg2[%dma_start3A_1320, %mul3A_1308] : memref<64x1000001xf32, #tpu.memory_space<hbm>> -> memref<64x128xf32, #tpu.memory_space<hbm>>
      tpu.enqueue_dma source(%dma_start3A_1321 : memref<64x128xf32, #tpu.memory_space<hbm>>) target(%dma_start3A_1319 : memref<64x128xf32, #tpu.memory_space<vmem>>) target_semaphore(%arg8 : memref<!tpu.dma_semaphore, #tpu.memory_space<semaphore_mem>>)
      %dma_wait3A_1322 = arith.constant 1 : i32
      %dma_wait3A_1323 = arith.constant 0 : i32
      %dma_wait3A_1324 = arith.constant 0 : i32
      %dma_wait3A_1325 = tpu.memref_slice %arg6[%dma_wait3A_1322, %dma_wait3A_1323, %dma_wait3A_1324] : memref<8x64x128xf32, #tpu.memory_space<vmem>> -> memref<1x64x128xf32, #tpu.memory_space<vmem>>
      %dma_wait3A_1326 = tpu.memref_squeeze %dma_wait3A_1325 : memref<1x64x128xf32, #tpu.memory_space<vmem>> -> memref<64x128xf32, #tpu.memory_space<vmem>>
      %dma_wait3A_1327 = arith.constant 0 : i32
      %dma_wait3A_1328 = arith.constant 0 : i32
      %dma_wait3A_1329 = tpu.memref_slice %arg2[%dma_wait3A_1327, %dma_wait3A_1328] : memref<64x1000001xf32, #tpu.memory_space<hbm>> -> memref<64x128xf32, #tpu.memory_space<hbm>>
      %dma_wait3A_1330 = arith.constant 0 : i32
      %dma_wait3A_1331 = arith.constant 0 : i32
      %dma_wait3A_1332 = tpu.memref_slice %arg6[%dma_wait3A_1322, %dma_wait3A_1330, %dma_wait3A_1331] : memref<8x64x128xf32, #tpu.memory_space<vmem>> -> memref<1x64x128xf32, #tpu.memory_space<vmem>>
      %dma_wait3A_1333 = tpu.memref_squeeze %dma_wait3A_1332 : memref<1x64x128xf32, #tpu.memory_space<vmem>> -> memref<64x128xf32, #tpu.memory_space<vmem>>
      %dma_wait3A_1334 = arith.constant 0 : i32
      %dma_wait3A_1335 = arith.constant 0 : i32
      %dma_wait3A_1336 = tpu.memref_slice %arg2[%dma_wait3A_1334, %dma_wait3A_1335] : memref<64x1000001xf32, #tpu.memory_space<hbm>> -> memref<64x128xf32, #tpu.memory_space<hbm>>
      tpu.wait_dma2 semaphore(%arg8 : memref<!tpu.dma_semaphore, #tpu.memory_space<semaphore_mem>>) src(%dma_wait3A_1336 : memref<64x128xf32, #tpu.memory_space<hbm>>) dst(%dma_wait3A_1333 : memref<64x128xf32, #tpu.memory_space<vmem>>)
      %slice3A_1337 = vector.extract_strided_slice %scan3A_1234 {offsets = [1], sizes = [1], strides = [1]} : vector<16xi32> to vector<1xi32>
      %squeeze3A_1338 = vector.extract %slice3A_1337[0] : i32 from vector<1xi32>
      %add3A_1339 = arith.constant 1 : i32
      %add3A_1340 = arith.addi %mul3A_1236, %add3A_1339 : i32
      %and3A_1341 = arith.constant 127 : i32
      %and3A_1342 = arith.andi %squeeze3A_1338, %and3A_1341 : i32
      %broadcast_in_dim3A_1343 = vector.broadcast %and3A_1342 : i32 to vector<16xi32>
      %broadcast_in_dim3A_1344 = vector.broadcast %add3A_1340 : i32 to vector<16xi32>
      %add3A_1345 = arith.constant 0 : i32
      %add3A_1346 = vector.broadcast %add3A_1345 : i32 to vector<16xi32>
      %add3A_1347 = arith.addi %iota3A, %add3A_1346 : vector<16xi32>
      %gather3A_1348 = arith.constant 1 : i32
      %gather3A_1349 = arith.constant 0 : i32
      %gather3A_1350 = arith.constant 0 : i32
      %gather3A_1351 = tpu.memref_slice %arg6[%gather3A_1348, %gather3A_1349, %gather3A_1350] : memref<8x64x128xf32, #tpu.memory_space<vmem>> -> memref<1x64x128xf32, #tpu.memory_space<vmem>>
      %gather3A_1352 = tpu.memref_squeeze %gather3A_1351 : memref<1x64x128xf32, #tpu.memory_space<vmem>> -> memref<64x128xf32, #tpu.memory_space<vmem>>
      %gather3A_1353 = tpu.vector_load_idx %gather3A_1352[%add3A_1347, %broadcast_in_dim3A_1343] : memref<64x128xf32, #tpu.memory_space<vmem>>[vector<16xi32>, vector<16xi32>], vector<16xf32>,
      tpu.vector_store_idx %arg7[%add3A_1347, %broadcast_in_dim3A_1344], %gather3A_1353 : memref<64x512xf32, #tpu.memory_space<vmem>>[vector<16xi32>, vector<16xi32>], vector<16xf32>,
      %add3A_1354 = arith.constant 16 : i32
      %add3A_1355 = vector.broadcast %add3A_1354 : i32 to vector<16xi32>
      %add3A_1356 = arith.addi %iota3A, %add3A_1355 : vector<16xi32>
      %gather3A_1357 = arith.constant 1 : i32
      %gather3A_1358 = arith.constant 0 : i32
      %gather3A_1359 = arith.constant 0 : i32
      %gather3A_1360 = tpu.memref_slice %arg6[%gather3A_1357, %gather3A_1358, %gather3A_1359] : memref<8x64x128xf32, #tpu.memory_space<vmem>> -> memref<1x64x128xf32, #tpu.memory_space<vmem>>
      %gather3A_1361 = tpu.memref_squeeze %gather3A_1360 : memref<1x64x128xf32, #tpu.memory_space<vmem>> -> memref<64x128xf32, #tpu.memory_space<vmem>>
      %gather3A_1362 = tpu.vector_load_idx %gather3A_1361[%add3A_1356, %broadcast_in_dim3A_1343] : memref<64x128xf32, #tpu.memory_space<vmem>>[vector<16xi32>, vector<16xi32>], vector<16xf32>,
      tpu.vector_store_idx %arg7[%add3A_1356, %broadcast_in_dim3A_1344], %gather3A_1362 : memref<64x512xf32, #tpu.memory_space<vmem>>[vector<16xi32>, vector<16xi32>], vector<16xf32>,
      %add3A_1363 = arith.constant 32 : i32
      %add3A_1364 = vector.broadcast %add3A_1363 : i32 to vector<16xi32>
      %add3A_1365 = arith.addi %iota3A, %add3A_1364 : vector<16xi32>
      %gather3A_1366 = arith.constant 1 : i32
      %gather3A_1367 = arith.constant 0 : i32
      %gather3A_1368 = arith.constant 0 : i32
      %gather3A_1369 = tpu.memref_slice %arg6[%gather3A_1366, %gather3A_1367, %gather3A_1368] : memref<8x64x128xf32, #tpu.memory_space<vmem>> -> memref<1x64x128xf32, #tpu.memory_space<vmem>>
      %gather3A_1370 = tpu.memref_squeeze %gather3A_1369 : memref<1x64x128xf32, #tpu.memory_space<vmem>> -> memref<64x128xf32, #tpu.memory_space<vmem>>
      %gather3A_1371 = tpu.vector_load_idx %gather3A_1370[%add3A_1365, %broadcast_in_dim3A_1343] : memref<64x128xf32, #tpu.memory_space<vmem>>[vector<16xi32>, vector<16xi32>], vector<16xf32>,
      tpu.vector_store_idx %arg7[%add3A_1365, %broadcast_in_dim3A_1344], %gather3A_1371 : memref<64x512xf32, #tpu.memory_space<vmem>>[vector<16xi32>, vector<16xi32>], vector<16xf32>,
      %add3A_1372 = arith.constant 48 : i32
      %add3A_1373 = vector.broadcast %add3A_1372 : i32 to vector<16xi32>
      %add3A_1374 = arith.addi %iota3A, %add3A_1373 : vector<16xi32>
      %gather3A_1375 = arith.constant 1 : i32
      %gather3A_1376 = arith.constant 0 : i32
      %gather3A_1377 = arith.constant 0 : i32
      %gather3A_1378 = tpu.memref_slice %arg6[%gather3A_1375, %gather3A_1376, %gather3A_1377] : memref<8x64x128xf32, #tpu.memory_space<vmem>> -> memref<1x64x128xf32, #tpu.memory_space<vmem>>
      %gather3A_1379 = tpu.memref_squeeze %gather3A_1378 : memref<1x64x128xf32, #tpu.memory_space<vmem>> -> memref<64x128xf32, #tpu.memory_space<vmem>>
      %gather3A_1380 = tpu.vector_load_idx %gather3A_1379[%add3A_1374, %broadcast_in_dim3A_1343] : memref<64x128xf32, #tpu.memory_space<vmem>>[vector<16xi32>, vector<16xi32>], vector<16xf32>,
      tpu.vector_store_idx %arg7[%add3A_1374, %broadcast_in_dim3A_1344], %gather3A_1380 : memref<64x512xf32, #tpu.memory_space<vmem>>[vector<16xi32>, vector<16xi32>], vector<16xf32>,
      %slice3A_1381 = vector.extract_strided_slice %scan3A_1234 {offsets = [9], sizes = [1], strides = [1]} : vector<16xi32> to vector<1xi32>
      %squeeze3A_1382 = vector.extract %slice3A_1381[0] : i32 from vector<1xi32>
      %shift_right_logical3A_1383 = arith.constant 7 : i32
      %shift_right_logical3A_1384 = arith.shrui %squeeze3A_1382, %shift_right_logical3A_1383 : i32
      %mul3A_1385 = arith.constant 128 : i32
      %mul3A_1386 = arith.muli %shift_right_logical3A_1384, %mul3A_1385 : i32
      %dma_start3A_1387 = arith.constant 1 : i32
      %dma_start3A_1388 = arith.constant 0 : i32
      %dma_start3A_1389 = arith.constant 0 : i32
      %dma_start3A_1390 = tpu.memref_slice %arg6[%dma_start3A_1387, %dma_start3A_1388, %dma_start3A_1389] : memref<8x64x128xf32, #tpu.memory_space<vmem>> -> memref<1x64x128xf32, #tpu.memory_space<vmem>>
      %dma_start3A_1391 = tpu.memref_squeeze %dma_start3A_1390 : memref<1x64x128xf32, #tpu.memory_space<vmem>> -> memref<64x128xf32, #tpu.memory_space<vmem>>
      %dma_start3A_1392 = arith.constant 0 : i32
      %dma_start3A_1393 = tpu.memref_slice %arg2[%dma_start3A_1392, %mul3A_1386] : memref<64x1000001xf32, #tpu.memory_space<hbm>> -> memref<64x128xf32, #tpu.memory_space<hbm>>
      %dma_start3A_1394 = arith.constant 0 : i32
      %dma_start3A_1395 = arith.constant 0 : i32
      %dma_start3A_1396 = tpu.memref_slice %arg6[%dma_start3A_1387, %dma_start3A_1394, %dma_start3A_1395] : memref<8x64x128xf32, #tpu.memory_space<vmem>> -> memref<1x64x128xf32, #tpu.memory_space<vmem>>
      %dma_start3A_1397 = tpu.memref_squeeze %dma_start3A_1396 : memref<1x64x128xf32, #tpu.memory_space<vmem>> -> memref<64x128xf32, #tpu.memory_space<vmem>>
      %dma_start3A_1398 = arith.constant 0 : i32
      %dma_start3A_1399 = tpu.memref_slice %arg2[%dma_start3A_1398, %mul3A_1386] : memref<64x1000001xf32, #tpu.memory_space<hbm>> -> memref<64x128xf32, #tpu.memory_space<hbm>>
      tpu.enqueue_dma source(%dma_start3A_1399 : memref<64x128xf32, #tpu.memory_space<hbm>>) target(%dma_start3A_1397 : memref<64x128xf32, #tpu.memory_space<vmem>>) target_semaphore(%arg8 : memref<!tpu.dma_semaphore, #tpu.memory_space<semaphore_mem>>)
      %dma_wait3A_1400 = arith.constant 2 : i32
      %dma_wait3A_1401 = arith.constant 0 : i32
      %dma_wait3A_1402 = arith.constant 0 : i32
      %dma_wait3A_1403 = tpu.memref_slice %arg6[%dma_wait3A_1400, %dma_wait3A_1401, %dma_wait3A_1402] : memref<8x64x128xf32, #tpu.memory_space<vmem>> -> memref<1x64x128xf32, #tpu.memory_space<vmem>>
      %dma_wait3A_1404 = tpu.memref_squeeze %dma_wait3A_1403 : memref<1x64x128xf32, #tpu.memory_space<vmem>> -> memref<64x128xf32, #tpu.memory_space<vmem>>
      %dma_wait3A_1405 = arith.constant 0 : i32
      %dma_wait3A_1406 = arith.constant 0 : i32
      %dma_wait3A_1407 = tpu.memref_slice %arg2[%dma_wait3A_1405, %dma_wait3A_1406] : memref<64x1000001xf32, #tpu.memory_space<hbm>> -> memref<64x128xf32, #tpu.memory_space<hbm>>
      %dma_wait3A_1408 = arith.constant 0 : i32
      %dma_wait3A_1409 = arith.constant 0 : i32
      %dma_wait3A_1410 = tpu.memref_slice %arg6[%dma_wait3A_1400, %dma_wait3A_1408, %dma_wait3A_1409] : memref<8x64x128xf32, #tpu.memory_space<vmem>> -> memref<1x64x128xf32, #tpu.memory_space<vmem>>
      %dma_wait3A_1411 = tpu.memref_squeeze %dma_wait3A_1410 : memref<1x64x128xf32, #tpu.memory_space<vmem>> -> memref<64x128xf32, #tpu.memory_space<vmem>>
      %dma_wait3A_1412 = arith.constant 0 : i32
      %dma_wait3A_1413 = arith.constant 0 : i32
      %dma_wait3A_1414 = tpu.memref_slice %arg2[%dma_wait3A_1412, %dma_wait3A_1413] : memref<64x1000001xf32, #tpu.memory_space<hbm>> -> memref<64x128xf32, #tpu.memory_space<hbm>>
      tpu.wait_dma2 semaphore(%arg8 : memref<!tpu.dma_semaphore, #tpu.memory_space<semaphore_mem>>) src(%dma_wait3A_1414 : memref<64x128xf32, #tpu.memory_space<hbm>>) dst(%dma_wait3A_1411 : memref<64x128xf32, #tpu.memory_space<vmem>>)
      %slice3A_1415 = vector.extract_strided_slice %scan3A_1234 {offsets = [2], sizes = [1], strides = [1]} : vector<16xi32> to vector<1xi32>
      %squeeze3A_1416 = vector.extract %slice3A_1415[0] : i32 from vector<1xi32>
      %add3A_1417 = arith.constant 2 : i32
      %add3A_1418 = arith.addi %mul3A_1236, %add3A_1417 : i32
      %and3A_1419 = arith.constant 127 : i32
      %and3A_1420 = arith.andi %squeeze3A_1416, %and3A_1419 : i32
      %broadcast_in_dim3A_1421 = vector.broadcast %and3A_1420 : i32 to vector<16xi32>
      %broadcast_in_dim3A_1422 = vector.broadcast %add3A_1418 : i32 to vector<16xi32>
      %add3A_1423 = arith.constant 0 : i32
      %add3A_1424 = vector.broadcast %add3A_1423 : i32 to vector<16xi32>
      %add3A_1425 = arith.addi %iota3A, %add3A_1424 : vector<16xi32>
      %gather3A_1426 = arith.constant 2 : i32
      %gather3A_1427 = arith.constant 0 : i32
      %gather3A_1428 = arith.constant 0 : i32
      %gather3A_1429 = tpu.memref_slice %arg6[%gather3A_1426, %gather3A_1427, %gather3A_1428] : memref<8x64x128xf32, #tpu.memory_space<vmem>> -> memref<1x64x128xf32, #tpu.memory_space<vmem>>
      %gather3A_1430 = tpu.memref_squeeze %gather3A_1429 : memref<1x64x128xf32, #tpu.memory_space<vmem>> -> memref<64x128xf32, #tpu.memory_space<vmem>>
      %gather3A_1431 = tpu.vector_load_idx %gather3A_1430[%add3A_1425, %broadcast_in_dim3A_1421] : memref<64x128xf32, #tpu.memory_space<vmem>>[vector<16xi32>, vector<16xi32>], vector<16xf32>,
      tpu.vector_store_idx %arg7[%add3A_1425, %broadcast_in_dim3A_1422], %gather3A_1431 : memref<64x512xf32, #tpu.memory_space<vmem>>[vector<16xi32>, vector<16xi32>], vector<16xf32>,
      %add3A_1432 = arith.constant 16 : i32
      %add3A_1433 = vector.broadcast %add3A_1432 : i32 to vector<16xi32>
      %add3A_1434 = arith.addi %iota3A, %add3A_1433 : vector<16xi32>
      %gather3A_1435 = arith.constant 2 : i32
      %gather3A_1436 = arith.constant 0 : i32
      %gather3A_1437 = arith.constant 0 : i32
      %gather3A_1438 = tpu.memref_slice %arg6[%gather3A_1435, %gather3A_1436, %gather3A_1437] : memref<8x64x128xf32, #tpu.memory_space<vmem>> -> memref<1x64x128xf32, #tpu.memory_space<vmem>>
      %gather3A_1439 = tpu.memref_squeeze %gather3A_1438 : memref<1x64x128xf32, #tpu.memory_space<vmem>> -> memref<64x128xf32, #tpu.memory_space<vmem>>
      %gather3A_1440 = tpu.vector_load_idx %gather3A_1439[%add3A_1434, %broadcast_in_dim3A_1421] : memref<64x128xf32, #tpu.memory_space<vmem>>[vector<16xi32>, vector<16xi32>], vector<16xf32>,
      tpu.vector_store_idx %arg7[%add3A_1434, %broadcast_in_dim3A_1422], %gather3A_1440 : memref<64x512xf32, #tpu.memory_space<vmem>>[vector<16xi32>, vector<16xi32>], vector<16xf32>,
      %add3A_1441 = arith.constant 32 : i32
      %add3A_1442 = vector.broadcast %add3A_1441 : i32 to vector<16xi32>
      %add3A_1443 = arith.addi %iota3A, %add3A_1442 : vector<16xi32>
      %gather3A_1444 = arith.constant 2 : i32
      %gather3A_1445 = arith.constant 0 : i32
      %gather3A_1446 = arith.constant 0 : i32
      %gather3A_1447 = tpu.memref_slice %arg6[%gather3A_1444, %gather3A_1445, %gather3A_1446] : memref<8x64x128xf32, #tpu.memory_space<vmem>> -> memref<1x64x128xf32, #tpu.memory_space<vmem>>
      %gather3A_1448 = tpu.memref_squeeze %gather3A_1447 : memref<1x64x128xf32, #tpu.memory_space<vmem>> -> memref<64x128xf32, #tpu.memory_space<vmem>>
      %gather3A_1449 = tpu.vector_load_idx %gather3A_1448[%add3A_1443, %broadcast_in_dim3A_1421] : memref<64x128xf32, #tpu.memory_space<vmem>>[vector<16xi32>, vector<16xi32>], vector<16xf32>,
      tpu.vector_store_idx %arg7[%add3A_1443, %broadcast_in_dim3A_1422], %gather3A_1449 : memref<64x512xf32, #tpu.memory_space<vmem>>[vector<16xi32>, vector<16xi32>], vector<16xf32>,
      %add3A_1450 = arith.constant 48 : i32
      %add3A_1451 = vector.broadcast %add3A_1450 : i32 to vector<16xi32>
      %add3A_1452 = arith.addi %iota3A, %add3A_1451 : vector<16xi32>
      %gather3A_1453 = arith.constant 2 : i32
      %gather3A_1454 = arith.constant 0 : i32
      %gather3A_1455 = arith.constant 0 : i32
      %gather3A_1456 = tpu.memref_slice %arg6[%gather3A_1453, %gather3A_1454, %gather3A_1455] : memref<8x64x128xf32, #tpu.memory_space<vmem>> -> memref<1x64x128xf32, #tpu.memory_space<vmem>>
      %gather3A_1457 = tpu.memref_squeeze %gather3A_1456 : memref<1x64x128xf32, #tpu.memory_space<vmem>> -> memref<64x128xf32, #tpu.memory_space<vmem>>
      %gather3A_1458 = tpu.vector_load_idx %gather3A_1457[%add3A_1452, %broadcast_in_dim3A_1421] : memref<64x128xf32, #tpu.memory_space<vmem>>[vector<16xi32>, vector<16xi32>], vector<16xf32>,
      tpu.vector_store_idx %arg7[%add3A_1452, %broadcast_in_dim3A_1422], %gather3A_1458 : memref<64x512xf32, #tpu.memory_space<vmem>>[vector<16xi32>, vector<16xi32>], vector<16xf32>,
      %slice3A_1459 = vector.extract_strided_slice %scan3A_1234 {offsets = [10], sizes = [1], strides = [1]} : vector<16xi32> to vector<1xi32>
      %squeeze3A_1460 = vector.extract %slice3A_1459[0] : i32 from vector<1xi32>
      %shift_right_logical3A_1461 = arith.constant 7 : i32
      %shift_right_logical3A_1462 = arith.shrui %squeeze3A_1460, %shift_right_logical3A_1461 : i32
      %mul3A_1463 = arith.constant 128 : i32
      %mul3A_1464 = arith.muli %shift_right_logical3A_1462, %mul3A_1463 : i32
      %dma_start3A_1465 = arith.constant 2 : i32
      %dma_start3A_1466 = arith.constant 0 : i32
      %dma_start3A_1467 = arith.constant 0 : i32
      %dma_start3A_1468 = tpu.memref_slice %arg6[%dma_start3A_1465, %dma_start3A_1466, %dma_start3A_1467] : memref<8x64x128xf32, #tpu.memory_space<vmem>> -> memref<1x64x128xf32, #tpu.memory_space<vmem>>
      %dma_start3A_1469 = tpu.memref_squeeze %dma_start3A_1468 : memref<1x64x128xf32, #tpu.memory_space<vmem>> -> memref<64x128xf32, #tpu.memory_space<vmem>>
      %dma_start3A_1470 = arith.constant 0 : i32
      %dma_start3A_1471 = tpu.memref_slice %arg2[%dma_start3A_1470, %mul3A_1464] : memref<64x1000001xf32, #tpu.memory_space<hbm>> -> memref<64x128xf32, #tpu.memory_space<hbm>>
      %dma_start3A_1472 = arith.constant 0 : i32
      %dma_start3A_1473 = arith.constant 0 : i32
      %dma_start3A_1474 = tpu.memref_slice %arg6[%dma_start3A_1465, %dma_start3A_1472, %dma_start3A_1473] : memref<8x64x128xf32, #tpu.memory_space<vmem>> -> memref<1x64x128xf32, #tpu.memory_space<vmem>>
      %dma_start3A_1475 = tpu.memref_squeeze %dma_start3A_1474 : memref<1x64x128xf32, #tpu.memory_space<vmem>> -> memref<64x128xf32, #tpu.memory_space<vmem>>
      %dma_start3A_1476 = arith.constant 0 : i32
      %dma_start3A_1477 = tpu.memref_slice %arg2[%dma_start3A_1476, %mul3A_1464] : memref<64x1000001xf32, #tpu.memory_space<hbm>> -> memref<64x128xf32, #tpu.memory_space<hbm>>
      tpu.enqueue_dma source(%dma_start3A_1477 : memref<64x128xf32, #tpu.memory_space<hbm>>) target(%dma_start3A_1475 : memref<64x128xf32, #tpu.memory_space<vmem>>) target_semaphore(%arg8 : memref<!tpu.dma_semaphore, #tpu.memory_space<semaphore_mem>>)
      %dma_wait3A_1478 = arith.constant 3 : i32
      %dma_wait3A_1479 = arith.constant 0 : i32
      %dma_wait3A_1480 = arith.constant 0 : i32
      %dma_wait3A_1481 = tpu.memref_slice %arg6[%dma_wait3A_1478, %dma_wait3A_1479, %dma_wait3A_1480] : memref<8x64x128xf32, #tpu.memory_space<vmem>> -> memref<1x64x128xf32, #tpu.memory_space<vmem>>
      %dma_wait3A_1482 = tpu.memref_squeeze %dma_wait3A_1481 : memref<1x64x128xf32, #tpu.memory_space<vmem>> -> memref<64x128xf32, #tpu.memory_space<vmem>>
      %dma_wait3A_1483 = arith.constant 0 : i32
      %dma_wait3A_1484 = arith.constant 0 : i32
      %dma_wait3A_1485 = tpu.memref_slice %arg2[%dma_wait3A_1483, %dma_wait3A_1484] : memref<64x1000001xf32, #tpu.memory_space<hbm>> -> memref<64x128xf32, #tpu.memory_space<hbm>>
      %dma_wait3A_1486 = arith.constant 0 : i32
      %dma_wait3A_1487 = arith.constant 0 : i32
      %dma_wait3A_1488 = tpu.memref_slice %arg6[%dma_wait3A_1478, %dma_wait3A_1486, %dma_wait3A_1487] : memref<8x64x128xf32, #tpu.memory_space<vmem>> -> memref<1x64x128xf32, #tpu.memory_space<vmem>>
      %dma_wait3A_1489 = tpu.memref_squeeze %dma_wait3A_1488 : memref<1x64x128xf32, #tpu.memory_space<vmem>> -> memref<64x128xf32, #tpu.memory_space<vmem>>
      %dma_wait3A_1490 = arith.constant 0 : i32
      %dma_wait3A_1491 = arith.constant 0 : i32
      %dma_wait3A_1492 = tpu.memref_slice %arg2[%dma_wait3A_1490, %dma_wait3A_1491] : memref<64x1000001xf32, #tpu.memory_space<hbm>> -> memref<64x128xf32, #tpu.memory_space<hbm>>
      tpu.wait_dma2 semaphore(%arg8 : memref<!tpu.dma_semaphore, #tpu.memory_space<semaphore_mem>>) src(%dma_wait3A_1492 : memref<64x128xf32, #tpu.memory_space<hbm>>) dst(%dma_wait3A_1489 : memref<64x128xf32, #tpu.memory_space<vmem>>)
      %slice3A_1493 = vector.extract_strided_slice %scan3A_1234 {offsets = [3], sizes = [1], strides = [1]} : vector<16xi32> to vector<1xi32>
      %squeeze3A_1494 = vector.extract %slice3A_1493[0] : i32 from vector<1xi32>
      %add3A_1495 = arith.constant 3 : i32
      %add3A_1496 = arith.addi %mul3A_1236, %add3A_1495 : i32
      %and3A_1497 = arith.constant 127 : i32
      %and3A_1498 = arith.andi %squeeze3A_1494, %and3A_1497 : i32
      %broadcast_in_dim3A_1499 = vector.broadcast %and3A_1498 : i32 to vector<16xi32>
      %broadcast_in_dim3A_1500 = vector.broadcast %add3A_1496 : i32 to vector<16xi32>
      %add3A_1501 = arith.constant 0 : i32
      %add3A_1502 = vector.broadcast %add3A_1501 : i32 to vector<16xi32>
      %add3A_1503 = arith.addi %iota3A, %add3A_1502 : vector<16xi32>
      %gather3A_1504 = arith.constant 3 : i32
      %gather3A_1505 = arith.constant 0 : i32
      %gather3A_1506 = arith.constant 0 : i32
      %gather3A_1507 = tpu.memref_slice %arg6[%gather3A_1504, %gather3A_1505, %gather3A_1506] : memref<8x64x128xf32, #tpu.memory_space<vmem>> -> memref<1x64x128xf32, #tpu.memory_space<vmem>>
      %gather3A_1508 = tpu.memref_squeeze %gather3A_1507 : memref<1x64x128xf32, #tpu.memory_space<vmem>> -> memref<64x128xf32, #tpu.memory_space<vmem>>
      %gather3A_1509 = tpu.vector_load_idx %gather3A_1508[%add3A_1503, %broadcast_in_dim3A_1499] : memref<64x128xf32, #tpu.memory_space<vmem>>[vector<16xi32>, vector<16xi32>], vector<16xf32>,
      tpu.vector_store_idx %arg7[%add3A_1503, %broadcast_in_dim3A_1500], %gather3A_1509 : memref<64x512xf32, #tpu.memory_space<vmem>>[vector<16xi32>, vector<16xi32>], vector<16xf32>,
      %add3A_1510 = arith.constant 16 : i32
      %add3A_1511 = vector.broadcast %add3A_1510 : i32 to vector<16xi32>
      %add3A_1512 = arith.addi %iota3A, %add3A_1511 : vector<16xi32>
      %gather3A_1513 = arith.constant 3 : i32
      %gather3A_1514 = arith.constant 0 : i32
      %gather3A_1515 = arith.constant 0 : i32
      %gather3A_1516 = tpu.memref_slice %arg6[%gather3A_1513, %gather3A_1514, %gather3A_1515] : memref<8x64x128xf32, #tpu.memory_space<vmem>> -> memref<1x64x128xf32, #tpu.memory_space<vmem>>
      %gather3A_1517 = tpu.memref_squeeze %gather3A_1516 : memref<1x64x128xf32, #tpu.memory_space<vmem>> -> memref<64x128xf32, #tpu.memory_space<vmem>>
      %gather3A_1518 = tpu.vector_load_idx %gather3A_1517[%add3A_1512, %broadcast_in_dim3A_1499] : memref<64x128xf32, #tpu.memory_space<vmem>>[vector<16xi32>, vector<16xi32>], vector<16xf32>,
      tpu.vector_store_idx %arg7[%add3A_1512, %broadcast_in_dim3A_1500], %gather3A_1518 : memref<64x512xf32, #tpu.memory_space<vmem>>[vector<16xi32>, vector<16xi32>], vector<16xf32>,
      %add3A_1519 = arith.constant 32 : i32
      %add3A_1520 = vector.broadcast %add3A_1519 : i32 to vector<16xi32>
      %add3A_1521 = arith.addi %iota3A, %add3A_1520 : vector<16xi32>
      %gather3A_1522 = arith.constant 3 : i32
      %gather3A_1523 = arith.constant 0 : i32
      %gather3A_1524 = arith.constant 0 : i32
      %gather3A_1525 = tpu.memref_slice %arg6[%gather3A_1522, %gather3A_1523, %gather3A_1524] : memref<8x64x128xf32, #tpu.memory_space<vmem>> -> memref<1x64x128xf32, #tpu.memory_space<vmem>>
      %gather3A_1526 = tpu.memref_squeeze %gather3A_1525 : memref<1x64x128xf32, #tpu.memory_space<vmem>> -> memref<64x128xf32, #tpu.memory_space<vmem>>
      %gather3A_1527 = tpu.vector_load_idx %gather3A_1526[%add3A_1521, %broadcast_in_dim3A_1499] : memref<64x128xf32, #tpu.memory_space<vmem>>[vector<16xi32>, vector<16xi32>], vector<16xf32>,
      tpu.vector_store_idx %arg7[%add3A_1521, %broadcast_in_dim3A_1500], %gather3A_1527 : memref<64x512xf32, #tpu.memory_space<vmem>>[vector<16xi32>, vector<16xi32>], vector<16xf32>,
      %add3A_1528 = arith.constant 48 : i32
      %add3A_1529 = vector.broadcast %add3A_1528 : i32 to vector<16xi32>
      %add3A_1530 = arith.addi %iota3A, %add3A_1529 : vector<16xi32>
      %gather3A_1531 = arith.constant 3 : i32
      %gather3A_1532 = arith.constant 0 : i32
      %gather3A_1533 = arith.constant 0 : i32
      %gather3A_1534 = tpu.memref_slice %arg6[%gather3A_1531, %gather3A_1532, %gather3A_1533] : memref<8x64x128xf32, #tpu.memory_space<vmem>> -> memref<1x64x128xf32, #tpu.memory_space<vmem>>
      %gather3A_1535 = tpu.memref_squeeze %gather3A_1534 : memref<1x64x128xf32, #tpu.memory_space<vmem>> -> memref<64x128xf32, #tpu.memory_space<vmem>>
      %gather3A_1536 = tpu.vector_load_idx %gather3A_1535[%add3A_1530, %broadcast_in_dim3A_1499] : memref<64x128xf32, #tpu.memory_space<vmem>>[vector<16xi32>, vector<16xi32>], vector<16xf32>,
      tpu.vector_store_idx %arg7[%add3A_1530, %broadcast_in_dim3A_1500], %gather3A_1536 : memref<64x512xf32, #tpu.memory_space<vmem>>[vector<16xi32>, vector<16xi32>], vector<16xf32>,
      %slice3A_1537 = vector.extract_strided_slice %scan3A_1234 {offsets = [11], sizes = [1], strides = [1]} : vector<16xi32> to vector<1xi32>
      %squeeze3A_1538 = vector.extract %slice3A_1537[0] : i32 from vector<1xi32>
      %shift_right_logical3A_1539 = arith.constant 7 : i32
      %shift_right_logical3A_1540 = arith.shrui %squeeze3A_1538, %shift_right_logical3A_1539 : i32
      %mul3A_1541 = arith.constant 128 : i32
      %mul3A_1542 = arith.muli %shift_right_logical3A_1540, %mul3A_1541 : i32
      %dma_start3A_1543 = arith.constant 3 : i32
      %dma_start3A_1544 = arith.constant 0 : i32
      %dma_start3A_1545 = arith.constant 0 : i32
      %dma_start3A_1546 = tpu.memref_slice %arg6[%dma_start3A_1543, %dma_start3A_1544, %dma_start3A_1545] : memref<8x64x128xf32, #tpu.memory_space<vmem>> -> memref<1x64x128xf32, #tpu.memory_space<vmem>>
      %dma_start3A_1547 = tpu.memref_squeeze %dma_start3A_1546 : memref<1x64x128xf32, #tpu.memory_space<vmem>> -> memref<64x128xf32, #tpu.memory_space<vmem>>
      %dma_start3A_1548 = arith.constant 0 : i32
      %dma_start3A_1549 = tpu.memref_slice %arg2[%dma_start3A_1548, %mul3A_1542] : memref<64x1000001xf32, #tpu.memory_space<hbm>> -> memref<64x128xf32, #tpu.memory_space<hbm>>
      %dma_start3A_1550 = arith.constant 0 : i32
      %dma_start3A_1551 = arith.constant 0 : i32
      %dma_start3A_1552 = tpu.memref_slice %arg6[%dma_start3A_1543, %dma_start3A_1550, %dma_start3A_1551] : memref<8x64x128xf32, #tpu.memory_space<vmem>> -> memref<1x64x128xf32, #tpu.memory_space<vmem>>
      %dma_start3A_1553 = tpu.memref_squeeze %dma_start3A_1552 : memref<1x64x128xf32, #tpu.memory_space<vmem>> -> memref<64x128xf32, #tpu.memory_space<vmem>>
      %dma_start3A_1554 = arith.constant 0 : i32
      %dma_start3A_1555 = tpu.memref_slice %arg2[%dma_start3A_1554, %mul3A_1542] : memref<64x1000001xf32, #tpu.memory_space<hbm>> -> memref<64x128xf32, #tpu.memory_space<hbm>>
      tpu.enqueue_dma source(%dma_start3A_1555 : memref<64x128xf32, #tpu.memory_space<hbm>>) target(%dma_start3A_1553 : memref<64x128xf32, #tpu.memory_space<vmem>>) target_semaphore(%arg8 : memref<!tpu.dma_semaphore, #tpu.memory_space<semaphore_mem>>)
      %dma_wait3A_1556 = arith.constant 4 : i32
      %dma_wait3A_1557 = arith.constant 0 : i32
      %dma_wait3A_1558 = arith.constant 0 : i32
      %dma_wait3A_1559 = tpu.memref_slice %arg6[%dma_wait3A_1556, %dma_wait3A_1557, %dma_wait3A_1558] : memref<8x64x128xf32, #tpu.memory_space<vmem>> -> memref<1x64x128xf32, #tpu.memory_space<vmem>>
      %dma_wait3A_1560 = tpu.memref_squeeze %dma_wait3A_1559 : memref<1x64x128xf32, #tpu.memory_space<vmem>> -> memref<64x128xf32, #tpu.memory_space<vmem>>
      %dma_wait3A_1561 = arith.constant 0 : i32
      %dma_wait3A_1562 = arith.constant 0 : i32
      %dma_wait3A_1563 = tpu.memref_slice %arg2[%dma_wait3A_1561, %dma_wait3A_1562] : memref<64x1000001xf32, #tpu.memory_space<hbm>> -> memref<64x128xf32, #tpu.memory_space<hbm>>
      %dma_wait3A_1564 = arith.constant 0 : i32
      %dma_wait3A_1565 = arith.constant 0 : i32
      %dma_wait3A_1566 = tpu.memref_slice %arg6[%dma_wait3A_1556, %dma_wait3A_1564, %dma_wait3A_1565] : memref<8x64x128xf32, #tpu.memory_space<vmem>> -> memref<1x64x128xf32, #tpu.memory_space<vmem>>
      %dma_wait3A_1567 = tpu.memref_squeeze %dma_wait3A_1566 : memref<1x64x128xf32, #tpu.memory_space<vmem>> -> memref<64x128xf32, #tpu.memory_space<vmem>>
      %dma_wait3A_1568 = arith.constant 0 : i32
      %dma_wait3A_1569 = arith.constant 0 : i32
      %dma_wait3A_1570 = tpu.memref_slice %arg2[%dma_wait3A_1568, %dma_wait3A_1569] : memref<64x1000001xf32, #tpu.memory_space<hbm>> -> memref<64x128xf32, #tpu.memory_space<hbm>>
      tpu.wait_dma2 semaphore(%arg8 : memref<!tpu.dma_semaphore, #tpu.memory_space<semaphore_mem>>) src(%dma_wait3A_1570 : memref<64x128xf32, #tpu.memory_space<hbm>>) dst(%dma_wait3A_1567 : memref<64x128xf32, #tpu.memory_space<vmem>>)
      %slice3A_1571 = vector.extract_strided_slice %scan3A_1234 {offsets = [4], sizes = [1], strides = [1]} : vector<16xi32> to vector<1xi32>
      %squeeze3A_1572 = vector.extract %slice3A_1571[0] : i32 from vector<1xi32>
      %add3A_1573 = arith.constant 4 : i32
      %add3A_1574 = arith.addi %mul3A_1236, %add3A_1573 : i32
      %and3A_1575 = arith.constant 127 : i32
      %and3A_1576 = arith.andi %squeeze3A_1572, %and3A_1575 : i32
      %broadcast_in_dim3A_1577 = vector.broadcast %and3A_1576 : i32 to vector<16xi32>
      %broadcast_in_dim3A_1578 = vector.broadcast %add3A_1574 : i32 to vector<16xi32>
      %add3A_1579 = arith.constant 0 : i32
      %add3A_1580 = vector.broadcast %add3A_1579 : i32 to vector<16xi32>
      %add3A_1581 = arith.addi %iota3A, %add3A_1580 : vector<16xi32>
      %gather3A_1582 = arith.constant 4 : i32
      %gather3A_1583 = arith.constant 0 : i32
      %gather3A_1584 = arith.constant 0 : i32
      %gather3A_1585 = tpu.memref_slice %arg6[%gather3A_1582, %gather3A_1583, %gather3A_1584] : memref<8x64x128xf32, #tpu.memory_space<vmem>> -> memref<1x64x128xf32, #tpu.memory_space<vmem>>
      %gather3A_1586 = tpu.memref_squeeze %gather3A_1585 : memref<1x64x128xf32, #tpu.memory_space<vmem>> -> memref<64x128xf32, #tpu.memory_space<vmem>>
      %gather3A_1587 = tpu.vector_load_idx %gather3A_1586[%add3A_1581, %broadcast_in_dim3A_1577] : memref<64x128xf32, #tpu.memory_space<vmem>>[vector<16xi32>, vector<16xi32>], vector<16xf32>,
      tpu.vector_store_idx %arg7[%add3A_1581, %broadcast_in_dim3A_1578], %gather3A_1587 : memref<64x512xf32, #tpu.memory_space<vmem>>[vector<16xi32>, vector<16xi32>], vector<16xf32>,
      %add3A_1588 = arith.constant 16 : i32
      %add3A_1589 = vector.broadcast %add3A_1588 : i32 to vector<16xi32>
      %add3A_1590 = arith.addi %iota3A, %add3A_1589 : vector<16xi32>
      %gather3A_1591 = arith.constant 4 : i32
      %gather3A_1592 = arith.constant 0 : i32
      %gather3A_1593 = arith.constant 0 : i32
      %gather3A_1594 = tpu.memref_slice %arg6[%gather3A_1591, %gather3A_1592, %gather3A_1593] : memref<8x64x128xf32, #tpu.memory_space<vmem>> -> memref<1x64x128xf32, #tpu.memory_space<vmem>>
      %gather3A_1595 = tpu.memref_squeeze %gather3A_1594 : memref<1x64x128xf32, #tpu.memory_space<vmem>> -> memref<64x128xf32, #tpu.memory_space<vmem>>
      %gather3A_1596 = tpu.vector_load_idx %gather3A_1595[%add3A_1590, %broadcast_in_dim3A_1577] : memref<64x128xf32, #tpu.memory_space<vmem>>[vector<16xi32>, vector<16xi32>], vector<16xf32>,
      tpu.vector_store_idx %arg7[%add3A_1590, %broadcast_in_dim3A_1578], %gather3A_1596 : memref<64x512xf32, #tpu.memory_space<vmem>>[vector<16xi32>, vector<16xi32>], vector<16xf32>,
      %add3A_1597 = arith.constant 32 : i32
      %add3A_1598 = vector.broadcast %add3A_1597 : i32 to vector<16xi32>
      %add3A_1599 = arith.addi %iota3A, %add3A_1598 : vector<16xi32>
      %gather3A_1600 = arith.constant 4 : i32
      %gather3A_1601 = arith.constant 0 : i32
      %gather3A_1602 = arith.constant 0 : i32
      %gather3A_1603 = tpu.memref_slice %arg6[%gather3A_1600, %gather3A_1601, %gather3A_1602] : memref<8x64x128xf32, #tpu.memory_space<vmem>> -> memref<1x64x128xf32, #tpu.memory_space<vmem>>
      %gather3A_1604 = tpu.memref_squeeze %gather3A_1603 : memref<1x64x128xf32, #tpu.memory_space<vmem>> -> memref<64x128xf32, #tpu.memory_space<vmem>>
      %gather3A_1605 = tpu.vector_load_idx %gather3A_1604[%add3A_1599, %broadcast_in_dim3A_1577] : memref<64x128xf32, #tpu.memory_space<vmem>>[vector<16xi32>, vector<16xi32>], vector<16xf32>,
      tpu.vector_store_idx %arg7[%add3A_1599, %broadcast_in_dim3A_1578], %gather3A_1605 : memref<64x512xf32, #tpu.memory_space<vmem>>[vector<16xi32>, vector<16xi32>], vector<16xf32>,
      %add3A_1606 = arith.constant 48 : i32
      %add3A_1607 = vector.broadcast %add3A_1606 : i32 to vector<16xi32>
      %add3A_1608 = arith.addi %iota3A, %add3A_1607 : vector<16xi32>
      %gather3A_1609 = arith.constant 4 : i32
      %gather3A_1610 = arith.constant 0 : i32
      %gather3A_1611 = arith.constant 0 : i32
      %gather3A_1612 = tpu.memref_slice %arg6[%gather3A_1609, %gather3A_1610, %gather3A_1611] : memref<8x64x128xf32, #tpu.memory_space<vmem>> -> memref<1x64x128xf32, #tpu.memory_space<vmem>>
      %gather3A_1613 = tpu.memref_squeeze %gather3A_1612 : memref<1x64x128xf32, #tpu.memory_space<vmem>> -> memref<64x128xf32, #tpu.memory_space<vmem>>
      %gather3A_1614 = tpu.vector_load_idx %gather3A_1613[%add3A_1608, %broadcast_in_dim3A_1577] : memref<64x128xf32, #tpu.memory_space<vmem>>[vector<16xi32>, vector<16xi32>], vector<16xf32>,
      tpu.vector_store_idx %arg7[%add3A_1608, %broadcast_in_dim3A_1578], %gather3A_1614 : memref<64x512xf32, #tpu.memory_space<vmem>>[vector<16xi32>, vector<16xi32>], vector<16xf32>,
      %slice3A_1615 = vector.extract_strided_slice %scan3A_1234 {offsets = [12], sizes = [1], strides = [1]} : vector<16xi32> to vector<1xi32>
      %squeeze3A_1616 = vector.extract %slice3A_1615[0] : i32 from vector<1xi32>
      %shift_right_logical3A_1617 = arith.constant 7 : i32
      %shift_right_logical3A_1618 = arith.shrui %squeeze3A_1616, %shift_right_logical3A_1617 : i32
      %mul3A_1619 = arith.constant 128 : i32
      %mul3A_1620 = arith.muli %shift_right_logical3A_1618, %mul3A_1619 : i32
      %dma_start3A_1621 = arith.constant 4 : i32
      %dma_start3A_1622 = arith.constant 0 : i32
      %dma_start3A_1623 = arith.constant 0 : i32
      %dma_start3A_1624 = tpu.memref_slice %arg6[%dma_start3A_1621, %dma_start3A_1622, %dma_start3A_1623] : memref<8x64x128xf32, #tpu.memory_space<vmem>> -> memref<1x64x128xf32, #tpu.memory_space<vmem>>
      %dma_start3A_1625 = tpu.memref_squeeze %dma_start3A_1624 : memref<1x64x128xf32, #tpu.memory_space<vmem>> -> memref<64x128xf32, #tpu.memory_space<vmem>>
      %dma_start3A_1626 = arith.constant 0 : i32
      %dma_start3A_1627 = tpu.memref_slice %arg2[%dma_start3A_1626, %mul3A_1620] : memref<64x1000001xf32, #tpu.memory_space<hbm>> -> memref<64x128xf32, #tpu.memory_space<hbm>>
      %dma_start3A_1628 = arith.constant 0 : i32
      %dma_start3A_1629 = arith.constant 0 : i32
      %dma_start3A_1630 = tpu.memref_slice %arg6[%dma_start3A_1621, %dma_start3A_1628, %dma_start3A_1629] : memref<8x64x128xf32, #tpu.memory_space<vmem>> -> memref<1x64x128xf32, #tpu.memory_space<vmem>>
      %dma_start3A_1631 = tpu.memref_squeeze %dma_start3A_1630 : memref<1x64x128xf32, #tpu.memory_space<vmem>> -> memref<64x128xf32, #tpu.memory_space<vmem>>
      %dma_start3A_1632 = arith.constant 0 : i32
      %dma_start3A_1633 = tpu.memref_slice %arg2[%dma_start3A_1632, %mul3A_1620] : memref<64x1000001xf32, #tpu.memory_space<hbm>> -> memref<64x128xf32, #tpu.memory_space<hbm>>
      tpu.enqueue_dma source(%dma_start3A_1633 : memref<64x128xf32, #tpu.memory_space<hbm>>) target(%dma_start3A_1631 : memref<64x128xf32, #tpu.memory_space<vmem>>) target_semaphore(%arg8 : memref<!tpu.dma_semaphore, #tpu.memory_space<semaphore_mem>>)
      %dma_wait3A_1634 = arith.constant 5 : i32
      %dma_wait3A_1635 = arith.constant 0 : i32
      %dma_wait3A_1636 = arith.constant 0 : i32
      %dma_wait3A_1637 = tpu.memref_slice %arg6[%dma_wait3A_1634, %dma_wait3A_1635, %dma_wait3A_1636] : memref<8x64x128xf32, #tpu.memory_space<vmem>> -> memref<1x64x128xf32, #tpu.memory_space<vmem>>
      %dma_wait3A_1638 = tpu.memref_squeeze %dma_wait3A_1637 : memref<1x64x128xf32, #tpu.memory_space<vmem>> -> memref<64x128xf32, #tpu.memory_space<vmem>>
      %dma_wait3A_1639 = arith.constant 0 : i32
      %dma_wait3A_1640 = arith.constant 0 : i32
      %dma_wait3A_1641 = tpu.memref_slice %arg2[%dma_wait3A_1639, %dma_wait3A_1640] : memref<64x1000001xf32, #tpu.memory_space<hbm>> -> memref<64x128xf32, #tpu.memory_space<hbm>>
      %dma_wait3A_1642 = arith.constant 0 : i32
      %dma_wait3A_1643 = arith.constant 0 : i32
      %dma_wait3A_1644 = tpu.memref_slice %arg6[%dma_wait3A_1634, %dma_wait3A_1642, %dma_wait3A_1643] : memref<8x64x128xf32, #tpu.memory_space<vmem>> -> memref<1x64x128xf32, #tpu.memory_space<vmem>>
      %dma_wait3A_1645 = tpu.memref_squeeze %dma_wait3A_1644 : memref<1x64x128xf32, #tpu.memory_space<vmem>> -> memref<64x128xf32, #tpu.memory_space<vmem>>
      %dma_wait3A_1646 = arith.constant 0 : i32
      %dma_wait3A_1647 = arith.constant 0 : i32
      %dma_wait3A_1648 = tpu.memref_slice %arg2[%dma_wait3A_1646, %dma_wait3A_1647] : memref<64x1000001xf32, #tpu.memory_space<hbm>> -> memref<64x128xf32, #tpu.memory_space<hbm>>
      tpu.wait_dma2 semaphore(%arg8 : memref<!tpu.dma_semaphore, #tpu.memory_space<semaphore_mem>>) src(%dma_wait3A_1648 : memref<64x128xf32, #tpu.memory_space<hbm>>) dst(%dma_wait3A_1645 : memref<64x128xf32, #tpu.memory_space<vmem>>)
      %slice3A_1649 = vector.extract_strided_slice %scan3A_1234 {offsets = [5], sizes = [1], strides = [1]} : vector<16xi32> to vector<1xi32>
      %squeeze3A_1650 = vector.extract %slice3A_1649[0] : i32 from vector<1xi32>
      %add3A_1651 = arith.constant 5 : i32
      %add3A_1652 = arith.addi %mul3A_1236, %add3A_1651 : i32
      %and3A_1653 = arith.constant 127 : i32
      %and3A_1654 = arith.andi %squeeze3A_1650, %and3A_1653 : i32
      %broadcast_in_dim3A_1655 = vector.broadcast %and3A_1654 : i32 to vector<16xi32>
      %broadcast_in_dim3A_1656 = vector.broadcast %add3A_1652 : i32 to vector<16xi32>
      %add3A_1657 = arith.constant 0 : i32
      %add3A_1658 = vector.broadcast %add3A_1657 : i32 to vector<16xi32>
      %add3A_1659 = arith.addi %iota3A, %add3A_1658 : vector<16xi32>
      %gather3A_1660 = arith.constant 5 : i32
      %gather3A_1661 = arith.constant 0 : i32
      %gather3A_1662 = arith.constant 0 : i32
      %gather3A_1663 = tpu.memref_slice %arg6[%gather3A_1660, %gather3A_1661, %gather3A_1662] : memref<8x64x128xf32, #tpu.memory_space<vmem>> -> memref<1x64x128xf32, #tpu.memory_space<vmem>>
      %gather3A_1664 = tpu.memref_squeeze %gather3A_1663 : memref<1x64x128xf32, #tpu.memory_space<vmem>> -> memref<64x128xf32, #tpu.memory_space<vmem>>
      %gather3A_1665 = tpu.vector_load_idx %gather3A_1664[%add3A_1659, %broadcast_in_dim3A_1655] : memref<64x128xf32, #tpu.memory_space<vmem>>[vector<16xi32>, vector<16xi32>], vector<16xf32>,
      tpu.vector_store_idx %arg7[%add3A_1659, %broadcast_in_dim3A_1656], %gather3A_1665 : memref<64x512xf32, #tpu.memory_space<vmem>>[vector<16xi32>, vector<16xi32>], vector<16xf32>,
      %add3A_1666 = arith.constant 16 : i32
      %add3A_1667 = vector.broadcast %add3A_1666 : i32 to vector<16xi32>
      %add3A_1668 = arith.addi %iota3A, %add3A_1667 : vector<16xi32>
      %gather3A_1669 = arith.constant 5 : i32
      %gather3A_1670 = arith.constant 0 : i32
      %gather3A_1671 = arith.constant 0 : i32
      %gather3A_1672 = tpu.memref_slice %arg6[%gather3A_1669, %gather3A_1670, %gather3A_1671] : memref<8x64x128xf32, #tpu.memory_space<vmem>> -> memref<1x64x128xf32, #tpu.memory_space<vmem>>
      %gather3A_1673 = tpu.memref_squeeze %gather3A_1672 : memref<1x64x128xf32, #tpu.memory_space<vmem>> -> memref<64x128xf32, #tpu.memory_space<vmem>>
      %gather3A_1674 = tpu.vector_load_idx %gather3A_1673[%add3A_1668, %broadcast_in_dim3A_1655] : memref<64x128xf32, #tpu.memory_space<vmem>>[vector<16xi32>, vector<16xi32>], vector<16xf32>,
      tpu.vector_store_idx %arg7[%add3A_1668, %broadcast_in_dim3A_1656], %gather3A_1674 : memref<64x512xf32, #tpu.memory_space<vmem>>[vector<16xi32>, vector<16xi32>], vector<16xf32>,
      %add3A_1675 = arith.constant 32 : i32
      %add3A_1676 = vector.broadcast %add3A_1675 : i32 to vector<16xi32>
      %add3A_1677 = arith.addi %iota3A, %add3A_1676 : vector<16xi32>
      %gather3A_1678 = arith.constant 5 : i32
      %gather3A_1679 = arith.constant 0 : i32
      %gather3A_1680 = arith.constant 0 : i32
      %gather3A_1681 = tpu.memref_slice %arg6[%gather3A_1678, %gather3A_1679, %gather3A_1680] : memref<8x64x128xf32, #tpu.memory_space<vmem>> -> memref<1x64x128xf32, #tpu.memory_space<vmem>>
      %gather3A_1682 = tpu.memref_squeeze %gather3A_1681 : memref<1x64x128xf32, #tpu.memory_space<vmem>> -> memref<64x128xf32, #tpu.memory_space<vmem>>
      %gather3A_1683 = tpu.vector_load_idx %gather3A_1682[%add3A_1677, %broadcast_in_dim3A_1655] : memref<64x128xf32, #tpu.memory_space<vmem>>[vector<16xi32>, vector<16xi32>], vector<16xf32>,
      tpu.vector_store_idx %arg7[%add3A_1677, %broadcast_in_dim3A_1656], %gather3A_1683 : memref<64x512xf32, #tpu.memory_space<vmem>>[vector<16xi32>, vector<16xi32>], vector<16xf32>,
      %add3A_1684 = arith.constant 48 : i32
      %add3A_1685 = vector.broadcast %add3A_1684 : i32 to vector<16xi32>
      %add3A_1686 = arith.addi %iota3A, %add3A_1685 : vector<16xi32>
      %gather3A_1687 = arith.constant 5 : i32
      %gather3A_1688 = arith.constant 0 : i32
      %gather3A_1689 = arith.constant 0 : i32
      %gather3A_1690 = tpu.memref_slice %arg6[%gather3A_1687, %gather3A_1688, %gather3A_1689] : memref<8x64x128xf32, #tpu.memory_space<vmem>> -> memref<1x64x128xf32, #tpu.memory_space<vmem>>
      %gather3A_1691 = tpu.memref_squeeze %gather3A_1690 : memref<1x64x128xf32, #tpu.memory_space<vmem>> -> memref<64x128xf32, #tpu.memory_space<vmem>>
      %gather3A_1692 = tpu.vector_load_idx %gather3A_1691[%add3A_1686, %broadcast_in_dim3A_1655] : memref<64x128xf32, #tpu.memory_space<vmem>>[vector<16xi32>, vector<16xi32>], vector<16xf32>,
      tpu.vector_store_idx %arg7[%add3A_1686, %broadcast_in_dim3A_1656], %gather3A_1692 : memref<64x512xf32, #tpu.memory_space<vmem>>[vector<16xi32>, vector<16xi32>], vector<16xf32>,
      %slice3A_1693 = vector.extract_strided_slice %scan3A_1234 {offsets = [13], sizes = [1], strides = [1]} : vector<16xi32> to vector<1xi32>
      %squeeze3A_1694 = vector.extract %slice3A_1693[0] : i32 from vector<1xi32>
      %shift_right_logical3A_1695 = arith.constant 7 : i32
      %shift_right_logical3A_1696 = arith.shrui %squeeze3A_1694, %shift_right_logical3A_1695 : i32
      %mul3A_1697 = arith.constant 128 : i32
      %mul3A_1698 = arith.muli %shift_right_logical3A_1696, %mul3A_1697 : i32
      %dma_start3A_1699 = arith.constant 5 : i32
      %dma_start3A_1700 = arith.constant 0 : i32
      %dma_start3A_1701 = arith.constant 0 : i32
      %dma_start3A_1702 = tpu.memref_slice %arg6[%dma_start3A_1699, %dma_start3A_1700, %dma_start3A_1701] : memref<8x64x128xf32, #tpu.memory_space<vmem>> -> memref<1x64x128xf32, #tpu.memory_space<vmem>>
      %dma_start3A_1703 = tpu.memref_squeeze %dma_start3A_1702 : memref<1x64x128xf32, #tpu.memory_space<vmem>> -> memref<64x128xf32, #tpu.memory_space<vmem>>
      %dma_start3A_1704 = arith.constant 0 : i32
      %dma_start3A_1705 = tpu.memref_slice %arg2[%dma_start3A_1704, %mul3A_1698] : memref<64x1000001xf32, #tpu.memory_space<hbm>> -> memref<64x128xf32, #tpu.memory_space<hbm>>
      %dma_start3A_1706 = arith.constant 0 : i32
      %dma_start3A_1707 = arith.constant 0 : i32
      %dma_start3A_1708 = tpu.memref_slice %arg6[%dma_start3A_1699, %dma_start3A_1706, %dma_start3A_1707] : memref<8x64x128xf32, #tpu.memory_space<vmem>> -> memref<1x64x128xf32, #tpu.memory_space<vmem>>
      %dma_start3A_1709 = tpu.memref_squeeze %dma_start3A_1708 : memref<1x64x128xf32, #tpu.memory_space<vmem>> -> memref<64x128xf32, #tpu.memory_space<vmem>>
      %dma_start3A_1710 = arith.constant 0 : i32
      %dma_start3A_1711 = tpu.memref_slice %arg2[%dma_start3A_1710, %mul3A_1698] : memref<64x1000001xf32, #tpu.memory_space<hbm>> -> memref<64x128xf32, #tpu.memory_space<hbm>>
      tpu.enqueue_dma source(%dma_start3A_1711 : memref<64x128xf32, #tpu.memory_space<hbm>>) target(%dma_start3A_1709 : memref<64x128xf32, #tpu.memory_space<vmem>>) target_semaphore(%arg8 : memref<!tpu.dma_semaphore, #tpu.memory_space<semaphore_mem>>)
      %dma_wait3A_1712 = arith.constant 6 : i32
      %dma_wait3A_1713 = arith.constant 0 : i32
      %dma_wait3A_1714 = arith.constant 0 : i32
      %dma_wait3A_1715 = tpu.memref_slice %arg6[%dma_wait3A_1712, %dma_wait3A_1713, %dma_wait3A_1714] : memref<8x64x128xf32, #tpu.memory_space<vmem>> -> memref<1x64x128xf32, #tpu.memory_space<vmem>>
      %dma_wait3A_1716 = tpu.memref_squeeze %dma_wait3A_1715 : memref<1x64x128xf32, #tpu.memory_space<vmem>> -> memref<64x128xf32, #tpu.memory_space<vmem>>
      %dma_wait3A_1717 = arith.constant 0 : i32
      %dma_wait3A_1718 = arith.constant 0 : i32
      %dma_wait3A_1719 = tpu.memref_slice %arg2[%dma_wait3A_1717, %dma_wait3A_1718] : memref<64x1000001xf32, #tpu.memory_space<hbm>> -> memref<64x128xf32, #tpu.memory_space<hbm>>
      %dma_wait3A_1720 = arith.constant 0 : i32
      %dma_wait3A_1721 = arith.constant 0 : i32
      %dma_wait3A_1722 = tpu.memref_slice %arg6[%dma_wait3A_1712, %dma_wait3A_1720, %dma_wait3A_1721] : memref<8x64x128xf32, #tpu.memory_space<vmem>> -> memref<1x64x128xf32, #tpu.memory_space<vmem>>
      %dma_wait3A_1723 = tpu.memref_squeeze %dma_wait3A_1722 : memref<1x64x128xf32, #tpu.memory_space<vmem>> -> memref<64x128xf32, #tpu.memory_space<vmem>>
      %dma_wait3A_1724 = arith.constant 0 : i32
      %dma_wait3A_1725 = arith.constant 0 : i32
      %dma_wait3A_1726 = tpu.memref_slice %arg2[%dma_wait3A_1724, %dma_wait3A_1725] : memref<64x1000001xf32, #tpu.memory_space<hbm>> -> memref<64x128xf32, #tpu.memory_space<hbm>>
      tpu.wait_dma2 semaphore(%arg8 : memref<!tpu.dma_semaphore, #tpu.memory_space<semaphore_mem>>) src(%dma_wait3A_1726 : memref<64x128xf32, #tpu.memory_space<hbm>>) dst(%dma_wait3A_1723 : memref<64x128xf32, #tpu.memory_space<vmem>>)
      %slice3A_1727 = vector.extract_strided_slice %scan3A_1234 {offsets = [6], sizes = [1], strides = [1]} : vector<16xi32> to vector<1xi32>
      %squeeze3A_1728 = vector.extract %slice3A_1727[0] : i32 from vector<1xi32>
      %add3A_1729 = arith.constant 6 : i32
      %add3A_1730 = arith.addi %mul3A_1236, %add3A_1729 : i32
      %and3A_1731 = arith.constant 127 : i32
      %and3A_1732 = arith.andi %squeeze3A_1728, %and3A_1731 : i32
      %broadcast_in_dim3A_1733 = vector.broadcast %and3A_1732 : i32 to vector<16xi32>
      %broadcast_in_dim3A_1734 = vector.broadcast %add3A_1730 : i32 to vector<16xi32>
      %add3A_1735 = arith.constant 0 : i32
      %add3A_1736 = vector.broadcast %add3A_1735 : i32 to vector<16xi32>
      %add3A_1737 = arith.addi %iota3A, %add3A_1736 : vector<16xi32>
      %gather3A_1738 = arith.constant 6 : i32
      %gather3A_1739 = arith.constant 0 : i32
      %gather3A_1740 = arith.constant 0 : i32
      %gather3A_1741 = tpu.memref_slice %arg6[%gather3A_1738, %gather3A_1739, %gather3A_1740] : memref<8x64x128xf32, #tpu.memory_space<vmem>> -> memref<1x64x128xf32, #tpu.memory_space<vmem>>
      %gather3A_1742 = tpu.memref_squeeze %gather3A_1741 : memref<1x64x128xf32, #tpu.memory_space<vmem>> -> memref<64x128xf32, #tpu.memory_space<vmem>>
      %gather3A_1743 = tpu.vector_load_idx %gather3A_1742[%add3A_1737, %broadcast_in_dim3A_1733] : memref<64x128xf32, #tpu.memory_space<vmem>>[vector<16xi32>, vector<16xi32>], vector<16xf32>,
      tpu.vector_store_idx %arg7[%add3A_1737, %broadcast_in_dim3A_1734], %gather3A_1743 : memref<64x512xf32, #tpu.memory_space<vmem>>[vector<16xi32>, vector<16xi32>], vector<16xf32>,
      %add3A_1744 = arith.constant 16 : i32
      %add3A_1745 = vector.broadcast %add3A_1744 : i32 to vector<16xi32>
      %add3A_1746 = arith.addi %iota3A, %add3A_1745 : vector<16xi32>
      %gather3A_1747 = arith.constant 6 : i32
      %gather3A_1748 = arith.constant 0 : i32
      %gather3A_1749 = arith.constant 0 : i32
      %gather3A_1750 = tpu.memref_slice %arg6[%gather3A_1747, %gather3A_1748, %gather3A_1749] : memref<8x64x128xf32, #tpu.memory_space<vmem>> -> memref<1x64x128xf32, #tpu.memory_space<vmem>>
      %gather3A_1751 = tpu.memref_squeeze %gather3A_1750 : memref<1x64x128xf32, #tpu.memory_space<vmem>> -> memref<64x128xf32, #tpu.memory_space<vmem>>
      %gather3A_1752 = tpu.vector_load_idx %gather3A_1751[%add3A_1746, %broadcast_in_dim3A_1733] : memref<64x128xf32, #tpu.memory_space<vmem>>[vector<16xi32>, vector<16xi32>], vector<16xf32>,
      tpu.vector_store_idx %arg7[%add3A_1746, %broadcast_in_dim3A_1734], %gather3A_1752 : memref<64x512xf32, #tpu.memory_space<vmem>>[vector<16xi32>, vector<16xi32>], vector<16xf32>,
      %add3A_1753 = arith.constant 32 : i32
      %add3A_1754 = vector.broadcast %add3A_1753 : i32 to vector<16xi32>
      %add3A_1755 = arith.addi %iota3A, %add3A_1754 : vector<16xi32>
      %gather3A_1756 = arith.constant 6 : i32
      %gather3A_1757 = arith.constant 0 : i32
      %gather3A_1758 = arith.constant 0 : i32
      %gather3A_1759 = tpu.memref_slice %arg6[%gather3A_1756, %gather3A_1757, %gather3A_1758] : memref<8x64x128xf32, #tpu.memory_space<vmem>> -> memref<1x64x128xf32, #tpu.memory_space<vmem>>
      %gather3A_1760 = tpu.memref_squeeze %gather3A_1759 : memref<1x64x128xf32, #tpu.memory_space<vmem>> -> memref<64x128xf32, #tpu.memory_space<vmem>>
      %gather3A_1761 = tpu.vector_load_idx %gather3A_1760[%add3A_1755, %broadcast_in_dim3A_1733] : memref<64x128xf32, #tpu.memory_space<vmem>>[vector<16xi32>, vector<16xi32>], vector<16xf32>,
      tpu.vector_store_idx %arg7[%add3A_1755, %broadcast_in_dim3A_1734], %gather3A_1761 : memref<64x512xf32, #tpu.memory_space<vmem>>[vector<16xi32>, vector<16xi32>], vector<16xf32>,
      %add3A_1762 = arith.constant 48 : i32
      %add3A_1763 = vector.broadcast %add3A_1762 : i32 to vector<16xi32>
      %add3A_1764 = arith.addi %iota3A, %add3A_1763 : vector<16xi32>
      %gather3A_1765 = arith.constant 6 : i32
      %gather3A_1766 = arith.constant 0 : i32
      %gather3A_1767 = arith.constant 0 : i32
      %gather3A_1768 = tpu.memref_slice %arg6[%gather3A_1765, %gather3A_1766, %gather3A_1767] : memref<8x64x128xf32, #tpu.memory_space<vmem>> -> memref<1x64x128xf32, #tpu.memory_space<vmem>>
      %gather3A_1769 = tpu.memref_squeeze %gather3A_1768 : memref<1x64x128xf32, #tpu.memory_space<vmem>> -> memref<64x128xf32, #tpu.memory_space<vmem>>
      %gather3A_1770 = tpu.vector_load_idx %gather3A_1769[%add3A_1764, %broadcast_in_dim3A_1733] : memref<64x128xf32, #tpu.memory_space<vmem>>[vector<16xi32>, vector<16xi32>], vector<16xf32>,
      tpu.vector_store_idx %arg7[%add3A_1764, %broadcast_in_dim3A_1734], %gather3A_1770 : memref<64x512xf32, #tpu.memory_space<vmem>>[vector<16xi32>, vector<16xi32>], vector<16xf32>,
      %slice3A_1771 = vector.extract_strided_slice %scan3A_1234 {offsets = [14], sizes = [1], strides = [1]} : vector<16xi32> to vector<1xi32>
      %squeeze3A_1772 = vector.extract %slice3A_1771[0] : i32 from vector<1xi32>
      %shift_right_logical3A_1773 = arith.constant 7 : i32
      %shift_right_logical3A_1774 = arith.shrui %squeeze3A_1772, %shift_right_logical3A_1773 : i32
      %mul3A_1775 = arith.constant 128 : i32
      %mul3A_1776 = arith.muli %shift_right_logical3A_1774, %mul3A_1775 : i32
      %dma_start3A_1777 = arith.constant 6 : i32
      %dma_start3A_1778 = arith.constant 0 : i32
      %dma_start3A_1779 = arith.constant 0 : i32
      %dma_start3A_1780 = tpu.memref_slice %arg6[%dma_start3A_1777, %dma_start3A_1778, %dma_start3A_1779] : memref<8x64x128xf32, #tpu.memory_space<vmem>> -> memref<1x64x128xf32, #tpu.memory_space<vmem>>
      %dma_start3A_1781 = tpu.memref_squeeze %dma_start3A_1780 : memref<1x64x128xf32, #tpu.memory_space<vmem>> -> memref<64x128xf32, #tpu.memory_space<vmem>>
      %dma_start3A_1782 = arith.constant 0 : i32
      %dma_start3A_1783 = tpu.memref_slice %arg2[%dma_start3A_1782, %mul3A_1776] : memref<64x1000001xf32, #tpu.memory_space<hbm>> -> memref<64x128xf32, #tpu.memory_space<hbm>>
      %dma_start3A_1784 = arith.constant 0 : i32
      %dma_start3A_1785 = arith.constant 0 : i32
      %dma_start3A_1786 = tpu.memref_slice %arg6[%dma_start3A_1777, %dma_start3A_1784, %dma_start3A_1785] : memref<8x64x128xf32, #tpu.memory_space<vmem>> -> memref<1x64x128xf32, #tpu.memory_space<vmem>>
      %dma_start3A_1787 = tpu.memref_squeeze %dma_start3A_1786 : memref<1x64x128xf32, #tpu.memory_space<vmem>> -> memref<64x128xf32, #tpu.memory_space<vmem>>
      %dma_start3A_1788 = arith.constant 0 : i32
      %dma_start3A_1789 = tpu.memref_slice %arg2[%dma_start3A_1788, %mul3A_1776] : memref<64x1000001xf32, #tpu.memory_space<hbm>> -> memref<64x128xf32, #tpu.memory_space<hbm>>
      tpu.enqueue_dma source(%dma_start3A_1789 : memref<64x128xf32, #tpu.memory_space<hbm>>) target(%dma_start3A_1787 : memref<64x128xf32, #tpu.memory_space<vmem>>) target_semaphore(%arg8 : memref<!tpu.dma_semaphore, #tpu.memory_space<semaphore_mem>>)
      %dma_wait3A_1790 = arith.constant 7 : i32
      %dma_wait3A_1791 = arith.constant 0 : i32
      %dma_wait3A_1792 = arith.constant 0 : i32
      %dma_wait3A_1793 = tpu.memref_slice %arg6[%dma_wait3A_1790, %dma_wait3A_1791, %dma_wait3A_1792] : memref<8x64x128xf32, #tpu.memory_space<vmem>> -> memref<1x64x128xf32, #tpu.memory_space<vmem>>
      %dma_wait3A_1794 = tpu.memref_squeeze %dma_wait3A_1793 : memref<1x64x128xf32, #tpu.memory_space<vmem>> -> memref<64x128xf32, #tpu.memory_space<vmem>>
      %dma_wait3A_1795 = arith.constant 0 : i32
      %dma_wait3A_1796 = arith.constant 0 : i32
      %dma_wait3A_1797 = tpu.memref_slice %arg2[%dma_wait3A_1795, %dma_wait3A_1796] : memref<64x1000001xf32, #tpu.memory_space<hbm>> -> memref<64x128xf32, #tpu.memory_space<hbm>>
      %dma_wait3A_1798 = arith.constant 0 : i32
      %dma_wait3A_1799 = arith.constant 0 : i32
      %dma_wait3A_1800 = tpu.memref_slice %arg6[%dma_wait3A_1790, %dma_wait3A_1798, %dma_wait3A_1799] : memref<8x64x128xf32, #tpu.memory_space<vmem>> -> memref<1x64x128xf32, #tpu.memory_space<vmem>>
      %dma_wait3A_1801 = tpu.memref_squeeze %dma_wait3A_1800 : memref<1x64x128xf32, #tpu.memory_space<vmem>> -> memref<64x128xf32, #tpu.memory_space<vmem>>
      %dma_wait3A_1802 = arith.constant 0 : i32
      %dma_wait3A_1803 = arith.constant 0 : i32
      %dma_wait3A_1804 = tpu.memref_slice %arg2[%dma_wait3A_1802, %dma_wait3A_1803] : memref<64x1000001xf32, #tpu.memory_space<hbm>> -> memref<64x128xf32, #tpu.memory_space<hbm>>
      tpu.wait_dma2 semaphore(%arg8 : memref<!tpu.dma_semaphore, #tpu.memory_space<semaphore_mem>>) src(%dma_wait3A_1804 : memref<64x128xf32, #tpu.memory_space<hbm>>) dst(%dma_wait3A_1801 : memref<64x128xf32, #tpu.memory_space<vmem>>)
      %slice3A_1805 = vector.extract_strided_slice %scan3A_1234 {offsets = [7], sizes = [1], strides = [1]} : vector<16xi32> to vector<1xi32>
      %squeeze3A_1806 = vector.extract %slice3A_1805[0] : i32 from vector<1xi32>
      %add3A_1807 = arith.constant 7 : i32
      %add3A_1808 = arith.addi %mul3A_1236, %add3A_1807 : i32
      %and3A_1809 = arith.constant 127 : i32
      %and3A_1810 = arith.andi %squeeze3A_1806, %and3A_1809 : i32
      %broadcast_in_dim3A_1811 = vector.broadcast %and3A_1810 : i32 to vector<16xi32>
      %broadcast_in_dim3A_1812 = vector.broadcast %add3A_1808 : i32 to vector<16xi32>
      %add3A_1813 = arith.constant 0 : i32
      %add3A_1814 = vector.broadcast %add3A_1813 : i32 to vector<16xi32>
      %add3A_1815 = arith.addi %iota3A, %add3A_1814 : vector<16xi32>
      %gather3A_1816 = arith.constant 7 : i32
      %gather3A_1817 = arith.constant 0 : i32
      %gather3A_1818 = arith.constant 0 : i32
      %gather3A_1819 = tpu.memref_slice %arg6[%gather3A_1816, %gather3A_1817, %gather3A_1818] : memref<8x64x128xf32, #tpu.memory_space<vmem>> -> memref<1x64x128xf32, #tpu.memory_space<vmem>>
      %gather3A_1820 = tpu.memref_squeeze %gather3A_1819 : memref<1x64x128xf32, #tpu.memory_space<vmem>> -> memref<64x128xf32, #tpu.memory_space<vmem>>
      %gather3A_1821 = tpu.vector_load_idx %gather3A_1820[%add3A_1815, %broadcast_in_dim3A_1811] : memref<64x128xf32, #tpu.memory_space<vmem>>[vector<16xi32>, vector<16xi32>], vector<16xf32>,
      tpu.vector_store_idx %arg7[%add3A_1815, %broadcast_in_dim3A_1812], %gather3A_1821 : memref<64x512xf32, #tpu.memory_space<vmem>>[vector<16xi32>, vector<16xi32>], vector<16xf32>,
      %add3A_1822 = arith.constant 16 : i32
      %add3A_1823 = vector.broadcast %add3A_1822 : i32 to vector<16xi32>
      %add3A_1824 = arith.addi %iota3A, %add3A_1823 : vector<16xi32>
      %gather3A_1825 = arith.constant 7 : i32
      %gather3A_1826 = arith.constant 0 : i32
      %gather3A_1827 = arith.constant 0 : i32
      %gather3A_1828 = tpu.memref_slice %arg6[%gather3A_1825, %gather3A_1826, %gather3A_1827] : memref<8x64x128xf32, #tpu.memory_space<vmem>> -> memref<1x64x128xf32, #tpu.memory_space<vmem>>
      %gather3A_1829 = tpu.memref_squeeze %gather3A_1828 : memref<1x64x128xf32, #tpu.memory_space<vmem>> -> memref<64x128xf32, #tpu.memory_space<vmem>>
      %gather3A_1830 = tpu.vector_load_idx %gather3A_1829[%add3A_1824, %broadcast_in_dim3A_1811] : memref<64x128xf32, #tpu.memory_space<vmem>>[vector<16xi32>, vector<16xi32>], vector<16xf32>,
      tpu.vector_store_idx %arg7[%add3A_1824, %broadcast_in_dim3A_1812], %gather3A_1830 : memref<64x512xf32, #tpu.memory_space<vmem>>[vector<16xi32>, vector<16xi32>], vector<16xf32>,
      %add3A_1831 = arith.constant 32 : i32
      %add3A_1832 = vector.broadcast %add3A_1831 : i32 to vector<16xi32>
      %add3A_1833 = arith.addi %iota3A, %add3A_1832 : vector<16xi32>
      %gather3A_1834 = arith.constant 7 : i32
      %gather3A_1835 = arith.constant 0 : i32
      %gather3A_1836 = arith.constant 0 : i32
      %gather3A_1837 = tpu.memref_slice %arg6[%gather3A_1834, %gather3A_1835, %gather3A_1836] : memref<8x64x128xf32, #tpu.memory_space<vmem>> -> memref<1x64x128xf32, #tpu.memory_space<vmem>>
      %gather3A_1838 = tpu.memref_squeeze %gather3A_1837 : memref<1x64x128xf32, #tpu.memory_space<vmem>> -> memref<64x128xf32, #tpu.memory_space<vmem>>
      %gather3A_1839 = tpu.vector_load_idx %gather3A_1838[%add3A_1833, %broadcast_in_dim3A_1811] : memref<64x128xf32, #tpu.memory_space<vmem>>[vector<16xi32>, vector<16xi32>], vector<16xf32>,
      tpu.vector_store_idx %arg7[%add3A_1833, %broadcast_in_dim3A_1812], %gather3A_1839 : memref<64x512xf32, #tpu.memory_space<vmem>>[vector<16xi32>, vector<16xi32>], vector<16xf32>,
      %add3A_1840 = arith.constant 48 : i32
      %add3A_1841 = vector.broadcast %add3A_1840 : i32 to vector<16xi32>
      %add3A_1842 = arith.addi %iota3A, %add3A_1841 : vector<16xi32>
      %gather3A_1843 = arith.constant 7 : i32
      %gather3A_1844 = arith.constant 0 : i32
      %gather3A_1845 = arith.constant 0 : i32
      %gather3A_1846 = tpu.memref_slice %arg6[%gather3A_1843, %gather3A_1844, %gather3A_1845] : memref<8x64x128xf32, #tpu.memory_space<vmem>> -> memref<1x64x128xf32, #tpu.memory_space<vmem>>
      %gather3A_1847 = tpu.memref_squeeze %gather3A_1846 : memref<1x64x128xf32, #tpu.memory_space<vmem>> -> memref<64x128xf32, #tpu.memory_space<vmem>>
      %gather3A_1848 = tpu.vector_load_idx %gather3A_1847[%add3A_1842, %broadcast_in_dim3A_1811] : memref<64x128xf32, #tpu.memory_space<vmem>>[vector<16xi32>, vector<16xi32>], vector<16xf32>,
      tpu.vector_store_idx %arg7[%add3A_1842, %broadcast_in_dim3A_1812], %gather3A_1848 : memref<64x512xf32, #tpu.memory_space<vmem>>[vector<16xi32>, vector<16xi32>], vector<16xf32>,
      %slice3A_1849 = vector.extract_strided_slice %scan3A_1234 {offsets = [15], sizes = [1], strides = [1]} : vector<16xi32> to vector<1xi32>
      %squeeze3A_1850 = vector.extract %slice3A_1849[0] : i32 from vector<1xi32>
      %shift_right_logical3A_1851 = arith.constant 7 : i32
      %shift_right_logical3A_1852 = arith.shrui %squeeze3A_1850, %shift_right_logical3A_1851 : i32
      %mul3A_1853 = arith.constant 128 : i32
      %mul3A_1854 = arith.muli %shift_right_logical3A_1852, %mul3A_1853 : i32
      %dma_start3A_1855 = arith.constant 7 : i32
      %dma_start3A_1856 = arith.constant 0 : i32
      %dma_start3A_1857 = arith.constant 0 : i32
      %dma_start3A_1858 = tpu.memref_slice %arg6[%dma_start3A_1855, %dma_start3A_1856, %dma_start3A_1857] : memref<8x64x128xf32, #tpu.memory_space<vmem>> -> memref<1x64x128xf32, #tpu.memory_space<vmem>>
      %dma_start3A_1859 = tpu.memref_squeeze %dma_start3A_1858 : memref<1x64x128xf32, #tpu.memory_space<vmem>> -> memref<64x128xf32, #tpu.memory_space<vmem>>
      %dma_start3A_1860 = arith.constant 0 : i32
      %dma_start3A_1861 = tpu.memref_slice %arg2[%dma_start3A_1860, %mul3A_1854] : memref<64x1000001xf32, #tpu.memory_space<hbm>> -> memref<64x128xf32, #tpu.memory_space<hbm>>
      %dma_start3A_1862 = arith.constant 0 : i32
      %dma_start3A_1863 = arith.constant 0 : i32
      %dma_start3A_1864 = tpu.memref_slice %arg6[%dma_start3A_1855, %dma_start3A_1862, %dma_start3A_1863] : memref<8x64x128xf32, #tpu.memory_space<vmem>> -> memref<1x64x128xf32, #tpu.memory_space<vmem>>
      %dma_start3A_1865 = tpu.memref_squeeze %dma_start3A_1864 : memref<1x64x128xf32, #tpu.memory_space<vmem>> -> memref<64x128xf32, #tpu.memory_space<vmem>>
      %dma_start3A_1866 = arith.constant 0 : i32
      %dma_start3A_1867 = tpu.memref_slice %arg2[%dma_start3A_1866, %mul3A_1854] : memref<64x1000001xf32, #tpu.memory_space<hbm>> -> memref<64x128xf32, #tpu.memory_space<hbm>>
      tpu.enqueue_dma source(%dma_start3A_1867 : memref<64x128xf32, #tpu.memory_space<hbm>>) target(%dma_start3A_1865 : memref<64x128xf32, #tpu.memory_space<vmem>>) target_semaphore(%arg8 : memref<!tpu.dma_semaphore, #tpu.memory_space<semaphore_mem>>)
      %dma_wait3A_1868 = arith.constant 0 : i32
      %dma_wait3A_1869 = arith.constant 0 : i32
      %dma_wait3A_1870 = arith.constant 0 : i32
      %dma_wait3A_1871 = tpu.memref_slice %arg6[%dma_wait3A_1868, %dma_wait3A_1869, %dma_wait3A_1870] : memref<8x64x128xf32, #tpu.memory_space<vmem>> -> memref<1x64x128xf32, #tpu.memory_space<vmem>>
      %dma_wait3A_1872 = tpu.memref_squeeze %dma_wait3A_1871 : memref<1x64x128xf32, #tpu.memory_space<vmem>> -> memref<64x128xf32, #tpu.memory_space<vmem>>
      %dma_wait3A_1873 = arith.constant 0 : i32
      %dma_wait3A_1874 = arith.constant 0 : i32
      %dma_wait3A_1875 = tpu.memref_slice %arg2[%dma_wait3A_1873, %dma_wait3A_1874] : memref<64x1000001xf32, #tpu.memory_space<hbm>> -> memref<64x128xf32, #tpu.memory_space<hbm>>
      %dma_wait3A_1876 = arith.constant 0 : i32
      %dma_wait3A_1877 = arith.constant 0 : i32
      %dma_wait3A_1878 = tpu.memref_slice %arg6[%dma_wait3A_1868, %dma_wait3A_1876, %dma_wait3A_1877] : memref<8x64x128xf32, #tpu.memory_space<vmem>> -> memref<1x64x128xf32, #tpu.memory_space<vmem>>
      %dma_wait3A_1879 = tpu.memref_squeeze %dma_wait3A_1878 : memref<1x64x128xf32, #tpu.memory_space<vmem>> -> memref<64x128xf32, #tpu.memory_space<vmem>>
      %dma_wait3A_1880 = arith.constant 0 : i32
      %dma_wait3A_1881 = arith.constant 0 : i32
      %dma_wait3A_1882 = tpu.memref_slice %arg2[%dma_wait3A_1880, %dma_wait3A_1881] : memref<64x1000001xf32, #tpu.memory_space<hbm>> -> memref<64x128xf32, #tpu.memory_space<hbm>>
      tpu.wait_dma2 semaphore(%arg8 : memref<!tpu.dma_semaphore, #tpu.memory_space<semaphore_mem>>) src(%dma_wait3A_1882 : memref<64x128xf32, #tpu.memory_space<hbm>>) dst(%dma_wait3A_1879 : memref<64x128xf32, #tpu.memory_space<vmem>>)
      %slice3A_1883 = vector.extract_strided_slice %scan3A_1234 {offsets = [8], sizes = [1], strides = [1]} : vector<16xi32> to vector<1xi32>
      %squeeze3A_1884 = vector.extract %slice3A_1883[0] : i32 from vector<1xi32>
      %add3A_1885 = arith.constant 8 : i32
      %add3A_1886 = arith.addi %mul3A_1236, %add3A_1885 : i32
      %and3A_1887 = arith.constant 127 : i32
      %and3A_1888 = arith.andi %squeeze3A_1884, %and3A_1887 : i32
      %broadcast_in_dim3A_1889 = vector.broadcast %and3A_1888 : i32 to vector<16xi32>
      %broadcast_in_dim3A_1890 = vector.broadcast %add3A_1886 : i32 to vector<16xi32>
      %add3A_1891 = arith.constant 0 : i32
      %add3A_1892 = vector.broadcast %add3A_1891 : i32 to vector<16xi32>
      %add3A_1893 = arith.addi %iota3A, %add3A_1892 : vector<16xi32>
      %gather3A_1894 = arith.constant 0 : i32
      %gather3A_1895 = arith.constant 0 : i32
      %gather3A_1896 = arith.constant 0 : i32
      %gather3A_1897 = tpu.memref_slice %arg6[%gather3A_1894, %gather3A_1895, %gather3A_1896] : memref<8x64x128xf32, #tpu.memory_space<vmem>> -> memref<1x64x128xf32, #tpu.memory_space<vmem>>
      %gather3A_1898 = tpu.memref_squeeze %gather3A_1897 : memref<1x64x128xf32, #tpu.memory_space<vmem>> -> memref<64x128xf32, #tpu.memory_space<vmem>>
      %gather3A_1899 = tpu.vector_load_idx %gather3A_1898[%add3A_1893, %broadcast_in_dim3A_1889] : memref<64x128xf32, #tpu.memory_space<vmem>>[vector<16xi32>, vector<16xi32>], vector<16xf32>,
      tpu.vector_store_idx %arg7[%add3A_1893, %broadcast_in_dim3A_1890], %gather3A_1899 : memref<64x512xf32, #tpu.memory_space<vmem>>[vector<16xi32>, vector<16xi32>], vector<16xf32>,
      %add3A_1900 = arith.constant 16 : i32
      %add3A_1901 = vector.broadcast %add3A_1900 : i32 to vector<16xi32>
      %add3A_1902 = arith.addi %iota3A, %add3A_1901 : vector<16xi32>
      %gather3A_1903 = arith.constant 0 : i32
      %gather3A_1904 = arith.constant 0 : i32
      %gather3A_1905 = arith.constant 0 : i32
      %gather3A_1906 = tpu.memref_slice %arg6[%gather3A_1903, %gather3A_1904, %gather3A_1905] : memref<8x64x128xf32, #tpu.memory_space<vmem>> -> memref<1x64x128xf32, #tpu.memory_space<vmem>>
      %gather3A_1907 = tpu.memref_squeeze %gather3A_1906 : memref<1x64x128xf32, #tpu.memory_space<vmem>> -> memref<64x128xf32, #tpu.memory_space<vmem>>
      %gather3A_1908 = tpu.vector_load_idx %gather3A_1907[%add3A_1902, %broadcast_in_dim3A_1889] : memref<64x128xf32, #tpu.memory_space<vmem>>[vector<16xi32>, vector<16xi32>], vector<16xf32>,
      tpu.vector_store_idx %arg7[%add3A_1902, %broadcast_in_dim3A_1890], %gather3A_1908 : memref<64x512xf32, #tpu.memory_space<vmem>>[vector<16xi32>, vector<16xi32>], vector<16xf32>,
      %add3A_1909 = arith.constant 32 : i32
      %add3A_1910 = vector.broadcast %add3A_1909 : i32 to vector<16xi32>
      %add3A_1911 = arith.addi %iota3A, %add3A_1910 : vector<16xi32>
      %gather3A_1912 = arith.constant 0 : i32
      %gather3A_1913 = arith.constant 0 : i32
      %gather3A_1914 = arith.constant 0 : i32
      %gather3A_1915 = tpu.memref_slice %arg6[%gather3A_1912, %gather3A_1913, %gather3A_1914] : memref<8x64x128xf32, #tpu.memory_space<vmem>> -> memref<1x64x128xf32, #tpu.memory_space<vmem>>
      %gather3A_1916 = tpu.memref_squeeze %gather3A_1915 : memref<1x64x128xf32, #tpu.memory_space<vmem>> -> memref<64x128xf32, #tpu.memory_space<vmem>>
      %gather3A_1917 = tpu.vector_load_idx %gather3A_1916[%add3A_1911, %broadcast_in_dim3A_1889] : memref<64x128xf32, #tpu.memory_space<vmem>>[vector<16xi32>, vector<16xi32>], vector<16xf32>,
      tpu.vector_store_idx %arg7[%add3A_1911, %broadcast_in_dim3A_1890], %gather3A_1917 : memref<64x512xf32, #tpu.memory_space<vmem>>[vector<16xi32>, vector<16xi32>], vector<16xf32>,
      %add3A_1918 = arith.constant 48 : i32
      %add3A_1919 = vector.broadcast %add3A_1918 : i32 to vector<16xi32>
      %add3A_1920 = arith.addi %iota3A, %add3A_1919 : vector<16xi32>
      %gather3A_1921 = arith.constant 0 : i32
      %gather3A_1922 = arith.constant 0 : i32
      %gather3A_1923 = arith.constant 0 : i32
      %gather3A_1924 = tpu.memref_slice %arg6[%gather3A_1921, %gather3A_1922, %gather3A_1923] : memref<8x64x128xf32, #tpu.memory_space<vmem>> -> memref<1x64x128xf32, #tpu.memory_space<vmem>>
      %gather3A_1925 = tpu.memref_squeeze %gather3A_1924 : memref<1x64x128xf32, #tpu.memory_space<vmem>> -> memref<64x128xf32, #tpu.memory_space<vmem>>
      %gather3A_1926 = tpu.vector_load_idx %gather3A_1925[%add3A_1920, %broadcast_in_dim3A_1889] : memref<64x128xf32, #tpu.memory_space<vmem>>[vector<16xi32>, vector<16xi32>], vector<16xf32>,
      tpu.vector_store_idx %arg7[%add3A_1920, %broadcast_in_dim3A_1890], %gather3A_1926 : memref<64x512xf32, #tpu.memory_space<vmem>>[vector<16xi32>, vector<16xi32>], vector<16xf32>,
      %slice3A_1927 = vector.extract_strided_slice %get3A_1243 {offsets = [0], sizes = [1], strides = [1]} : vector<16xi32> to vector<1xi32>
      %squeeze3A_1928 = vector.extract %slice3A_1927[0] : i32 from vector<1xi32>
      %shift_right_logical3A_1929 = arith.constant 7 : i32
      %shift_right_logical3A_1930 = arith.shrui %squeeze3A_1928, %shift_right_logical3A_1929 : i32
      %mul3A_1931 = arith.constant 128 : i32
      %mul3A_1932 = arith.muli %shift_right_logical3A_1930, %mul3A_1931 : i32
      %dma_start3A_1933 = arith.constant 0 : i32
      %dma_start3A_1934 = arith.constant 0 : i32
      %dma_start3A_1935 = arith.constant 0 : i32
      %dma_start3A_1936 = tpu.memref_slice %arg6[%dma_start3A_1933, %dma_start3A_1934, %dma_start3A_1935] : memref<8x64x128xf32, #tpu.memory_space<vmem>> -> memref<1x64x128xf32, #tpu.memory_space<vmem>>
      %dma_start3A_1937 = tpu.memref_squeeze %dma_start3A_1936 : memref<1x64x128xf32, #tpu.memory_space<vmem>> -> memref<64x128xf32, #tpu.memory_space<vmem>>
      %dma_start3A_1938 = arith.constant 0 : i32
      %dma_start3A_1939 = tpu.memref_slice %arg2[%dma_start3A_1938, %mul3A_1932] : memref<64x1000001xf32, #tpu.memory_space<hbm>> -> memref<64x128xf32, #tpu.memory_space<hbm>>
      %dma_start3A_1940 = arith.constant 0 : i32
      %dma_start3A_1941 = arith.constant 0 : i32
      %dma_start3A_1942 = tpu.memref_slice %arg6[%dma_start3A_1933, %dma_start3A_1940, %dma_start3A_1941] : memref<8x64x128xf32, #tpu.memory_space<vmem>> -> memref<1x64x128xf32, #tpu.memory_space<vmem>>
      %dma_start3A_1943 = tpu.memref_squeeze %dma_start3A_1942 : memref<1x64x128xf32, #tpu.memory_space<vmem>> -> memref<64x128xf32, #tpu.memory_space<vmem>>
      %dma_start3A_1944 = arith.constant 0 : i32
      %dma_start3A_1945 = tpu.memref_slice %arg2[%dma_start3A_1944, %mul3A_1932] : memref<64x1000001xf32, #tpu.memory_space<hbm>> -> memref<64x128xf32, #tpu.memory_space<hbm>>
      tpu.enqueue_dma source(%dma_start3A_1945 : memref<64x128xf32, #tpu.memory_space<hbm>>) target(%dma_start3A_1943 : memref<64x128xf32, #tpu.memory_space<vmem>>) target_semaphore(%arg8 : memref<!tpu.dma_semaphore, #tpu.memory_space<semaphore_mem>>)
      %dma_wait3A_1946 = arith.constant 1 : i32
      %dma_wait3A_1947 = arith.constant 0 : i32
      %dma_wait3A_1948 = arith.constant 0 : i32
      %dma_wait3A_1949 = tpu.memref_slice %arg6[%dma_wait3A_1946, %dma_wait3A_1947, %dma_wait3A_1948] : memref<8x64x128xf32, #tpu.memory_space<vmem>> -> memref<1x64x128xf32, #tpu.memory_space<vmem>>
      %dma_wait3A_1950 = tpu.memref_squeeze %dma_wait3A_1949 : memref<1x64x128xf32, #tpu.memory_space<vmem>> -> memref<64x128xf32, #tpu.memory_space<vmem>>
      %dma_wait3A_1951 = arith.constant 0 : i32
      %dma_wait3A_1952 = arith.constant 0 : i32
      %dma_wait3A_1953 = tpu.memref_slice %arg2[%dma_wait3A_1951, %dma_wait3A_1952] : memref<64x1000001xf32, #tpu.memory_space<hbm>> -> memref<64x128xf32, #tpu.memory_space<hbm>>
      %dma_wait3A_1954 = arith.constant 0 : i32
      %dma_wait3A_1955 = arith.constant 0 : i32
      %dma_wait3A_1956 = tpu.memref_slice %arg6[%dma_wait3A_1946, %dma_wait3A_1954, %dma_wait3A_1955] : memref<8x64x128xf32, #tpu.memory_space<vmem>> -> memref<1x64x128xf32, #tpu.memory_space<vmem>>
      %dma_wait3A_1957 = tpu.memref_squeeze %dma_wait3A_1956 : memref<1x64x128xf32, #tpu.memory_space<vmem>> -> memref<64x128xf32, #tpu.memory_space<vmem>>
      %dma_wait3A_1958 = arith.constant 0 : i32
      %dma_wait3A_1959 = arith.constant 0 : i32
      %dma_wait3A_1960 = tpu.memref_slice %arg2[%dma_wait3A_1958, %dma_wait3A_1959] : memref<64x1000001xf32, #tpu.memory_space<hbm>> -> memref<64x128xf32, #tpu.memory_space<hbm>>
      tpu.wait_dma2 semaphore(%arg8 : memref<!tpu.dma_semaphore, #tpu.memory_space<semaphore_mem>>) src(%dma_wait3A_1960 : memref<64x128xf32, #tpu.memory_space<hbm>>) dst(%dma_wait3A_1957 : memref<64x128xf32, #tpu.memory_space<vmem>>)
      %slice3A_1961 = vector.extract_strided_slice %scan3A_1234 {offsets = [9], sizes = [1], strides = [1]} : vector<16xi32> to vector<1xi32>
      %squeeze3A_1962 = vector.extract %slice3A_1961[0] : i32 from vector<1xi32>
      %add3A_1963 = arith.constant 9 : i32
      %add3A_1964 = arith.addi %mul3A_1236, %add3A_1963 : i32
      %and3A_1965 = arith.constant 127 : i32
      %and3A_1966 = arith.andi %squeeze3A_1962, %and3A_1965 : i32
      %broadcast_in_dim3A_1967 = vector.broadcast %and3A_1966 : i32 to vector<16xi32>
      %broadcast_in_dim3A_1968 = vector.broadcast %add3A_1964 : i32 to vector<16xi32>
      %add3A_1969 = arith.constant 0 : i32
      %add3A_1970 = vector.broadcast %add3A_1969 : i32 to vector<16xi32>
      %add3A_1971 = arith.addi %iota3A, %add3A_1970 : vector<16xi32>
      %gather3A_1972 = arith.constant 1 : i32
      %gather3A_1973 = arith.constant 0 : i32
      %gather3A_1974 = arith.constant 0 : i32
      %gather3A_1975 = tpu.memref_slice %arg6[%gather3A_1972, %gather3A_1973, %gather3A_1974] : memref<8x64x128xf32, #tpu.memory_space<vmem>> -> memref<1x64x128xf32, #tpu.memory_space<vmem>>
      %gather3A_1976 = tpu.memref_squeeze %gather3A_1975 : memref<1x64x128xf32, #tpu.memory_space<vmem>> -> memref<64x128xf32, #tpu.memory_space<vmem>>
      %gather3A_1977 = tpu.vector_load_idx %gather3A_1976[%add3A_1971, %broadcast_in_dim3A_1967] : memref<64x128xf32, #tpu.memory_space<vmem>>[vector<16xi32>, vector<16xi32>], vector<16xf32>,
      tpu.vector_store_idx %arg7[%add3A_1971, %broadcast_in_dim3A_1968], %gather3A_1977 : memref<64x512xf32, #tpu.memory_space<vmem>>[vector<16xi32>, vector<16xi32>], vector<16xf32>,
      %add3A_1978 = arith.constant 16 : i32
      %add3A_1979 = vector.broadcast %add3A_1978 : i32 to vector<16xi32>
      %add3A_1980 = arith.addi %iota3A, %add3A_1979 : vector<16xi32>
      %gather3A_1981 = arith.constant 1 : i32
      %gather3A_1982 = arith.constant 0 : i32
      %gather3A_1983 = arith.constant 0 : i32
      %gather3A_1984 = tpu.memref_slice %arg6[%gather3A_1981, %gather3A_1982, %gather3A_1983] : memref<8x64x128xf32, #tpu.memory_space<vmem>> -> memref<1x64x128xf32, #tpu.memory_space<vmem>>
      %gather3A_1985 = tpu.memref_squeeze %gather3A_1984 : memref<1x64x128xf32, #tpu.memory_space<vmem>> -> memref<64x128xf32, #tpu.memory_space<vmem>>
      %gather3A_1986 = tpu.vector_load_idx %gather3A_1985[%add3A_1980, %broadcast_in_dim3A_1967] : memref<64x128xf32, #tpu.memory_space<vmem>>[vector<16xi32>, vector<16xi32>], vector<16xf32>,
      tpu.vector_store_idx %arg7[%add3A_1980, %broadcast_in_dim3A_1968], %gather3A_1986 : memref<64x512xf32, #tpu.memory_space<vmem>>[vector<16xi32>, vector<16xi32>], vector<16xf32>,
      %add3A_1987 = arith.constant 32 : i32
      %add3A_1988 = vector.broadcast %add3A_1987 : i32 to vector<16xi32>
      %add3A_1989 = arith.addi %iota3A, %add3A_1988 : vector<16xi32>
      %gather3A_1990 = arith.constant 1 : i32
      %gather3A_1991 = arith.constant 0 : i32
      %gather3A_1992 = arith.constant 0 : i32
      %gather3A_1993 = tpu.memref_slice %arg6[%gather3A_1990, %gather3A_1991, %gather3A_1992] : memref<8x64x128xf32, #tpu.memory_space<vmem>> -> memref<1x64x128xf32, #tpu.memory_space<vmem>>
      %gather3A_1994 = tpu.memref_squeeze %gather3A_1993 : memref<1x64x128xf32, #tpu.memory_space<vmem>> -> memref<64x128xf32, #tpu.memory_space<vmem>>
      %gather3A_1995 = tpu.vector_load_idx %gather3A_1994[%add3A_1989, %broadcast_in_dim3A_1967] : memref<64x128xf32, #tpu.memory_space<vmem>>[vector<16xi32>, vector<16xi32>], vector<16xf32>,
      tpu.vector_store_idx %arg7[%add3A_1989, %broadcast_in_dim3A_1968], %gather3A_1995 : memref<64x512xf32, #tpu.memory_space<vmem>>[vector<16xi32>, vector<16xi32>], vector<16xf32>,
      %add3A_1996 = arith.constant 48 : i32
      %add3A_1997 = vector.broadcast %add3A_1996 : i32 to vector<16xi32>
      %add3A_1998 = arith.addi %iota3A, %add3A_1997 : vector<16xi32>
      %gather3A_1999 = arith.constant 1 : i32
      %gather3A_2000 = arith.constant 0 : i32
      %gather3A_2001 = arith.constant 0 : i32
      %gather3A_2002 = tpu.memref_slice %arg6[%gather3A_1999, %gather3A_2000, %gather3A_2001] : memref<8x64x128xf32, #tpu.memory_space<vmem>> -> memref<1x64x128xf32, #tpu.memory_space<vmem>>
      %gather3A_2003 = tpu.memref_squeeze %gather3A_2002 : memref<1x64x128xf32, #tpu.memory_space<vmem>> -> memref<64x128xf32, #tpu.memory_space<vmem>>
      %gather3A_2004 = tpu.vector_load_idx %gather3A_2003[%add3A_1998, %broadcast_in_dim3A_1967] : memref<64x128xf32, #tpu.memory_space<vmem>>[vector<16xi32>, vector<16xi32>], vector<16xf32>,
      tpu.vector_store_idx %arg7[%add3A_1998, %broadcast_in_dim3A_1968], %gather3A_2004 : memref<64x512xf32, #tpu.memory_space<vmem>>[vector<16xi32>, vector<16xi32>], vector<16xf32>,
      %slice3A_2005 = vector.extract_strided_slice %get3A_1243 {offsets = [1], sizes = [1], strides = [1]} : vector<16xi32> to vector<1xi32>
      %squeeze3A_2006 = vector.extract %slice3A_2005[0] : i32 from vector<1xi32>
      %shift_right_logical3A_2007 = arith.constant 7 : i32
      %shift_right_logical3A_2008 = arith.shrui %squeeze3A_2006, %shift_right_logical3A_2007 : i32
      %mul3A_2009 = arith.constant 128 : i32
      %mul3A_2010 = arith.muli %shift_right_logical3A_2008, %mul3A_2009 : i32
      %dma_start3A_2011 = arith.constant 1 : i32
      %dma_start3A_2012 = arith.constant 0 : i32
      %dma_start3A_2013 = arith.constant 0 : i32
      %dma_start3A_2014 = tpu.memref_slice %arg6[%dma_start3A_2011, %dma_start3A_2012, %dma_start3A_2013] : memref<8x64x128xf32, #tpu.memory_space<vmem>> -> memref<1x64x128xf32, #tpu.memory_space<vmem>>
      %dma_start3A_2015 = tpu.memref_squeeze %dma_start3A_2014 : memref<1x64x128xf32, #tpu.memory_space<vmem>> -> memref<64x128xf32, #tpu.memory_space<vmem>>
      %dma_start3A_2016 = arith.constant 0 : i32
      %dma_start3A_2017 = tpu.memref_slice %arg2[%dma_start3A_2016, %mul3A_2010] : memref<64x1000001xf32, #tpu.memory_space<hbm>> -> memref<64x128xf32, #tpu.memory_space<hbm>>
      %dma_start3A_2018 = arith.constant 0 : i32
      %dma_start3A_2019 = arith.constant 0 : i32
      %dma_start3A_2020 = tpu.memref_slice %arg6[%dma_start3A_2011, %dma_start3A_2018, %dma_start3A_2019] : memref<8x64x128xf32, #tpu.memory_space<vmem>> -> memref<1x64x128xf32, #tpu.memory_space<vmem>>
      %dma_start3A_2021 = tpu.memref_squeeze %dma_start3A_2020 : memref<1x64x128xf32, #tpu.memory_space<vmem>> -> memref<64x128xf32, #tpu.memory_space<vmem>>
      %dma_start3A_2022 = arith.constant 0 : i32
      %dma_start3A_2023 = tpu.memref_slice %arg2[%dma_start3A_2022, %mul3A_2010] : memref<64x1000001xf32, #tpu.memory_space<hbm>> -> memref<64x128xf32, #tpu.memory_space<hbm>>
      tpu.enqueue_dma source(%dma_start3A_2023 : memref<64x128xf32, #tpu.memory_space<hbm>>) target(%dma_start3A_2021 : memref<64x128xf32, #tpu.memory_space<vmem>>) target_semaphore(%arg8 : memref<!tpu.dma_semaphore, #tpu.memory_space<semaphore_mem>>)
      %dma_wait3A_2024 = arith.constant 2 : i32
      %dma_wait3A_2025 = arith.constant 0 : i32
      %dma_wait3A_2026 = arith.constant 0 : i32
      %dma_wait3A_2027 = tpu.memref_slice %arg6[%dma_wait3A_2024, %dma_wait3A_2025, %dma_wait3A_2026] : memref<8x64x128xf32, #tpu.memory_space<vmem>> -> memref<1x64x128xf32, #tpu.memory_space<vmem>>
      %dma_wait3A_2028 = tpu.memref_squeeze %dma_wait3A_2027 : memref<1x64x128xf32, #tpu.memory_space<vmem>> -> memref<64x128xf32, #tpu.memory_space<vmem>>
      %dma_wait3A_2029 = arith.constant 0 : i32
      %dma_wait3A_2030 = arith.constant 0 : i32
      %dma_wait3A_2031 = tpu.memref_slice %arg2[%dma_wait3A_2029, %dma_wait3A_2030] : memref<64x1000001xf32, #tpu.memory_space<hbm>> -> memref<64x128xf32, #tpu.memory_space<hbm>>
      %dma_wait3A_2032 = arith.constant 0 : i32
      %dma_wait3A_2033 = arith.constant 0 : i32
      %dma_wait3A_2034 = tpu.memref_slice %arg6[%dma_wait3A_2024, %dma_wait3A_2032, %dma_wait3A_2033] : memref<8x64x128xf32, #tpu.memory_space<vmem>> -> memref<1x64x128xf32, #tpu.memory_space<vmem>>
      %dma_wait3A_2035 = tpu.memref_squeeze %dma_wait3A_2034 : memref<1x64x128xf32, #tpu.memory_space<vmem>> -> memref<64x128xf32, #tpu.memory_space<vmem>>
      %dma_wait3A_2036 = arith.constant 0 : i32
      %dma_wait3A_2037 = arith.constant 0 : i32
      %dma_wait3A_2038 = tpu.memref_slice %arg2[%dma_wait3A_2036, %dma_wait3A_2037] : memref<64x1000001xf32, #tpu.memory_space<hbm>> -> memref<64x128xf32, #tpu.memory_space<hbm>>
      tpu.wait_dma2 semaphore(%arg8 : memref<!tpu.dma_semaphore, #tpu.memory_space<semaphore_mem>>) src(%dma_wait3A_2038 : memref<64x128xf32, #tpu.memory_space<hbm>>) dst(%dma_wait3A_2035 : memref<64x128xf32, #tpu.memory_space<vmem>>)
      %slice3A_2039 = vector.extract_strided_slice %scan3A_1234 {offsets = [10], sizes = [1], strides = [1]} : vector<16xi32> to vector<1xi32>
      %squeeze3A_2040 = vector.extract %slice3A_2039[0] : i32 from vector<1xi32>
      %add3A_2041 = arith.constant 10 : i32
      %add3A_2042 = arith.addi %mul3A_1236, %add3A_2041 : i32
      %and3A_2043 = arith.constant 127 : i32
      %and3A_2044 = arith.andi %squeeze3A_2040, %and3A_2043 : i32
      %broadcast_in_dim3A_2045 = vector.broadcast %and3A_2044 : i32 to vector<16xi32>
      %broadcast_in_dim3A_2046 = vector.broadcast %add3A_2042 : i32 to vector<16xi32>
      %add3A_2047 = arith.constant 0 : i32
      %add3A_2048 = vector.broadcast %add3A_2047 : i32 to vector<16xi32>
      %add3A_2049 = arith.addi %iota3A, %add3A_2048 : vector<16xi32>
      %gather3A_2050 = arith.constant 2 : i32
      %gather3A_2051 = arith.constant 0 : i32
      %gather3A_2052 = arith.constant 0 : i32
      %gather3A_2053 = tpu.memref_slice %arg6[%gather3A_2050, %gather3A_2051, %gather3A_2052] : memref<8x64x128xf32, #tpu.memory_space<vmem>> -> memref<1x64x128xf32, #tpu.memory_space<vmem>>
      %gather3A_2054 = tpu.memref_squeeze %gather3A_2053 : memref<1x64x128xf32, #tpu.memory_space<vmem>> -> memref<64x128xf32, #tpu.memory_space<vmem>>
      %gather3A_2055 = tpu.vector_load_idx %gather3A_2054[%add3A_2049, %broadcast_in_dim3A_2045] : memref<64x128xf32, #tpu.memory_space<vmem>>[vector<16xi32>, vector<16xi32>], vector<16xf32>,
      tpu.vector_store_idx %arg7[%add3A_2049, %broadcast_in_dim3A_2046], %gather3A_2055 : memref<64x512xf32, #tpu.memory_space<vmem>>[vector<16xi32>, vector<16xi32>], vector<16xf32>,
      %add3A_2056 = arith.constant 16 : i32
      %add3A_2057 = vector.broadcast %add3A_2056 : i32 to vector<16xi32>
      %add3A_2058 = arith.addi %iota3A, %add3A_2057 : vector<16xi32>
      %gather3A_2059 = arith.constant 2 : i32
      %gather3A_2060 = arith.constant 0 : i32
      %gather3A_2061 = arith.constant 0 : i32
      %gather3A_2062 = tpu.memref_slice %arg6[%gather3A_2059, %gather3A_2060, %gather3A_2061] : memref<8x64x128xf32, #tpu.memory_space<vmem>> -> memref<1x64x128xf32, #tpu.memory_space<vmem>>
      %gather3A_2063 = tpu.memref_squeeze %gather3A_2062 : memref<1x64x128xf32, #tpu.memory_space<vmem>> -> memref<64x128xf32, #tpu.memory_space<vmem>>
      %gather3A_2064 = tpu.vector_load_idx %gather3A_2063[%add3A_2058, %broadcast_in_dim3A_2045] : memref<64x128xf32, #tpu.memory_space<vmem>>[vector<16xi32>, vector<16xi32>], vector<16xf32>,
      tpu.vector_store_idx %arg7[%add3A_2058, %broadcast_in_dim3A_2046], %gather3A_2064 : memref<64x512xf32, #tpu.memory_space<vmem>>[vector<16xi32>, vector<16xi32>], vector<16xf32>,
      %add3A_2065 = arith.constant 32 : i32
      %add3A_2066 = vector.broadcast %add3A_2065 : i32 to vector<16xi32>
      %add3A_2067 = arith.addi %iota3A, %add3A_2066 : vector<16xi32>
      %gather3A_2068 = arith.constant 2 : i32
      %gather3A_2069 = arith.constant 0 : i32
      %gather3A_2070 = arith.constant 0 : i32
      %gather3A_2071 = tpu.memref_slice %arg6[%gather3A_2068, %gather3A_2069, %gather3A_2070] : memref<8x64x128xf32, #tpu.memory_space<vmem>> -> memref<1x64x128xf32, #tpu.memory_space<vmem>>
      %gather3A_2072 = tpu.memref_squeeze %gather3A_2071 : memref<1x64x128xf32, #tpu.memory_space<vmem>> -> memref<64x128xf32, #tpu.memory_space<vmem>>
      %gather3A_2073 = tpu.vector_load_idx %gather3A_2072[%add3A_2067, %broadcast_in_dim3A_2045] : memref<64x128xf32, #tpu.memory_space<vmem>>[vector<16xi32>, vector<16xi32>], vector<16xf32>,
      tpu.vector_store_idx %arg7[%add3A_2067, %broadcast_in_dim3A_2046], %gather3A_2073 : memref<64x512xf32, #tpu.memory_space<vmem>>[vector<16xi32>, vector<16xi32>], vector<16xf32>,
      %add3A_2074 = arith.constant 48 : i32
      %add3A_2075 = vector.broadcast %add3A_2074 : i32 to vector<16xi32>
      %add3A_2076 = arith.addi %iota3A, %add3A_2075 : vector<16xi32>
      %gather3A_2077 = arith.constant 2 : i32
      %gather3A_2078 = arith.constant 0 : i32
      %gather3A_2079 = arith.constant 0 : i32
      %gather3A_2080 = tpu.memref_slice %arg6[%gather3A_2077, %gather3A_2078, %gather3A_2079] : memref<8x64x128xf32, #tpu.memory_space<vmem>> -> memref<1x64x128xf32, #tpu.memory_space<vmem>>
      %gather3A_2081 = tpu.memref_squeeze %gather3A_2080 : memref<1x64x128xf32, #tpu.memory_space<vmem>> -> memref<64x128xf32, #tpu.memory_space<vmem>>
      %gather3A_2082 = tpu.vector_load_idx %gather3A_2081[%add3A_2076, %broadcast_in_dim3A_2045] : memref<64x128xf32, #tpu.memory_space<vmem>>[vector<16xi32>, vector<16xi32>], vector<16xf32>,
      tpu.vector_store_idx %arg7[%add3A_2076, %broadcast_in_dim3A_2046], %gather3A_2082 : memref<64x512xf32, #tpu.memory_space<vmem>>[vector<16xi32>, vector<16xi32>], vector<16xf32>,
      %slice3A_2083 = vector.extract_strided_slice %get3A_1243 {offsets = [2], sizes = [1], strides = [1]} : vector<16xi32> to vector<1xi32>
      %squeeze3A_2084 = vector.extract %slice3A_2083[0] : i32 from vector<1xi32>
      %shift_right_logical3A_2085 = arith.constant 7 : i32
      %shift_right_logical3A_2086 = arith.shrui %squeeze3A_2084, %shift_right_logical3A_2085 : i32
      %mul3A_2087 = arith.constant 128 : i32
      %mul3A_2088 = arith.muli %shift_right_logical3A_2086, %mul3A_2087 : i32
      %dma_start3A_2089 = arith.constant 2 : i32
      %dma_start3A_2090 = arith.constant 0 : i32
      %dma_start3A_2091 = arith.constant 0 : i32
      %dma_start3A_2092 = tpu.memref_slice %arg6[%dma_start3A_2089, %dma_start3A_2090, %dma_start3A_2091] : memref<8x64x128xf32, #tpu.memory_space<vmem>> -> memref<1x64x128xf32, #tpu.memory_space<vmem>>
      %dma_start3A_2093 = tpu.memref_squeeze %dma_start3A_2092 : memref<1x64x128xf32, #tpu.memory_space<vmem>> -> memref<64x128xf32, #tpu.memory_space<vmem>>
      %dma_start3A_2094 = arith.constant 0 : i32
      %dma_start3A_2095 = tpu.memref_slice %arg2[%dma_start3A_2094, %mul3A_2088] : memref<64x1000001xf32, #tpu.memory_space<hbm>> -> memref<64x128xf32, #tpu.memory_space<hbm>>
      %dma_start3A_2096 = arith.constant 0 : i32
      %dma_start3A_2097 = arith.constant 0 : i32
      %dma_start3A_2098 = tpu.memref_slice %arg6[%dma_start3A_2089, %dma_start3A_2096, %dma_start3A_2097] : memref<8x64x128xf32, #tpu.memory_space<vmem>> -> memref<1x64x128xf32, #tpu.memory_space<vmem>>
      %dma_start3A_2099 = tpu.memref_squeeze %dma_start3A_2098 : memref<1x64x128xf32, #tpu.memory_space<vmem>> -> memref<64x128xf32, #tpu.memory_space<vmem>>
      %dma_start3A_2100 = arith.constant 0 : i32
      %dma_start3A_2101 = tpu.memref_slice %arg2[%dma_start3A_2100, %mul3A_2088] : memref<64x1000001xf32, #tpu.memory_space<hbm>> -> memref<64x128xf32, #tpu.memory_space<hbm>>
      tpu.enqueue_dma source(%dma_start3A_2101 : memref<64x128xf32, #tpu.memory_space<hbm>>) target(%dma_start3A_2099 : memref<64x128xf32, #tpu.memory_space<vmem>>) target_semaphore(%arg8 : memref<!tpu.dma_semaphore, #tpu.memory_space<semaphore_mem>>)
      %dma_wait3A_2102 = arith.constant 3 : i32
      %dma_wait3A_2103 = arith.constant 0 : i32
      %dma_wait3A_2104 = arith.constant 0 : i32
      %dma_wait3A_2105 = tpu.memref_slice %arg6[%dma_wait3A_2102, %dma_wait3A_2103, %dma_wait3A_2104] : memref<8x64x128xf32, #tpu.memory_space<vmem>> -> memref<1x64x128xf32, #tpu.memory_space<vmem>>
      %dma_wait3A_2106 = tpu.memref_squeeze %dma_wait3A_2105 : memref<1x64x128xf32, #tpu.memory_space<vmem>> -> memref<64x128xf32, #tpu.memory_space<vmem>>
      %dma_wait3A_2107 = arith.constant 0 : i32
      %dma_wait3A_2108 = arith.constant 0 : i32
      %dma_wait3A_2109 = tpu.memref_slice %arg2[%dma_wait3A_2107, %dma_wait3A_2108] : memref<64x1000001xf32, #tpu.memory_space<hbm>> -> memref<64x128xf32, #tpu.memory_space<hbm>>
      %dma_wait3A_2110 = arith.constant 0 : i32
      %dma_wait3A_2111 = arith.constant 0 : i32
      %dma_wait3A_2112 = tpu.memref_slice %arg6[%dma_wait3A_2102, %dma_wait3A_2110, %dma_wait3A_2111] : memref<8x64x128xf32, #tpu.memory_space<vmem>> -> memref<1x64x128xf32, #tpu.memory_space<vmem>>
      %dma_wait3A_2113 = tpu.memref_squeeze %dma_wait3A_2112 : memref<1x64x128xf32, #tpu.memory_space<vmem>> -> memref<64x128xf32, #tpu.memory_space<vmem>>
      %dma_wait3A_2114 = arith.constant 0 : i32
      %dma_wait3A_2115 = arith.constant 0 : i32
      %dma_wait3A_2116 = tpu.memref_slice %arg2[%dma_wait3A_2114, %dma_wait3A_2115] : memref<64x1000001xf32, #tpu.memory_space<hbm>> -> memref<64x128xf32, #tpu.memory_space<hbm>>
      tpu.wait_dma2 semaphore(%arg8 : memref<!tpu.dma_semaphore, #tpu.memory_space<semaphore_mem>>) src(%dma_wait3A_2116 : memref<64x128xf32, #tpu.memory_space<hbm>>) dst(%dma_wait3A_2113 : memref<64x128xf32, #tpu.memory_space<vmem>>)
      %slice3A_2117 = vector.extract_strided_slice %scan3A_1234 {offsets = [11], sizes = [1], strides = [1]} : vector<16xi32> to vector<1xi32>
      %squeeze3A_2118 = vector.extract %slice3A_2117[0] : i32 from vector<1xi32>
      %add3A_2119 = arith.constant 11 : i32
      %add3A_2120 = arith.addi %mul3A_1236, %add3A_2119 : i32
      %and3A_2121 = arith.constant 127 : i32
      %and3A_2122 = arith.andi %squeeze3A_2118, %and3A_2121 : i32
      %broadcast_in_dim3A_2123 = vector.broadcast %and3A_2122 : i32 to vector<16xi32>
      %broadcast_in_dim3A_2124 = vector.broadcast %add3A_2120 : i32 to vector<16xi32>
      %add3A_2125 = arith.constant 0 : i32
      %add3A_2126 = vector.broadcast %add3A_2125 : i32 to vector<16xi32>
      %add3A_2127 = arith.addi %iota3A, %add3A_2126 : vector<16xi32>
      %gather3A_2128 = arith.constant 3 : i32
      %gather3A_2129 = arith.constant 0 : i32
      %gather3A_2130 = arith.constant 0 : i32
      %gather3A_2131 = tpu.memref_slice %arg6[%gather3A_2128, %gather3A_2129, %gather3A_2130] : memref<8x64x128xf32, #tpu.memory_space<vmem>> -> memref<1x64x128xf32, #tpu.memory_space<vmem>>
      %gather3A_2132 = tpu.memref_squeeze %gather3A_2131 : memref<1x64x128xf32, #tpu.memory_space<vmem>> -> memref<64x128xf32, #tpu.memory_space<vmem>>
      %gather3A_2133 = tpu.vector_load_idx %gather3A_2132[%add3A_2127, %broadcast_in_dim3A_2123] : memref<64x128xf32, #tpu.memory_space<vmem>>[vector<16xi32>, vector<16xi32>], vector<16xf32>,
      tpu.vector_store_idx %arg7[%add3A_2127, %broadcast_in_dim3A_2124], %gather3A_2133 : memref<64x512xf32, #tpu.memory_space<vmem>>[vector<16xi32>, vector<16xi32>], vector<16xf32>,
      %add3A_2134 = arith.constant 16 : i32
      %add3A_2135 = vector.broadcast %add3A_2134 : i32 to vector<16xi32>
      %add3A_2136 = arith.addi %iota3A, %add3A_2135 : vector<16xi32>
      %gather3A_2137 = arith.constant 3 : i32
      %gather3A_2138 = arith.constant 0 : i32
      %gather3A_2139 = arith.constant 0 : i32
      %gather3A_2140 = tpu.memref_slice %arg6[%gather3A_2137, %gather3A_2138, %gather3A_2139] : memref<8x64x128xf32, #tpu.memory_space<vmem>> -> memref<1x64x128xf32, #tpu.memory_space<vmem>>
      %gather3A_2141 = tpu.memref_squeeze %gather3A_2140 : memref<1x64x128xf32, #tpu.memory_space<vmem>> -> memref<64x128xf32, #tpu.memory_space<vmem>>
      %gather3A_2142 = tpu.vector_load_idx %gather3A_2141[%add3A_2136, %broadcast_in_dim3A_2123] : memref<64x128xf32, #tpu.memory_space<vmem>>[vector<16xi32>, vector<16xi32>], vector<16xf32>,
      tpu.vector_store_idx %arg7[%add3A_2136, %broadcast_in_dim3A_2124], %gather3A_2142 : memref<64x512xf32, #tpu.memory_space<vmem>>[vector<16xi32>, vector<16xi32>], vector<16xf32>,
      %add3A_2143 = arith.constant 32 : i32
      %add3A_2144 = vector.broadcast %add3A_2143 : i32 to vector<16xi32>
      %add3A_2145 = arith.addi %iota3A, %add3A_2144 : vector<16xi32>
      %gather3A_2146 = arith.constant 3 : i32
      %gather3A_2147 = arith.constant 0 : i32
      %gather3A_2148 = arith.constant 0 : i32
      %gather3A_2149 = tpu.memref_slice %arg6[%gather3A_2146, %gather3A_2147, %gather3A_2148] : memref<8x64x128xf32, #tpu.memory_space<vmem>> -> memref<1x64x128xf32, #tpu.memory_space<vmem>>
      %gather3A_2150 = tpu.memref_squeeze %gather3A_2149 : memref<1x64x128xf32, #tpu.memory_space<vmem>> -> memref<64x128xf32, #tpu.memory_space<vmem>>
      %gather3A_2151 = tpu.vector_load_idx %gather3A_2150[%add3A_2145, %broadcast_in_dim3A_2123] : memref<64x128xf32, #tpu.memory_space<vmem>>[vector<16xi32>, vector<16xi32>], vector<16xf32>,
      tpu.vector_store_idx %arg7[%add3A_2145, %broadcast_in_dim3A_2124], %gather3A_2151 : memref<64x512xf32, #tpu.memory_space<vmem>>[vector<16xi32>, vector<16xi32>], vector<16xf32>,
      %add3A_2152 = arith.constant 48 : i32
      %add3A_2153 = vector.broadcast %add3A_2152 : i32 to vector<16xi32>
      %add3A_2154 = arith.addi %iota3A, %add3A_2153 : vector<16xi32>
      %gather3A_2155 = arith.constant 3 : i32
      %gather3A_2156 = arith.constant 0 : i32
      %gather3A_2157 = arith.constant 0 : i32
      %gather3A_2158 = tpu.memref_slice %arg6[%gather3A_2155, %gather3A_2156, %gather3A_2157] : memref<8x64x128xf32, #tpu.memory_space<vmem>> -> memref<1x64x128xf32, #tpu.memory_space<vmem>>
      %gather3A_2159 = tpu.memref_squeeze %gather3A_2158 : memref<1x64x128xf32, #tpu.memory_space<vmem>> -> memref<64x128xf32, #tpu.memory_space<vmem>>
      %gather3A_2160 = tpu.vector_load_idx %gather3A_2159[%add3A_2154, %broadcast_in_dim3A_2123] : memref<64x128xf32, #tpu.memory_space<vmem>>[vector<16xi32>, vector<16xi32>], vector<16xf32>,
      tpu.vector_store_idx %arg7[%add3A_2154, %broadcast_in_dim3A_2124], %gather3A_2160 : memref<64x512xf32, #tpu.memory_space<vmem>>[vector<16xi32>, vector<16xi32>], vector<16xf32>,
      %slice3A_2161 = vector.extract_strided_slice %get3A_1243 {offsets = [3], sizes = [1], strides = [1]} : vector<16xi32> to vector<1xi32>
      %squeeze3A_2162 = vector.extract %slice3A_2161[0] : i32 from vector<1xi32>
      %shift_right_logical3A_2163 = arith.constant 7 : i32
      %shift_right_logical3A_2164 = arith.shrui %squeeze3A_2162, %shift_right_logical3A_2163 : i32
      %mul3A_2165 = arith.constant 128 : i32
      %mul3A_2166 = arith.muli %shift_right_logical3A_2164, %mul3A_2165 : i32
      %dma_start3A_2167 = arith.constant 3 : i32
      %dma_start3A_2168 = arith.constant 0 : i32
      %dma_start3A_2169 = arith.constant 0 : i32
      %dma_start3A_2170 = tpu.memref_slice %arg6[%dma_start3A_2167, %dma_start3A_2168, %dma_start3A_2169] : memref<8x64x128xf32, #tpu.memory_space<vmem>> -> memref<1x64x128xf32, #tpu.memory_space<vmem>>
      %dma_start3A_2171 = tpu.memref_squeeze %dma_start3A_2170 : memref<1x64x128xf32, #tpu.memory_space<vmem>> -> memref<64x128xf32, #tpu.memory_space<vmem>>
      %dma_start3A_2172 = arith.constant 0 : i32
      %dma_start3A_2173 = tpu.memref_slice %arg2[%dma_start3A_2172, %mul3A_2166] : memref<64x1000001xf32, #tpu.memory_space<hbm>> -> memref<64x128xf32, #tpu.memory_space<hbm>>
      %dma_start3A_2174 = arith.constant 0 : i32
      %dma_start3A_2175 = arith.constant 0 : i32
      %dma_start3A_2176 = tpu.memref_slice %arg6[%dma_start3A_2167, %dma_start3A_2174, %dma_start3A_2175] : memref<8x64x128xf32, #tpu.memory_space<vmem>> -> memref<1x64x128xf32, #tpu.memory_space<vmem>>
      %dma_start3A_2177 = tpu.memref_squeeze %dma_start3A_2176 : memref<1x64x128xf32, #tpu.memory_space<vmem>> -> memref<64x128xf32, #tpu.memory_space<vmem>>
      %dma_start3A_2178 = arith.constant 0 : i32
      %dma_start3A_2179 = tpu.memref_slice %arg2[%dma_start3A_2178, %mul3A_2166] : memref<64x1000001xf32, #tpu.memory_space<hbm>> -> memref<64x128xf32, #tpu.memory_space<hbm>>
      tpu.enqueue_dma source(%dma_start3A_2179 : memref<64x128xf32, #tpu.memory_space<hbm>>) target(%dma_start3A_2177 : memref<64x128xf32, #tpu.memory_space<vmem>>) target_semaphore(%arg8 : memref<!tpu.dma_semaphore, #tpu.memory_space<semaphore_mem>>)
      %dma_wait3A_2180 = arith.constant 4 : i32
      %dma_wait3A_2181 = arith.constant 0 : i32
      %dma_wait3A_2182 = arith.constant 0 : i32
      %dma_wait3A_2183 = tpu.memref_slice %arg6[%dma_wait3A_2180, %dma_wait3A_2181, %dma_wait3A_2182] : memref<8x64x128xf32, #tpu.memory_space<vmem>> -> memref<1x64x128xf32, #tpu.memory_space<vmem>>
      %dma_wait3A_2184 = tpu.memref_squeeze %dma_wait3A_2183 : memref<1x64x128xf32, #tpu.memory_space<vmem>> -> memref<64x128xf32, #tpu.memory_space<vmem>>
      %dma_wait3A_2185 = arith.constant 0 : i32
      %dma_wait3A_2186 = arith.constant 0 : i32
      %dma_wait3A_2187 = tpu.memref_slice %arg2[%dma_wait3A_2185, %dma_wait3A_2186] : memref<64x1000001xf32, #tpu.memory_space<hbm>> -> memref<64x128xf32, #tpu.memory_space<hbm>>
      %dma_wait3A_2188 = arith.constant 0 : i32
      %dma_wait3A_2189 = arith.constant 0 : i32
      %dma_wait3A_2190 = tpu.memref_slice %arg6[%dma_wait3A_2180, %dma_wait3A_2188, %dma_wait3A_2189] : memref<8x64x128xf32, #tpu.memory_space<vmem>> -> memref<1x64x128xf32, #tpu.memory_space<vmem>>
      %dma_wait3A_2191 = tpu.memref_squeeze %dma_wait3A_2190 : memref<1x64x128xf32, #tpu.memory_space<vmem>> -> memref<64x128xf32, #tpu.memory_space<vmem>>
      %dma_wait3A_2192 = arith.constant 0 : i32
      %dma_wait3A_2193 = arith.constant 0 : i32
      %dma_wait3A_2194 = tpu.memref_slice %arg2[%dma_wait3A_2192, %dma_wait3A_2193] : memref<64x1000001xf32, #tpu.memory_space<hbm>> -> memref<64x128xf32, #tpu.memory_space<hbm>>
      tpu.wait_dma2 semaphore(%arg8 : memref<!tpu.dma_semaphore, #tpu.memory_space<semaphore_mem>>) src(%dma_wait3A_2194 : memref<64x128xf32, #tpu.memory_space<hbm>>) dst(%dma_wait3A_2191 : memref<64x128xf32, #tpu.memory_space<vmem>>)
      %slice3A_2195 = vector.extract_strided_slice %scan3A_1234 {offsets = [12], sizes = [1], strides = [1]} : vector<16xi32> to vector<1xi32>
      %squeeze3A_2196 = vector.extract %slice3A_2195[0] : i32 from vector<1xi32>
      %add3A_2197 = arith.constant 12 : i32
      %add3A_2198 = arith.addi %mul3A_1236, %add3A_2197 : i32
      %and3A_2199 = arith.constant 127 : i32
      %and3A_2200 = arith.andi %squeeze3A_2196, %and3A_2199 : i32
      %broadcast_in_dim3A_2201 = vector.broadcast %and3A_2200 : i32 to vector<16xi32>
      %broadcast_in_dim3A_2202 = vector.broadcast %add3A_2198 : i32 to vector<16xi32>
      %add3A_2203 = arith.constant 0 : i32
      %add3A_2204 = vector.broadcast %add3A_2203 : i32 to vector<16xi32>
      %add3A_2205 = arith.addi %iota3A, %add3A_2204 : vector<16xi32>
      %gather3A_2206 = arith.constant 4 : i32
      %gather3A_2207 = arith.constant 0 : i32
      %gather3A_2208 = arith.constant 0 : i32
      %gather3A_2209 = tpu.memref_slice %arg6[%gather3A_2206, %gather3A_2207, %gather3A_2208] : memref<8x64x128xf32, #tpu.memory_space<vmem>> -> memref<1x64x128xf32, #tpu.memory_space<vmem>>
      %gather3A_2210 = tpu.memref_squeeze %gather3A_2209 : memref<1x64x128xf32, #tpu.memory_space<vmem>> -> memref<64x128xf32, #tpu.memory_space<vmem>>
      %gather3A_2211 = tpu.vector_load_idx %gather3A_2210[%add3A_2205, %broadcast_in_dim3A_2201] : memref<64x128xf32, #tpu.memory_space<vmem>>[vector<16xi32>, vector<16xi32>], vector<16xf32>,
      tpu.vector_store_idx %arg7[%add3A_2205, %broadcast_in_dim3A_2202], %gather3A_2211 : memref<64x512xf32, #tpu.memory_space<vmem>>[vector<16xi32>, vector<16xi32>], vector<16xf32>,
      %add3A_2212 = arith.constant 16 : i32
      %add3A_2213 = vector.broadcast %add3A_2212 : i32 to vector<16xi32>
      %add3A_2214 = arith.addi %iota3A, %add3A_2213 : vector<16xi32>
      %gather3A_2215 = arith.constant 4 : i32
      %gather3A_2216 = arith.constant 0 : i32
      %gather3A_2217 = arith.constant 0 : i32
      %gather3A_2218 = tpu.memref_slice %arg6[%gather3A_2215, %gather3A_2216, %gather3A_2217] : memref<8x64x128xf32, #tpu.memory_space<vmem>> -> memref<1x64x128xf32, #tpu.memory_space<vmem>>
      %gather3A_2219 = tpu.memref_squeeze %gather3A_2218 : memref<1x64x128xf32, #tpu.memory_space<vmem>> -> memref<64x128xf32, #tpu.memory_space<vmem>>
      %gather3A_2220 = tpu.vector_load_idx %gather3A_2219[%add3A_2214, %broadcast_in_dim3A_2201] : memref<64x128xf32, #tpu.memory_space<vmem>>[vector<16xi32>, vector<16xi32>], vector<16xf32>,
      tpu.vector_store_idx %arg7[%add3A_2214, %broadcast_in_dim3A_2202], %gather3A_2220 : memref<64x512xf32, #tpu.memory_space<vmem>>[vector<16xi32>, vector<16xi32>], vector<16xf32>,
      %add3A_2221 = arith.constant 32 : i32
      %add3A_2222 = vector.broadcast %add3A_2221 : i32 to vector<16xi32>
      %add3A_2223 = arith.addi %iota3A, %add3A_2222 : vector<16xi32>
      %gather3A_2224 = arith.constant 4 : i32
      %gather3A_2225 = arith.constant 0 : i32
      %gather3A_2226 = arith.constant 0 : i32
      %gather3A_2227 = tpu.memref_slice %arg6[%gather3A_2224, %gather3A_2225, %gather3A_2226] : memref<8x64x128xf32, #tpu.memory_space<vmem>> -> memref<1x64x128xf32, #tpu.memory_space<vmem>>
      %gather3A_2228 = tpu.memref_squeeze %gather3A_2227 : memref<1x64x128xf32, #tpu.memory_space<vmem>> -> memref<64x128xf32, #tpu.memory_space<vmem>>
      %gather3A_2229 = tpu.vector_load_idx %gather3A_2228[%add3A_2223, %broadcast_in_dim3A_2201] : memref<64x128xf32, #tpu.memory_space<vmem>>[vector<16xi32>, vector<16xi32>], vector<16xf32>,
      tpu.vector_store_idx %arg7[%add3A_2223, %broadcast_in_dim3A_2202], %gather3A_2229 : memref<64x512xf32, #tpu.memory_space<vmem>>[vector<16xi32>, vector<16xi32>], vector<16xf32>,
      %add3A_2230 = arith.constant 48 : i32
      %add3A_2231 = vector.broadcast %add3A_2230 : i32 to vector<16xi32>
      %add3A_2232 = arith.addi %iota3A, %add3A_2231 : vector<16xi32>
      %gather3A_2233 = arith.constant 4 : i32
      %gather3A_2234 = arith.constant 0 : i32
      %gather3A_2235 = arith.constant 0 : i32
      %gather3A_2236 = tpu.memref_slice %arg6[%gather3A_2233, %gather3A_2234, %gather3A_2235] : memref<8x64x128xf32, #tpu.memory_space<vmem>> -> memref<1x64x128xf32, #tpu.memory_space<vmem>>
      %gather3A_2237 = tpu.memref_squeeze %gather3A_2236 : memref<1x64x128xf32, #tpu.memory_space<vmem>> -> memref<64x128xf32, #tpu.memory_space<vmem>>
      %gather3A_2238 = tpu.vector_load_idx %gather3A_2237[%add3A_2232, %broadcast_in_dim3A_2201] : memref<64x128xf32, #tpu.memory_space<vmem>>[vector<16xi32>, vector<16xi32>], vector<16xf32>,
      tpu.vector_store_idx %arg7[%add3A_2232, %broadcast_in_dim3A_2202], %gather3A_2238 : memref<64x512xf32, #tpu.memory_space<vmem>>[vector<16xi32>, vector<16xi32>], vector<16xf32>,
      %slice3A_2239 = vector.extract_strided_slice %get3A_1243 {offsets = [4], sizes = [1], strides = [1]} : vector<16xi32> to vector<1xi32>
      %squeeze3A_2240 = vector.extract %slice3A_2239[0] : i32 from vector<1xi32>
      %shift_right_logical3A_2241 = arith.constant 7 : i32
      %shift_right_logical3A_2242 = arith.shrui %squeeze3A_2240, %shift_right_logical3A_2241 : i32
      %mul3A_2243 = arith.constant 128 : i32
      %mul3A_2244 = arith.muli %shift_right_logical3A_2242, %mul3A_2243 : i32
      %dma_start3A_2245 = arith.constant 4 : i32
      %dma_start3A_2246 = arith.constant 0 : i32
      %dma_start3A_2247 = arith.constant 0 : i32
      %dma_start3A_2248 = tpu.memref_slice %arg6[%dma_start3A_2245, %dma_start3A_2246, %dma_start3A_2247] : memref<8x64x128xf32, #tpu.memory_space<vmem>> -> memref<1x64x128xf32, #tpu.memory_space<vmem>>
      %dma_start3A_2249 = tpu.memref_squeeze %dma_start3A_2248 : memref<1x64x128xf32, #tpu.memory_space<vmem>> -> memref<64x128xf32, #tpu.memory_space<vmem>>
      %dma_start3A_2250 = arith.constant 0 : i32
      %dma_start3A_2251 = tpu.memref_slice %arg2[%dma_start3A_2250, %mul3A_2244] : memref<64x1000001xf32, #tpu.memory_space<hbm>> -> memref<64x128xf32, #tpu.memory_space<hbm>>
      %dma_start3A_2252 = arith.constant 0 : i32
      %dma_start3A_2253 = arith.constant 0 : i32
      %dma_start3A_2254 = tpu.memref_slice %arg6[%dma_start3A_2245, %dma_start3A_2252, %dma_start3A_2253] : memref<8x64x128xf32, #tpu.memory_space<vmem>> -> memref<1x64x128xf32, #tpu.memory_space<vmem>>
      %dma_start3A_2255 = tpu.memref_squeeze %dma_start3A_2254 : memref<1x64x128xf32, #tpu.memory_space<vmem>> -> memref<64x128xf32, #tpu.memory_space<vmem>>
      %dma_start3A_2256 = arith.constant 0 : i32
      %dma_start3A_2257 = tpu.memref_slice %arg2[%dma_start3A_2256, %mul3A_2244] : memref<64x1000001xf32, #tpu.memory_space<hbm>> -> memref<64x128xf32, #tpu.memory_space<hbm>>
      tpu.enqueue_dma source(%dma_start3A_2257 : memref<64x128xf32, #tpu.memory_space<hbm>>) target(%dma_start3A_2255 : memref<64x128xf32, #tpu.memory_space<vmem>>) target_semaphore(%arg8 : memref<!tpu.dma_semaphore, #tpu.memory_space<semaphore_mem>>)
      %dma_wait3A_2258 = arith.constant 5 : i32
      %dma_wait3A_2259 = arith.constant 0 : i32
      %dma_wait3A_2260 = arith.constant 0 : i32
      %dma_wait3A_2261 = tpu.memref_slice %arg6[%dma_wait3A_2258, %dma_wait3A_2259, %dma_wait3A_2260] : memref<8x64x128xf32, #tpu.memory_space<vmem>> -> memref<1x64x128xf32, #tpu.memory_space<vmem>>
      %dma_wait3A_2262 = tpu.memref_squeeze %dma_wait3A_2261 : memref<1x64x128xf32, #tpu.memory_space<vmem>> -> memref<64x128xf32, #tpu.memory_space<vmem>>
      %dma_wait3A_2263 = arith.constant 0 : i32
      %dma_wait3A_2264 = arith.constant 0 : i32
      %dma_wait3A_2265 = tpu.memref_slice %arg2[%dma_wait3A_2263, %dma_wait3A_2264] : memref<64x1000001xf32, #tpu.memory_space<hbm>> -> memref<64x128xf32, #tpu.memory_space<hbm>>
      %dma_wait3A_2266 = arith.constant 0 : i32
      %dma_wait3A_2267 = arith.constant 0 : i32
      %dma_wait3A_2268 = tpu.memref_slice %arg6[%dma_wait3A_2258, %dma_wait3A_2266, %dma_wait3A_2267] : memref<8x64x128xf32, #tpu.memory_space<vmem>> -> memref<1x64x128xf32, #tpu.memory_space<vmem>>
      %dma_wait3A_2269 = tpu.memref_squeeze %dma_wait3A_2268 : memref<1x64x128xf32, #tpu.memory_space<vmem>> -> memref<64x128xf32, #tpu.memory_space<vmem>>
      %dma_wait3A_2270 = arith.constant 0 : i32
      %dma_wait3A_2271 = arith.constant 0 : i32
      %dma_wait3A_2272 = tpu.memref_slice %arg2[%dma_wait3A_2270, %dma_wait3A_2271] : memref<64x1000001xf32, #tpu.memory_space<hbm>> -> memref<64x128xf32, #tpu.memory_space<hbm>>
      tpu.wait_dma2 semaphore(%arg8 : memref<!tpu.dma_semaphore, #tpu.memory_space<semaphore_mem>>) src(%dma_wait3A_2272 : memref<64x128xf32, #tpu.memory_space<hbm>>) dst(%dma_wait3A_2269 : memref<64x128xf32, #tpu.memory_space<vmem>>)
      %slice3A_2273 = vector.extract_strided_slice %scan3A_1234 {offsets = [13], sizes = [1], strides = [1]} : vector<16xi32> to vector<1xi32>
      %squeeze3A_2274 = vector.extract %slice3A_2273[0] : i32 from vector<1xi32>
      %add3A_2275 = arith.constant 13 : i32
      %add3A_2276 = arith.addi %mul3A_1236, %add3A_2275 : i32
      %and3A_2277 = arith.constant 127 : i32
      %and3A_2278 = arith.andi %squeeze3A_2274, %and3A_2277 : i32
      %broadcast_in_dim3A_2279 = vector.broadcast %and3A_2278 : i32 to vector<16xi32>
      %broadcast_in_dim3A_2280 = vector.broadcast %add3A_2276 : i32 to vector<16xi32>
      %add3A_2281 = arith.constant 0 : i32
      %add3A_2282 = vector.broadcast %add3A_2281 : i32 to vector<16xi32>
      %add3A_2283 = arith.addi %iota3A, %add3A_2282 : vector<16xi32>
      %gather3A_2284 = arith.constant 5 : i32
      %gather3A_2285 = arith.constant 0 : i32
      %gather3A_2286 = arith.constant 0 : i32
      %gather3A_2287 = tpu.memref_slice %arg6[%gather3A_2284, %gather3A_2285, %gather3A_2286] : memref<8x64x128xf32, #tpu.memory_space<vmem>> -> memref<1x64x128xf32, #tpu.memory_space<vmem>>
      %gather3A_2288 = tpu.memref_squeeze %gather3A_2287 : memref<1x64x128xf32, #tpu.memory_space<vmem>> -> memref<64x128xf32, #tpu.memory_space<vmem>>
      %gather3A_2289 = tpu.vector_load_idx %gather3A_2288[%add3A_2283, %broadcast_in_dim3A_2279] : memref<64x128xf32, #tpu.memory_space<vmem>>[vector<16xi32>, vector<16xi32>], vector<16xf32>,
      tpu.vector_store_idx %arg7[%add3A_2283, %broadcast_in_dim3A_2280], %gather3A_2289 : memref<64x512xf32, #tpu.memory_space<vmem>>[vector<16xi32>, vector<16xi32>], vector<16xf32>,
      %add3A_2290 = arith.constant 16 : i32
      %add3A_2291 = vector.broadcast %add3A_2290 : i32 to vector<16xi32>
      %add3A_2292 = arith.addi %iota3A, %add3A_2291 : vector<16xi32>
      %gather3A_2293 = arith.constant 5 : i32
      %gather3A_2294 = arith.constant 0 : i32
      %gather3A_2295 = arith.constant 0 : i32
      %gather3A_2296 = tpu.memref_slice %arg6[%gather3A_2293, %gather3A_2294, %gather3A_2295] : memref<8x64x128xf32, #tpu.memory_space<vmem>> -> memref<1x64x128xf32, #tpu.memory_space<vmem>>
      %gather3A_2297 = tpu.memref_squeeze %gather3A_2296 : memref<1x64x128xf32, #tpu.memory_space<vmem>> -> memref<64x128xf32, #tpu.memory_space<vmem>>
      %gather3A_2298 = tpu.vector_load_idx %gather3A_2297[%add3A_2292, %broadcast_in_dim3A_2279] : memref<64x128xf32, #tpu.memory_space<vmem>>[vector<16xi32>, vector<16xi32>], vector<16xf32>,
      tpu.vector_store_idx %arg7[%add3A_2292, %broadcast_in_dim3A_2280], %gather3A_2298 : memref<64x512xf32, #tpu.memory_space<vmem>>[vector<16xi32>, vector<16xi32>], vector<16xf32>,
      %add3A_2299 = arith.constant 32 : i32
      %add3A_2300 = vector.broadcast %add3A_2299 : i32 to vector<16xi32>
      %add3A_2301 = arith.addi %iota3A, %add3A_2300 : vector<16xi32>
      %gather3A_2302 = arith.constant 5 : i32
      %gather3A_2303 = arith.constant 0 : i32
      %gather3A_2304 = arith.constant 0 : i32
      %gather3A_2305 = tpu.memref_slice %arg6[%gather3A_2302, %gather3A_2303, %gather3A_2304] : memref<8x64x128xf32, #tpu.memory_space<vmem>> -> memref<1x64x128xf32, #tpu.memory_space<vmem>>
      %gather3A_2306 = tpu.memref_squeeze %gather3A_2305 : memref<1x64x128xf32, #tpu.memory_space<vmem>> -> memref<64x128xf32, #tpu.memory_space<vmem>>
      %gather3A_2307 = tpu.vector_load_idx %gather3A_2306[%add3A_2301, %broadcast_in_dim3A_2279] : memref<64x128xf32, #tpu.memory_space<vmem>>[vector<16xi32>, vector<16xi32>], vector<16xf32>,
      tpu.vector_store_idx %arg7[%add3A_2301, %broadcast_in_dim3A_2280], %gather3A_2307 : memref<64x512xf32, #tpu.memory_space<vmem>>[vector<16xi32>, vector<16xi32>], vector<16xf32>,
      %add3A_2308 = arith.constant 48 : i32
      %add3A_2309 = vector.broadcast %add3A_2308 : i32 to vector<16xi32>
      %add3A_2310 = arith.addi %iota3A, %add3A_2309 : vector<16xi32>
      %gather3A_2311 = arith.constant 5 : i32
      %gather3A_2312 = arith.constant 0 : i32
      %gather3A_2313 = arith.constant 0 : i32
      %gather3A_2314 = tpu.memref_slice %arg6[%gather3A_2311, %gather3A_2312, %gather3A_2313] : memref<8x64x128xf32, #tpu.memory_space<vmem>> -> memref<1x64x128xf32, #tpu.memory_space<vmem>>
      %gather3A_2315 = tpu.memref_squeeze %gather3A_2314 : memref<1x64x128xf32, #tpu.memory_space<vmem>> -> memref<64x128xf32, #tpu.memory_space<vmem>>
      %gather3A_2316 = tpu.vector_load_idx %gather3A_2315[%add3A_2310, %broadcast_in_dim3A_2279] : memref<64x128xf32, #tpu.memory_space<vmem>>[vector<16xi32>, vector<16xi32>], vector<16xf32>,
      tpu.vector_store_idx %arg7[%add3A_2310, %broadcast_in_dim3A_2280], %gather3A_2316 : memref<64x512xf32, #tpu.memory_space<vmem>>[vector<16xi32>, vector<16xi32>], vector<16xf32>,
      %slice3A_2317 = vector.extract_strided_slice %get3A_1243 {offsets = [5], sizes = [1], strides = [1]} : vector<16xi32> to vector<1xi32>
      %squeeze3A_2318 = vector.extract %slice3A_2317[0] : i32 from vector<1xi32>
      %shift_right_logical3A_2319 = arith.constant 7 : i32
      %shift_right_logical3A_2320 = arith.shrui %squeeze3A_2318, %shift_right_logical3A_2319 : i32
      %mul3A_2321 = arith.constant 128 : i32
      %mul3A_2322 = arith.muli %shift_right_logical3A_2320, %mul3A_2321 : i32
      %dma_start3A_2323 = arith.constant 5 : i32
      %dma_start3A_2324 = arith.constant 0 : i32
      %dma_start3A_2325 = arith.constant 0 : i32
      %dma_start3A_2326 = tpu.memref_slice %arg6[%dma_start3A_2323, %dma_start3A_2324, %dma_start3A_2325] : memref<8x64x128xf32, #tpu.memory_space<vmem>> -> memref<1x64x128xf32, #tpu.memory_space<vmem>>
      %dma_start3A_2327 = tpu.memref_squeeze %dma_start3A_2326 : memref<1x64x128xf32, #tpu.memory_space<vmem>> -> memref<64x128xf32, #tpu.memory_space<vmem>>
      %dma_start3A_2328 = arith.constant 0 : i32
      %dma_start3A_2329 = tpu.memref_slice %arg2[%dma_start3A_2328, %mul3A_2322] : memref<64x1000001xf32, #tpu.memory_space<hbm>> -> memref<64x128xf32, #tpu.memory_space<hbm>>
      %dma_start3A_2330 = arith.constant 0 : i32
      %dma_start3A_2331 = arith.constant 0 : i32
      %dma_start3A_2332 = tpu.memref_slice %arg6[%dma_start3A_2323, %dma_start3A_2330, %dma_start3A_2331] : memref<8x64x128xf32, #tpu.memory_space<vmem>> -> memref<1x64x128xf32, #tpu.memory_space<vmem>>
      %dma_start3A_2333 = tpu.memref_squeeze %dma_start3A_2332 : memref<1x64x128xf32, #tpu.memory_space<vmem>> -> memref<64x128xf32, #tpu.memory_space<vmem>>
      %dma_start3A_2334 = arith.constant 0 : i32
      %dma_start3A_2335 = tpu.memref_slice %arg2[%dma_start3A_2334, %mul3A_2322] : memref<64x1000001xf32, #tpu.memory_space<hbm>> -> memref<64x128xf32, #tpu.memory_space<hbm>>
      tpu.enqueue_dma source(%dma_start3A_2335 : memref<64x128xf32, #tpu.memory_space<hbm>>) target(%dma_start3A_2333 : memref<64x128xf32, #tpu.memory_space<vmem>>) target_semaphore(%arg8 : memref<!tpu.dma_semaphore, #tpu.memory_space<semaphore_mem>>)
      %dma_wait3A_2336 = arith.constant 6 : i32
      %dma_wait3A_2337 = arith.constant 0 : i32
      %dma_wait3A_2338 = arith.constant 0 : i32
      %dma_wait3A_2339 = tpu.memref_slice %arg6[%dma_wait3A_2336, %dma_wait3A_2337, %dma_wait3A_2338] : memref<8x64x128xf32, #tpu.memory_space<vmem>> -> memref<1x64x128xf32, #tpu.memory_space<vmem>>
      %dma_wait3A_2340 = tpu.memref_squeeze %dma_wait3A_2339 : memref<1x64x128xf32, #tpu.memory_space<vmem>> -> memref<64x128xf32, #tpu.memory_space<vmem>>
      %dma_wait3A_2341 = arith.constant 0 : i32
      %dma_wait3A_2342 = arith.constant 0 : i32
      %dma_wait3A_2343 = tpu.memref_slice %arg2[%dma_wait3A_2341, %dma_wait3A_2342] : memref<64x1000001xf32, #tpu.memory_space<hbm>> -> memref<64x128xf32, #tpu.memory_space<hbm>>
      %dma_wait3A_2344 = arith.constant 0 : i32
      %dma_wait3A_2345 = arith.constant 0 : i32
      %dma_wait3A_2346 = tpu.memref_slice %arg6[%dma_wait3A_2336, %dma_wait3A_2344, %dma_wait3A_2345] : memref<8x64x128xf32, #tpu.memory_space<vmem>> -> memref<1x64x128xf32, #tpu.memory_space<vmem>>
      %dma_wait3A_2347 = tpu.memref_squeeze %dma_wait3A_2346 : memref<1x64x128xf32, #tpu.memory_space<vmem>> -> memref<64x128xf32, #tpu.memory_space<vmem>>
      %dma_wait3A_2348 = arith.constant 0 : i32
      %dma_wait3A_2349 = arith.constant 0 : i32
      %dma_wait3A_2350 = tpu.memref_slice %arg2[%dma_wait3A_2348, %dma_wait3A_2349] : memref<64x1000001xf32, #tpu.memory_space<hbm>> -> memref<64x128xf32, #tpu.memory_space<hbm>>
      tpu.wait_dma2 semaphore(%arg8 : memref<!tpu.dma_semaphore, #tpu.memory_space<semaphore_mem>>) src(%dma_wait3A_2350 : memref<64x128xf32, #tpu.memory_space<hbm>>) dst(%dma_wait3A_2347 : memref<64x128xf32, #tpu.memory_space<vmem>>)
      %slice3A_2351 = vector.extract_strided_slice %scan3A_1234 {offsets = [14], sizes = [1], strides = [1]} : vector<16xi32> to vector<1xi32>
      %squeeze3A_2352 = vector.extract %slice3A_2351[0] : i32 from vector<1xi32>
      %add3A_2353 = arith.constant 14 : i32
      %add3A_2354 = arith.addi %mul3A_1236, %add3A_2353 : i32
      %and3A_2355 = arith.constant 127 : i32
      %and3A_2356 = arith.andi %squeeze3A_2352, %and3A_2355 : i32
      %broadcast_in_dim3A_2357 = vector.broadcast %and3A_2356 : i32 to vector<16xi32>
      %broadcast_in_dim3A_2358 = vector.broadcast %add3A_2354 : i32 to vector<16xi32>
      %add3A_2359 = arith.constant 0 : i32
      %add3A_2360 = vector.broadcast %add3A_2359 : i32 to vector<16xi32>
      %add3A_2361 = arith.addi %iota3A, %add3A_2360 : vector<16xi32>
      %gather3A_2362 = arith.constant 6 : i32
      %gather3A_2363 = arith.constant 0 : i32
      %gather3A_2364 = arith.constant 0 : i32
      %gather3A_2365 = tpu.memref_slice %arg6[%gather3A_2362, %gather3A_2363, %gather3A_2364] : memref<8x64x128xf32, #tpu.memory_space<vmem>> -> memref<1x64x128xf32, #tpu.memory_space<vmem>>
      %gather3A_2366 = tpu.memref_squeeze %gather3A_2365 : memref<1x64x128xf32, #tpu.memory_space<vmem>> -> memref<64x128xf32, #tpu.memory_space<vmem>>
      %gather3A_2367 = tpu.vector_load_idx %gather3A_2366[%add3A_2361, %broadcast_in_dim3A_2357] : memref<64x128xf32, #tpu.memory_space<vmem>>[vector<16xi32>, vector<16xi32>], vector<16xf32>,
      tpu.vector_store_idx %arg7[%add3A_2361, %broadcast_in_dim3A_2358], %gather3A_2367 : memref<64x512xf32, #tpu.memory_space<vmem>>[vector<16xi32>, vector<16xi32>], vector<16xf32>,
      %add3A_2368 = arith.constant 16 : i32
      %add3A_2369 = vector.broadcast %add3A_2368 : i32 to vector<16xi32>
      %add3A_2370 = arith.addi %iota3A, %add3A_2369 : vector<16xi32>
      %gather3A_2371 = arith.constant 6 : i32
      %gather3A_2372 = arith.constant 0 : i32
      %gather3A_2373 = arith.constant 0 : i32
      %gather3A_2374 = tpu.memref_slice %arg6[%gather3A_2371, %gather3A_2372, %gather3A_2373] : memref<8x64x128xf32, #tpu.memory_space<vmem>> -> memref<1x64x128xf32, #tpu.memory_space<vmem>>
      %gather3A_2375 = tpu.memref_squeeze %gather3A_2374 : memref<1x64x128xf32, #tpu.memory_space<vmem>> -> memref<64x128xf32, #tpu.memory_space<vmem>>
      %gather3A_2376 = tpu.vector_load_idx %gather3A_2375[%add3A_2370, %broadcast_in_dim3A_2357] : memref<64x128xf32, #tpu.memory_space<vmem>>[vector<16xi32>, vector<16xi32>], vector<16xf32>,
      tpu.vector_store_idx %arg7[%add3A_2370, %broadcast_in_dim3A_2358], %gather3A_2376 : memref<64x512xf32, #tpu.memory_space<vmem>>[vector<16xi32>, vector<16xi32>], vector<16xf32>,
      %add3A_2377 = arith.constant 32 : i32
      %add3A_2378 = vector.broadcast %add3A_2377 : i32 to vector<16xi32>
      %add3A_2379 = arith.addi %iota3A, %add3A_2378 : vector<16xi32>
      %gather3A_2380 = arith.constant 6 : i32
      %gather3A_2381 = arith.constant 0 : i32
      %gather3A_2382 = arith.constant 0 : i32
      %gather3A_2383 = tpu.memref_slice %arg6[%gather3A_2380, %gather3A_2381, %gather3A_2382] : memref<8x64x128xf32, #tpu.memory_space<vmem>> -> memref<1x64x128xf32, #tpu.memory_space<vmem>>
      %gather3A_2384 = tpu.memref_squeeze %gather3A_2383 : memref<1x64x128xf32, #tpu.memory_space<vmem>> -> memref<64x128xf32, #tpu.memory_space<vmem>>
      %gather3A_2385 = tpu.vector_load_idx %gather3A_2384[%add3A_2379, %broadcast_in_dim3A_2357] : memref<64x128xf32, #tpu.memory_space<vmem>>[vector<16xi32>, vector<16xi32>], vector<16xf32>,
      tpu.vector_store_idx %arg7[%add3A_2379, %broadcast_in_dim3A_2358], %gather3A_2385 : memref<64x512xf32, #tpu.memory_space<vmem>>[vector<16xi32>, vector<16xi32>], vector<16xf32>,
      %add3A_2386 = arith.constant 48 : i32
      %add3A_2387 = vector.broadcast %add3A_2386 : i32 to vector<16xi32>
      %add3A_2388 = arith.addi %iota3A, %add3A_2387 : vector<16xi32>
      %gather3A_2389 = arith.constant 6 : i32
      %gather3A_2390 = arith.constant 0 : i32
      %gather3A_2391 = arith.constant 0 : i32
      %gather3A_2392 = tpu.memref_slice %arg6[%gather3A_2389, %gather3A_2390, %gather3A_2391] : memref<8x64x128xf32, #tpu.memory_space<vmem>> -> memref<1x64x128xf32, #tpu.memory_space<vmem>>
      %gather3A_2393 = tpu.memref_squeeze %gather3A_2392 : memref<1x64x128xf32, #tpu.memory_space<vmem>> -> memref<64x128xf32, #tpu.memory_space<vmem>>
      %gather3A_2394 = tpu.vector_load_idx %gather3A_2393[%add3A_2388, %broadcast_in_dim3A_2357] : memref<64x128xf32, #tpu.memory_space<vmem>>[vector<16xi32>, vector<16xi32>], vector<16xf32>,
      tpu.vector_store_idx %arg7[%add3A_2388, %broadcast_in_dim3A_2358], %gather3A_2394 : memref<64x512xf32, #tpu.memory_space<vmem>>[vector<16xi32>, vector<16xi32>], vector<16xf32>,
      %slice3A_2395 = vector.extract_strided_slice %get3A_1243 {offsets = [6], sizes = [1], strides = [1]} : vector<16xi32> to vector<1xi32>
      %squeeze3A_2396 = vector.extract %slice3A_2395[0] : i32 from vector<1xi32>
      %shift_right_logical3A_2397 = arith.constant 7 : i32
      %shift_right_logical3A_2398 = arith.shrui %squeeze3A_2396, %shift_right_logical3A_2397 : i32
      %mul3A_2399 = arith.constant 128 : i32
      %mul3A_2400 = arith.muli %shift_right_logical3A_2398, %mul3A_2399 : i32
      %dma_start3A_2401 = arith.constant 6 : i32
      %dma_start3A_2402 = arith.constant 0 : i32
      %dma_start3A_2403 = arith.constant 0 : i32
      %dma_start3A_2404 = tpu.memref_slice %arg6[%dma_start3A_2401, %dma_start3A_2402, %dma_start3A_2403] : memref<8x64x128xf32, #tpu.memory_space<vmem>> -> memref<1x64x128xf32, #tpu.memory_space<vmem>>
      %dma_start3A_2405 = tpu.memref_squeeze %dma_start3A_2404 : memref<1x64x128xf32, #tpu.memory_space<vmem>> -> memref<64x128xf32, #tpu.memory_space<vmem>>
      %dma_start3A_2406 = arith.constant 0 : i32
      %dma_start3A_2407 = tpu.memref_slice %arg2[%dma_start3A_2406, %mul3A_2400] : memref<64x1000001xf32, #tpu.memory_space<hbm>> -> memref<64x128xf32, #tpu.memory_space<hbm>>
      %dma_start3A_2408 = arith.constant 0 : i32
      %dma_start3A_2409 = arith.constant 0 : i32
      %dma_start3A_2410 = tpu.memref_slice %arg6[%dma_start3A_2401, %dma_start3A_2408, %dma_start3A_2409] : memref<8x64x128xf32, #tpu.memory_space<vmem>> -> memref<1x64x128xf32, #tpu.memory_space<vmem>>
      %dma_start3A_2411 = tpu.memref_squeeze %dma_start3A_2410 : memref<1x64x128xf32, #tpu.memory_space<vmem>> -> memref<64x128xf32, #tpu.memory_space<vmem>>
      %dma_start3A_2412 = arith.constant 0 : i32
      %dma_start3A_2413 = tpu.memref_slice %arg2[%dma_start3A_2412, %mul3A_2400] : memref<64x1000001xf32, #tpu.memory_space<hbm>> -> memref<64x128xf32, #tpu.memory_space<hbm>>
      tpu.enqueue_dma source(%dma_start3A_2413 : memref<64x128xf32, #tpu.memory_space<hbm>>) target(%dma_start3A_2411 : memref<64x128xf32, #tpu.memory_space<vmem>>) target_semaphore(%arg8 : memref<!tpu.dma_semaphore, #tpu.memory_space<semaphore_mem>>)
      %dma_wait3A_2414 = arith.constant 7 : i32
      %dma_wait3A_2415 = arith.constant 0 : i32
      %dma_wait3A_2416 = arith.constant 0 : i32
      %dma_wait3A_2417 = tpu.memref_slice %arg6[%dma_wait3A_2414, %dma_wait3A_2415, %dma_wait3A_2416] : memref<8x64x128xf32, #tpu.memory_space<vmem>> -> memref<1x64x128xf32, #tpu.memory_space<vmem>>
      %dma_wait3A_2418 = tpu.memref_squeeze %dma_wait3A_2417 : memref<1x64x128xf32, #tpu.memory_space<vmem>> -> memref<64x128xf32, #tpu.memory_space<vmem>>
      %dma_wait3A_2419 = arith.constant 0 : i32
      %dma_wait3A_2420 = arith.constant 0 : i32
      %dma_wait3A_2421 = tpu.memref_slice %arg2[%dma_wait3A_2419, %dma_wait3A_2420] : memref<64x1000001xf32, #tpu.memory_space<hbm>> -> memref<64x128xf32, #tpu.memory_space<hbm>>
      %dma_wait3A_2422 = arith.constant 0 : i32
      %dma_wait3A_2423 = arith.constant 0 : i32
      %dma_wait3A_2424 = tpu.memref_slice %arg6[%dma_wait3A_2414, %dma_wait3A_2422, %dma_wait3A_2423] : memref<8x64x128xf32, #tpu.memory_space<vmem>> -> memref<1x64x128xf32, #tpu.memory_space<vmem>>
      %dma_wait3A_2425 = tpu.memref_squeeze %dma_wait3A_2424 : memref<1x64x128xf32, #tpu.memory_space<vmem>> -> memref<64x128xf32, #tpu.memory_space<vmem>>
      %dma_wait3A_2426 = arith.constant 0 : i32
      %dma_wait3A_2427 = arith.constant 0 : i32
      %dma_wait3A_2428 = tpu.memref_slice %arg2[%dma_wait3A_2426, %dma_wait3A_2427] : memref<64x1000001xf32, #tpu.memory_space<hbm>> -> memref<64x128xf32, #tpu.memory_space<hbm>>
      tpu.wait_dma2 semaphore(%arg8 : memref<!tpu.dma_semaphore, #tpu.memory_space<semaphore_mem>>) src(%dma_wait3A_2428 : memref<64x128xf32, #tpu.memory_space<hbm>>) dst(%dma_wait3A_2425 : memref<64x128xf32, #tpu.memory_space<vmem>>)
      %slice3A_2429 = vector.extract_strided_slice %scan3A_1234 {offsets = [15], sizes = [1], strides = [1]} : vector<16xi32> to vector<1xi32>
      %squeeze3A_2430 = vector.extract %slice3A_2429[0] : i32 from vector<1xi32>
      %add3A_2431 = arith.constant 15 : i32
      %add3A_2432 = arith.addi %mul3A_1236, %add3A_2431 : i32
      %and3A_2433 = arith.constant 127 : i32
      %and3A_2434 = arith.andi %squeeze3A_2430, %and3A_2433 : i32
      %broadcast_in_dim3A_2435 = vector.broadcast %and3A_2434 : i32 to vector<16xi32>
      %broadcast_in_dim3A_2436 = vector.broadcast %add3A_2432 : i32 to vector<16xi32>
      %add3A_2437 = arith.constant 0 : i32
      %add3A_2438 = vector.broadcast %add3A_2437 : i32 to vector<16xi32>
      %add3A_2439 = arith.addi %iota3A, %add3A_2438 : vector<16xi32>
      %gather3A_2440 = arith.constant 7 : i32
      %gather3A_2441 = arith.constant 0 : i32
      %gather3A_2442 = arith.constant 0 : i32
      %gather3A_2443 = tpu.memref_slice %arg6[%gather3A_2440, %gather3A_2441, %gather3A_2442] : memref<8x64x128xf32, #tpu.memory_space<vmem>> -> memref<1x64x128xf32, #tpu.memory_space<vmem>>
      %gather3A_2444 = tpu.memref_squeeze %gather3A_2443 : memref<1x64x128xf32, #tpu.memory_space<vmem>> -> memref<64x128xf32, #tpu.memory_space<vmem>>
      %gather3A_2445 = tpu.vector_load_idx %gather3A_2444[%add3A_2439, %broadcast_in_dim3A_2435] : memref<64x128xf32, #tpu.memory_space<vmem>>[vector<16xi32>, vector<16xi32>], vector<16xf32>,
      tpu.vector_store_idx %arg7[%add3A_2439, %broadcast_in_dim3A_2436], %gather3A_2445 : memref<64x512xf32, #tpu.memory_space<vmem>>[vector<16xi32>, vector<16xi32>], vector<16xf32>,
      %add3A_2446 = arith.constant 16 : i32
      %add3A_2447 = vector.broadcast %add3A_2446 : i32 to vector<16xi32>
      %add3A_2448 = arith.addi %iota3A, %add3A_2447 : vector<16xi32>
      %gather3A_2449 = arith.constant 7 : i32
      %gather3A_2450 = arith.constant 0 : i32
      %gather3A_2451 = arith.constant 0 : i32
      %gather3A_2452 = tpu.memref_slice %arg6[%gather3A_2449, %gather3A_2450, %gather3A_2451] : memref<8x64x128xf32, #tpu.memory_space<vmem>> -> memref<1x64x128xf32, #tpu.memory_space<vmem>>
      %gather3A_2453 = tpu.memref_squeeze %gather3A_2452 : memref<1x64x128xf32, #tpu.memory_space<vmem>> -> memref<64x128xf32, #tpu.memory_space<vmem>>
      %gather3A_2454 = tpu.vector_load_idx %gather3A_2453[%add3A_2448, %broadcast_in_dim3A_2435] : memref<64x128xf32, #tpu.memory_space<vmem>>[vector<16xi32>, vector<16xi32>], vector<16xf32>,
      tpu.vector_store_idx %arg7[%add3A_2448, %broadcast_in_dim3A_2436], %gather3A_2454 : memref<64x512xf32, #tpu.memory_space<vmem>>[vector<16xi32>, vector<16xi32>], vector<16xf32>,
      %add3A_2455 = arith.constant 32 : i32
      %add3A_2456 = vector.broadcast %add3A_2455 : i32 to vector<16xi32>
      %add3A_2457 = arith.addi %iota3A, %add3A_2456 : vector<16xi32>
      %gather3A_2458 = arith.constant 7 : i32
      %gather3A_2459 = arith.constant 0 : i32
      %gather3A_2460 = arith.constant 0 : i32
      %gather3A_2461 = tpu.memref_slice %arg6[%gather3A_2458, %gather3A_2459, %gather3A_2460] : memref<8x64x128xf32, #tpu.memory_space<vmem>> -> memref<1x64x128xf32, #tpu.memory_space<vmem>>
      %gather3A_2462 = tpu.memref_squeeze %gather3A_2461 : memref<1x64x128xf32, #tpu.memory_space<vmem>> -> memref<64x128xf32, #tpu.memory_space<vmem>>
      %gather3A_2463 = tpu.vector_load_idx %gather3A_2462[%add3A_2457, %broadcast_in_dim3A_2435] : memref<64x128xf32, #tpu.memory_space<vmem>>[vector<16xi32>, vector<16xi32>], vector<16xf32>,
      tpu.vector_store_idx %arg7[%add3A_2457, %broadcast_in_dim3A_2436], %gather3A_2463 : memref<64x512xf32, #tpu.memory_space<vmem>>[vector<16xi32>, vector<16xi32>], vector<16xf32>,
      %add3A_2464 = arith.constant 48 : i32
      %add3A_2465 = vector.broadcast %add3A_2464 : i32 to vector<16xi32>
      %add3A_2466 = arith.addi %iota3A, %add3A_2465 : vector<16xi32>
      %gather3A_2467 = arith.constant 7 : i32
      %gather3A_2468 = arith.constant 0 : i32
      %gather3A_2469 = arith.constant 0 : i32
      %gather3A_2470 = tpu.memref_slice %arg6[%gather3A_2467, %gather3A_2468, %gather3A_2469] : memref<8x64x128xf32, #tpu.memory_space<vmem>> -> memref<1x64x128xf32, #tpu.memory_space<vmem>>
      %gather3A_2471 = tpu.memref_squeeze %gather3A_2470 : memref<1x64x128xf32, #tpu.memory_space<vmem>> -> memref<64x128xf32, #tpu.memory_space<vmem>>
      %gather3A_2472 = tpu.vector_load_idx %gather3A_2471[%add3A_2466, %broadcast_in_dim3A_2435] : memref<64x128xf32, #tpu.memory_space<vmem>>[vector<16xi32>, vector<16xi32>], vector<16xf32>,
      tpu.vector_store_idx %arg7[%add3A_2466, %broadcast_in_dim3A_2436], %gather3A_2472 : memref<64x512xf32, #tpu.memory_space<vmem>>[vector<16xi32>, vector<16xi32>], vector<16xf32>,
      %slice3A_2473 = vector.extract_strided_slice %get3A_1243 {offsets = [7], sizes = [1], strides = [1]} : vector<16xi32> to vector<1xi32>
      %squeeze3A_2474 = vector.extract %slice3A_2473[0] : i32 from vector<1xi32>
      %shift_right_logical3A_2475 = arith.constant 7 : i32
      %shift_right_logical3A_2476 = arith.shrui %squeeze3A_2474, %shift_right_logical3A_2475 : i32
      %mul3A_2477 = arith.constant 128 : i32
      %mul3A_2478 = arith.muli %shift_right_logical3A_2476, %mul3A_2477 : i32
      %dma_start3A_2479 = arith.constant 7 : i32
      %dma_start3A_2480 = arith.constant 0 : i32
      %dma_start3A_2481 = arith.constant 0 : i32
      %dma_start3A_2482 = tpu.memref_slice %arg6[%dma_start3A_2479, %dma_start3A_2480, %dma_start3A_2481] : memref<8x64x128xf32, #tpu.memory_space<vmem>> -> memref<1x64x128xf32, #tpu.memory_space<vmem>>
      %dma_start3A_2483 = tpu.memref_squeeze %dma_start3A_2482 : memref<1x64x128xf32, #tpu.memory_space<vmem>> -> memref<64x128xf32, #tpu.memory_space<vmem>>
      %dma_start3A_2484 = arith.constant 0 : i32
      %dma_start3A_2485 = tpu.memref_slice %arg2[%dma_start3A_2484, %mul3A_2478] : memref<64x1000001xf32, #tpu.memory_space<hbm>> -> memref<64x128xf32, #tpu.memory_space<hbm>>
      %dma_start3A_2486 = arith.constant 0 : i32
      %dma_start3A_2487 = arith.constant 0 : i32
      %dma_start3A_2488 = tpu.memref_slice %arg6[%dma_start3A_2479, %dma_start3A_2486, %dma_start3A_2487] : memref<8x64x128xf32, #tpu.memory_space<vmem>> -> memref<1x64x128xf32, #tpu.memory_space<vmem>>
      %dma_start3A_2489 = tpu.memref_squeeze %dma_start3A_2488 : memref<1x64x128xf32, #tpu.memory_space<vmem>> -> memref<64x128xf32, #tpu.memory_space<vmem>>
      %dma_start3A_2490 = arith.constant 0 : i32
      %dma_start3A_2491 = tpu.memref_slice %arg2[%dma_start3A_2490, %mul3A_2478] : memref<64x1000001xf32, #tpu.memory_space<hbm>> -> memref<64x128xf32, #tpu.memory_space<hbm>>
      tpu.enqueue_dma source(%dma_start3A_2491 : memref<64x128xf32, #tpu.memory_space<hbm>>) target(%dma_start3A_2489 : memref<64x128xf32, #tpu.memory_space<vmem>>) target_semaphore(%arg8 : memref<!tpu.dma_semaphore, #tpu.memory_space<semaphore_mem>>)
      scf.yield %get3A_1243 : vector<16xi32>
    }
    %scan3A_156 = arith.constant 31 : i32
    %dma_wait3A = arith.constant 0 : i32
    %dma_wait3A_157 = arith.constant 0 : i32
    %dma_wait3A_158 = arith.constant 0 : i32
    %dma_wait3A_159 = tpu.memref_slice %arg6[%dma_wait3A, %dma_wait3A_157, %dma_wait3A_158] : memref<8x64x128xf32, #tpu.memory_space<vmem>> -> memref<1x64x128xf32, #tpu.memory_space<vmem>>
    %dma_wait3A_160 = tpu.memref_squeeze %dma_wait3A_159 : memref<1x64x128xf32, #tpu.memory_space<vmem>> -> memref<64x128xf32, #tpu.memory_space<vmem>>
    %dma_wait3A_161 = arith.constant 0 : i32
    %dma_wait3A_162 = arith.constant 0 : i32
    %dma_wait3A_163 = tpu.memref_slice %arg2[%dma_wait3A_161, %dma_wait3A_162] : memref<64x1000001xf32, #tpu.memory_space<hbm>> -> memref<64x128xf32, #tpu.memory_space<hbm>>
    %dma_wait3A_164 = arith.constant 0 : i32
    %dma_wait3A_165 = arith.constant 0 : i32
    %dma_wait3A_166 = tpu.memref_slice %arg6[%dma_wait3A, %dma_wait3A_164, %dma_wait3A_165] : memref<8x64x128xf32, #tpu.memory_space<vmem>> -> memref<1x64x128xf32, #tpu.memory_space<vmem>>
    %dma_wait3A_167 = tpu.memref_squeeze %dma_wait3A_166 : memref<1x64x128xf32, #tpu.memory_space<vmem>> -> memref<64x128xf32, #tpu.memory_space<vmem>>
    %dma_wait3A_168 = arith.constant 0 : i32
    %dma_wait3A_169 = arith.constant 0 : i32
    %dma_wait3A_170 = tpu.memref_slice %arg2[%dma_wait3A_168, %dma_wait3A_169] : memref<64x1000001xf32, #tpu.memory_space<hbm>> -> memref<64x128xf32, #tpu.memory_space<hbm>>
    tpu.wait_dma2 semaphore(%arg8 : memref<!tpu.dma_semaphore, #tpu.memory_space<semaphore_mem>>) src(%dma_wait3A_170 : memref<64x128xf32, #tpu.memory_space<hbm>>) dst(%dma_wait3A_167 : memref<64x128xf32, #tpu.memory_space<vmem>>)
    %slice3A_171 = vector.extract_strided_slice %scan3A_155 {offsets = [0], sizes = [1], strides = [1]} : vector<16xi32> to vector<1xi32>
    %squeeze3A_172 = vector.extract %slice3A_171[0] : i32 from vector<1xi32>
    %and3A = arith.constant 127 : i32
    %and3A_173 = arith.andi %squeeze3A_172, %and3A : i32
    %broadcast_in_dim3A = vector.broadcast %and3A_173 : i32 to vector<16xi32>
    %broadcast_in_dim3A_174 = arith.constant 496 : i32
    %broadcast_in_dim3A_175 = vector.broadcast %broadcast_in_dim3A_174 : i32 to vector<16xi32>
    %add3A_176 = arith.constant 0 : i32
    %add3A_177 = vector.broadcast %add3A_176 : i32 to vector<16xi32>
    %add3A_178 = arith.addi %iota3A, %add3A_177 : vector<16xi32>
    %gather3A = arith.constant 0 : i32
    %gather3A_179 = arith.constant 0 : i32
    %gather3A_180 = arith.constant 0 : i32
    %gather3A_181 = tpu.memref_slice %arg6[%gather3A, %gather3A_179, %gather3A_180] : memref<8x64x128xf32, #tpu.memory_space<vmem>> -> memref<1x64x128xf32, #tpu.memory_space<vmem>>
    %gather3A_182 = tpu.memref_squeeze %gather3A_181 : memref<1x64x128xf32, #tpu.memory_space<vmem>> -> memref<64x128xf32, #tpu.memory_space<vmem>>
    %gather3A_183 = tpu.vector_load_idx %gather3A_182[%add3A_178, %broadcast_in_dim3A] : memref<64x128xf32, #tpu.memory_space<vmem>>[vector<16xi32>, vector<16xi32>], vector<16xf32>,
    tpu.vector_store_idx %arg7[%add3A_178, %broadcast_in_dim3A_175], %gather3A_183 : memref<64x512xf32, #tpu.memory_space<vmem>>[vector<16xi32>, vector<16xi32>], vector<16xf32>,
    %add3A_184 = arith.constant 16 : i32
    %add3A_185 = vector.broadcast %add3A_184 : i32 to vector<16xi32>
    %add3A_186 = arith.addi %iota3A, %add3A_185 : vector<16xi32>
    %gather3A_187 = arith.constant 0 : i32
    %gather3A_188 = arith.constant 0 : i32
    %gather3A_189 = arith.constant 0 : i32
    %gather3A_190 = tpu.memref_slice %arg6[%gather3A_187, %gather3A_188, %gather3A_189] : memref<8x64x128xf32, #tpu.memory_space<vmem>> -> memref<1x64x128xf32, #tpu.memory_space<vmem>>
    %gather3A_191 = tpu.memref_squeeze %gather3A_190 : memref<1x64x128xf32, #tpu.memory_space<vmem>> -> memref<64x128xf32, #tpu.memory_space<vmem>>
    %gather3A_192 = tpu.vector_load_idx %gather3A_191[%add3A_186, %broadcast_in_dim3A] : memref<64x128xf32, #tpu.memory_space<vmem>>[vector<16xi32>, vector<16xi32>], vector<16xf32>,
    tpu.vector_store_idx %arg7[%add3A_186, %broadcast_in_dim3A_175], %gather3A_192 : memref<64x512xf32, #tpu.memory_space<vmem>>[vector<16xi32>, vector<16xi32>], vector<16xf32>,
    %add3A_193 = arith.constant 32 : i32
    %add3A_194 = vector.broadcast %add3A_193 : i32 to vector<16xi32>
    %add3A_195 = arith.addi %iota3A, %add3A_194 : vector<16xi32>
    %gather3A_196 = arith.constant 0 : i32
    %gather3A_197 = arith.constant 0 : i32
    %gather3A_198 = arith.constant 0 : i32
    %gather3A_199 = tpu.memref_slice %arg6[%gather3A_196, %gather3A_197, %gather3A_198] : memref<8x64x128xf32, #tpu.memory_space<vmem>> -> memref<1x64x128xf32, #tpu.memory_space<vmem>>
    %gather3A_200 = tpu.memref_squeeze %gather3A_199 : memref<1x64x128xf32, #tpu.memory_space<vmem>> -> memref<64x128xf32, #tpu.memory_space<vmem>>
    %gather3A_201 = tpu.vector_load_idx %gather3A_200[%add3A_195, %broadcast_in_dim3A] : memref<64x128xf32, #tpu.memory_space<vmem>>[vector<16xi32>, vector<16xi32>], vector<16xf32>,
    tpu.vector_store_idx %arg7[%add3A_195, %broadcast_in_dim3A_175], %gather3A_201 : memref<64x512xf32, #tpu.memory_space<vmem>>[vector<16xi32>, vector<16xi32>], vector<16xf32>,
    %add3A_202 = arith.constant 48 : i32
    %add3A_203 = vector.broadcast %add3A_202 : i32 to vector<16xi32>
    %add3A_204 = arith.addi %iota3A, %add3A_203 : vector<16xi32>
    %gather3A_205 = arith.constant 0 : i32
    %gather3A_206 = arith.constant 0 : i32
    %gather3A_207 = arith.constant 0 : i32
    %gather3A_208 = tpu.memref_slice %arg6[%gather3A_205, %gather3A_206, %gather3A_207] : memref<8x64x128xf32, #tpu.memory_space<vmem>> -> memref<1x64x128xf32, #tpu.memory_space<vmem>>
    %gather3A_209 = tpu.memref_squeeze %gather3A_208 : memref<1x64x128xf32, #tpu.memory_space<vmem>> -> memref<64x128xf32, #tpu.memory_space<vmem>>
    %gather3A_210 = tpu.vector_load_idx %gather3A_209[%add3A_204, %broadcast_in_dim3A] : memref<64x128xf32, #tpu.memory_space<vmem>>[vector<16xi32>, vector<16xi32>], vector<16xf32>,
    tpu.vector_store_idx %arg7[%add3A_204, %broadcast_in_dim3A_175], %gather3A_210 : memref<64x512xf32, #tpu.memory_space<vmem>>[vector<16xi32>, vector<16xi32>], vector<16xf32>,
    %slice3A_211 = vector.extract_strided_slice %scan3A_155 {offsets = [8], sizes = [1], strides = [1]} : vector<16xi32> to vector<1xi32>
    %squeeze3A_212 = vector.extract %slice3A_211[0] : i32 from vector<1xi32>
    %shift_right_logical3A_213 = arith.constant 7 : i32
    %shift_right_logical3A_214 = arith.shrui %squeeze3A_212, %shift_right_logical3A_213 : i32
    %mul3A_215 = arith.constant 128 : i32
    %mul3A_216 = arith.muli %shift_right_logical3A_214, %mul3A_215 : i32
    %dma_start3A_217 = arith.constant 0 : i32
    %dma_start3A_218 = arith.constant 0 : i32
    %dma_start3A_219 = arith.constant 0 : i32
    %dma_start3A_220 = tpu.memref_slice %arg6[%dma_start3A_217, %dma_start3A_218, %dma_start3A_219] : memref<8x64x128xf32, #tpu.memory_space<vmem>> -> memref<1x64x128xf32, #tpu.memory_space<vmem>>
    %dma_start3A_221 = tpu.memref_squeeze %dma_start3A_220 : memref<1x64x128xf32, #tpu.memory_space<vmem>> -> memref<64x128xf32, #tpu.memory_space<vmem>>
    %dma_start3A_222 = arith.constant 0 : i32
    %dma_start3A_223 = tpu.memref_slice %arg2[%dma_start3A_222, %mul3A_216] : memref<64x1000001xf32, #tpu.memory_space<hbm>> -> memref<64x128xf32, #tpu.memory_space<hbm>>
    %dma_start3A_224 = arith.constant 0 : i32
    %dma_start3A_225 = arith.constant 0 : i32
    %dma_start3A_226 = tpu.memref_slice %arg6[%dma_start3A_217, %dma_start3A_224, %dma_start3A_225] : memref<8x64x128xf32, #tpu.memory_space<vmem>> -> memref<1x64x128xf32, #tpu.memory_space<vmem>>
    %dma_start3A_227 = tpu.memref_squeeze %dma_start3A_226 : memref<1x64x128xf32, #tpu.memory_space<vmem>> -> memref<64x128xf32, #tpu.memory_space<vmem>>
    %dma_start3A_228 = arith.constant 0 : i32
    %dma_start3A_229 = tpu.memref_slice %arg2[%dma_start3A_228, %mul3A_216] : memref<64x1000001xf32, #tpu.memory_space<hbm>> -> memref<64x128xf32, #tpu.memory_space<hbm>>
    tpu.enqueue_dma source(%dma_start3A_229 : memref<64x128xf32, #tpu.memory_space<hbm>>) target(%dma_start3A_227 : memref<64x128xf32, #tpu.memory_space<vmem>>) target_semaphore(%arg8 : memref<!tpu.dma_semaphore, #tpu.memory_space<semaphore_mem>>)
    %dma_wait3A_230 = arith.constant 1 : i32
    %dma_wait3A_231 = arith.constant 0 : i32
    %dma_wait3A_232 = arith.constant 0 : i32
    %dma_wait3A_233 = tpu.memref_slice %arg6[%dma_wait3A_230, %dma_wait3A_231, %dma_wait3A_232] : memref<8x64x128xf32, #tpu.memory_space<vmem>> -> memref<1x64x128xf32, #tpu.memory_space<vmem>>
    %dma_wait3A_234 = tpu.memref_squeeze %dma_wait3A_233 : memref<1x64x128xf32, #tpu.memory_space<vmem>> -> memref<64x128xf32, #tpu.memory_space<vmem>>
    %dma_wait3A_235 = arith.constant 0 : i32
    %dma_wait3A_236 = arith.constant 0 : i32
    %dma_wait3A_237 = tpu.memref_slice %arg2[%dma_wait3A_235, %dma_wait3A_236] : memref<64x1000001xf32, #tpu.memory_space<hbm>> -> memref<64x128xf32, #tpu.memory_space<hbm>>
    %dma_wait3A_238 = arith.constant 0 : i32
    %dma_wait3A_239 = arith.constant 0 : i32
    %dma_wait3A_240 = tpu.memref_slice %arg6[%dma_wait3A_230, %dma_wait3A_238, %dma_wait3A_239] : memref<8x64x128xf32, #tpu.memory_space<vmem>> -> memref<1x64x128xf32, #tpu.memory_space<vmem>>
    %dma_wait3A_241 = tpu.memref_squeeze %dma_wait3A_240 : memref<1x64x128xf32, #tpu.memory_space<vmem>> -> memref<64x128xf32, #tpu.memory_space<vmem>>
    %dma_wait3A_242 = arith.constant 0 : i32
    %dma_wait3A_243 = arith.constant 0 : i32
    %dma_wait3A_244 = tpu.memref_slice %arg2[%dma_wait3A_242, %dma_wait3A_243] : memref<64x1000001xf32, #tpu.memory_space<hbm>> -> memref<64x128xf32, #tpu.memory_space<hbm>>
    tpu.wait_dma2 semaphore(%arg8 : memref<!tpu.dma_semaphore, #tpu.memory_space<semaphore_mem>>) src(%dma_wait3A_244 : memref<64x128xf32, #tpu.memory_space<hbm>>) dst(%dma_wait3A_241 : memref<64x128xf32, #tpu.memory_space<vmem>>)
    %slice3A_245 = vector.extract_strided_slice %scan3A_155 {offsets = [1], sizes = [1], strides = [1]} : vector<16xi32> to vector<1xi32>
    %squeeze3A_246 = vector.extract %slice3A_245[0] : i32 from vector<1xi32>
    %and3A_247 = arith.constant 127 : i32
    %and3A_248 = arith.andi %squeeze3A_246, %and3A_247 : i32
    %broadcast_in_dim3A_249 = vector.broadcast %and3A_248 : i32 to vector<16xi32>
    %broadcast_in_dim3A_250 = arith.constant 497 : i32
    %broadcast_in_dim3A_251 = vector.broadcast %broadcast_in_dim3A_250 : i32 to vector<16xi32>
    %add3A_252 = arith.constant 0 : i32
    %add3A_253 = vector.broadcast %add3A_252 : i32 to vector<16xi32>
    %add3A_254 = arith.addi %iota3A, %add3A_253 : vector<16xi32>
    %gather3A_255 = arith.constant 1 : i32
    %gather3A_256 = arith.constant 0 : i32
    %gather3A_257 = arith.constant 0 : i32
    %gather3A_258 = tpu.memref_slice %arg6[%gather3A_255, %gather3A_256, %gather3A_257] : memref<8x64x128xf32, #tpu.memory_space<vmem>> -> memref<1x64x128xf32, #tpu.memory_space<vmem>>
    %gather3A_259 = tpu.memref_squeeze %gather3A_258 : memref<1x64x128xf32, #tpu.memory_space<vmem>> -> memref<64x128xf32, #tpu.memory_space<vmem>>
    %gather3A_260 = tpu.vector_load_idx %gather3A_259[%add3A_254, %broadcast_in_dim3A_249] : memref<64x128xf32, #tpu.memory_space<vmem>>[vector<16xi32>, vector<16xi32>], vector<16xf32>,
    tpu.vector_store_idx %arg7[%add3A_254, %broadcast_in_dim3A_251], %gather3A_260 : memref<64x512xf32, #tpu.memory_space<vmem>>[vector<16xi32>, vector<16xi32>], vector<16xf32>,
    %add3A_261 = arith.constant 16 : i32
    %add3A_262 = vector.broadcast %add3A_261 : i32 to vector<16xi32>
    %add3A_263 = arith.addi %iota3A, %add3A_262 : vector<16xi32>
    %gather3A_264 = arith.constant 1 : i32
    %gather3A_265 = arith.constant 0 : i32
    %gather3A_266 = arith.constant 0 : i32
    %gather3A_267 = tpu.memref_slice %arg6[%gather3A_264, %gather3A_265, %gather3A_266] : memref<8x64x128xf32, #tpu.memory_space<vmem>> -> memref<1x64x128xf32, #tpu.memory_space<vmem>>
    %gather3A_268 = tpu.memref_squeeze %gather3A_267 : memref<1x64x128xf32, #tpu.memory_space<vmem>> -> memref<64x128xf32, #tpu.memory_space<vmem>>
    %gather3A_269 = tpu.vector_load_idx %gather3A_268[%add3A_263, %broadcast_in_dim3A_249] : memref<64x128xf32, #tpu.memory_space<vmem>>[vector<16xi32>, vector<16xi32>], vector<16xf32>,
    tpu.vector_store_idx %arg7[%add3A_263, %broadcast_in_dim3A_251], %gather3A_269 : memref<64x512xf32, #tpu.memory_space<vmem>>[vector<16xi32>, vector<16xi32>], vector<16xf32>,
    %add3A_270 = arith.constant 32 : i32
    %add3A_271 = vector.broadcast %add3A_270 : i32 to vector<16xi32>
    %add3A_272 = arith.addi %iota3A, %add3A_271 : vector<16xi32>
    %gather3A_273 = arith.constant 1 : i32
    %gather3A_274 = arith.constant 0 : i32
    %gather3A_275 = arith.constant 0 : i32
    %gather3A_276 = tpu.memref_slice %arg6[%gather3A_273, %gather3A_274, %gather3A_275] : memref<8x64x128xf32, #tpu.memory_space<vmem>> -> memref<1x64x128xf32, #tpu.memory_space<vmem>>
    %gather3A_277 = tpu.memref_squeeze %gather3A_276 : memref<1x64x128xf32, #tpu.memory_space<vmem>> -> memref<64x128xf32, #tpu.memory_space<vmem>>
    %gather3A_278 = tpu.vector_load_idx %gather3A_277[%add3A_272, %broadcast_in_dim3A_249] : memref<64x128xf32, #tpu.memory_space<vmem>>[vector<16xi32>, vector<16xi32>], vector<16xf32>,
    tpu.vector_store_idx %arg7[%add3A_272, %broadcast_in_dim3A_251], %gather3A_278 : memref<64x512xf32, #tpu.memory_space<vmem>>[vector<16xi32>, vector<16xi32>], vector<16xf32>,
    %add3A_279 = arith.constant 48 : i32
    %add3A_280 = vector.broadcast %add3A_279 : i32 to vector<16xi32>
    %add3A_281 = arith.addi %iota3A, %add3A_280 : vector<16xi32>
    %gather3A_282 = arith.constant 1 : i32
    %gather3A_283 = arith.constant 0 : i32
    %gather3A_284 = arith.constant 0 : i32
    %gather3A_285 = tpu.memref_slice %arg6[%gather3A_282, %gather3A_283, %gather3A_284] : memref<8x64x128xf32, #tpu.memory_space<vmem>> -> memref<1x64x128xf32, #tpu.memory_space<vmem>>
    %gather3A_286 = tpu.memref_squeeze %gather3A_285 : memref<1x64x128xf32, #tpu.memory_space<vmem>> -> memref<64x128xf32, #tpu.memory_space<vmem>>
    %gather3A_287 = tpu.vector_load_idx %gather3A_286[%add3A_281, %broadcast_in_dim3A_249] : memref<64x128xf32, #tpu.memory_space<vmem>>[vector<16xi32>, vector<16xi32>], vector<16xf32>,
    tpu.vector_store_idx %arg7[%add3A_281, %broadcast_in_dim3A_251], %gather3A_287 : memref<64x512xf32, #tpu.memory_space<vmem>>[vector<16xi32>, vector<16xi32>], vector<16xf32>,
    %slice3A_288 = vector.extract_strided_slice %scan3A_155 {offsets = [9], sizes = [1], strides = [1]} : vector<16xi32> to vector<1xi32>
    %squeeze3A_289 = vector.extract %slice3A_288[0] : i32 from vector<1xi32>
    %shift_right_logical3A_290 = arith.constant 7 : i32
    %shift_right_logical3A_291 = arith.shrui %squeeze3A_289, %shift_right_logical3A_290 : i32
    %mul3A_292 = arith.constant 128 : i32
    %mul3A_293 = arith.muli %shift_right_logical3A_291, %mul3A_292 : i32
    %dma_start3A_294 = arith.constant 1 : i32
    %dma_start3A_295 = arith.constant 0 : i32
    %dma_start3A_296 = arith.constant 0 : i32
    %dma_start3A_297 = tpu.memref_slice %arg6[%dma_start3A_294, %dma_start3A_295, %dma_start3A_296] : memref<8x64x128xf32, #tpu.memory_space<vmem>> -> memref<1x64x128xf32, #tpu.memory_space<vmem>>
    %dma_start3A_298 = tpu.memref_squeeze %dma_start3A_297 : memref<1x64x128xf32, #tpu.memory_space<vmem>> -> memref<64x128xf32, #tpu.memory_space<vmem>>
    %dma_start3A_299 = arith.constant 0 : i32
    %dma_start3A_300 = tpu.memref_slice %arg2[%dma_start3A_299, %mul3A_293] : memref<64x1000001xf32, #tpu.memory_space<hbm>> -> memref<64x128xf32, #tpu.memory_space<hbm>>
    %dma_start3A_301 = arith.constant 0 : i32
    %dma_start3A_302 = arith.constant 0 : i32
    %dma_start3A_303 = tpu.memref_slice %arg6[%dma_start3A_294, %dma_start3A_301, %dma_start3A_302] : memref<8x64x128xf32, #tpu.memory_space<vmem>> -> memref<1x64x128xf32, #tpu.memory_space<vmem>>
    %dma_start3A_304 = tpu.memref_squeeze %dma_start3A_303 : memref<1x64x128xf32, #tpu.memory_space<vmem>> -> memref<64x128xf32, #tpu.memory_space<vmem>>
    %dma_start3A_305 = arith.constant 0 : i32
    %dma_start3A_306 = tpu.memref_slice %arg2[%dma_start3A_305, %mul3A_293] : memref<64x1000001xf32, #tpu.memory_space<hbm>> -> memref<64x128xf32, #tpu.memory_space<hbm>>
    tpu.enqueue_dma source(%dma_start3A_306 : memref<64x128xf32, #tpu.memory_space<hbm>>) target(%dma_start3A_304 : memref<64x128xf32, #tpu.memory_space<vmem>>) target_semaphore(%arg8 : memref<!tpu.dma_semaphore, #tpu.memory_space<semaphore_mem>>)
    %dma_wait3A_307 = arith.constant 2 : i32
    %dma_wait3A_308 = arith.constant 0 : i32
    %dma_wait3A_309 = arith.constant 0 : i32
    %dma_wait3A_310 = tpu.memref_slice %arg6[%dma_wait3A_307, %dma_wait3A_308, %dma_wait3A_309] : memref<8x64x128xf32, #tpu.memory_space<vmem>> -> memref<1x64x128xf32, #tpu.memory_space<vmem>>
    %dma_wait3A_311 = tpu.memref_squeeze %dma_wait3A_310 : memref<1x64x128xf32, #tpu.memory_space<vmem>> -> memref<64x128xf32, #tpu.memory_space<vmem>>
    %dma_wait3A_312 = arith.constant 0 : i32
    %dma_wait3A_313 = arith.constant 0 : i32
    %dma_wait3A_314 = tpu.memref_slice %arg2[%dma_wait3A_312, %dma_wait3A_313] : memref<64x1000001xf32, #tpu.memory_space<hbm>> -> memref<64x128xf32, #tpu.memory_space<hbm>>
    %dma_wait3A_315 = arith.constant 0 : i32
    %dma_wait3A_316 = arith.constant 0 : i32
    %dma_wait3A_317 = tpu.memref_slice %arg6[%dma_wait3A_307, %dma_wait3A_315, %dma_wait3A_316] : memref<8x64x128xf32, #tpu.memory_space<vmem>> -> memref<1x64x128xf32, #tpu.memory_space<vmem>>
    %dma_wait3A_318 = tpu.memref_squeeze %dma_wait3A_317 : memref<1x64x128xf32, #tpu.memory_space<vmem>> -> memref<64x128xf32, #tpu.memory_space<vmem>>
    %dma_wait3A_319 = arith.constant 0 : i32
    %dma_wait3A_320 = arith.constant 0 : i32
    %dma_wait3A_321 = tpu.memref_slice %arg2[%dma_wait3A_319, %dma_wait3A_320] : memref<64x1000001xf32, #tpu.memory_space<hbm>> -> memref<64x128xf32, #tpu.memory_space<hbm>>
    tpu.wait_dma2 semaphore(%arg8 : memref<!tpu.dma_semaphore, #tpu.memory_space<semaphore_mem>>) src(%dma_wait3A_321 : memref<64x128xf32, #tpu.memory_space<hbm>>) dst(%dma_wait3A_318 : memref<64x128xf32, #tpu.memory_space<vmem>>)
    %slice3A_322 = vector.extract_strided_slice %scan3A_155 {offsets = [2], sizes = [1], strides = [1]} : vector<16xi32> to vector<1xi32>
    %squeeze3A_323 = vector.extract %slice3A_322[0] : i32 from vector<1xi32>
    %and3A_324 = arith.constant 127 : i32
    %and3A_325 = arith.andi %squeeze3A_323, %and3A_324 : i32
    %broadcast_in_dim3A_326 = vector.broadcast %and3A_325 : i32 to vector<16xi32>
    %broadcast_in_dim3A_327 = arith.constant 498 : i32
    %broadcast_in_dim3A_328 = vector.broadcast %broadcast_in_dim3A_327 : i32 to vector<16xi32>
    %add3A_329 = arith.constant 0 : i32
    %add3A_330 = vector.broadcast %add3A_329 : i32 to vector<16xi32>
    %add3A_331 = arith.addi %iota3A, %add3A_330 : vector<16xi32>
    %gather3A_332 = arith.constant 2 : i32
    %gather3A_333 = arith.constant 0 : i32
    %gather3A_334 = arith.constant 0 : i32
    %gather3A_335 = tpu.memref_slice %arg6[%gather3A_332, %gather3A_333, %gather3A_334] : memref<8x64x128xf32, #tpu.memory_space<vmem>> -> memref<1x64x128xf32, #tpu.memory_space<vmem>>
    %gather3A_336 = tpu.memref_squeeze %gather3A_335 : memref<1x64x128xf32, #tpu.memory_space<vmem>> -> memref<64x128xf32, #tpu.memory_space<vmem>>
    %gather3A_337 = tpu.vector_load_idx %gather3A_336[%add3A_331, %broadcast_in_dim3A_326] : memref<64x128xf32, #tpu.memory_space<vmem>>[vector<16xi32>, vector<16xi32>], vector<16xf32>,
    tpu.vector_store_idx %arg7[%add3A_331, %broadcast_in_dim3A_328], %gather3A_337 : memref<64x512xf32, #tpu.memory_space<vmem>>[vector<16xi32>, vector<16xi32>], vector<16xf32>,
    %add3A_338 = arith.constant 16 : i32
    %add3A_339 = vector.broadcast %add3A_338 : i32 to vector<16xi32>
    %add3A_340 = arith.addi %iota3A, %add3A_339 : vector<16xi32>
    %gather3A_341 = arith.constant 2 : i32
    %gather3A_342 = arith.constant 0 : i32
    %gather3A_343 = arith.constant 0 : i32
    %gather3A_344 = tpu.memref_slice %arg6[%gather3A_341, %gather3A_342, %gather3A_343] : memref<8x64x128xf32, #tpu.memory_space<vmem>> -> memref<1x64x128xf32, #tpu.memory_space<vmem>>
    %gather3A_345 = tpu.memref_squeeze %gather3A_344 : memref<1x64x128xf32, #tpu.memory_space<vmem>> -> memref<64x128xf32, #tpu.memory_space<vmem>>
    %gather3A_346 = tpu.vector_load_idx %gather3A_345[%add3A_340, %broadcast_in_dim3A_326] : memref<64x128xf32, #tpu.memory_space<vmem>>[vector<16xi32>, vector<16xi32>], vector<16xf32>,
    tpu.vector_store_idx %arg7[%add3A_340, %broadcast_in_dim3A_328], %gather3A_346 : memref<64x512xf32, #tpu.memory_space<vmem>>[vector<16xi32>, vector<16xi32>], vector<16xf32>,
    %add3A_347 = arith.constant 32 : i32
    %add3A_348 = vector.broadcast %add3A_347 : i32 to vector<16xi32>
    %add3A_349 = arith.addi %iota3A, %add3A_348 : vector<16xi32>
    %gather3A_350 = arith.constant 2 : i32
    %gather3A_351 = arith.constant 0 : i32
    %gather3A_352 = arith.constant 0 : i32
    %gather3A_353 = tpu.memref_slice %arg6[%gather3A_350, %gather3A_351, %gather3A_352] : memref<8x64x128xf32, #tpu.memory_space<vmem>> -> memref<1x64x128xf32, #tpu.memory_space<vmem>>
    %gather3A_354 = tpu.memref_squeeze %gather3A_353 : memref<1x64x128xf32, #tpu.memory_space<vmem>> -> memref<64x128xf32, #tpu.memory_space<vmem>>
    %gather3A_355 = tpu.vector_load_idx %gather3A_354[%add3A_349, %broadcast_in_dim3A_326] : memref<64x128xf32, #tpu.memory_space<vmem>>[vector<16xi32>, vector<16xi32>], vector<16xf32>,
    tpu.vector_store_idx %arg7[%add3A_349, %broadcast_in_dim3A_328], %gather3A_355 : memref<64x512xf32, #tpu.memory_space<vmem>>[vector<16xi32>, vector<16xi32>], vector<16xf32>,
    %add3A_356 = arith.constant 48 : i32
    %add3A_357 = vector.broadcast %add3A_356 : i32 to vector<16xi32>
    %add3A_358 = arith.addi %iota3A, %add3A_357 : vector<16xi32>
    %gather3A_359 = arith.constant 2 : i32
    %gather3A_360 = arith.constant 0 : i32
    %gather3A_361 = arith.constant 0 : i32
    %gather3A_362 = tpu.memref_slice %arg6[%gather3A_359, %gather3A_360, %gather3A_361] : memref<8x64x128xf32, #tpu.memory_space<vmem>> -> memref<1x64x128xf32, #tpu.memory_space<vmem>>
    %gather3A_363 = tpu.memref_squeeze %gather3A_362 : memref<1x64x128xf32, #tpu.memory_space<vmem>> -> memref<64x128xf32, #tpu.memory_space<vmem>>
    %gather3A_364 = tpu.vector_load_idx %gather3A_363[%add3A_358, %broadcast_in_dim3A_326] : memref<64x128xf32, #tpu.memory_space<vmem>>[vector<16xi32>, vector<16xi32>], vector<16xf32>,
    tpu.vector_store_idx %arg7[%add3A_358, %broadcast_in_dim3A_328], %gather3A_364 : memref<64x512xf32, #tpu.memory_space<vmem>>[vector<16xi32>, vector<16xi32>], vector<16xf32>,
    %slice3A_365 = vector.extract_strided_slice %scan3A_155 {offsets = [10], sizes = [1], strides = [1]} : vector<16xi32> to vector<1xi32>
    %squeeze3A_366 = vector.extract %slice3A_365[0] : i32 from vector<1xi32>
    %shift_right_logical3A_367 = arith.constant 7 : i32
    %shift_right_logical3A_368 = arith.shrui %squeeze3A_366, %shift_right_logical3A_367 : i32
    %mul3A_369 = arith.constant 128 : i32
    %mul3A_370 = arith.muli %shift_right_logical3A_368, %mul3A_369 : i32
    %dma_start3A_371 = arith.constant 2 : i32
    %dma_start3A_372 = arith.constant 0 : i32
    %dma_start3A_373 = arith.constant 0 : i32
    %dma_start3A_374 = tpu.memref_slice %arg6[%dma_start3A_371, %dma_start3A_372, %dma_start3A_373] : memref<8x64x128xf32, #tpu.memory_space<vmem>> -> memref<1x64x128xf32, #tpu.memory_space<vmem>>
    %dma_start3A_375 = tpu.memref_squeeze %dma_start3A_374 : memref<1x64x128xf32, #tpu.memory_space<vmem>> -> memref<64x128xf32, #tpu.memory_space<vmem>>
    %dma_start3A_376 = arith.constant 0 : i32
    %dma_start3A_377 = tpu.memref_slice %arg2[%dma_start3A_376, %mul3A_370] : memref<64x1000001xf32, #tpu.memory_space<hbm>> -> memref<64x128xf32, #tpu.memory_space<hbm>>
    %dma_start3A_378 = arith.constant 0 : i32
    %dma_start3A_379 = arith.constant 0 : i32
    %dma_start3A_380 = tpu.memref_slice %arg6[%dma_start3A_371, %dma_start3A_378, %dma_start3A_379] : memref<8x64x128xf32, #tpu.memory_space<vmem>> -> memref<1x64x128xf32, #tpu.memory_space<vmem>>
    %dma_start3A_381 = tpu.memref_squeeze %dma_start3A_380 : memref<1x64x128xf32, #tpu.memory_space<vmem>> -> memref<64x128xf32, #tpu.memory_space<vmem>>
    %dma_start3A_382 = arith.constant 0 : i32
    %dma_start3A_383 = tpu.memref_slice %arg2[%dma_start3A_382, %mul3A_370] : memref<64x1000001xf32, #tpu.memory_space<hbm>> -> memref<64x128xf32, #tpu.memory_space<hbm>>
    tpu.enqueue_dma source(%dma_start3A_383 : memref<64x128xf32, #tpu.memory_space<hbm>>) target(%dma_start3A_381 : memref<64x128xf32, #tpu.memory_space<vmem>>) target_semaphore(%arg8 : memref<!tpu.dma_semaphore, #tpu.memory_space<semaphore_mem>>)
    %dma_wait3A_384 = arith.constant 3 : i32
    %dma_wait3A_385 = arith.constant 0 : i32
    %dma_wait3A_386 = arith.constant 0 : i32
    %dma_wait3A_387 = tpu.memref_slice %arg6[%dma_wait3A_384, %dma_wait3A_385, %dma_wait3A_386] : memref<8x64x128xf32, #tpu.memory_space<vmem>> -> memref<1x64x128xf32, #tpu.memory_space<vmem>>
    %dma_wait3A_388 = tpu.memref_squeeze %dma_wait3A_387 : memref<1x64x128xf32, #tpu.memory_space<vmem>> -> memref<64x128xf32, #tpu.memory_space<vmem>>
    %dma_wait3A_389 = arith.constant 0 : i32
    %dma_wait3A_390 = arith.constant 0 : i32
    %dma_wait3A_391 = tpu.memref_slice %arg2[%dma_wait3A_389, %dma_wait3A_390] : memref<64x1000001xf32, #tpu.memory_space<hbm>> -> memref<64x128xf32, #tpu.memory_space<hbm>>
    %dma_wait3A_392 = arith.constant 0 : i32
    %dma_wait3A_393 = arith.constant 0 : i32
    %dma_wait3A_394 = tpu.memref_slice %arg6[%dma_wait3A_384, %dma_wait3A_392, %dma_wait3A_393] : memref<8x64x128xf32, #tpu.memory_space<vmem>> -> memref<1x64x128xf32, #tpu.memory_space<vmem>>
    %dma_wait3A_395 = tpu.memref_squeeze %dma_wait3A_394 : memref<1x64x128xf32, #tpu.memory_space<vmem>> -> memref<64x128xf32, #tpu.memory_space<vmem>>
    %dma_wait3A_396 = arith.constant 0 : i32
    %dma_wait3A_397 = arith.constant 0 : i32
    %dma_wait3A_398 = tpu.memref_slice %arg2[%dma_wait3A_396, %dma_wait3A_397] : memref<64x1000001xf32, #tpu.memory_space<hbm>> -> memref<64x128xf32, #tpu.memory_space<hbm>>
    tpu.wait_dma2 semaphore(%arg8 : memref<!tpu.dma_semaphore, #tpu.memory_space<semaphore_mem>>) src(%dma_wait3A_398 : memref<64x128xf32, #tpu.memory_space<hbm>>) dst(%dma_wait3A_395 : memref<64x128xf32, #tpu.memory_space<vmem>>)
    %slice3A_399 = vector.extract_strided_slice %scan3A_155 {offsets = [3], sizes = [1], strides = [1]} : vector<16xi32> to vector<1xi32>
    %squeeze3A_400 = vector.extract %slice3A_399[0] : i32 from vector<1xi32>
    %and3A_401 = arith.constant 127 : i32
    %and3A_402 = arith.andi %squeeze3A_400, %and3A_401 : i32
    %broadcast_in_dim3A_403 = vector.broadcast %and3A_402 : i32 to vector<16xi32>
    %broadcast_in_dim3A_404 = arith.constant 499 : i32
    %broadcast_in_dim3A_405 = vector.broadcast %broadcast_in_dim3A_404 : i32 to vector<16xi32>
    %add3A_406 = arith.constant 0 : i32
    %add3A_407 = vector.broadcast %add3A_406 : i32 to vector<16xi32>
    %add3A_408 = arith.addi %iota3A, %add3A_407 : vector<16xi32>
    %gather3A_409 = arith.constant 3 : i32
    %gather3A_410 = arith.constant 0 : i32
    %gather3A_411 = arith.constant 0 : i32
    %gather3A_412 = tpu.memref_slice %arg6[%gather3A_409, %gather3A_410, %gather3A_411] : memref<8x64x128xf32, #tpu.memory_space<vmem>> -> memref<1x64x128xf32, #tpu.memory_space<vmem>>
    %gather3A_413 = tpu.memref_squeeze %gather3A_412 : memref<1x64x128xf32, #tpu.memory_space<vmem>> -> memref<64x128xf32, #tpu.memory_space<vmem>>
    %gather3A_414 = tpu.vector_load_idx %gather3A_413[%add3A_408, %broadcast_in_dim3A_403] : memref<64x128xf32, #tpu.memory_space<vmem>>[vector<16xi32>, vector<16xi32>], vector<16xf32>,
    tpu.vector_store_idx %arg7[%add3A_408, %broadcast_in_dim3A_405], %gather3A_414 : memref<64x512xf32, #tpu.memory_space<vmem>>[vector<16xi32>, vector<16xi32>], vector<16xf32>,
    %add3A_415 = arith.constant 16 : i32
    %add3A_416 = vector.broadcast %add3A_415 : i32 to vector<16xi32>
    %add3A_417 = arith.addi %iota3A, %add3A_416 : vector<16xi32>
    %gather3A_418 = arith.constant 3 : i32
    %gather3A_419 = arith.constant 0 : i32
    %gather3A_420 = arith.constant 0 : i32
    %gather3A_421 = tpu.memref_slice %arg6[%gather3A_418, %gather3A_419, %gather3A_420] : memref<8x64x128xf32, #tpu.memory_space<vmem>> -> memref<1x64x128xf32, #tpu.memory_space<vmem>>
    %gather3A_422 = tpu.memref_squeeze %gather3A_421 : memref<1x64x128xf32, #tpu.memory_space<vmem>> -> memref<64x128xf32, #tpu.memory_space<vmem>>
    %gather3A_423 = tpu.vector_load_idx %gather3A_422[%add3A_417, %broadcast_in_dim3A_403] : memref<64x128xf32, #tpu.memory_space<vmem>>[vector<16xi32>, vector<16xi32>], vector<16xf32>,
    tpu.vector_store_idx %arg7[%add3A_417, %broadcast_in_dim3A_405], %gather3A_423 : memref<64x512xf32, #tpu.memory_space<vmem>>[vector<16xi32>, vector<16xi32>], vector<16xf32>,
    %add3A_424 = arith.constant 32 : i32
    %add3A_425 = vector.broadcast %add3A_424 : i32 to vector<16xi32>
    %add3A_426 = arith.addi %iota3A, %add3A_425 : vector<16xi32>
    %gather3A_427 = arith.constant 3 : i32
    %gather3A_428 = arith.constant 0 : i32
    %gather3A_429 = arith.constant 0 : i32
    %gather3A_430 = tpu.memref_slice %arg6[%gather3A_427, %gather3A_428, %gather3A_429] : memref<8x64x128xf32, #tpu.memory_space<vmem>> -> memref<1x64x128xf32, #tpu.memory_space<vmem>>
    %gather3A_431 = tpu.memref_squeeze %gather3A_430 : memref<1x64x128xf32, #tpu.memory_space<vmem>> -> memref<64x128xf32, #tpu.memory_space<vmem>>
    %gather3A_432 = tpu.vector_load_idx %gather3A_431[%add3A_426, %broadcast_in_dim3A_403] : memref<64x128xf32, #tpu.memory_space<vmem>>[vector<16xi32>, vector<16xi32>], vector<16xf32>,
    tpu.vector_store_idx %arg7[%add3A_426, %broadcast_in_dim3A_405], %gather3A_432 : memref<64x512xf32, #tpu.memory_space<vmem>>[vector<16xi32>, vector<16xi32>], vector<16xf32>,
    %add3A_433 = arith.constant 48 : i32
    %add3A_434 = vector.broadcast %add3A_433 : i32 to vector<16xi32>
    %add3A_435 = arith.addi %iota3A, %add3A_434 : vector<16xi32>
    %gather3A_436 = arith.constant 3 : i32
    %gather3A_437 = arith.constant 0 : i32
    %gather3A_438 = arith.constant 0 : i32
    %gather3A_439 = tpu.memref_slice %arg6[%gather3A_436, %gather3A_437, %gather3A_438] : memref<8x64x128xf32, #tpu.memory_space<vmem>> -> memref<1x64x128xf32, #tpu.memory_space<vmem>>
    %gather3A_440 = tpu.memref_squeeze %gather3A_439 : memref<1x64x128xf32, #tpu.memory_space<vmem>> -> memref<64x128xf32, #tpu.memory_space<vmem>>
    %gather3A_441 = tpu.vector_load_idx %gather3A_440[%add3A_435, %broadcast_in_dim3A_403] : memref<64x128xf32, #tpu.memory_space<vmem>>[vector<16xi32>, vector<16xi32>], vector<16xf32>,
    tpu.vector_store_idx %arg7[%add3A_435, %broadcast_in_dim3A_405], %gather3A_441 : memref<64x512xf32, #tpu.memory_space<vmem>>[vector<16xi32>, vector<16xi32>], vector<16xf32>,
    %slice3A_442 = vector.extract_strided_slice %scan3A_155 {offsets = [11], sizes = [1], strides = [1]} : vector<16xi32> to vector<1xi32>
    %squeeze3A_443 = vector.extract %slice3A_442[0] : i32 from vector<1xi32>
    %shift_right_logical3A_444 = arith.constant 7 : i32
    %shift_right_logical3A_445 = arith.shrui %squeeze3A_443, %shift_right_logical3A_444 : i32
    %mul3A_446 = arith.constant 128 : i32
    %mul3A_447 = arith.muli %shift_right_logical3A_445, %mul3A_446 : i32
    %dma_start3A_448 = arith.constant 3 : i32
    %dma_start3A_449 = arith.constant 0 : i32
    %dma_start3A_450 = arith.constant 0 : i32
    %dma_start3A_451 = tpu.memref_slice %arg6[%dma_start3A_448, %dma_start3A_449, %dma_start3A_450] : memref<8x64x128xf32, #tpu.memory_space<vmem>> -> memref<1x64x128xf32, #tpu.memory_space<vmem>>
    %dma_start3A_452 = tpu.memref_squeeze %dma_start3A_451 : memref<1x64x128xf32, #tpu.memory_space<vmem>> -> memref<64x128xf32, #tpu.memory_space<vmem>>
    %dma_start3A_453 = arith.constant 0 : i32
    %dma_start3A_454 = tpu.memref_slice %arg2[%dma_start3A_453, %mul3A_447] : memref<64x1000001xf32, #tpu.memory_space<hbm>> -> memref<64x128xf32, #tpu.memory_space<hbm>>
    %dma_start3A_455 = arith.constant 0 : i32
    %dma_start3A_456 = arith.constant 0 : i32
    %dma_start3A_457 = tpu.memref_slice %arg6[%dma_start3A_448, %dma_start3A_455, %dma_start3A_456] : memref<8x64x128xf32, #tpu.memory_space<vmem>> -> memref<1x64x128xf32, #tpu.memory_space<vmem>>
    %dma_start3A_458 = tpu.memref_squeeze %dma_start3A_457 : memref<1x64x128xf32, #tpu.memory_space<vmem>> -> memref<64x128xf32, #tpu.memory_space<vmem>>
    %dma_start3A_459 = arith.constant 0 : i32
    %dma_start3A_460 = tpu.memref_slice %arg2[%dma_start3A_459, %mul3A_447] : memref<64x1000001xf32, #tpu.memory_space<hbm>> -> memref<64x128xf32, #tpu.memory_space<hbm>>
    tpu.enqueue_dma source(%dma_start3A_460 : memref<64x128xf32, #tpu.memory_space<hbm>>) target(%dma_start3A_458 : memref<64x128xf32, #tpu.memory_space<vmem>>) target_semaphore(%arg8 : memref<!tpu.dma_semaphore, #tpu.memory_space<semaphore_mem>>)
    %dma_wait3A_461 = arith.constant 4 : i32
    %dma_wait3A_462 = arith.constant 0 : i32
    %dma_wait3A_463 = arith.constant 0 : i32
    %dma_wait3A_464 = tpu.memref_slice %arg6[%dma_wait3A_461, %dma_wait3A_462, %dma_wait3A_463] : memref<8x64x128xf32, #tpu.memory_space<vmem>> -> memref<1x64x128xf32, #tpu.memory_space<vmem>>
    %dma_wait3A_465 = tpu.memref_squeeze %dma_wait3A_464 : memref<1x64x128xf32, #tpu.memory_space<vmem>> -> memref<64x128xf32, #tpu.memory_space<vmem>>
    %dma_wait3A_466 = arith.constant 0 : i32
    %dma_wait3A_467 = arith.constant 0 : i32
    %dma_wait3A_468 = tpu.memref_slice %arg2[%dma_wait3A_466, %dma_wait3A_467] : memref<64x1000001xf32, #tpu.memory_space<hbm>> -> memref<64x128xf32, #tpu.memory_space<hbm>>
    %dma_wait3A_469 = arith.constant 0 : i32
    %dma_wait3A_470 = arith.constant 0 : i32
    %dma_wait3A_471 = tpu.memref_slice %arg6[%dma_wait3A_461, %dma_wait3A_469, %dma_wait3A_470] : memref<8x64x128xf32, #tpu.memory_space<vmem>> -> memref<1x64x128xf32, #tpu.memory_space<vmem>>
    %dma_wait3A_472 = tpu.memref_squeeze %dma_wait3A_471 : memref<1x64x128xf32, #tpu.memory_space<vmem>> -> memref<64x128xf32, #tpu.memory_space<vmem>>
    %dma_wait3A_473 = arith.constant 0 : i32
    %dma_wait3A_474 = arith.constant 0 : i32
    %dma_wait3A_475 = tpu.memref_slice %arg2[%dma_wait3A_473, %dma_wait3A_474] : memref<64x1000001xf32, #tpu.memory_space<hbm>> -> memref<64x128xf32, #tpu.memory_space<hbm>>
    tpu.wait_dma2 semaphore(%arg8 : memref<!tpu.dma_semaphore, #tpu.memory_space<semaphore_mem>>) src(%dma_wait3A_475 : memref<64x128xf32, #tpu.memory_space<hbm>>) dst(%dma_wait3A_472 : memref<64x128xf32, #tpu.memory_space<vmem>>)
    %slice3A_476 = vector.extract_strided_slice %scan3A_155 {offsets = [4], sizes = [1], strides = [1]} : vector<16xi32> to vector<1xi32>
    %squeeze3A_477 = vector.extract %slice3A_476[0] : i32 from vector<1xi32>
    %and3A_478 = arith.constant 127 : i32
    %and3A_479 = arith.andi %squeeze3A_477, %and3A_478 : i32
    %broadcast_in_dim3A_480 = vector.broadcast %and3A_479 : i32 to vector<16xi32>
    %broadcast_in_dim3A_481 = arith.constant 500 : i32
    %broadcast_in_dim3A_482 = vector.broadcast %broadcast_in_dim3A_481 : i32 to vector<16xi32>
    %add3A_483 = arith.constant 0 : i32
    %add3A_484 = vector.broadcast %add3A_483 : i32 to vector<16xi32>
    %add3A_485 = arith.addi %iota3A, %add3A_484 : vector<16xi32>
    %gather3A_486 = arith.constant 4 : i32
    %gather3A_487 = arith.constant 0 : i32
    %gather3A_488 = arith.constant 0 : i32
    %gather3A_489 = tpu.memref_slice %arg6[%gather3A_486, %gather3A_487, %gather3A_488] : memref<8x64x128xf32, #tpu.memory_space<vmem>> -> memref<1x64x128xf32, #tpu.memory_space<vmem>>
    %gather3A_490 = tpu.memref_squeeze %gather3A_489 : memref<1x64x128xf32, #tpu.memory_space<vmem>> -> memref<64x128xf32, #tpu.memory_space<vmem>>
    %gather3A_491 = tpu.vector_load_idx %gather3A_490[%add3A_485, %broadcast_in_dim3A_480] : memref<64x128xf32, #tpu.memory_space<vmem>>[vector<16xi32>, vector<16xi32>], vector<16xf32>,
    tpu.vector_store_idx %arg7[%add3A_485, %broadcast_in_dim3A_482], %gather3A_491 : memref<64x512xf32, #tpu.memory_space<vmem>>[vector<16xi32>, vector<16xi32>], vector<16xf32>,
    %add3A_492 = arith.constant 16 : i32
    %add3A_493 = vector.broadcast %add3A_492 : i32 to vector<16xi32>
    %add3A_494 = arith.addi %iota3A, %add3A_493 : vector<16xi32>
    %gather3A_495 = arith.constant 4 : i32
    %gather3A_496 = arith.constant 0 : i32
    %gather3A_497 = arith.constant 0 : i32
    %gather3A_498 = tpu.memref_slice %arg6[%gather3A_495, %gather3A_496, %gather3A_497] : memref<8x64x128xf32, #tpu.memory_space<vmem>> -> memref<1x64x128xf32, #tpu.memory_space<vmem>>
    %gather3A_499 = tpu.memref_squeeze %gather3A_498 : memref<1x64x128xf32, #tpu.memory_space<vmem>> -> memref<64x128xf32, #tpu.memory_space<vmem>>
    %gather3A_500 = tpu.vector_load_idx %gather3A_499[%add3A_494, %broadcast_in_dim3A_480] : memref<64x128xf32, #tpu.memory_space<vmem>>[vector<16xi32>, vector<16xi32>], vector<16xf32>,
    tpu.vector_store_idx %arg7[%add3A_494, %broadcast_in_dim3A_482], %gather3A_500 : memref<64x512xf32, #tpu.memory_space<vmem>>[vector<16xi32>, vector<16xi32>], vector<16xf32>,
    %add3A_501 = arith.constant 32 : i32
    %add3A_502 = vector.broadcast %add3A_501 : i32 to vector<16xi32>
    %add3A_503 = arith.addi %iota3A, %add3A_502 : vector<16xi32>
    %gather3A_504 = arith.constant 4 : i32
    %gather3A_505 = arith.constant 0 : i32
    %gather3A_506 = arith.constant 0 : i32
    %gather3A_507 = tpu.memref_slice %arg6[%gather3A_504, %gather3A_505, %gather3A_506] : memref<8x64x128xf32, #tpu.memory_space<vmem>> -> memref<1x64x128xf32, #tpu.memory_space<vmem>>
    %gather3A_508 = tpu.memref_squeeze %gather3A_507 : memref<1x64x128xf32, #tpu.memory_space<vmem>> -> memref<64x128xf32, #tpu.memory_space<vmem>>
    %gather3A_509 = tpu.vector_load_idx %gather3A_508[%add3A_503, %broadcast_in_dim3A_480] : memref<64x128xf32, #tpu.memory_space<vmem>>[vector<16xi32>, vector<16xi32>], vector<16xf32>,
    tpu.vector_store_idx %arg7[%add3A_503, %broadcast_in_dim3A_482], %gather3A_509 : memref<64x512xf32, #tpu.memory_space<vmem>>[vector<16xi32>, vector<16xi32>], vector<16xf32>,
    %add3A_510 = arith.constant 48 : i32
    %add3A_511 = vector.broadcast %add3A_510 : i32 to vector<16xi32>
    %add3A_512 = arith.addi %iota3A, %add3A_511 : vector<16xi32>
    %gather3A_513 = arith.constant 4 : i32
    %gather3A_514 = arith.constant 0 : i32
    %gather3A_515 = arith.constant 0 : i32
    %gather3A_516 = tpu.memref_slice %arg6[%gather3A_513, %gather3A_514, %gather3A_515] : memref<8x64x128xf32, #tpu.memory_space<vmem>> -> memref<1x64x128xf32, #tpu.memory_space<vmem>>
    %gather3A_517 = tpu.memref_squeeze %gather3A_516 : memref<1x64x128xf32, #tpu.memory_space<vmem>> -> memref<64x128xf32, #tpu.memory_space<vmem>>
    %gather3A_518 = tpu.vector_load_idx %gather3A_517[%add3A_512, %broadcast_in_dim3A_480] : memref<64x128xf32, #tpu.memory_space<vmem>>[vector<16xi32>, vector<16xi32>], vector<16xf32>,
    tpu.vector_store_idx %arg7[%add3A_512, %broadcast_in_dim3A_482], %gather3A_518 : memref<64x512xf32, #tpu.memory_space<vmem>>[vector<16xi32>, vector<16xi32>], vector<16xf32>,
    %slice3A_519 = vector.extract_strided_slice %scan3A_155 {offsets = [12], sizes = [1], strides = [1]} : vector<16xi32> to vector<1xi32>
    %squeeze3A_520 = vector.extract %slice3A_519[0] : i32 from vector<1xi32>
    %shift_right_logical3A_521 = arith.constant 7 : i32
    %shift_right_logical3A_522 = arith.shrui %squeeze3A_520, %shift_right_logical3A_521 : i32
    %mul3A_523 = arith.constant 128 : i32
    %mul3A_524 = arith.muli %shift_right_logical3A_522, %mul3A_523 : i32
    %dma_start3A_525 = arith.constant 4 : i32
    %dma_start3A_526 = arith.constant 0 : i32
    %dma_start3A_527 = arith.constant 0 : i32
    %dma_start3A_528 = tpu.memref_slice %arg6[%dma_start3A_525, %dma_start3A_526, %dma_start3A_527] : memref<8x64x128xf32, #tpu.memory_space<vmem>> -> memref<1x64x128xf32, #tpu.memory_space<vmem>>
    %dma_start3A_529 = tpu.memref_squeeze %dma_start3A_528 : memref<1x64x128xf32, #tpu.memory_space<vmem>> -> memref<64x128xf32, #tpu.memory_space<vmem>>
    %dma_start3A_530 = arith.constant 0 : i32
    %dma_start3A_531 = tpu.memref_slice %arg2[%dma_start3A_530, %mul3A_524] : memref<64x1000001xf32, #tpu.memory_space<hbm>> -> memref<64x128xf32, #tpu.memory_space<hbm>>
    %dma_start3A_532 = arith.constant 0 : i32
    %dma_start3A_533 = arith.constant 0 : i32
    %dma_start3A_534 = tpu.memref_slice %arg6[%dma_start3A_525, %dma_start3A_532, %dma_start3A_533] : memref<8x64x128xf32, #tpu.memory_space<vmem>> -> memref<1x64x128xf32, #tpu.memory_space<vmem>>
    %dma_start3A_535 = tpu.memref_squeeze %dma_start3A_534 : memref<1x64x128xf32, #tpu.memory_space<vmem>> -> memref<64x128xf32, #tpu.memory_space<vmem>>
    %dma_start3A_536 = arith.constant 0 : i32
    %dma_start3A_537 = tpu.memref_slice %arg2[%dma_start3A_536, %mul3A_524] : memref<64x1000001xf32, #tpu.memory_space<hbm>> -> memref<64x128xf32, #tpu.memory_space<hbm>>
    tpu.enqueue_dma source(%dma_start3A_537 : memref<64x128xf32, #tpu.memory_space<hbm>>) target(%dma_start3A_535 : memref<64x128xf32, #tpu.memory_space<vmem>>) target_semaphore(%arg8 : memref<!tpu.dma_semaphore, #tpu.memory_space<semaphore_mem>>)
    %dma_wait3A_538 = arith.constant 5 : i32
    %dma_wait3A_539 = arith.constant 0 : i32
    %dma_wait3A_540 = arith.constant 0 : i32
    %dma_wait3A_541 = tpu.memref_slice %arg6[%dma_wait3A_538, %dma_wait3A_539, %dma_wait3A_540] : memref<8x64x128xf32, #tpu.memory_space<vmem>> -> memref<1x64x128xf32, #tpu.memory_space<vmem>>
    %dma_wait3A_542 = tpu.memref_squeeze %dma_wait3A_541 : memref<1x64x128xf32, #tpu.memory_space<vmem>> -> memref<64x128xf32, #tpu.memory_space<vmem>>
    %dma_wait3A_543 = arith.constant 0 : i32
    %dma_wait3A_544 = arith.constant 0 : i32
    %dma_wait3A_545 = tpu.memref_slice %arg2[%dma_wait3A_543, %dma_wait3A_544] : memref<64x1000001xf32, #tpu.memory_space<hbm>> -> memref<64x128xf32, #tpu.memory_space<hbm>>
    %dma_wait3A_546 = arith.constant 0 : i32
    %dma_wait3A_547 = arith.constant 0 : i32
    %dma_wait3A_548 = tpu.memref_slice %arg6[%dma_wait3A_538, %dma_wait3A_546, %dma_wait3A_547] : memref<8x64x128xf32, #tpu.memory_space<vmem>> -> memref<1x64x128xf32, #tpu.memory_space<vmem>>
    %dma_wait3A_549 = tpu.memref_squeeze %dma_wait3A_548 : memref<1x64x128xf32, #tpu.memory_space<vmem>> -> memref<64x128xf32, #tpu.memory_space<vmem>>
    %dma_wait3A_550 = arith.constant 0 : i32
    %dma_wait3A_551 = arith.constant 0 : i32
    %dma_wait3A_552 = tpu.memref_slice %arg2[%dma_wait3A_550, %dma_wait3A_551] : memref<64x1000001xf32, #tpu.memory_space<hbm>> -> memref<64x128xf32, #tpu.memory_space<hbm>>
    tpu.wait_dma2 semaphore(%arg8 : memref<!tpu.dma_semaphore, #tpu.memory_space<semaphore_mem>>) src(%dma_wait3A_552 : memref<64x128xf32, #tpu.memory_space<hbm>>) dst(%dma_wait3A_549 : memref<64x128xf32, #tpu.memory_space<vmem>>)
    %slice3A_553 = vector.extract_strided_slice %scan3A_155 {offsets = [5], sizes = [1], strides = [1]} : vector<16xi32> to vector<1xi32>
    %squeeze3A_554 = vector.extract %slice3A_553[0] : i32 from vector<1xi32>
    %and3A_555 = arith.constant 127 : i32
    %and3A_556 = arith.andi %squeeze3A_554, %and3A_555 : i32
    %broadcast_in_dim3A_557 = vector.broadcast %and3A_556 : i32 to vector<16xi32>
    %broadcast_in_dim3A_558 = arith.constant 501 : i32
    %broadcast_in_dim3A_559 = vector.broadcast %broadcast_in_dim3A_558 : i32 to vector<16xi32>
    %add3A_560 = arith.constant 0 : i32
    %add3A_561 = vector.broadcast %add3A_560 : i32 to vector<16xi32>
    %add3A_562 = arith.addi %iota3A, %add3A_561 : vector<16xi32>
    %gather3A_563 = arith.constant 5 : i32
    %gather3A_564 = arith.constant 0 : i32
    %gather3A_565 = arith.constant 0 : i32
    %gather3A_566 = tpu.memref_slice %arg6[%gather3A_563, %gather3A_564, %gather3A_565] : memref<8x64x128xf32, #tpu.memory_space<vmem>> -> memref<1x64x128xf32, #tpu.memory_space<vmem>>
    %gather3A_567 = tpu.memref_squeeze %gather3A_566 : memref<1x64x128xf32, #tpu.memory_space<vmem>> -> memref<64x128xf32, #tpu.memory_space<vmem>>
    %gather3A_568 = tpu.vector_load_idx %gather3A_567[%add3A_562, %broadcast_in_dim3A_557] : memref<64x128xf32, #tpu.memory_space<vmem>>[vector<16xi32>, vector<16xi32>], vector<16xf32>,
    tpu.vector_store_idx %arg7[%add3A_562, %broadcast_in_dim3A_559], %gather3A_568 : memref<64x512xf32, #tpu.memory_space<vmem>>[vector<16xi32>, vector<16xi32>], vector<16xf32>,
    %add3A_569 = arith.constant 16 : i32
    %add3A_570 = vector.broadcast %add3A_569 : i32 to vector<16xi32>
    %add3A_571 = arith.addi %iota3A, %add3A_570 : vector<16xi32>
    %gather3A_572 = arith.constant 5 : i32
    %gather3A_573 = arith.constant 0 : i32
    %gather3A_574 = arith.constant 0 : i32
    %gather3A_575 = tpu.memref_slice %arg6[%gather3A_572, %gather3A_573, %gather3A_574] : memref<8x64x128xf32, #tpu.memory_space<vmem>> -> memref<1x64x128xf32, #tpu.memory_space<vmem>>
    %gather3A_576 = tpu.memref_squeeze %gather3A_575 : memref<1x64x128xf32, #tpu.memory_space<vmem>> -> memref<64x128xf32, #tpu.memory_space<vmem>>
    %gather3A_577 = tpu.vector_load_idx %gather3A_576[%add3A_571, %broadcast_in_dim3A_557] : memref<64x128xf32, #tpu.memory_space<vmem>>[vector<16xi32>, vector<16xi32>], vector<16xf32>,
    tpu.vector_store_idx %arg7[%add3A_571, %broadcast_in_dim3A_559], %gather3A_577 : memref<64x512xf32, #tpu.memory_space<vmem>>[vector<16xi32>, vector<16xi32>], vector<16xf32>,
    %add3A_578 = arith.constant 32 : i32
    %add3A_579 = vector.broadcast %add3A_578 : i32 to vector<16xi32>
    %add3A_580 = arith.addi %iota3A, %add3A_579 : vector<16xi32>
    %gather3A_581 = arith.constant 5 : i32
    %gather3A_582 = arith.constant 0 : i32
    %gather3A_583 = arith.constant 0 : i32
    %gather3A_584 = tpu.memref_slice %arg6[%gather3A_581, %gather3A_582, %gather3A_583] : memref<8x64x128xf32, #tpu.memory_space<vmem>> -> memref<1x64x128xf32, #tpu.memory_space<vmem>>
    %gather3A_585 = tpu.memref_squeeze %gather3A_584 : memref<1x64x128xf32, #tpu.memory_space<vmem>> -> memref<64x128xf32, #tpu.memory_space<vmem>>
    %gather3A_586 = tpu.vector_load_idx %gather3A_585[%add3A_580, %broadcast_in_dim3A_557] : memref<64x128xf32, #tpu.memory_space<vmem>>[vector<16xi32>, vector<16xi32>], vector<16xf32>,
    tpu.vector_store_idx %arg7[%add3A_580, %broadcast_in_dim3A_559], %gather3A_586 : memref<64x512xf32, #tpu.memory_space<vmem>>[vector<16xi32>, vector<16xi32>], vector<16xf32>,
    %add3A_587 = arith.constant 48 : i32
    %add3A_588 = vector.broadcast %add3A_587 : i32 to vector<16xi32>
    %add3A_589 = arith.addi %iota3A, %add3A_588 : vector<16xi32>
    %gather3A_590 = arith.constant 5 : i32
    %gather3A_591 = arith.constant 0 : i32
    %gather3A_592 = arith.constant 0 : i32
    %gather3A_593 = tpu.memref_slice %arg6[%gather3A_590, %gather3A_591, %gather3A_592] : memref<8x64x128xf32, #tpu.memory_space<vmem>> -> memref<1x64x128xf32, #tpu.memory_space<vmem>>
    %gather3A_594 = tpu.memref_squeeze %gather3A_593 : memref<1x64x128xf32, #tpu.memory_space<vmem>> -> memref<64x128xf32, #tpu.memory_space<vmem>>
    %gather3A_595 = tpu.vector_load_idx %gather3A_594[%add3A_589, %broadcast_in_dim3A_557] : memref<64x128xf32, #tpu.memory_space<vmem>>[vector<16xi32>, vector<16xi32>], vector<16xf32>,
    tpu.vector_store_idx %arg7[%add3A_589, %broadcast_in_dim3A_559], %gather3A_595 : memref<64x512xf32, #tpu.memory_space<vmem>>[vector<16xi32>, vector<16xi32>], vector<16xf32>,
    %slice3A_596 = vector.extract_strided_slice %scan3A_155 {offsets = [13], sizes = [1], strides = [1]} : vector<16xi32> to vector<1xi32>
    %squeeze3A_597 = vector.extract %slice3A_596[0] : i32 from vector<1xi32>
    %shift_right_logical3A_598 = arith.constant 7 : i32
    %shift_right_logical3A_599 = arith.shrui %squeeze3A_597, %shift_right_logical3A_598 : i32
    %mul3A_600 = arith.constant 128 : i32
    %mul3A_601 = arith.muli %shift_right_logical3A_599, %mul3A_600 : i32
    %dma_start3A_602 = arith.constant 5 : i32
    %dma_start3A_603 = arith.constant 0 : i32
    %dma_start3A_604 = arith.constant 0 : i32
    %dma_start3A_605 = tpu.memref_slice %arg6[%dma_start3A_602, %dma_start3A_603, %dma_start3A_604] : memref<8x64x128xf32, #tpu.memory_space<vmem>> -> memref<1x64x128xf32, #tpu.memory_space<vmem>>
    %dma_start3A_606 = tpu.memref_squeeze %dma_start3A_605 : memref<1x64x128xf32, #tpu.memory_space<vmem>> -> memref<64x128xf32, #tpu.memory_space<vmem>>
    %dma_start3A_607 = arith.constant 0 : i32
    %dma_start3A_608 = tpu.memref_slice %arg2[%dma_start3A_607, %mul3A_601] : memref<64x1000001xf32, #tpu.memory_space<hbm>> -> memref<64x128xf32, #tpu.memory_space<hbm>>
    %dma_start3A_609 = arith.constant 0 : i32
    %dma_start3A_610 = arith.constant 0 : i32
    %dma_start3A_611 = tpu.memref_slice %arg6[%dma_start3A_602, %dma_start3A_609, %dma_start3A_610] : memref<8x64x128xf32, #tpu.memory_space<vmem>> -> memref<1x64x128xf32, #tpu.memory_space<vmem>>
    %dma_start3A_612 = tpu.memref_squeeze %dma_start3A_611 : memref<1x64x128xf32, #tpu.memory_space<vmem>> -> memref<64x128xf32, #tpu.memory_space<vmem>>
    %dma_start3A_613 = arith.constant 0 : i32
    %dma_start3A_614 = tpu.memref_slice %arg2[%dma_start3A_613, %mul3A_601] : memref<64x1000001xf32, #tpu.memory_space<hbm>> -> memref<64x128xf32, #tpu.memory_space<hbm>>
    tpu.enqueue_dma source(%dma_start3A_614 : memref<64x128xf32, #tpu.memory_space<hbm>>) target(%dma_start3A_612 : memref<64x128xf32, #tpu.memory_space<vmem>>) target_semaphore(%arg8 : memref<!tpu.dma_semaphore, #tpu.memory_space<semaphore_mem>>)
    %dma_wait3A_615 = arith.constant 6 : i32
    %dma_wait3A_616 = arith.constant 0 : i32
    %dma_wait3A_617 = arith.constant 0 : i32
    %dma_wait3A_618 = tpu.memref_slice %arg6[%dma_wait3A_615, %dma_wait3A_616, %dma_wait3A_617] : memref<8x64x128xf32, #tpu.memory_space<vmem>> -> memref<1x64x128xf32, #tpu.memory_space<vmem>>
    %dma_wait3A_619 = tpu.memref_squeeze %dma_wait3A_618 : memref<1x64x128xf32, #tpu.memory_space<vmem>> -> memref<64x128xf32, #tpu.memory_space<vmem>>
    %dma_wait3A_620 = arith.constant 0 : i32
    %dma_wait3A_621 = arith.constant 0 : i32
    %dma_wait3A_622 = tpu.memref_slice %arg2[%dma_wait3A_620, %dma_wait3A_621] : memref<64x1000001xf32, #tpu.memory_space<hbm>> -> memref<64x128xf32, #tpu.memory_space<hbm>>
    %dma_wait3A_623 = arith.constant 0 : i32
    %dma_wait3A_624 = arith.constant 0 : i32
    %dma_wait3A_625 = tpu.memref_slice %arg6[%dma_wait3A_615, %dma_wait3A_623, %dma_wait3A_624] : memref<8x64x128xf32, #tpu.memory_space<vmem>> -> memref<1x64x128xf32, #tpu.memory_space<vmem>>
    %dma_wait3A_626 = tpu.memref_squeeze %dma_wait3A_625 : memref<1x64x128xf32, #tpu.memory_space<vmem>> -> memref<64x128xf32, #tpu.memory_space<vmem>>
    %dma_wait3A_627 = arith.constant 0 : i32
    %dma_wait3A_628 = arith.constant 0 : i32
    %dma_wait3A_629 = tpu.memref_slice %arg2[%dma_wait3A_627, %dma_wait3A_628] : memref<64x1000001xf32, #tpu.memory_space<hbm>> -> memref<64x128xf32, #tpu.memory_space<hbm>>
    tpu.wait_dma2 semaphore(%arg8 : memref<!tpu.dma_semaphore, #tpu.memory_space<semaphore_mem>>) src(%dma_wait3A_629 : memref<64x128xf32, #tpu.memory_space<hbm>>) dst(%dma_wait3A_626 : memref<64x128xf32, #tpu.memory_space<vmem>>)
    %slice3A_630 = vector.extract_strided_slice %scan3A_155 {offsets = [6], sizes = [1], strides = [1]} : vector<16xi32> to vector<1xi32>
    %squeeze3A_631 = vector.extract %slice3A_630[0] : i32 from vector<1xi32>
    %and3A_632 = arith.constant 127 : i32
    %and3A_633 = arith.andi %squeeze3A_631, %and3A_632 : i32
    %broadcast_in_dim3A_634 = vector.broadcast %and3A_633 : i32 to vector<16xi32>
    %broadcast_in_dim3A_635 = arith.constant 502 : i32
    %broadcast_in_dim3A_636 = vector.broadcast %broadcast_in_dim3A_635 : i32 to vector<16xi32>
    %add3A_637 = arith.constant 0 : i32
    %add3A_638 = vector.broadcast %add3A_637 : i32 to vector<16xi32>
    %add3A_639 = arith.addi %iota3A, %add3A_638 : vector<16xi32>
    %gather3A_640 = arith.constant 6 : i32
    %gather3A_641 = arith.constant 0 : i32
    %gather3A_642 = arith.constant 0 : i32
    %gather3A_643 = tpu.memref_slice %arg6[%gather3A_640, %gather3A_641, %gather3A_642] : memref<8x64x128xf32, #tpu.memory_space<vmem>> -> memref<1x64x128xf32, #tpu.memory_space<vmem>>
    %gather3A_644 = tpu.memref_squeeze %gather3A_643 : memref<1x64x128xf32, #tpu.memory_space<vmem>> -> memref<64x128xf32, #tpu.memory_space<vmem>>
    %gather3A_645 = tpu.vector_load_idx %gather3A_644[%add3A_639, %broadcast_in_dim3A_634] : memref<64x128xf32, #tpu.memory_space<vmem>>[vector<16xi32>, vector<16xi32>], vector<16xf32>,
    tpu.vector_store_idx %arg7[%add3A_639, %broadcast_in_dim3A_636], %gather3A_645 : memref<64x512xf32, #tpu.memory_space<vmem>>[vector<16xi32>, vector<16xi32>], vector<16xf32>,
    %add3A_646 = arith.constant 16 : i32
    %add3A_647 = vector.broadcast %add3A_646 : i32 to vector<16xi32>
    %add3A_648 = arith.addi %iota3A, %add3A_647 : vector<16xi32>
    %gather3A_649 = arith.constant 6 : i32
    %gather3A_650 = arith.constant 0 : i32
    %gather3A_651 = arith.constant 0 : i32
    %gather3A_652 = tpu.memref_slice %arg6[%gather3A_649, %gather3A_650, %gather3A_651] : memref<8x64x128xf32, #tpu.memory_space<vmem>> -> memref<1x64x128xf32, #tpu.memory_space<vmem>>
    %gather3A_653 = tpu.memref_squeeze %gather3A_652 : memref<1x64x128xf32, #tpu.memory_space<vmem>> -> memref<64x128xf32, #tpu.memory_space<vmem>>
    %gather3A_654 = tpu.vector_load_idx %gather3A_653[%add3A_648, %broadcast_in_dim3A_634] : memref<64x128xf32, #tpu.memory_space<vmem>>[vector<16xi32>, vector<16xi32>], vector<16xf32>,
    tpu.vector_store_idx %arg7[%add3A_648, %broadcast_in_dim3A_636], %gather3A_654 : memref<64x512xf32, #tpu.memory_space<vmem>>[vector<16xi32>, vector<16xi32>], vector<16xf32>,
    %add3A_655 = arith.constant 32 : i32
    %add3A_656 = vector.broadcast %add3A_655 : i32 to vector<16xi32>
    %add3A_657 = arith.addi %iota3A, %add3A_656 : vector<16xi32>
    %gather3A_658 = arith.constant 6 : i32
    %gather3A_659 = arith.constant 0 : i32
    %gather3A_660 = arith.constant 0 : i32
    %gather3A_661 = tpu.memref_slice %arg6[%gather3A_658, %gather3A_659, %gather3A_660] : memref<8x64x128xf32, #tpu.memory_space<vmem>> -> memref<1x64x128xf32, #tpu.memory_space<vmem>>
    %gather3A_662 = tpu.memref_squeeze %gather3A_661 : memref<1x64x128xf32, #tpu.memory_space<vmem>> -> memref<64x128xf32, #tpu.memory_space<vmem>>
    %gather3A_663 = tpu.vector_load_idx %gather3A_662[%add3A_657, %broadcast_in_dim3A_634] : memref<64x128xf32, #tpu.memory_space<vmem>>[vector<16xi32>, vector<16xi32>], vector<16xf32>,
    tpu.vector_store_idx %arg7[%add3A_657, %broadcast_in_dim3A_636], %gather3A_663 : memref<64x512xf32, #tpu.memory_space<vmem>>[vector<16xi32>, vector<16xi32>], vector<16xf32>,
    %add3A_664 = arith.constant 48 : i32
    %add3A_665 = vector.broadcast %add3A_664 : i32 to vector<16xi32>
    %add3A_666 = arith.addi %iota3A, %add3A_665 : vector<16xi32>
    %gather3A_667 = arith.constant 6 : i32
    %gather3A_668 = arith.constant 0 : i32
    %gather3A_669 = arith.constant 0 : i32
    %gather3A_670 = tpu.memref_slice %arg6[%gather3A_667, %gather3A_668, %gather3A_669] : memref<8x64x128xf32, #tpu.memory_space<vmem>> -> memref<1x64x128xf32, #tpu.memory_space<vmem>>
    %gather3A_671 = tpu.memref_squeeze %gather3A_670 : memref<1x64x128xf32, #tpu.memory_space<vmem>> -> memref<64x128xf32, #tpu.memory_space<vmem>>
    %gather3A_672 = tpu.vector_load_idx %gather3A_671[%add3A_666, %broadcast_in_dim3A_634] : memref<64x128xf32, #tpu.memory_space<vmem>>[vector<16xi32>, vector<16xi32>], vector<16xf32>,
    tpu.vector_store_idx %arg7[%add3A_666, %broadcast_in_dim3A_636], %gather3A_672 : memref<64x512xf32, #tpu.memory_space<vmem>>[vector<16xi32>, vector<16xi32>], vector<16xf32>,
    %slice3A_673 = vector.extract_strided_slice %scan3A_155 {offsets = [14], sizes = [1], strides = [1]} : vector<16xi32> to vector<1xi32>
    %squeeze3A_674 = vector.extract %slice3A_673[0] : i32 from vector<1xi32>
    %shift_right_logical3A_675 = arith.constant 7 : i32
    %shift_right_logical3A_676 = arith.shrui %squeeze3A_674, %shift_right_logical3A_675 : i32
    %mul3A_677 = arith.constant 128 : i32
    %mul3A_678 = arith.muli %shift_right_logical3A_676, %mul3A_677 : i32
    %dma_start3A_679 = arith.constant 6 : i32
    %dma_start3A_680 = arith.constant 0 : i32
    %dma_start3A_681 = arith.constant 0 : i32
    %dma_start3A_682 = tpu.memref_slice %arg6[%dma_start3A_679, %dma_start3A_680, %dma_start3A_681] : memref<8x64x128xf32, #tpu.memory_space<vmem>> -> memref<1x64x128xf32, #tpu.memory_space<vmem>>
    %dma_start3A_683 = tpu.memref_squeeze %dma_start3A_682 : memref<1x64x128xf32, #tpu.memory_space<vmem>> -> memref<64x128xf32, #tpu.memory_space<vmem>>
    %dma_start3A_684 = arith.constant 0 : i32
    %dma_start3A_685 = tpu.memref_slice %arg2[%dma_start3A_684, %mul3A_678] : memref<64x1000001xf32, #tpu.memory_space<hbm>> -> memref<64x128xf32, #tpu.memory_space<hbm>>
    %dma_start3A_686 = arith.constant 0 : i32
    %dma_start3A_687 = arith.constant 0 : i32
    %dma_start3A_688 = tpu.memref_slice %arg6[%dma_start3A_679, %dma_start3A_686, %dma_start3A_687] : memref<8x64x128xf32, #tpu.memory_space<vmem>> -> memref<1x64x128xf32, #tpu.memory_space<vmem>>
    %dma_start3A_689 = tpu.memref_squeeze %dma_start3A_688 : memref<1x64x128xf32, #tpu.memory_space<vmem>> -> memref<64x128xf32, #tpu.memory_space<vmem>>
    %dma_start3A_690 = arith.constant 0 : i32
    %dma_start3A_691 = tpu.memref_slice %arg2[%dma_start3A_690, %mul3A_678] : memref<64x1000001xf32, #tpu.memory_space<hbm>> -> memref<64x128xf32, #tpu.memory_space<hbm>>
    tpu.enqueue_dma source(%dma_start3A_691 : memref<64x128xf32, #tpu.memory_space<hbm>>) target(%dma_start3A_689 : memref<64x128xf32, #tpu.memory_space<vmem>>) target_semaphore(%arg8 : memref<!tpu.dma_semaphore, #tpu.memory_space<semaphore_mem>>)
    %dma_wait3A_692 = arith.constant 7 : i32
    %dma_wait3A_693 = arith.constant 0 : i32
    %dma_wait3A_694 = arith.constant 0 : i32
    %dma_wait3A_695 = tpu.memref_slice %arg6[%dma_wait3A_692, %dma_wait3A_693, %dma_wait3A_694] : memref<8x64x128xf32, #tpu.memory_space<vmem>> -> memref<1x64x128xf32, #tpu.memory_space<vmem>>
    %dma_wait3A_696 = tpu.memref_squeeze %dma_wait3A_695 : memref<1x64x128xf32, #tpu.memory_space<vmem>> -> memref<64x128xf32, #tpu.memory_space<vmem>>
    %dma_wait3A_697 = arith.constant 0 : i32
    %dma_wait3A_698 = arith.constant 0 : i32
    %dma_wait3A_699 = tpu.memref_slice %arg2[%dma_wait3A_697, %dma_wait3A_698] : memref<64x1000001xf32, #tpu.memory_space<hbm>> -> memref<64x128xf32, #tpu.memory_space<hbm>>
    %dma_wait3A_700 = arith.constant 0 : i32
    %dma_wait3A_701 = arith.constant 0 : i32
    %dma_wait3A_702 = tpu.memref_slice %arg6[%dma_wait3A_692, %dma_wait3A_700, %dma_wait3A_701] : memref<8x64x128xf32, #tpu.memory_space<vmem>> -> memref<1x64x128xf32, #tpu.memory_space<vmem>>
    %dma_wait3A_703 = tpu.memref_squeeze %dma_wait3A_702 : memref<1x64x128xf32, #tpu.memory_space<vmem>> -> memref<64x128xf32, #tpu.memory_space<vmem>>
    %dma_wait3A_704 = arith.constant 0 : i32
    %dma_wait3A_705 = arith.constant 0 : i32
    %dma_wait3A_706 = tpu.memref_slice %arg2[%dma_wait3A_704, %dma_wait3A_705] : memref<64x1000001xf32, #tpu.memory_space<hbm>> -> memref<64x128xf32, #tpu.memory_space<hbm>>
    tpu.wait_dma2 semaphore(%arg8 : memref<!tpu.dma_semaphore, #tpu.memory_space<semaphore_mem>>) src(%dma_wait3A_706 : memref<64x128xf32, #tpu.memory_space<hbm>>) dst(%dma_wait3A_703 : memref<64x128xf32, #tpu.memory_space<vmem>>)
    %slice3A_707 = vector.extract_strided_slice %scan3A_155 {offsets = [7], sizes = [1], strides = [1]} : vector<16xi32> to vector<1xi32>
    %squeeze3A_708 = vector.extract %slice3A_707[0] : i32 from vector<1xi32>
    %and3A_709 = arith.constant 127 : i32
    %and3A_710 = arith.andi %squeeze3A_708, %and3A_709 : i32
    %broadcast_in_dim3A_711 = vector.broadcast %and3A_710 : i32 to vector<16xi32>
    %broadcast_in_dim3A_712 = arith.constant 503 : i32
    %broadcast_in_dim3A_713 = vector.broadcast %broadcast_in_dim3A_712 : i32 to vector<16xi32>
    %add3A_714 = arith.constant 0 : i32
    %add3A_715 = vector.broadcast %add3A_714 : i32 to vector<16xi32>
    %add3A_716 = arith.addi %iota3A, %add3A_715 : vector<16xi32>
    %gather3A_717 = arith.constant 7 : i32
    %gather3A_718 = arith.constant 0 : i32
    %gather3A_719 = arith.constant 0 : i32
    %gather3A_720 = tpu.memref_slice %arg6[%gather3A_717, %gather3A_718, %gather3A_719] : memref<8x64x128xf32, #tpu.memory_space<vmem>> -> memref<1x64x128xf32, #tpu.memory_space<vmem>>
    %gather3A_721 = tpu.memref_squeeze %gather3A_720 : memref<1x64x128xf32, #tpu.memory_space<vmem>> -> memref<64x128xf32, #tpu.memory_space<vmem>>
    %gather3A_722 = tpu.vector_load_idx %gather3A_721[%add3A_716, %broadcast_in_dim3A_711] : memref<64x128xf32, #tpu.memory_space<vmem>>[vector<16xi32>, vector<16xi32>], vector<16xf32>,
    tpu.vector_store_idx %arg7[%add3A_716, %broadcast_in_dim3A_713], %gather3A_722 : memref<64x512xf32, #tpu.memory_space<vmem>>[vector<16xi32>, vector<16xi32>], vector<16xf32>,
    %add3A_723 = arith.constant 16 : i32
    %add3A_724 = vector.broadcast %add3A_723 : i32 to vector<16xi32>
    %add3A_725 = arith.addi %iota3A, %add3A_724 : vector<16xi32>
    %gather3A_726 = arith.constant 7 : i32
    %gather3A_727 = arith.constant 0 : i32
    %gather3A_728 = arith.constant 0 : i32
    %gather3A_729 = tpu.memref_slice %arg6[%gather3A_726, %gather3A_727, %gather3A_728] : memref<8x64x128xf32, #tpu.memory_space<vmem>> -> memref<1x64x128xf32, #tpu.memory_space<vmem>>
    %gather3A_730 = tpu.memref_squeeze %gather3A_729 : memref<1x64x128xf32, #tpu.memory_space<vmem>> -> memref<64x128xf32, #tpu.memory_space<vmem>>
    %gather3A_731 = tpu.vector_load_idx %gather3A_730[%add3A_725, %broadcast_in_dim3A_711] : memref<64x128xf32, #tpu.memory_space<vmem>>[vector<16xi32>, vector<16xi32>], vector<16xf32>,
    tpu.vector_store_idx %arg7[%add3A_725, %broadcast_in_dim3A_713], %gather3A_731 : memref<64x512xf32, #tpu.memory_space<vmem>>[vector<16xi32>, vector<16xi32>], vector<16xf32>,
    %add3A_732 = arith.constant 32 : i32
    %add3A_733 = vector.broadcast %add3A_732 : i32 to vector<16xi32>
    %add3A_734 = arith.addi %iota3A, %add3A_733 : vector<16xi32>
    %gather3A_735 = arith.constant 7 : i32
    %gather3A_736 = arith.constant 0 : i32
    %gather3A_737 = arith.constant 0 : i32
    %gather3A_738 = tpu.memref_slice %arg6[%gather3A_735, %gather3A_736, %gather3A_737] : memref<8x64x128xf32, #tpu.memory_space<vmem>> -> memref<1x64x128xf32, #tpu.memory_space<vmem>>
    %gather3A_739 = tpu.memref_squeeze %gather3A_738 : memref<1x64x128xf32, #tpu.memory_space<vmem>> -> memref<64x128xf32, #tpu.memory_space<vmem>>
    %gather3A_740 = tpu.vector_load_idx %gather3A_739[%add3A_734, %broadcast_in_dim3A_711] : memref<64x128xf32, #tpu.memory_space<vmem>>[vector<16xi32>, vector<16xi32>], vector<16xf32>,
    tpu.vector_store_idx %arg7[%add3A_734, %broadcast_in_dim3A_713], %gather3A_740 : memref<64x512xf32, #tpu.memory_space<vmem>>[vector<16xi32>, vector<16xi32>], vector<16xf32>,
    %add3A_741 = arith.constant 48 : i32
    %add3A_742 = vector.broadcast %add3A_741 : i32 to vector<16xi32>
    %add3A_743 = arith.addi %iota3A, %add3A_742 : vector<16xi32>
    %gather3A_744 = arith.constant 7 : i32
    %gather3A_745 = arith.constant 0 : i32
    %gather3A_746 = arith.constant 0 : i32
    %gather3A_747 = tpu.memref_slice %arg6[%gather3A_744, %gather3A_745, %gather3A_746] : memref<8x64x128xf32, #tpu.memory_space<vmem>> -> memref<1x64x128xf32, #tpu.memory_space<vmem>>
    %gather3A_748 = tpu.memref_squeeze %gather3A_747 : memref<1x64x128xf32, #tpu.memory_space<vmem>> -> memref<64x128xf32, #tpu.memory_space<vmem>>
    %gather3A_749 = tpu.vector_load_idx %gather3A_748[%add3A_743, %broadcast_in_dim3A_711] : memref<64x128xf32, #tpu.memory_space<vmem>>[vector<16xi32>, vector<16xi32>], vector<16xf32>,
    tpu.vector_store_idx %arg7[%add3A_743, %broadcast_in_dim3A_713], %gather3A_749 : memref<64x512xf32, #tpu.memory_space<vmem>>[vector<16xi32>, vector<16xi32>], vector<16xf32>,
    %slice3A_750 = vector.extract_strided_slice %scan3A_155 {offsets = [15], sizes = [1], strides = [1]} : vector<16xi32> to vector<1xi32>
    %squeeze3A_751 = vector.extract %slice3A_750[0] : i32 from vector<1xi32>
    %shift_right_logical3A_752 = arith.constant 7 : i32
    %shift_right_logical3A_753 = arith.shrui %squeeze3A_751, %shift_right_logical3A_752 : i32
    %mul3A_754 = arith.constant 128 : i32
    %mul3A_755 = arith.muli %shift_right_logical3A_753, %mul3A_754 : i32
    %dma_start3A_756 = arith.constant 7 : i32
    %dma_start3A_757 = arith.constant 0 : i32
    %dma_start3A_758 = arith.constant 0 : i32
    %dma_start3A_759 = tpu.memref_slice %arg6[%dma_start3A_756, %dma_start3A_757, %dma_start3A_758] : memref<8x64x128xf32, #tpu.memory_space<vmem>> -> memref<1x64x128xf32, #tpu.memory_space<vmem>>
    %dma_start3A_760 = tpu.memref_squeeze %dma_start3A_759 : memref<1x64x128xf32, #tpu.memory_space<vmem>> -> memref<64x128xf32, #tpu.memory_space<vmem>>
    %dma_start3A_761 = arith.constant 0 : i32
    %dma_start3A_762 = tpu.memref_slice %arg2[%dma_start3A_761, %mul3A_755] : memref<64x1000001xf32, #tpu.memory_space<hbm>> -> memref<64x128xf32, #tpu.memory_space<hbm>>
    %dma_start3A_763 = arith.constant 0 : i32
    %dma_start3A_764 = arith.constant 0 : i32
    %dma_start3A_765 = tpu.memref_slice %arg6[%dma_start3A_756, %dma_start3A_763, %dma_start3A_764] : memref<8x64x128xf32, #tpu.memory_space<vmem>> -> memref<1x64x128xf32, #tpu.memory_space<vmem>>
    %dma_start3A_766 = tpu.memref_squeeze %dma_start3A_765 : memref<1x64x128xf32, #tpu.memory_space<vmem>> -> memref<64x128xf32, #tpu.memory_space<vmem>>
    %dma_start3A_767 = arith.constant 0 : i32
    %dma_start3A_768 = tpu.memref_slice %arg2[%dma_start3A_767, %mul3A_755] : memref<64x1000001xf32, #tpu.memory_space<hbm>> -> memref<64x128xf32, #tpu.memory_space<hbm>>
    tpu.enqueue_dma source(%dma_start3A_768 : memref<64x128xf32, #tpu.memory_space<hbm>>) target(%dma_start3A_766 : memref<64x128xf32, #tpu.memory_space<vmem>>) target_semaphore(%arg8 : memref<!tpu.dma_semaphore, #tpu.memory_space<semaphore_mem>>)
    %dma_wait3A_769 = arith.constant 0 : i32
    %dma_wait3A_770 = arith.constant 0 : i32
    %dma_wait3A_771 = arith.constant 0 : i32
    %dma_wait3A_772 = tpu.memref_slice %arg6[%dma_wait3A_769, %dma_wait3A_770, %dma_wait3A_771] : memref<8x64x128xf32, #tpu.memory_space<vmem>> -> memref<1x64x128xf32, #tpu.memory_space<vmem>>
    %dma_wait3A_773 = tpu.memref_squeeze %dma_wait3A_772 : memref<1x64x128xf32, #tpu.memory_space<vmem>> -> memref<64x128xf32, #tpu.memory_space<vmem>>
    %dma_wait3A_774 = arith.constant 0 : i32
    %dma_wait3A_775 = arith.constant 0 : i32
    %dma_wait3A_776 = tpu.memref_slice %arg2[%dma_wait3A_774, %dma_wait3A_775] : memref<64x1000001xf32, #tpu.memory_space<hbm>> -> memref<64x128xf32, #tpu.memory_space<hbm>>
    %dma_wait3A_777 = arith.constant 0 : i32
    %dma_wait3A_778 = arith.constant 0 : i32
    %dma_wait3A_779 = tpu.memref_slice %arg6[%dma_wait3A_769, %dma_wait3A_777, %dma_wait3A_778] : memref<8x64x128xf32, #tpu.memory_space<vmem>> -> memref<1x64x128xf32, #tpu.memory_space<vmem>>
    %dma_wait3A_780 = tpu.memref_squeeze %dma_wait3A_779 : memref<1x64x128xf32, #tpu.memory_space<vmem>> -> memref<64x128xf32, #tpu.memory_space<vmem>>
    %dma_wait3A_781 = arith.constant 0 : i32
    %dma_wait3A_782 = arith.constant 0 : i32
    %dma_wait3A_783 = tpu.memref_slice %arg2[%dma_wait3A_781, %dma_wait3A_782] : memref<64x1000001xf32, #tpu.memory_space<hbm>> -> memref<64x128xf32, #tpu.memory_space<hbm>>
    tpu.wait_dma2 semaphore(%arg8 : memref<!tpu.dma_semaphore, #tpu.memory_space<semaphore_mem>>) src(%dma_wait3A_783 : memref<64x128xf32, #tpu.memory_space<hbm>>) dst(%dma_wait3A_780 : memref<64x128xf32, #tpu.memory_space<vmem>>)
    %slice3A_784 = vector.extract_strided_slice %scan3A_155 {offsets = [8], sizes = [1], strides = [1]} : vector<16xi32> to vector<1xi32>
    %squeeze3A_785 = vector.extract %slice3A_784[0] : i32 from vector<1xi32>
    %and3A_786 = arith.constant 127 : i32
    %and3A_787 = arith.andi %squeeze3A_785, %and3A_786 : i32
    %broadcast_in_dim3A_788 = vector.broadcast %and3A_787 : i32 to vector<16xi32>
    %broadcast_in_dim3A_789 = arith.constant 504 : i32
    %broadcast_in_dim3A_790 = vector.broadcast %broadcast_in_dim3A_789 : i32 to vector<16xi32>
    %add3A_791 = arith.constant 0 : i32
    %add3A_792 = vector.broadcast %add3A_791 : i32 to vector<16xi32>
    %add3A_793 = arith.addi %iota3A, %add3A_792 : vector<16xi32>
    %gather3A_794 = arith.constant 0 : i32
    %gather3A_795 = arith.constant 0 : i32
    %gather3A_796 = arith.constant 0 : i32
    %gather3A_797 = tpu.memref_slice %arg6[%gather3A_794, %gather3A_795, %gather3A_796] : memref<8x64x128xf32, #tpu.memory_space<vmem>> -> memref<1x64x128xf32, #tpu.memory_space<vmem>>
    %gather3A_798 = tpu.memref_squeeze %gather3A_797 : memref<1x64x128xf32, #tpu.memory_space<vmem>> -> memref<64x128xf32, #tpu.memory_space<vmem>>
    %gather3A_799 = tpu.vector_load_idx %gather3A_798[%add3A_793, %broadcast_in_dim3A_788] : memref<64x128xf32, #tpu.memory_space<vmem>>[vector<16xi32>, vector<16xi32>], vector<16xf32>,
    tpu.vector_store_idx %arg7[%add3A_793, %broadcast_in_dim3A_790], %gather3A_799 : memref<64x512xf32, #tpu.memory_space<vmem>>[vector<16xi32>, vector<16xi32>], vector<16xf32>,
    %add3A_800 = arith.constant 16 : i32
    %add3A_801 = vector.broadcast %add3A_800 : i32 to vector<16xi32>
    %add3A_802 = arith.addi %iota3A, %add3A_801 : vector<16xi32>
    %gather3A_803 = arith.constant 0 : i32
    %gather3A_804 = arith.constant 0 : i32
    %gather3A_805 = arith.constant 0 : i32
    %gather3A_806 = tpu.memref_slice %arg6[%gather3A_803, %gather3A_804, %gather3A_805] : memref<8x64x128xf32, #tpu.memory_space<vmem>> -> memref<1x64x128xf32, #tpu.memory_space<vmem>>
    %gather3A_807 = tpu.memref_squeeze %gather3A_806 : memref<1x64x128xf32, #tpu.memory_space<vmem>> -> memref<64x128xf32, #tpu.memory_space<vmem>>
    %gather3A_808 = tpu.vector_load_idx %gather3A_807[%add3A_802, %broadcast_in_dim3A_788] : memref<64x128xf32, #tpu.memory_space<vmem>>[vector<16xi32>, vector<16xi32>], vector<16xf32>,
    tpu.vector_store_idx %arg7[%add3A_802, %broadcast_in_dim3A_790], %gather3A_808 : memref<64x512xf32, #tpu.memory_space<vmem>>[vector<16xi32>, vector<16xi32>], vector<16xf32>,
    %add3A_809 = arith.constant 32 : i32
    %add3A_810 = vector.broadcast %add3A_809 : i32 to vector<16xi32>
    %add3A_811 = arith.addi %iota3A, %add3A_810 : vector<16xi32>
    %gather3A_812 = arith.constant 0 : i32
    %gather3A_813 = arith.constant 0 : i32
    %gather3A_814 = arith.constant 0 : i32
    %gather3A_815 = tpu.memref_slice %arg6[%gather3A_812, %gather3A_813, %gather3A_814] : memref<8x64x128xf32, #tpu.memory_space<vmem>> -> memref<1x64x128xf32, #tpu.memory_space<vmem>>
    %gather3A_816 = tpu.memref_squeeze %gather3A_815 : memref<1x64x128xf32, #tpu.memory_space<vmem>> -> memref<64x128xf32, #tpu.memory_space<vmem>>
    %gather3A_817 = tpu.vector_load_idx %gather3A_816[%add3A_811, %broadcast_in_dim3A_788] : memref<64x128xf32, #tpu.memory_space<vmem>>[vector<16xi32>, vector<16xi32>], vector<16xf32>,
    tpu.vector_store_idx %arg7[%add3A_811, %broadcast_in_dim3A_790], %gather3A_817 : memref<64x512xf32, #tpu.memory_space<vmem>>[vector<16xi32>, vector<16xi32>], vector<16xf32>,
    %add3A_818 = arith.constant 48 : i32
    %add3A_819 = vector.broadcast %add3A_818 : i32 to vector<16xi32>
    %add3A_820 = arith.addi %iota3A, %add3A_819 : vector<16xi32>
    %gather3A_821 = arith.constant 0 : i32
    %gather3A_822 = arith.constant 0 : i32
    %gather3A_823 = arith.constant 0 : i32
    %gather3A_824 = tpu.memref_slice %arg6[%gather3A_821, %gather3A_822, %gather3A_823] : memref<8x64x128xf32, #tpu.memory_space<vmem>> -> memref<1x64x128xf32, #tpu.memory_space<vmem>>
    %gather3A_825 = tpu.memref_squeeze %gather3A_824 : memref<1x64x128xf32, #tpu.memory_space<vmem>> -> memref<64x128xf32, #tpu.memory_space<vmem>>
    %gather3A_826 = tpu.vector_load_idx %gather3A_825[%add3A_820, %broadcast_in_dim3A_788] : memref<64x128xf32, #tpu.memory_space<vmem>>[vector<16xi32>, vector<16xi32>], vector<16xf32>,
    tpu.vector_store_idx %arg7[%add3A_820, %broadcast_in_dim3A_790], %gather3A_826 : memref<64x512xf32, #tpu.memory_space<vmem>>[vector<16xi32>, vector<16xi32>], vector<16xf32>,
    %dma_wait3A_827 = arith.constant 1 : i32
    %dma_wait3A_828 = arith.constant 0 : i32
    %dma_wait3A_829 = arith.constant 0 : i32
    %dma_wait3A_830 = tpu.memref_slice %arg6[%dma_wait3A_827, %dma_wait3A_828, %dma_wait3A_829] : memref<8x64x128xf32, #tpu.memory_space<vmem>> -> memref<1x64x128xf32, #tpu.memory_space<vmem>>
    %dma_wait3A_831 = tpu.memref_squeeze %dma_wait3A_830 : memref<1x64x128xf32, #tpu.memory_space<vmem>> -> memref<64x128xf32, #tpu.memory_space<vmem>>
    %dma_wait3A_832 = arith.constant 0 : i32
    %dma_wait3A_833 = arith.constant 0 : i32
    %dma_wait3A_834 = tpu.memref_slice %arg2[%dma_wait3A_832, %dma_wait3A_833] : memref<64x1000001xf32, #tpu.memory_space<hbm>> -> memref<64x128xf32, #tpu.memory_space<hbm>>
    %dma_wait3A_835 = arith.constant 0 : i32
    %dma_wait3A_836 = arith.constant 0 : i32
    %dma_wait3A_837 = tpu.memref_slice %arg6[%dma_wait3A_827, %dma_wait3A_835, %dma_wait3A_836] : memref<8x64x128xf32, #tpu.memory_space<vmem>> -> memref<1x64x128xf32, #tpu.memory_space<vmem>>
    %dma_wait3A_838 = tpu.memref_squeeze %dma_wait3A_837 : memref<1x64x128xf32, #tpu.memory_space<vmem>> -> memref<64x128xf32, #tpu.memory_space<vmem>>
    %dma_wait3A_839 = arith.constant 0 : i32
    %dma_wait3A_840 = arith.constant 0 : i32
    %dma_wait3A_841 = tpu.memref_slice %arg2[%dma_wait3A_839, %dma_wait3A_840] : memref<64x1000001xf32, #tpu.memory_space<hbm>> -> memref<64x128xf32, #tpu.memory_space<hbm>>
    tpu.wait_dma2 semaphore(%arg8 : memref<!tpu.dma_semaphore, #tpu.memory_space<semaphore_mem>>) src(%dma_wait3A_841 : memref<64x128xf32, #tpu.memory_space<hbm>>) dst(%dma_wait3A_838 : memref<64x128xf32, #tpu.memory_space<vmem>>)
    %slice3A_842 = vector.extract_strided_slice %scan3A_155 {offsets = [9], sizes = [1], strides = [1]} : vector<16xi32> to vector<1xi32>
    %squeeze3A_843 = vector.extract %slice3A_842[0] : i32 from vector<1xi32>
    %and3A_844 = arith.constant 127 : i32
    %and3A_845 = arith.andi %squeeze3A_843, %and3A_844 : i32
    %broadcast_in_dim3A_846 = vector.broadcast %and3A_845 : i32 to vector<16xi32>
    %broadcast_in_dim3A_847 = arith.constant 505 : i32
    %broadcast_in_dim3A_848 = vector.broadcast %broadcast_in_dim3A_847 : i32 to vector<16xi32>
    %add3A_849 = arith.constant 0 : i32
    %add3A_850 = vector.broadcast %add3A_849 : i32 to vector<16xi32>
    %add3A_851 = arith.addi %iota3A, %add3A_850 : vector<16xi32>
    %gather3A_852 = arith.constant 1 : i32
    %gather3A_853 = arith.constant 0 : i32
    %gather3A_854 = arith.constant 0 : i32
    %gather3A_855 = tpu.memref_slice %arg6[%gather3A_852, %gather3A_853, %gather3A_854] : memref<8x64x128xf32, #tpu.memory_space<vmem>> -> memref<1x64x128xf32, #tpu.memory_space<vmem>>
    %gather3A_856 = tpu.memref_squeeze %gather3A_855 : memref<1x64x128xf32, #tpu.memory_space<vmem>> -> memref<64x128xf32, #tpu.memory_space<vmem>>
    %gather3A_857 = tpu.vector_load_idx %gather3A_856[%add3A_851, %broadcast_in_dim3A_846] : memref<64x128xf32, #tpu.memory_space<vmem>>[vector<16xi32>, vector<16xi32>], vector<16xf32>,
    tpu.vector_store_idx %arg7[%add3A_851, %broadcast_in_dim3A_848], %gather3A_857 : memref<64x512xf32, #tpu.memory_space<vmem>>[vector<16xi32>, vector<16xi32>], vector<16xf32>,
    %add3A_858 = arith.constant 16 : i32
    %add3A_859 = vector.broadcast %add3A_858 : i32 to vector<16xi32>
    %add3A_860 = arith.addi %iota3A, %add3A_859 : vector<16xi32>
    %gather3A_861 = arith.constant 1 : i32
    %gather3A_862 = arith.constant 0 : i32
    %gather3A_863 = arith.constant 0 : i32
    %gather3A_864 = tpu.memref_slice %arg6[%gather3A_861, %gather3A_862, %gather3A_863] : memref<8x64x128xf32, #tpu.memory_space<vmem>> -> memref<1x64x128xf32, #tpu.memory_space<vmem>>
    %gather3A_865 = tpu.memref_squeeze %gather3A_864 : memref<1x64x128xf32, #tpu.memory_space<vmem>> -> memref<64x128xf32, #tpu.memory_space<vmem>>
    %gather3A_866 = tpu.vector_load_idx %gather3A_865[%add3A_860, %broadcast_in_dim3A_846] : memref<64x128xf32, #tpu.memory_space<vmem>>[vector<16xi32>, vector<16xi32>], vector<16xf32>,
    tpu.vector_store_idx %arg7[%add3A_860, %broadcast_in_dim3A_848], %gather3A_866 : memref<64x512xf32, #tpu.memory_space<vmem>>[vector<16xi32>, vector<16xi32>], vector<16xf32>,
    %add3A_867 = arith.constant 32 : i32
    %add3A_868 = vector.broadcast %add3A_867 : i32 to vector<16xi32>
    %add3A_869 = arith.addi %iota3A, %add3A_868 : vector<16xi32>
    %gather3A_870 = arith.constant 1 : i32
    %gather3A_871 = arith.constant 0 : i32
    %gather3A_872 = arith.constant 0 : i32
    %gather3A_873 = tpu.memref_slice %arg6[%gather3A_870, %gather3A_871, %gather3A_872] : memref<8x64x128xf32, #tpu.memory_space<vmem>> -> memref<1x64x128xf32, #tpu.memory_space<vmem>>
    %gather3A_874 = tpu.memref_squeeze %gather3A_873 : memref<1x64x128xf32, #tpu.memory_space<vmem>> -> memref<64x128xf32, #tpu.memory_space<vmem>>
    %gather3A_875 = tpu.vector_load_idx %gather3A_874[%add3A_869, %broadcast_in_dim3A_846] : memref<64x128xf32, #tpu.memory_space<vmem>>[vector<16xi32>, vector<16xi32>], vector<16xf32>,
    tpu.vector_store_idx %arg7[%add3A_869, %broadcast_in_dim3A_848], %gather3A_875 : memref<64x512xf32, #tpu.memory_space<vmem>>[vector<16xi32>, vector<16xi32>], vector<16xf32>,
    %add3A_876 = arith.constant 48 : i32
    %add3A_877 = vector.broadcast %add3A_876 : i32 to vector<16xi32>
    %add3A_878 = arith.addi %iota3A, %add3A_877 : vector<16xi32>
    %gather3A_879 = arith.constant 1 : i32
    %gather3A_880 = arith.constant 0 : i32
    %gather3A_881 = arith.constant 0 : i32
    %gather3A_882 = tpu.memref_slice %arg6[%gather3A_879, %gather3A_880, %gather3A_881] : memref<8x64x128xf32, #tpu.memory_space<vmem>> -> memref<1x64x128xf32, #tpu.memory_space<vmem>>
    %gather3A_883 = tpu.memref_squeeze %gather3A_882 : memref<1x64x128xf32, #tpu.memory_space<vmem>> -> memref<64x128xf32, #tpu.memory_space<vmem>>
    %gather3A_884 = tpu.vector_load_idx %gather3A_883[%add3A_878, %broadcast_in_dim3A_846] : memref<64x128xf32, #tpu.memory_space<vmem>>[vector<16xi32>, vector<16xi32>], vector<16xf32>,
    tpu.vector_store_idx %arg7[%add3A_878, %broadcast_in_dim3A_848], %gather3A_884 : memref<64x512xf32, #tpu.memory_space<vmem>>[vector<16xi32>, vector<16xi32>], vector<16xf32>,
    %dma_wait3A_885 = arith.constant 2 : i32
    %dma_wait3A_886 = arith.constant 0 : i32
    %dma_wait3A_887 = arith.constant 0 : i32
    %dma_wait3A_888 = tpu.memref_slice %arg6[%dma_wait3A_885, %dma_wait3A_886, %dma_wait3A_887] : memref<8x64x128xf32, #tpu.memory_space<vmem>> -> memref<1x64x128xf32, #tpu.memory_space<vmem>>
    %dma_wait3A_889 = tpu.memref_squeeze %dma_wait3A_888 : memref<1x64x128xf32, #tpu.memory_space<vmem>> -> memref<64x128xf32, #tpu.memory_space<vmem>>
    %dma_wait3A_890 = arith.constant 0 : i32
    %dma_wait3A_891 = arith.constant 0 : i32
    %dma_wait3A_892 = tpu.memref_slice %arg2[%dma_wait3A_890, %dma_wait3A_891] : memref<64x1000001xf32, #tpu.memory_space<hbm>> -> memref<64x128xf32, #tpu.memory_space<hbm>>
    %dma_wait3A_893 = arith.constant 0 : i32
    %dma_wait3A_894 = arith.constant 0 : i32
    %dma_wait3A_895 = tpu.memref_slice %arg6[%dma_wait3A_885, %dma_wait3A_893, %dma_wait3A_894] : memref<8x64x128xf32, #tpu.memory_space<vmem>> -> memref<1x64x128xf32, #tpu.memory_space<vmem>>
    %dma_wait3A_896 = tpu.memref_squeeze %dma_wait3A_895 : memref<1x64x128xf32, #tpu.memory_space<vmem>> -> memref<64x128xf32, #tpu.memory_space<vmem>>
    %dma_wait3A_897 = arith.constant 0 : i32
    %dma_wait3A_898 = arith.constant 0 : i32
    %dma_wait3A_899 = tpu.memref_slice %arg2[%dma_wait3A_897, %dma_wait3A_898] : memref<64x1000001xf32, #tpu.memory_space<hbm>> -> memref<64x128xf32, #tpu.memory_space<hbm>>
    tpu.wait_dma2 semaphore(%arg8 : memref<!tpu.dma_semaphore, #tpu.memory_space<semaphore_mem>>) src(%dma_wait3A_899 : memref<64x128xf32, #tpu.memory_space<hbm>>) dst(%dma_wait3A_896 : memref<64x128xf32, #tpu.memory_space<vmem>>)
    %slice3A_900 = vector.extract_strided_slice %scan3A_155 {offsets = [10], sizes = [1], strides = [1]} : vector<16xi32> to vector<1xi32>
    %squeeze3A_901 = vector.extract %slice3A_900[0] : i32 from vector<1xi32>
    %and3A_902 = arith.constant 127 : i32
    %and3A_903 = arith.andi %squeeze3A_901, %and3A_902 : i32
    %broadcast_in_dim3A_904 = vector.broadcast %and3A_903 : i32 to vector<16xi32>
    %broadcast_in_dim3A_905 = arith.constant 506 : i32
    %broadcast_in_dim3A_906 = vector.broadcast %broadcast_in_dim3A_905 : i32 to vector<16xi32>
    %add3A_907 = arith.constant 0 : i32
    %add3A_908 = vector.broadcast %add3A_907 : i32 to vector<16xi32>
    %add3A_909 = arith.addi %iota3A, %add3A_908 : vector<16xi32>
    %gather3A_910 = arith.constant 2 : i32
    %gather3A_911 = arith.constant 0 : i32
    %gather3A_912 = arith.constant 0 : i32
    %gather3A_913 = tpu.memref_slice %arg6[%gather3A_910, %gather3A_911, %gather3A_912] : memref<8x64x128xf32, #tpu.memory_space<vmem>> -> memref<1x64x128xf32, #tpu.memory_space<vmem>>
    %gather3A_914 = tpu.memref_squeeze %gather3A_913 : memref<1x64x128xf32, #tpu.memory_space<vmem>> -> memref<64x128xf32, #tpu.memory_space<vmem>>
    %gather3A_915 = tpu.vector_load_idx %gather3A_914[%add3A_909, %broadcast_in_dim3A_904] : memref<64x128xf32, #tpu.memory_space<vmem>>[vector<16xi32>, vector<16xi32>], vector<16xf32>,
    tpu.vector_store_idx %arg7[%add3A_909, %broadcast_in_dim3A_906], %gather3A_915 : memref<64x512xf32, #tpu.memory_space<vmem>>[vector<16xi32>, vector<16xi32>], vector<16xf32>,
    %add3A_916 = arith.constant 16 : i32
    %add3A_917 = vector.broadcast %add3A_916 : i32 to vector<16xi32>
    %add3A_918 = arith.addi %iota3A, %add3A_917 : vector<16xi32>
    %gather3A_919 = arith.constant 2 : i32
    %gather3A_920 = arith.constant 0 : i32
    %gather3A_921 = arith.constant 0 : i32
    %gather3A_922 = tpu.memref_slice %arg6[%gather3A_919, %gather3A_920, %gather3A_921] : memref<8x64x128xf32, #tpu.memory_space<vmem>> -> memref<1x64x128xf32, #tpu.memory_space<vmem>>
    %gather3A_923 = tpu.memref_squeeze %gather3A_922 : memref<1x64x128xf32, #tpu.memory_space<vmem>> -> memref<64x128xf32, #tpu.memory_space<vmem>>
    %gather3A_924 = tpu.vector_load_idx %gather3A_923[%add3A_918, %broadcast_in_dim3A_904] : memref<64x128xf32, #tpu.memory_space<vmem>>[vector<16xi32>, vector<16xi32>], vector<16xf32>,
    tpu.vector_store_idx %arg7[%add3A_918, %broadcast_in_dim3A_906], %gather3A_924 : memref<64x512xf32, #tpu.memory_space<vmem>>[vector<16xi32>, vector<16xi32>], vector<16xf32>,
    %add3A_925 = arith.constant 32 : i32
    %add3A_926 = vector.broadcast %add3A_925 : i32 to vector<16xi32>
    %add3A_927 = arith.addi %iota3A, %add3A_926 : vector<16xi32>
    %gather3A_928 = arith.constant 2 : i32
    %gather3A_929 = arith.constant 0 : i32
    %gather3A_930 = arith.constant 0 : i32
    %gather3A_931 = tpu.memref_slice %arg6[%gather3A_928, %gather3A_929, %gather3A_930] : memref<8x64x128xf32, #tpu.memory_space<vmem>> -> memref<1x64x128xf32, #tpu.memory_space<vmem>>
    %gather3A_932 = tpu.memref_squeeze %gather3A_931 : memref<1x64x128xf32, #tpu.memory_space<vmem>> -> memref<64x128xf32, #tpu.memory_space<vmem>>
    %gather3A_933 = tpu.vector_load_idx %gather3A_932[%add3A_927, %broadcast_in_dim3A_904] : memref<64x128xf32, #tpu.memory_space<vmem>>[vector<16xi32>, vector<16xi32>], vector<16xf32>,
    tpu.vector_store_idx %arg7[%add3A_927, %broadcast_in_dim3A_906], %gather3A_933 : memref<64x512xf32, #tpu.memory_space<vmem>>[vector<16xi32>, vector<16xi32>], vector<16xf32>,
    %add3A_934 = arith.constant 48 : i32
    %add3A_935 = vector.broadcast %add3A_934 : i32 to vector<16xi32>
    %add3A_936 = arith.addi %iota3A, %add3A_935 : vector<16xi32>
    %gather3A_937 = arith.constant 2 : i32
    %gather3A_938 = arith.constant 0 : i32
    %gather3A_939 = arith.constant 0 : i32
    %gather3A_940 = tpu.memref_slice %arg6[%gather3A_937, %gather3A_938, %gather3A_939] : memref<8x64x128xf32, #tpu.memory_space<vmem>> -> memref<1x64x128xf32, #tpu.memory_space<vmem>>
    %gather3A_941 = tpu.memref_squeeze %gather3A_940 : memref<1x64x128xf32, #tpu.memory_space<vmem>> -> memref<64x128xf32, #tpu.memory_space<vmem>>
    %gather3A_942 = tpu.vector_load_idx %gather3A_941[%add3A_936, %broadcast_in_dim3A_904] : memref<64x128xf32, #tpu.memory_space<vmem>>[vector<16xi32>, vector<16xi32>], vector<16xf32>,
    tpu.vector_store_idx %arg7[%add3A_936, %broadcast_in_dim3A_906], %gather3A_942 : memref<64x512xf32, #tpu.memory_space<vmem>>[vector<16xi32>, vector<16xi32>], vector<16xf32>,
    %dma_wait3A_943 = arith.constant 3 : i32
    %dma_wait3A_944 = arith.constant 0 : i32
    %dma_wait3A_945 = arith.constant 0 : i32
    %dma_wait3A_946 = tpu.memref_slice %arg6[%dma_wait3A_943, %dma_wait3A_944, %dma_wait3A_945] : memref<8x64x128xf32, #tpu.memory_space<vmem>> -> memref<1x64x128xf32, #tpu.memory_space<vmem>>
    %dma_wait3A_947 = tpu.memref_squeeze %dma_wait3A_946 : memref<1x64x128xf32, #tpu.memory_space<vmem>> -> memref<64x128xf32, #tpu.memory_space<vmem>>
    %dma_wait3A_948 = arith.constant 0 : i32
    %dma_wait3A_949 = arith.constant 0 : i32
    %dma_wait3A_950 = tpu.memref_slice %arg2[%dma_wait3A_948, %dma_wait3A_949] : memref<64x1000001xf32, #tpu.memory_space<hbm>> -> memref<64x128xf32, #tpu.memory_space<hbm>>
    %dma_wait3A_951 = arith.constant 0 : i32
    %dma_wait3A_952 = arith.constant 0 : i32
    %dma_wait3A_953 = tpu.memref_slice %arg6[%dma_wait3A_943, %dma_wait3A_951, %dma_wait3A_952] : memref<8x64x128xf32, #tpu.memory_space<vmem>> -> memref<1x64x128xf32, #tpu.memory_space<vmem>>
    %dma_wait3A_954 = tpu.memref_squeeze %dma_wait3A_953 : memref<1x64x128xf32, #tpu.memory_space<vmem>> -> memref<64x128xf32, #tpu.memory_space<vmem>>
    %dma_wait3A_955 = arith.constant 0 : i32
    %dma_wait3A_956 = arith.constant 0 : i32
    %dma_wait3A_957 = tpu.memref_slice %arg2[%dma_wait3A_955, %dma_wait3A_956] : memref<64x1000001xf32, #tpu.memory_space<hbm>> -> memref<64x128xf32, #tpu.memory_space<hbm>>
    tpu.wait_dma2 semaphore(%arg8 : memref<!tpu.dma_semaphore, #tpu.memory_space<semaphore_mem>>) src(%dma_wait3A_957 : memref<64x128xf32, #tpu.memory_space<hbm>>) dst(%dma_wait3A_954 : memref<64x128xf32, #tpu.memory_space<vmem>>)
    %slice3A_958 = vector.extract_strided_slice %scan3A_155 {offsets = [11], sizes = [1], strides = [1]} : vector<16xi32> to vector<1xi32>
    %squeeze3A_959 = vector.extract %slice3A_958[0] : i32 from vector<1xi32>
    %and3A_960 = arith.constant 127 : i32
    %and3A_961 = arith.andi %squeeze3A_959, %and3A_960 : i32
    %broadcast_in_dim3A_962 = vector.broadcast %and3A_961 : i32 to vector<16xi32>
    %broadcast_in_dim3A_963 = arith.constant 507 : i32
    %broadcast_in_dim3A_964 = vector.broadcast %broadcast_in_dim3A_963 : i32 to vector<16xi32>
    %add3A_965 = arith.constant 0 : i32
    %add3A_966 = vector.broadcast %add3A_965 : i32 to vector<16xi32>
    %add3A_967 = arith.addi %iota3A, %add3A_966 : vector<16xi32>
    %gather3A_968 = arith.constant 3 : i32
    %gather3A_969 = arith.constant 0 : i32
    %gather3A_970 = arith.constant 0 : i32
    %gather3A_971 = tpu.memref_slice %arg6[%gather3A_968, %gather3A_969, %gather3A_970] : memref<8x64x128xf32, #tpu.memory_space<vmem>> -> memref<1x64x128xf32, #tpu.memory_space<vmem>>
    %gather3A_972 = tpu.memref_squeeze %gather3A_971 : memref<1x64x128xf32, #tpu.memory_space<vmem>> -> memref<64x128xf32, #tpu.memory_space<vmem>>
    %gather3A_973 = tpu.vector_load_idx %gather3A_972[%add3A_967, %broadcast_in_dim3A_962] : memref<64x128xf32, #tpu.memory_space<vmem>>[vector<16xi32>, vector<16xi32>], vector<16xf32>,
    tpu.vector_store_idx %arg7[%add3A_967, %broadcast_in_dim3A_964], %gather3A_973 : memref<64x512xf32, #tpu.memory_space<vmem>>[vector<16xi32>, vector<16xi32>], vector<16xf32>,
    %add3A_974 = arith.constant 16 : i32
    %add3A_975 = vector.broadcast %add3A_974 : i32 to vector<16xi32>
    %add3A_976 = arith.addi %iota3A, %add3A_975 : vector<16xi32>
    %gather3A_977 = arith.constant 3 : i32
    %gather3A_978 = arith.constant 0 : i32
    %gather3A_979 = arith.constant 0 : i32
    %gather3A_980 = tpu.memref_slice %arg6[%gather3A_977, %gather3A_978, %gather3A_979] : memref<8x64x128xf32, #tpu.memory_space<vmem>> -> memref<1x64x128xf32, #tpu.memory_space<vmem>>
    %gather3A_981 = tpu.memref_squeeze %gather3A_980 : memref<1x64x128xf32, #tpu.memory_space<vmem>> -> memref<64x128xf32, #tpu.memory_space<vmem>>
    %gather3A_982 = tpu.vector_load_idx %gather3A_981[%add3A_976, %broadcast_in_dim3A_962] : memref<64x128xf32, #tpu.memory_space<vmem>>[vector<16xi32>, vector<16xi32>], vector<16xf32>,
    tpu.vector_store_idx %arg7[%add3A_976, %broadcast_in_dim3A_964], %gather3A_982 : memref<64x512xf32, #tpu.memory_space<vmem>>[vector<16xi32>, vector<16xi32>], vector<16xf32>,
    %add3A_983 = arith.constant 32 : i32
    %add3A_984 = vector.broadcast %add3A_983 : i32 to vector<16xi32>
    %add3A_985 = arith.addi %iota3A, %add3A_984 : vector<16xi32>
    %gather3A_986 = arith.constant 3 : i32
    %gather3A_987 = arith.constant 0 : i32
    %gather3A_988 = arith.constant 0 : i32
    %gather3A_989 = tpu.memref_slice %arg6[%gather3A_986, %gather3A_987, %gather3A_988] : memref<8x64x128xf32, #tpu.memory_space<vmem>> -> memref<1x64x128xf32, #tpu.memory_space<vmem>>
    %gather3A_990 = tpu.memref_squeeze %gather3A_989 : memref<1x64x128xf32, #tpu.memory_space<vmem>> -> memref<64x128xf32, #tpu.memory_space<vmem>>
    %gather3A_991 = tpu.vector_load_idx %gather3A_990[%add3A_985, %broadcast_in_dim3A_962] : memref<64x128xf32, #tpu.memory_space<vmem>>[vector<16xi32>, vector<16xi32>], vector<16xf32>,
    tpu.vector_store_idx %arg7[%add3A_985, %broadcast_in_dim3A_964], %gather3A_991 : memref<64x512xf32, #tpu.memory_space<vmem>>[vector<16xi32>, vector<16xi32>], vector<16xf32>,
    %add3A_992 = arith.constant 48 : i32
    %add3A_993 = vector.broadcast %add3A_992 : i32 to vector<16xi32>
    %add3A_994 = arith.addi %iota3A, %add3A_993 : vector<16xi32>
    %gather3A_995 = arith.constant 3 : i32
    %gather3A_996 = arith.constant 0 : i32
    %gather3A_997 = arith.constant 0 : i32
    %gather3A_998 = tpu.memref_slice %arg6[%gather3A_995, %gather3A_996, %gather3A_997] : memref<8x64x128xf32, #tpu.memory_space<vmem>> -> memref<1x64x128xf32, #tpu.memory_space<vmem>>
    %gather3A_999 = tpu.memref_squeeze %gather3A_998 : memref<1x64x128xf32, #tpu.memory_space<vmem>> -> memref<64x128xf32, #tpu.memory_space<vmem>>
    %gather3A_1000 = tpu.vector_load_idx %gather3A_999[%add3A_994, %broadcast_in_dim3A_962] : memref<64x128xf32, #tpu.memory_space<vmem>>[vector<16xi32>, vector<16xi32>], vector<16xf32>,
    tpu.vector_store_idx %arg7[%add3A_994, %broadcast_in_dim3A_964], %gather3A_1000 : memref<64x512xf32, #tpu.memory_space<vmem>>[vector<16xi32>, vector<16xi32>], vector<16xf32>,
    %dma_wait3A_1001 = arith.constant 4 : i32
    %dma_wait3A_1002 = arith.constant 0 : i32
    %dma_wait3A_1003 = arith.constant 0 : i32
    %dma_wait3A_1004 = tpu.memref_slice %arg6[%dma_wait3A_1001, %dma_wait3A_1002, %dma_wait3A_1003] : memref<8x64x128xf32, #tpu.memory_space<vmem>> -> memref<1x64x128xf32, #tpu.memory_space<vmem>>
    %dma_wait3A_1005 = tpu.memref_squeeze %dma_wait3A_1004 : memref<1x64x128xf32, #tpu.memory_space<vmem>> -> memref<64x128xf32, #tpu.memory_space<vmem>>
    %dma_wait3A_1006 = arith.constant 0 : i32
    %dma_wait3A_1007 = arith.constant 0 : i32
    %dma_wait3A_1008 = tpu.memref_slice %arg2[%dma_wait3A_1006, %dma_wait3A_1007] : memref<64x1000001xf32, #tpu.memory_space<hbm>> -> memref<64x128xf32, #tpu.memory_space<hbm>>
    %dma_wait3A_1009 = arith.constant 0 : i32
    %dma_wait3A_1010 = arith.constant 0 : i32
    %dma_wait3A_1011 = tpu.memref_slice %arg6[%dma_wait3A_1001, %dma_wait3A_1009, %dma_wait3A_1010] : memref<8x64x128xf32, #tpu.memory_space<vmem>> -> memref<1x64x128xf32, #tpu.memory_space<vmem>>
    %dma_wait3A_1012 = tpu.memref_squeeze %dma_wait3A_1011 : memref<1x64x128xf32, #tpu.memory_space<vmem>> -> memref<64x128xf32, #tpu.memory_space<vmem>>
    %dma_wait3A_1013 = arith.constant 0 : i32
    %dma_wait3A_1014 = arith.constant 0 : i32
    %dma_wait3A_1015 = tpu.memref_slice %arg2[%dma_wait3A_1013, %dma_wait3A_1014] : memref<64x1000001xf32, #tpu.memory_space<hbm>> -> memref<64x128xf32, #tpu.memory_space<hbm>>
    tpu.wait_dma2 semaphore(%arg8 : memref<!tpu.dma_semaphore, #tpu.memory_space<semaphore_mem>>) src(%dma_wait3A_1015 : memref<64x128xf32, #tpu.memory_space<hbm>>) dst(%dma_wait3A_1012 : memref<64x128xf32, #tpu.memory_space<vmem>>)
    %slice3A_1016 = vector.extract_strided_slice %scan3A_155 {offsets = [12], sizes = [1], strides = [1]} : vector<16xi32> to vector<1xi32>
    %squeeze3A_1017 = vector.extract %slice3A_1016[0] : i32 from vector<1xi32>
    %and3A_1018 = arith.constant 127 : i32
    %and3A_1019 = arith.andi %squeeze3A_1017, %and3A_1018 : i32
    %broadcast_in_dim3A_1020 = vector.broadcast %and3A_1019 : i32 to vector<16xi32>
    %broadcast_in_dim3A_1021 = arith.constant 508 : i32
    %broadcast_in_dim3A_1022 = vector.broadcast %broadcast_in_dim3A_1021 : i32 to vector<16xi32>
    %add3A_1023 = arith.constant 0 : i32
    %add3A_1024 = vector.broadcast %add3A_1023 : i32 to vector<16xi32>
    %add3A_1025 = arith.addi %iota3A, %add3A_1024 : vector<16xi32>
    %gather3A_1026 = arith.constant 4 : i32
    %gather3A_1027 = arith.constant 0 : i32
    %gather3A_1028 = arith.constant 0 : i32
    %gather3A_1029 = tpu.memref_slice %arg6[%gather3A_1026, %gather3A_1027, %gather3A_1028] : memref<8x64x128xf32, #tpu.memory_space<vmem>> -> memref<1x64x128xf32, #tpu.memory_space<vmem>>
    %gather3A_1030 = tpu.memref_squeeze %gather3A_1029 : memref<1x64x128xf32, #tpu.memory_space<vmem>> -> memref<64x128xf32, #tpu.memory_space<vmem>>
    %gather3A_1031 = tpu.vector_load_idx %gather3A_1030[%add3A_1025, %broadcast_in_dim3A_1020] : memref<64x128xf32, #tpu.memory_space<vmem>>[vector<16xi32>, vector<16xi32>], vector<16xf32>,
    tpu.vector_store_idx %arg7[%add3A_1025, %broadcast_in_dim3A_1022], %gather3A_1031 : memref<64x512xf32, #tpu.memory_space<vmem>>[vector<16xi32>, vector<16xi32>], vector<16xf32>,
    %add3A_1032 = arith.constant 16 : i32
    %add3A_1033 = vector.broadcast %add3A_1032 : i32 to vector<16xi32>
    %add3A_1034 = arith.addi %iota3A, %add3A_1033 : vector<16xi32>
    %gather3A_1035 = arith.constant 4 : i32
    %gather3A_1036 = arith.constant 0 : i32
    %gather3A_1037 = arith.constant 0 : i32
    %gather3A_1038 = tpu.memref_slice %arg6[%gather3A_1035, %gather3A_1036, %gather3A_1037] : memref<8x64x128xf32, #tpu.memory_space<vmem>> -> memref<1x64x128xf32, #tpu.memory_space<vmem>>
    %gather3A_1039 = tpu.memref_squeeze %gather3A_1038 : memref<1x64x128xf32, #tpu.memory_space<vmem>> -> memref<64x128xf32, #tpu.memory_space<vmem>>
    %gather3A_1040 = tpu.vector_load_idx %gather3A_1039[%add3A_1034, %broadcast_in_dim3A_1020] : memref<64x128xf32, #tpu.memory_space<vmem>>[vector<16xi32>, vector<16xi32>], vector<16xf32>,
    tpu.vector_store_idx %arg7[%add3A_1034, %broadcast_in_dim3A_1022], %gather3A_1040 : memref<64x512xf32, #tpu.memory_space<vmem>>[vector<16xi32>, vector<16xi32>], vector<16xf32>,
    %add3A_1041 = arith.constant 32 : i32
    %add3A_1042 = vector.broadcast %add3A_1041 : i32 to vector<16xi32>
    %add3A_1043 = arith.addi %iota3A, %add3A_1042 : vector<16xi32>
    %gather3A_1044 = arith.constant 4 : i32
    %gather3A_1045 = arith.constant 0 : i32
    %gather3A_1046 = arith.constant 0 : i32
    %gather3A_1047 = tpu.memref_slice %arg6[%gather3A_1044, %gather3A_1045, %gather3A_1046] : memref<8x64x128xf32, #tpu.memory_space<vmem>> -> memref<1x64x128xf32, #tpu.memory_space<vmem>>
    %gather3A_1048 = tpu.memref_squeeze %gather3A_1047 : memref<1x64x128xf32, #tpu.memory_space<vmem>> -> memref<64x128xf32, #tpu.memory_space<vmem>>
    %gather3A_1049 = tpu.vector_load_idx %gather3A_1048[%add3A_1043, %broadcast_in_dim3A_1020] : memref<64x128xf32, #tpu.memory_space<vmem>>[vector<16xi32>, vector<16xi32>], vector<16xf32>,
    tpu.vector_store_idx %arg7[%add3A_1043, %broadcast_in_dim3A_1022], %gather3A_1049 : memref<64x512xf32, #tpu.memory_space<vmem>>[vector<16xi32>, vector<16xi32>], vector<16xf32>,
    %add3A_1050 = arith.constant 48 : i32
    %add3A_1051 = vector.broadcast %add3A_1050 : i32 to vector<16xi32>
    %add3A_1052 = arith.addi %iota3A, %add3A_1051 : vector<16xi32>
    %gather3A_1053 = arith.constant 4 : i32
    %gather3A_1054 = arith.constant 0 : i32
    %gather3A_1055 = arith.constant 0 : i32
    %gather3A_1056 = tpu.memref_slice %arg6[%gather3A_1053, %gather3A_1054, %gather3A_1055] : memref<8x64x128xf32, #tpu.memory_space<vmem>> -> memref<1x64x128xf32, #tpu.memory_space<vmem>>
    %gather3A_1057 = tpu.memref_squeeze %gather3A_1056 : memref<1x64x128xf32, #tpu.memory_space<vmem>> -> memref<64x128xf32, #tpu.memory_space<vmem>>
    %gather3A_1058 = tpu.vector_load_idx %gather3A_1057[%add3A_1052, %broadcast_in_dim3A_1020] : memref<64x128xf32, #tpu.memory_space<vmem>>[vector<16xi32>, vector<16xi32>], vector<16xf32>,
    tpu.vector_store_idx %arg7[%add3A_1052, %broadcast_in_dim3A_1022], %gather3A_1058 : memref<64x512xf32, #tpu.memory_space<vmem>>[vector<16xi32>, vector<16xi32>], vector<16xf32>,
    %dma_wait3A_1059 = arith.constant 5 : i32
    %dma_wait3A_1060 = arith.constant 0 : i32
    %dma_wait3A_1061 = arith.constant 0 : i32
    %dma_wait3A_1062 = tpu.memref_slice %arg6[%dma_wait3A_1059, %dma_wait3A_1060, %dma_wait3A_1061] : memref<8x64x128xf32, #tpu.memory_space<vmem>> -> memref<1x64x128xf32, #tpu.memory_space<vmem>>
    %dma_wait3A_1063 = tpu.memref_squeeze %dma_wait3A_1062 : memref<1x64x128xf32, #tpu.memory_space<vmem>> -> memref<64x128xf32, #tpu.memory_space<vmem>>
    %dma_wait3A_1064 = arith.constant 0 : i32
    %dma_wait3A_1065 = arith.constant 0 : i32
    %dma_wait3A_1066 = tpu.memref_slice %arg2[%dma_wait3A_1064, %dma_wait3A_1065] : memref<64x1000001xf32, #tpu.memory_space<hbm>> -> memref<64x128xf32, #tpu.memory_space<hbm>>
    %dma_wait3A_1067 = arith.constant 0 : i32
    %dma_wait3A_1068 = arith.constant 0 : i32
    %dma_wait3A_1069 = tpu.memref_slice %arg6[%dma_wait3A_1059, %dma_wait3A_1067, %dma_wait3A_1068] : memref<8x64x128xf32, #tpu.memory_space<vmem>> -> memref<1x64x128xf32, #tpu.memory_space<vmem>>
    %dma_wait3A_1070 = tpu.memref_squeeze %dma_wait3A_1069 : memref<1x64x128xf32, #tpu.memory_space<vmem>> -> memref<64x128xf32, #tpu.memory_space<vmem>>
    %dma_wait3A_1071 = arith.constant 0 : i32
    %dma_wait3A_1072 = arith.constant 0 : i32
    %dma_wait3A_1073 = tpu.memref_slice %arg2[%dma_wait3A_1071, %dma_wait3A_1072] : memref<64x1000001xf32, #tpu.memory_space<hbm>> -> memref<64x128xf32, #tpu.memory_space<hbm>>
    tpu.wait_dma2 semaphore(%arg8 : memref<!tpu.dma_semaphore, #tpu.memory_space<semaphore_mem>>) src(%dma_wait3A_1073 : memref<64x128xf32, #tpu.memory_space<hbm>>) dst(%dma_wait3A_1070 : memref<64x128xf32, #tpu.memory_space<vmem>>)
    %slice3A_1074 = vector.extract_strided_slice %scan3A_155 {offsets = [13], sizes = [1], strides = [1]} : vector<16xi32> to vector<1xi32>
    %squeeze3A_1075 = vector.extract %slice3A_1074[0] : i32 from vector<1xi32>
    %and3A_1076 = arith.constant 127 : i32
    %and3A_1077 = arith.andi %squeeze3A_1075, %and3A_1076 : i32
    %broadcast_in_dim3A_1078 = vector.broadcast %and3A_1077 : i32 to vector<16xi32>
    %broadcast_in_dim3A_1079 = arith.constant 509 : i32
    %broadcast_in_dim3A_1080 = vector.broadcast %broadcast_in_dim3A_1079 : i32 to vector<16xi32>
    %add3A_1081 = arith.constant 0 : i32
    %add3A_1082 = vector.broadcast %add3A_1081 : i32 to vector<16xi32>
    %add3A_1083 = arith.addi %iota3A, %add3A_1082 : vector<16xi32>
    %gather3A_1084 = arith.constant 5 : i32
    %gather3A_1085 = arith.constant 0 : i32
    %gather3A_1086 = arith.constant 0 : i32
    %gather3A_1087 = tpu.memref_slice %arg6[%gather3A_1084, %gather3A_1085, %gather3A_1086] : memref<8x64x128xf32, #tpu.memory_space<vmem>> -> memref<1x64x128xf32, #tpu.memory_space<vmem>>
    %gather3A_1088 = tpu.memref_squeeze %gather3A_1087 : memref<1x64x128xf32, #tpu.memory_space<vmem>> -> memref<64x128xf32, #tpu.memory_space<vmem>>
    %gather3A_1089 = tpu.vector_load_idx %gather3A_1088[%add3A_1083, %broadcast_in_dim3A_1078] : memref<64x128xf32, #tpu.memory_space<vmem>>[vector<16xi32>, vector<16xi32>], vector<16xf32>,
    tpu.vector_store_idx %arg7[%add3A_1083, %broadcast_in_dim3A_1080], %gather3A_1089 : memref<64x512xf32, #tpu.memory_space<vmem>>[vector<16xi32>, vector<16xi32>], vector<16xf32>,
    %add3A_1090 = arith.constant 16 : i32
    %add3A_1091 = vector.broadcast %add3A_1090 : i32 to vector<16xi32>
    %add3A_1092 = arith.addi %iota3A, %add3A_1091 : vector<16xi32>
    %gather3A_1093 = arith.constant 5 : i32
    %gather3A_1094 = arith.constant 0 : i32
    %gather3A_1095 = arith.constant 0 : i32
    %gather3A_1096 = tpu.memref_slice %arg6[%gather3A_1093, %gather3A_1094, %gather3A_1095] : memref<8x64x128xf32, #tpu.memory_space<vmem>> -> memref<1x64x128xf32, #tpu.memory_space<vmem>>
    %gather3A_1097 = tpu.memref_squeeze %gather3A_1096 : memref<1x64x128xf32, #tpu.memory_space<vmem>> -> memref<64x128xf32, #tpu.memory_space<vmem>>
    %gather3A_1098 = tpu.vector_load_idx %gather3A_1097[%add3A_1092, %broadcast_in_dim3A_1078] : memref<64x128xf32, #tpu.memory_space<vmem>>[vector<16xi32>, vector<16xi32>], vector<16xf32>,
    tpu.vector_store_idx %arg7[%add3A_1092, %broadcast_in_dim3A_1080], %gather3A_1098 : memref<64x512xf32, #tpu.memory_space<vmem>>[vector<16xi32>, vector<16xi32>], vector<16xf32>,
    %add3A_1099 = arith.constant 32 : i32
    %add3A_1100 = vector.broadcast %add3A_1099 : i32 to vector<16xi32>
    %add3A_1101 = arith.addi %iota3A, %add3A_1100 : vector<16xi32>
    %gather3A_1102 = arith.constant 5 : i32
    %gather3A_1103 = arith.constant 0 : i32
    %gather3A_1104 = arith.constant 0 : i32
    %gather3A_1105 = tpu.memref_slice %arg6[%gather3A_1102, %gather3A_1103, %gather3A_1104] : memref<8x64x128xf32, #tpu.memory_space<vmem>> -> memref<1x64x128xf32, #tpu.memory_space<vmem>>
    %gather3A_1106 = tpu.memref_squeeze %gather3A_1105 : memref<1x64x128xf32, #tpu.memory_space<vmem>> -> memref<64x128xf32, #tpu.memory_space<vmem>>
    %gather3A_1107 = tpu.vector_load_idx %gather3A_1106[%add3A_1101, %broadcast_in_dim3A_1078] : memref<64x128xf32, #tpu.memory_space<vmem>>[vector<16xi32>, vector<16xi32>], vector<16xf32>,
    tpu.vector_store_idx %arg7[%add3A_1101, %broadcast_in_dim3A_1080], %gather3A_1107 : memref<64x512xf32, #tpu.memory_space<vmem>>[vector<16xi32>, vector<16xi32>], vector<16xf32>,
    %add3A_1108 = arith.constant 48 : i32
    %add3A_1109 = vector.broadcast %add3A_1108 : i32 to vector<16xi32>
    %add3A_1110 = arith.addi %iota3A, %add3A_1109 : vector<16xi32>
    %gather3A_1111 = arith.constant 5 : i32
    %gather3A_1112 = arith.constant 0 : i32
    %gather3A_1113 = arith.constant 0 : i32
    %gather3A_1114 = tpu.memref_slice %arg6[%gather3A_1111, %gather3A_1112, %gather3A_1113] : memref<8x64x128xf32, #tpu.memory_space<vmem>> -> memref<1x64x128xf32, #tpu.memory_space<vmem>>
    %gather3A_1115 = tpu.memref_squeeze %gather3A_1114 : memref<1x64x128xf32, #tpu.memory_space<vmem>> -> memref<64x128xf32, #tpu.memory_space<vmem>>
    %gather3A_1116 = tpu.vector_load_idx %gather3A_1115[%add3A_1110, %broadcast_in_dim3A_1078] : memref<64x128xf32, #tpu.memory_space<vmem>>[vector<16xi32>, vector<16xi32>], vector<16xf32>,
    tpu.vector_store_idx %arg7[%add3A_1110, %broadcast_in_dim3A_1080], %gather3A_1116 : memref<64x512xf32, #tpu.memory_space<vmem>>[vector<16xi32>, vector<16xi32>], vector<16xf32>,
    %dma_wait3A_1117 = arith.constant 6 : i32
    %dma_wait3A_1118 = arith.constant 0 : i32
    %dma_wait3A_1119 = arith.constant 0 : i32
    %dma_wait3A_1120 = tpu.memref_slice %arg6[%dma_wait3A_1117, %dma_wait3A_1118, %dma_wait3A_1119] : memref<8x64x128xf32, #tpu.memory_space<vmem>> -> memref<1x64x128xf32, #tpu.memory_space<vmem>>
    %dma_wait3A_1121 = tpu.memref_squeeze %dma_wait3A_1120 : memref<1x64x128xf32, #tpu.memory_space<vmem>> -> memref<64x128xf32, #tpu.memory_space<vmem>>
    %dma_wait3A_1122 = arith.constant 0 : i32
    %dma_wait3A_1123 = arith.constant 0 : i32
    %dma_wait3A_1124 = tpu.memref_slice %arg2[%dma_wait3A_1122, %dma_wait3A_1123] : memref<64x1000001xf32, #tpu.memory_space<hbm>> -> memref<64x128xf32, #tpu.memory_space<hbm>>
    %dma_wait3A_1125 = arith.constant 0 : i32
    %dma_wait3A_1126 = arith.constant 0 : i32
    %dma_wait3A_1127 = tpu.memref_slice %arg6[%dma_wait3A_1117, %dma_wait3A_1125, %dma_wait3A_1126] : memref<8x64x128xf32, #tpu.memory_space<vmem>> -> memref<1x64x128xf32, #tpu.memory_space<vmem>>
    %dma_wait3A_1128 = tpu.memref_squeeze %dma_wait3A_1127 : memref<1x64x128xf32, #tpu.memory_space<vmem>> -> memref<64x128xf32, #tpu.memory_space<vmem>>
    %dma_wait3A_1129 = arith.constant 0 : i32
    %dma_wait3A_1130 = arith.constant 0 : i32
    %dma_wait3A_1131 = tpu.memref_slice %arg2[%dma_wait3A_1129, %dma_wait3A_1130] : memref<64x1000001xf32, #tpu.memory_space<hbm>> -> memref<64x128xf32, #tpu.memory_space<hbm>>
    tpu.wait_dma2 semaphore(%arg8 : memref<!tpu.dma_semaphore, #tpu.memory_space<semaphore_mem>>) src(%dma_wait3A_1131 : memref<64x128xf32, #tpu.memory_space<hbm>>) dst(%dma_wait3A_1128 : memref<64x128xf32, #tpu.memory_space<vmem>>)
    %slice3A_1132 = vector.extract_strided_slice %scan3A_155 {offsets = [14], sizes = [1], strides = [1]} : vector<16xi32> to vector<1xi32>
    %squeeze3A_1133 = vector.extract %slice3A_1132[0] : i32 from vector<1xi32>
    %and3A_1134 = arith.constant 127 : i32
    %and3A_1135 = arith.andi %squeeze3A_1133, %and3A_1134 : i32
    %broadcast_in_dim3A_1136 = vector.broadcast %and3A_1135 : i32 to vector<16xi32>
    %broadcast_in_dim3A_1137 = arith.constant 510 : i32
    %broadcast_in_dim3A_1138 = vector.broadcast %broadcast_in_dim3A_1137 : i32 to vector<16xi32>
    %add3A_1139 = arith.constant 0 : i32
    %add3A_1140 = vector.broadcast %add3A_1139 : i32 to vector<16xi32>
    %add3A_1141 = arith.addi %iota3A, %add3A_1140 : vector<16xi32>
    %gather3A_1142 = arith.constant 6 : i32
    %gather3A_1143 = arith.constant 0 : i32
    %gather3A_1144 = arith.constant 0 : i32
    %gather3A_1145 = tpu.memref_slice %arg6[%gather3A_1142, %gather3A_1143, %gather3A_1144] : memref<8x64x128xf32, #tpu.memory_space<vmem>> -> memref<1x64x128xf32, #tpu.memory_space<vmem>>
    %gather3A_1146 = tpu.memref_squeeze %gather3A_1145 : memref<1x64x128xf32, #tpu.memory_space<vmem>> -> memref<64x128xf32, #tpu.memory_space<vmem>>
    %gather3A_1147 = tpu.vector_load_idx %gather3A_1146[%add3A_1141, %broadcast_in_dim3A_1136] : memref<64x128xf32, #tpu.memory_space<vmem>>[vector<16xi32>, vector<16xi32>], vector<16xf32>,
    tpu.vector_store_idx %arg7[%add3A_1141, %broadcast_in_dim3A_1138], %gather3A_1147 : memref<64x512xf32, #tpu.memory_space<vmem>>[vector<16xi32>, vector<16xi32>], vector<16xf32>,
    %add3A_1148 = arith.constant 16 : i32
    %add3A_1149 = vector.broadcast %add3A_1148 : i32 to vector<16xi32>
    %add3A_1150 = arith.addi %iota3A, %add3A_1149 : vector<16xi32>
    %gather3A_1151 = arith.constant 6 : i32
    %gather3A_1152 = arith.constant 0 : i32
    %gather3A_1153 = arith.constant 0 : i32
    %gather3A_1154 = tpu.memref_slice %arg6[%gather3A_1151, %gather3A_1152, %gather3A_1153] : memref<8x64x128xf32, #tpu.memory_space<vmem>> -> memref<1x64x128xf32, #tpu.memory_space<vmem>>
    %gather3A_1155 = tpu.memref_squeeze %gather3A_1154 : memref<1x64x128xf32, #tpu.memory_space<vmem>> -> memref<64x128xf32, #tpu.memory_space<vmem>>
    %gather3A_1156 = tpu.vector_load_idx %gather3A_1155[%add3A_1150, %broadcast_in_dim3A_1136] : memref<64x128xf32, #tpu.memory_space<vmem>>[vector<16xi32>, vector<16xi32>], vector<16xf32>,
    tpu.vector_store_idx %arg7[%add3A_1150, %broadcast_in_dim3A_1138], %gather3A_1156 : memref<64x512xf32, #tpu.memory_space<vmem>>[vector<16xi32>, vector<16xi32>], vector<16xf32>,
    %add3A_1157 = arith.constant 32 : i32
    %add3A_1158 = vector.broadcast %add3A_1157 : i32 to vector<16xi32>
    %add3A_1159 = arith.addi %iota3A, %add3A_1158 : vector<16xi32>
    %gather3A_1160 = arith.constant 6 : i32
    %gather3A_1161 = arith.constant 0 : i32
    %gather3A_1162 = arith.constant 0 : i32
    %gather3A_1163 = tpu.memref_slice %arg6[%gather3A_1160, %gather3A_1161, %gather3A_1162] : memref<8x64x128xf32, #tpu.memory_space<vmem>> -> memref<1x64x128xf32, #tpu.memory_space<vmem>>
    %gather3A_1164 = tpu.memref_squeeze %gather3A_1163 : memref<1x64x128xf32, #tpu.memory_space<vmem>> -> memref<64x128xf32, #tpu.memory_space<vmem>>
    %gather3A_1165 = tpu.vector_load_idx %gather3A_1164[%add3A_1159, %broadcast_in_dim3A_1136] : memref<64x128xf32, #tpu.memory_space<vmem>>[vector<16xi32>, vector<16xi32>], vector<16xf32>,
    tpu.vector_store_idx %arg7[%add3A_1159, %broadcast_in_dim3A_1138], %gather3A_1165 : memref<64x512xf32, #tpu.memory_space<vmem>>[vector<16xi32>, vector<16xi32>], vector<16xf32>,
    %add3A_1166 = arith.constant 48 : i32
    %add3A_1167 = vector.broadcast %add3A_1166 : i32 to vector<16xi32>
    %add3A_1168 = arith.addi %iota3A, %add3A_1167 : vector<16xi32>
    %gather3A_1169 = arith.constant 6 : i32
    %gather3A_1170 = arith.constant 0 : i32
    %gather3A_1171 = arith.constant 0 : i32
    %gather3A_1172 = tpu.memref_slice %arg6[%gather3A_1169, %gather3A_1170, %gather3A_1171] : memref<8x64x128xf32, #tpu.memory_space<vmem>> -> memref<1x64x128xf32, #tpu.memory_space<vmem>>
    %gather3A_1173 = tpu.memref_squeeze %gather3A_1172 : memref<1x64x128xf32, #tpu.memory_space<vmem>> -> memref<64x128xf32, #tpu.memory_space<vmem>>
    %gather3A_1174 = tpu.vector_load_idx %gather3A_1173[%add3A_1168, %broadcast_in_dim3A_1136] : memref<64x128xf32, #tpu.memory_space<vmem>>[vector<16xi32>, vector<16xi32>], vector<16xf32>,
    tpu.vector_store_idx %arg7[%add3A_1168, %broadcast_in_dim3A_1138], %gather3A_1174 : memref<64x512xf32, #tpu.memory_space<vmem>>[vector<16xi32>, vector<16xi32>], vector<16xf32>,
    %dma_wait3A_1175 = arith.constant 7 : i32
    %dma_wait3A_1176 = arith.constant 0 : i32
    %dma_wait3A_1177 = arith.constant 0 : i32
    %dma_wait3A_1178 = tpu.memref_slice %arg6[%dma_wait3A_1175, %dma_wait3A_1176, %dma_wait3A_1177] : memref<8x64x128xf32, #tpu.memory_space<vmem>> -> memref<1x64x128xf32, #tpu.memory_space<vmem>>
    %dma_wait3A_1179 = tpu.memref_squeeze %dma_wait3A_1178 : memref<1x64x128xf32, #tpu.memory_space<vmem>> -> memref<64x128xf32, #tpu.memory_space<vmem>>
    %dma_wait3A_1180 = arith.constant 0 : i32
    %dma_wait3A_1181 = arith.constant 0 : i32
    %dma_wait3A_1182 = tpu.memref_slice %arg2[%dma_wait3A_1180, %dma_wait3A_1181] : memref<64x1000001xf32, #tpu.memory_space<hbm>> -> memref<64x128xf32, #tpu.memory_space<hbm>>
    %dma_wait3A_1183 = arith.constant 0 : i32
    %dma_wait3A_1184 = arith.constant 0 : i32
    %dma_wait3A_1185 = tpu.memref_slice %arg6[%dma_wait3A_1175, %dma_wait3A_1183, %dma_wait3A_1184] : memref<8x64x128xf32, #tpu.memory_space<vmem>> -> memref<1x64x128xf32, #tpu.memory_space<vmem>>
    %dma_wait3A_1186 = tpu.memref_squeeze %dma_wait3A_1185 : memref<1x64x128xf32, #tpu.memory_space<vmem>> -> memref<64x128xf32, #tpu.memory_space<vmem>>
    %dma_wait3A_1187 = arith.constant 0 : i32
    %dma_wait3A_1188 = arith.constant 0 : i32
    %dma_wait3A_1189 = tpu.memref_slice %arg2[%dma_wait3A_1187, %dma_wait3A_1188] : memref<64x1000001xf32, #tpu.memory_space<hbm>> -> memref<64x128xf32, #tpu.memory_space<hbm>>
    tpu.wait_dma2 semaphore(%arg8 : memref<!tpu.dma_semaphore, #tpu.memory_space<semaphore_mem>>) src(%dma_wait3A_1189 : memref<64x128xf32, #tpu.memory_space<hbm>>) dst(%dma_wait3A_1186 : memref<64x128xf32, #tpu.memory_space<vmem>>)
    %slice3A_1190 = vector.extract_strided_slice %scan3A_155 {offsets = [15], sizes = [1], strides = [1]} : vector<16xi32> to vector<1xi32>
    %squeeze3A_1191 = vector.extract %slice3A_1190[0] : i32 from vector<1xi32>
    %and3A_1192 = arith.constant 127 : i32
    %and3A_1193 = arith.andi %squeeze3A_1191, %and3A_1192 : i32
    %broadcast_in_dim3A_1194 = vector.broadcast %and3A_1193 : i32 to vector<16xi32>
    %broadcast_in_dim3A_1195 = arith.constant 511 : i32
    %broadcast_in_dim3A_1196 = vector.broadcast %broadcast_in_dim3A_1195 : i32 to vector<16xi32>
    %add3A_1197 = arith.constant 0 : i32
    %add3A_1198 = vector.broadcast %add3A_1197 : i32 to vector<16xi32>
    %add3A_1199 = arith.addi %iota3A, %add3A_1198 : vector<16xi32>
    %gather3A_1200 = arith.constant 7 : i32
    %gather3A_1201 = arith.constant 0 : i32
    %gather3A_1202 = arith.constant 0 : i32
    %gather3A_1203 = tpu.memref_slice %arg6[%gather3A_1200, %gather3A_1201, %gather3A_1202] : memref<8x64x128xf32, #tpu.memory_space<vmem>> -> memref<1x64x128xf32, #tpu.memory_space<vmem>>
    %gather3A_1204 = tpu.memref_squeeze %gather3A_1203 : memref<1x64x128xf32, #tpu.memory_space<vmem>> -> memref<64x128xf32, #tpu.memory_space<vmem>>
    %gather3A_1205 = tpu.vector_load_idx %gather3A_1204[%add3A_1199, %broadcast_in_dim3A_1194] : memref<64x128xf32, #tpu.memory_space<vmem>>[vector<16xi32>, vector<16xi32>], vector<16xf32>,
    tpu.vector_store_idx %arg7[%add3A_1199, %broadcast_in_dim3A_1196], %gather3A_1205 : memref<64x512xf32, #tpu.memory_space<vmem>>[vector<16xi32>, vector<16xi32>], vector<16xf32>,
    %add3A_1206 = arith.constant 16 : i32
    %add3A_1207 = vector.broadcast %add3A_1206 : i32 to vector<16xi32>
    %add3A_1208 = arith.addi %iota3A, %add3A_1207 : vector<16xi32>
    %gather3A_1209 = arith.constant 7 : i32
    %gather3A_1210 = arith.constant 0 : i32
    %gather3A_1211 = arith.constant 0 : i32
    %gather3A_1212 = tpu.memref_slice %arg6[%gather3A_1209, %gather3A_1210, %gather3A_1211] : memref<8x64x128xf32, #tpu.memory_space<vmem>> -> memref<1x64x128xf32, #tpu.memory_space<vmem>>
    %gather3A_1213 = tpu.memref_squeeze %gather3A_1212 : memref<1x64x128xf32, #tpu.memory_space<vmem>> -> memref<64x128xf32, #tpu.memory_space<vmem>>
    %gather3A_1214 = tpu.vector_load_idx %gather3A_1213[%add3A_1208, %broadcast_in_dim3A_1194] : memref<64x128xf32, #tpu.memory_space<vmem>>[vector<16xi32>, vector<16xi32>], vector<16xf32>,
    tpu.vector_store_idx %arg7[%add3A_1208, %broadcast_in_dim3A_1196], %gather3A_1214 : memref<64x512xf32, #tpu.memory_space<vmem>>[vector<16xi32>, vector<16xi32>], vector<16xf32>,
    %add3A_1215 = arith.constant 32 : i32
    %add3A_1216 = vector.broadcast %add3A_1215 : i32 to vector<16xi32>
    %add3A_1217 = arith.addi %iota3A, %add3A_1216 : vector<16xi32>
    %gather3A_1218 = arith.constant 7 : i32
    %gather3A_1219 = arith.constant 0 : i32
    %gather3A_1220 = arith.constant 0 : i32
    %gather3A_1221 = tpu.memref_slice %arg6[%gather3A_1218, %gather3A_1219, %gather3A_1220] : memref<8x64x128xf32, #tpu.memory_space<vmem>> -> memref<1x64x128xf32, #tpu.memory_space<vmem>>
    %gather3A_1222 = tpu.memref_squeeze %gather3A_1221 : memref<1x64x128xf32, #tpu.memory_space<vmem>> -> memref<64x128xf32, #tpu.memory_space<vmem>>
    %gather3A_1223 = tpu.vector_load_idx %gather3A_1222[%add3A_1217, %broadcast_in_dim3A_1194] : memref<64x128xf32, #tpu.memory_space<vmem>>[vector<16xi32>, vector<16xi32>], vector<16xf32>,
    tpu.vector_store_idx %arg7[%add3A_1217, %broadcast_in_dim3A_1196], %gather3A_1223 : memref<64x512xf32, #tpu.memory_space<vmem>>[vector<16xi32>, vector<16xi32>], vector<16xf32>,
    %add3A_1224 = arith.constant 48 : i32
    %add3A_1225 = vector.broadcast %add3A_1224 : i32 to vector<16xi32>
    %add3A_1226 = arith.addi %iota3A, %add3A_1225 : vector<16xi32>
    %gather3A_1227 = arith.constant 7 : i32
    %gather3A_1228 = arith.constant 0 : i32
    %gather3A_1229 = arith.constant 0 : i32
    %gather3A_1230 = tpu.memref_slice %arg6[%gather3A_1227, %gather3A_1228, %gather3A_1229] : memref<8x64x128xf32, #tpu.memory_space<vmem>> -> memref<1x64x128xf32, #tpu.memory_space<vmem>>
    %gather3A_1231 = tpu.memref_squeeze %gather3A_1230 : memref<1x64x128xf32, #tpu.memory_space<vmem>> -> memref<64x128xf32, #tpu.memory_space<vmem>>
    %gather3A_1232 = tpu.vector_load_idx %gather3A_1231[%add3A_1226, %broadcast_in_dim3A_1194] : memref<64x128xf32, #tpu.memory_space<vmem>>[vector<16xi32>, vector<16xi32>], vector<16xf32>,
    tpu.vector_store_idx %arg7[%add3A_1226, %broadcast_in_dim3A_1196], %gather3A_1232 : memref<64x512xf32, #tpu.memory_space<vmem>>[vector<16xi32>, vector<16xi32>], vector<16xf32>,
    "tpu.region"() ({
      %run_scoped3A = tpu.sem_alloc : memref<!tpu.dma_semaphore, #tpu.memory_space<semaphore_mem>>
      %dma_start3A_1233 = arith.constant 0 : i32
      %dma_start3A_1234 = tpu.memref_slice %arg4[%dma_start3A_1233, %mul3A_2] : memref<64x16384xf32, #tpu.memory_space<hbm>> -> memref<64x512xf32, #tpu.memory_space<hbm>>
      %dma_start3A_1235 = arith.constant 0 : i32
      %dma_start3A_1236 = tpu.memref_slice %arg4[%dma_start3A_1235, %mul3A_2] : memref<64x16384xf32, #tpu.memory_space<hbm>> -> memref<64x512xf32, #tpu.memory_space<hbm>>
      tpu.enqueue_dma source(%arg7 : memref<64x512xf32, #tpu.memory_space<vmem>>) target(%dma_start3A_1236 : memref<64x512xf32, #tpu.memory_space<hbm>>) target_semaphore(%run_scoped3A : memref<!tpu.dma_semaphore, #tpu.memory_space<semaphore_mem>>)
      %dma_wait3A_1237 = arith.constant 0 : i32
      %dma_wait3A_1238 = tpu.memref_slice %arg4[%dma_wait3A_1237, %mul3A_2] : memref<64x16384xf32, #tpu.memory_space<hbm>> -> memref<64x512xf32, #tpu.memory_space<hbm>>
      %dma_wait3A_1239 = arith.constant 0 : i32
      %dma_wait3A_1240 = tpu.memref_slice %arg4[%dma_wait3A_1239, %mul3A_2] : memref<64x16384xf32, #tpu.memory_space<hbm>> -> memref<64x512xf32, #tpu.memory_space<hbm>>
      tpu.wait_dma2 semaphore(%run_scoped3A : memref<!tpu.dma_semaphore, #tpu.memory_space<semaphore_mem>>) src(%arg7 : memref<64x512xf32, #tpu.memory_space<vmem>>) dst(%dma_wait3A_1240 : memref<64x512xf32, #tpu.memory_space<hbm>>)
      tpu.yield
    }) : () -> ()
    return
  }
}

</mosaic_0001>

<sc_bundles>
// kernel: kernel.3.cloned.1.call-start
scs
__scs_entry_jumppad:
0x0: {  	(pc) =	sbr.rel $0x88, $3  }
0x1: {  	(tag) =	ssettag $0x0;
	lr =	simm.s32 $0x1  }
0x2: {  	[smem:$0x3F9F] =	sst lr;
	_ =	strace $0xD0000000  }
0x3: {  	_ = 	snop  }
0x4: {  	_ = 	snop  }
0x5: {  	_ = 	snop  }
0x6: {  	_ = 	snop  }
0x7: {  	_ = 	snop  }
__scs_overlays_trampoline_lowered:
0x8: {  	[smem:$0x3FAE] =	sst s0  }
0x9: {  	[smem:$0x3FAF] =	sst s1  }
0xa: {  	[smem:$0x3FB0] =	sst s2  }
0xb: {  	[smem:$0x3FB1] =	sst s3  }
0xc: {  	[smem:$0x3FB2] =	sst s4  }
0xd: {  	[smem:$0x3FB3] =	sst s5  }
0xe: {  	[smem:$0x3FB4] =	sst s6  }
0xf: {  	[smem:$0x3FB5] =	sst s7  }
0x10: {  	[smem:$0x3FB6] =	sst s8  }
0x11: {  	[smem:$0x3FB7] =	sst s9;
	s0 =	simm.s32 @!p0 $0x0  }
0x12: {  	s1 =	sld [smem:$0x3F9D];
	s0 =	simm.s32 @p0 $0x1  }
0x13: {  	[smem:$0x3FB8] =	sst s0;
	s0 =	simm.s32 @!p1 $0x0  }
0x14: {  	s2 =	sld [smem:$0x3F9C];
	s0 =	simm.s32 @p1 $0x1  }
0x15: {  	[smem:$0x3FB9] =	sst s0;
	s0 =	simm.s32 @!p2 $0x0  }
0x16: {  	s3 =	sld [smem:$0x3FDB];
	s0 =	simm.s32 @p2 $0x1  }
0x17: {  	s4 =	simm.s32 $0x1BF5;
	[smem:$0x3FBB] =	sst s0  }
0x18: {  	s0 =	sld [smem:$0x3F9E];
	_ =	swait.ge [sflag:s4], $0x0  }
0x19: {  	s7 =	sld [smem:$0x3F9F]  }
0x1a: {  	s8 =	sadd.s32 $0xFFFFE003, lr  }
0x1b: {  	s9 =	sadd.s32 $0xFFFFFEF7, lr;
	s5 =	simm.s32 $0xFFFFFFFF;
	p2 =	slt.u32 s8, $0xFFFFF086  }
0x1c: {  	p1 =	slt.u32 s9, $0xF7A;
	s5 =	simm.s32 @!p2 $0x0  }
0x1d: {  	s5 =	simm.s32 @p1 $0x1;
	p0 =	seq.s32 s7, s2  }
0x1e: {  	s7 =	smul.u32 @!p0 $0xF7A, s2;
	p2 =	seq.s32 @!p0 s5, $0x0  }
0x1f: {  	s9 =	smul.u32 $0xF7A, s1;
	s8 =	simm.s32 @!p0 $0x1BF5;
	p2 =	por !p2, p0  }
0x20: {  	[sflag:s8] =	ssyncset.s32 @!p0 $0xFFFFF086;
	s6 =	sadd.s32 @!p0 s3, s7;
	s7 =	simm.s32 @!p0 $0x108  }
0x21: {  	s3 =	sadd.s32 s3, s9;
	s6 =	sadd.s32 @!p0 $0x88, s6;
	s7 =	simm.s32 @p2 $0x1082  }
0x22: {  	[simem:s7], [sflag:s8] =	dma.local @!p0 [hbm:s6], $0xF7A  }
0x23: {  	s9 =	sor.u32 $0xD0000000, s2;
	s6 =	simm.s32 $0x108;
	_ =	swait.ge @!p0 [sflag:s8], $0x0  }
0x24: {  	s3 =	sadd.s32 $0x88, s3;
	s6 =	simm.s32 @!p1 $0x1082;
	[sflag:s4] =	ssyncset.s32 $0xFFFFF086  }
0x25: {  	[simem:s6], [sflag:s4] =	dma.local [hbm:s3], $0xF7A  }
0x26: {  	[smem:$0x3F9F] =	sst s1;
	(tag) =	ssettag s2;
	_ =	strace s9  }
0x27: {  	s1 =	sld [smem:$0x3FAF]  }
0x28: {  	s2 =	sld [smem:$0x3FB0]  }
0x29: {  	s4 =	sld [smem:$0x3FB2]  }
0x2a: {  	p0 =	seq.s32 s5, $0x0;
	s5 =	sld [smem:$0x3FB3]  }
0x2b: {  	s6 =	sld [smem:$0x3FB4]  }
0x2c: {  	s7 =	sld [smem:$0x3FB5]  }
0x2d: {  	s3 =	simm.s32 $0x108;
	s8 =	sld [smem:$0x3FB6]  }
0x2e: {  	s3 =	simm.s32 @!p0 $0x1082;
	s9 =	sld [smem:$0x3FB7]  }
0x2f: {  	lr =	sadd.s32 s0, s3;
	s0 =	sld [smem:$0x3FAE]  }
0x30: {  	s3 =	sld [smem:$0x3FB1]  }
0x31: {  	[smem:$0x3FBA] =	sst s10  }
0x32: {  	s10 =	sld [smem:$0x3FB8];
	_ =	sdelay $0x3  }
0x33: {  	p0 =	seq.s32 s10, $0x1;
	s10 =	sld [smem:$0x3FBA];
	_ =	sdelay $0x3  }
0x34: {  	[smem:$0x3FBA] =	sst s10  }
0x35: {  	s10 =	sld [smem:$0x3FB9];
	_ =	sdelay $0x3  }
0x36: {  	p1 =	seq.s32 s10, $0x1;
	s10 =	sld [smem:$0x3FBA];
	_ =	sdelay $0x3  }
0x37: {  	[smem:$0x3FBA] =	sst s10  }
0x38: {  	s10 =	sld [smem:$0x3FBB]  }
0x39: {  	_ = 	snop;
	(pc) =	sbr.ind lr, $3  }
0x3a: {  	_ = 	snop  }
0x3b: {  	_ = 	snop  }
0x3c: {  	p2 =	seq.s32 s10, $0x1;
	s10 =	sld [smem:$0x3FBA]  }
0x3d: {  	_ =	shalt  }
0x3e: {  	_ =	shalt  }
0x3f: {  	_ =	shalt  }
0x40: {  	_ =	shalt  }
0x41: {  	_ =	shalt  }
0x42: {  	_ =	shalt  }
0x43: {  	_ =	shalt  }
0x44: {  	_ =	shalt  }
0x45: {  	_ =	shalt  }
0x46: {  	_ =	shalt  }
0x47: {  	_ =	shalt  }
0x48: {  	_ =	shalt  }
0x49: {  	_ =	shalt  }
0x4a: {  	_ =	shalt  }
0x4b: {  	_ =	shalt  }
0x4c: {  	_ =	shalt  }
0x4d: {  	_ =	shalt  }
0x4e: {  	_ =	shalt  }
0x4f: {  	_ =	shalt  }
0x50: {  	_ =	shalt  }
0x51: {  	_ =	shalt  }
0x52: {  	_ =	shalt  }
0x53: {  	_ =	shalt  }
0x54: {  	_ =	shalt  }
0x55: {  	_ =	shalt  }
0x56: {  	_ =	shalt  }
0x57: {  	_ =	shalt  }
0x58: {  	_ =	shalt  }
0x59: {  	_ =	shalt  }
0x5a: {  	_ =	shalt  }
0x5b: {  	_ =	shalt  }
0x5c: {  	_ =	shalt  }
0x5d: {  	_ =	shalt  }
0x5e: {  	_ =	shalt  }
0x5f: {  	_ =	shalt  }
0x60: {  	_ =	shalt  }
0x61: {  	_ =	shalt  }
0x62: {  	_ =	shalt  }
0x63: {  	_ =	shalt  }
0x64: {  	_ =	shalt  }
0x65: {  	_ =	shalt  }
0x66: {  	_ =	shalt  }
0x67: {  	_ =	shalt  }
0x68: {  	_ =	shalt  }
0x69: {  	_ =	shalt  }
0x6a: {  	_ =	shalt  }
0x6b: {  	_ =	shalt  }
0x6c: {  	_ =	shalt  }
0x6d: {  	_ =	shalt  }
0x6e: {  	_ =	shalt  }
0x6f: {  	_ =	shalt  }
0x70: {  	_ =	shalt  }
0x71: {  	_ =	shalt  }
0x72: {  	_ =	shalt  }
0x73: {  	_ =	shalt  }
0x74: {  	_ =	shalt  }
0x75: {  	_ =	shalt  }
0x76: {  	_ =	shalt  }
0x77: {  	_ =	shalt  }
0x78: {  	_ =	shalt  }
0x79: {  	_ =	shalt  }
0x7a: {  	_ =	shalt  }
0x7b: {  	_ =	shalt  }
0x7c: {  	_ =	shalt  }
0x7d: {  	_ =	shalt  }
0x7e: {  	_ =	shalt  }
0x7f: {  	_ =	shalt  }
0x80: {  	_ =	shalt  }
0x81: {  	_ =	shalt  }
0x82: {  	_ =	shalt  }
0x83: {  	_ =	shalt  }
0x84: {  	_ =	shalt  }
0x85: {  	_ =	shalt  }
0x86: {  	_ =	shalt  }
0x87: {  	_ =	shalt  }
.Lfunc_end0:
.L_simem_size_0:
called_computation_lowered:
.L_overlay_start_0:
0x88: {  	s2 =	sld [smem:$0x3FD9]  }
0x89: {  	s3 =	sld [smem:$0x3FFE];
	_ =	sdelay $0x1  }
0x8a: {  	s1 =	srdreg.scid  }
0x8b: {  	s0 =	sand.u32 $0x1, s1  }
0x8c: {  	s18 =	sshll.u32 s0, $0xA;
	s2 =	sadd.s32 s3, s2  }
0x8d: {  	s2 =	sadd.s32 s2, s18  }
0x8e: {  	[smem:$0x3FC6] =	sst s2  }
0x8f: {  	_ = 	snop  }
0x90: {  	s2 =	sld [smem:$0x3FC9]  }
0x91: {  	s19 =	sld [smem:$0x3FC8]  }
0x92: {  	s4 =	sld [smem:$0x3FD0];
	(tm) =	ssettm $0x1  }
0x93: {  	s5 =	sld [smem:$0x3FFB];
	_ =	sdelay $0x3  }
0x94: {  	_ =	strace s5  }
0x95: {  	s5 =	sld [smem:$0x3FFC];
	_ =	sdelay $0x3  }
0x96: {  	_ =	strace s5  }
0x97: {  	s5 =	sld [smem:$0x3FFD];
	_ =	sdelay $0x3  }
0x98: {  	_ =	strace s5  }
0x99: {  	_ =	strace $0x8FFFFFFF  }
0x9a: {  	s20 =	sld [smem:$0x3FDB];
	_ =	sdelay $0x1  }
0x9b: {  	s6 =	simm.s32 $_scs_section_size  }
0x9c: {  	s7 =	simm.s32 $_size__tile_overlayer_lowered;
	s8 =	simm.s32 $_tile_overlayer_lowered  }
0x9d: {  	s23 =	simm.s32 $0x1BFF;
	s22 =	sshll.u32 s8, $0x1;
	s5 =	sadd.s32 s6, s20  }
0x9e: {  	s9 =	simm.s32 $0x0;
	s21 =	sshll.u32 s7, $0x1;
	s7 =	sadd.s32 s22, s5  }
0x9f: {  	[timem:s9], [sflag:s23] =	dma.local [hbm:s7], s21  }
0xa0: {  	_ =	swait.ge [sflag:s23], s21  }
0xa1: {  	s6 =	ssub.s32 $0x0, s21;
	[sflag:s23] =	ssyncset.done $0x0  }
0xa2: {  	[sflag:s23] =	ssyncadd.s32 s6;
	_ =	sdelay $0x1  }
0xa3: {  	s24 =	simm.s32 $0x1B8B  }
0xa4: {  	_ =	swait.ge [sflag:s24], $0x1  }
0xa5: {  	[sflag:s24] =	ssyncset.done $0x0  }
0xa6: {  	s25 =	simm.s32 $0x1B8E;
	[sflag:s24] =	ssyncadd.s32 $0xFFFFFFFF  }
0xa7: {  	s26 =	simm.s32 $execute0_lowered;
	[smem:$0x3FD2] =	sst s25  }
0xa8: {  	s6 =	sshll.u32 s26, $0x1;
	_ =	strace $0x80000046;
	[dreg:$0x1] =	wrdreg $0xFFFFFFFF  }
0xa9: {  	s28 =	simm.s32 $_size_execute0_lowered;
	s5 =	sadd.s32 s5, s6;
	[dreg:$0x0] =	wrdreg $0x0  }
0xaa: {  	s6 =	sshll.u32 s28, $0x1;
	[dreg:$0x2] =	wrdreg s5  }
0xab: {  	[dreg:$0x3] =	wrdreg s6  }
0xac: {  	[dreg:$0x4] =	wrdreg $0xC0  }
0xad: {  	_ =	task [dreg:s9], $0x5FFFF  }
0xae: {  	[dreg:$0x1] =	wrdreg $0xFFFFFFFF  }
0xaf: {  	[dreg:$0x0] =	wrdreg $0x60  }
0xb0: {  	[dreg:$0x2] =	wrdreg s19  }
0xb1: {  	[dreg:$0x3] =	wrdreg s2  }
0xb2: {  	[dreg:$0x4] =	wrdreg s4  }
0xb3: {  	[dreg:$0x5] =	wrdreg $0x9  }
0xb4: {  	_ =	task.clear_ibuf [dreg:s9], $0x6FFFF;
	_ =	strace $0x90000046  }
0xb5: {  	s29 =	simm.s32 $0x9;
	_ =	strace $0x80000048  }
0xb6: {  	_ =	swait.ge [sflag:s29], $0x1  }
0xb7: {  	[sflag:s29] =	ssyncadd.s32 $0xFFFFFFFF  }
0xb8: {  	_ =	strace $0x90000048  }
0xb9: {  	_ =	sfence  }
0xba: {  	s30 =	sld [smem:$0x0];
	_ =	sdelay $0x2  }
0xbb: {  	s31 =	sshll.u32 s1, $0xD;
	s1 =	sshrl.u32 s1, $0x2  }
0xbc: {  	s3 =	sand.u32 $0x4000, s31;
	s1 =	sadd.s32 s1, s30  }
0xbd: {  	s0 =	sor.u32 s3, s0;
	s1 =	sshll.u32 s1, $0x11  }
0xbe: {  	s0 =	sor.u32 s1, s0  }
0xbf: {  	s0 =	sadd.s32 $0x8F2B, s0  }
0xc0: {  	[sflag:s0] =	ssyncadd.remote.s32 $0x1  }
0xc1: {  	_ =	sfence.sel $0xFFFF  }
0xc2: {  	[dreg:$0x0] =	wrdreg $0xFFFFFFFF;
	(pc) =	sbr.abs _section_cstart, $3  }
0xc3: {  	[dreg:$0x1] =	wrdreg $0xFFFFFFFF  }
0xc4: {  	_ =	task.clear_ibuf [dreg:s9], $0x2FFFF;
	_ =	strace $0x9FFFFFFF  }
0xc5: {  	(tm) =	ssettm $0x7FFFFFFF  }
tec
execute0_lowered:
.L_overlay_start_1:
0x0: {  	(tag) =	ssettag $0x1  }
0x1: {  	v0 =	vlaneseq.u32  }
0x2: {  	v1 =	vimm.s32 $0x1380;
	vm12 =	vcmask $0x300;
	v2 =	vimm.s32 $0x3380  }
0x3: {  	vm13 =	vcmask $0x704;
	vm14 =	vcmask $0xB08;
	vm11 =	vcmask $0xF0C  }
0x4: {  	vm10 =	vcmask $0x1310;
	vm9 =	vcmask $0x1714;
	vm8 =	vcmask $0x1B18  }
0x5: {  	vm7 =	vcmask $0x1F1C;
	vm6 =	vcmask $0x2320;
	vm5 =	vcmask $0x2724  }
0x6: {  	vm4 =	vcmask $0x2B28;
	vm3 =	vcmask $0x2F2C;
	vm2 =	vcmask $0x3330  }
0x7: {  	vm1 =	vcmask $0x3734;
	vm0 =	vcmask $0x3B38;
	v3 =	vimm.s32 $0x5380  }
0x8: {  	v4 =	vimm.s32 $0x7380;
	v5 =	vimm.s32 $0x1FF0;
	v6 =	vimm.s32 $0x5FF0  }
0x9: {  	v7 =	vimm.s32 $0x7FF0;
	v8 =	vimm.s32 $0x5FFF;
	v9 =	vimm.s32 $0x7FFF  }
0xa: {  	v1 =	vsel vm12, $0x0, v1;
	v2 =	vsel vm12, $0x2000, v2;
	v0 =	vmul.u32 $0x80, v0  }
0xb: {  	v3 =	vsel vm12, $0x4000, v3;
	v4 =	vsel vm12, $0x6000, v4;
	v5 =	vsel vm12, $0xC70, v5  }
0xc: {  	v6 =	vsel vm12, $0x4C70, v6;
	v7 =	vsel vm12, $0x6C70, v7;
	v8 =	vsel vm12, $0x4C7F, v8  }
0xd: {  	v9 =	vsel vm12, $0x6C7F, v9;
	v1 =	vsel vm13, $0x80, v1;
	v2 =	vsel vm13, $0x2080, v2  }
0xe: {  	v3 =	vsel vm13, $0x4080, v3;
	v4 =	vsel vm13, $0x6080, v4;
	v5 =	vsel vm13, $0xCF0, v5  }
0xf: {  	v6 =	vsel vm13, $0x4CF0, v6;
	v7 =	vsel vm13, $0x6CF0, v7;
	v5 =	vsel vm14, $0xD70, v5  }
0x10: {  	v8 =	vsel vm13, $0x4CFF, v8;
	v9 =	vsel vm13, $0x6CFF, v9;
	v5 =	vsel vm11, $0xDF0, v5  }
0x11: {  	v1 =	vsel vm14, $0x100, v1;
	v2 =	vsel vm14, $0x2100, v2;
	v5 =	vsel vm10, $0xE70, v5  }
0x12: {  	v3 =	vsel vm14, $0x4100, v3;
	v4 =	vsel vm14, $0x6100, v4;
	v5 =	vsel vm9, $0xEF0, v5  }
0x13: {  	v6 =	vsel vm14, $0x4D70, v6;
	v7 =	vsel vm14, $0x6D70, v7;
	v5 =	vsel vm8, $0xF70, v5  }
0x14: {  	v8 =	vsel vm14, $0x4D7F, v8;
	v9 =	vsel vm14, $0x6D7F, v9;
	v5 =	vsel vm7, $0xFF0, v5  }
0x15: {  	v10 =	vor.u32 $0x800, v0;
	v11 =	vor.u32 $0x1000, v0;
	v5 =	vsel vm6, $0x1C70, v5  }
0x16: {  	v12 =	vor.u32 $0x1800, v0;
	v1 =	vsel vm11, $0x180, v1;
	v5 =	vsel vm5, $0x1CF0, v5  }
0x17: {  	v2 =	vsel vm11, $0x2180, v2;
	v3 =	vsel vm11, $0x4180, v3;
	v5 =	vsel vm4, $0x1D70, v5  }
0x18: {  	v4 =	vsel vm11, $0x6180, v4;
	v6 =	vsel vm11, $0x4DF0, v6;
	v5 =	vsel vm3, $0x1DF0, v5  }
0x19: {  	v7 =	vsel vm11, $0x6DF0, v7;
	v8 =	vsel vm11, $0x4DFF, v8;
	v5 =	vsel vm2, $0x1E70, v5  }
0x1a: {  	v9 =	vsel vm11, $0x6DFF, v9;
	v1 =	vsel vm10, $0x200, v1;
	v5 =	vsel vm1, $0x1EF0, v5  }
0x1b: {  	v2 =	vsel vm10, $0x2200, v2;
	v3 =	vsel vm10, $0x4200, v3;
	v5 =	vsel vm0, $0x1F70, v5  }
0x1c: {  	v4 =	vsel vm10, $0x6200, v4;
	v6 =	vsel vm10, $0x4E70, v6;
	[tilespmem:$0x1FF20] =	vst v5;
	v5 =	vimm.s32 $0x3FF0  }
0x1d: {  	v7 =	vsel vm10, $0x6E70, v7;
	v8 =	vsel vm10, $0x4E7F, v8;
	v5 =	vsel vm12, $0x2C70, v5  }
0x1e: {  	v9 =	vsel vm10, $0x6E7F, v9;
	v1 =	vsel vm9, $0x280, v1;
	v5 =	vsel vm13, $0x2CF0, v5  }
0x1f: {  	v2 =	vsel vm9, $0x2280, v2;
	v3 =	vsel vm9, $0x4280, v3;
	v5 =	vsel vm14, $0x2D70, v5  }
0x20: {  	v4 =	vsel vm9, $0x6280, v4;
	v6 =	vsel vm9, $0x4EF0, v6;
	v5 =	vsel vm11, $0x2DF0, v5  }
0x21: {  	v7 =	vsel vm9, $0x6EF0, v7;
	v8 =	vsel vm9, $0x4EFF, v8;
	v5 =	vsel vm10, $0x2E70, v5  }
0x22: {  	v9 =	vsel vm9, $0x6EFF, v9;
	v1 =	vsel vm8, $0x300, v1;
	v5 =	vsel vm9, $0x2EF0, v5  }
0x23: {  	v2 =	vsel vm8, $0x2300, v2;
	v3 =	vsel vm8, $0x4300, v3;
	v5 =	vsel vm8, $0x2F70, v5  }
0x24: {  	v4 =	vsel vm8, $0x6300, v4;
	v6 =	vsel vm8, $0x4F70, v6;
	v5 =	vsel vm7, $0x2FF0, v5  }
0x25: {  	v7 =	vsel vm8, $0x6F70, v7;
	v6 =	vsel vm7, $0x4FF0, v6;
	v5 =	vsel vm6, $0x3C70, v5  }
0x26: {  	v7 =	vsel vm7, $0x6FF0, v7;
	v6 =	vsel vm6, $0x5C70, v6;
	v5 =	vsel vm5, $0x3CF0, v5  }
0x27: {  	v7 =	vsel vm6, $0x7C70, v7;
	v6 =	vsel vm5, $0x5CF0, v6;
	v5 =	vsel vm4, $0x3D70, v5  }
0x28: {  	v7 =	vsel vm5, $0x7CF0, v7;
	v6 =	vsel vm4, $0x5D70, v6;
	v5 =	vsel vm3, $0x3DF0, v5  }
0x29: {  	v7 =	vsel vm4, $0x7D70, v7;
	v6 =	vsel vm3, $0x5DF0, v6;
	v5 =	vsel vm2, $0x3E70, v5  }
0x2a: {  	v7 =	vsel vm3, $0x7DF0, v7;
	v6 =	vsel vm2, $0x5E70, v6;
	v5 =	vsel vm1, $0x3EF0, v5  }
0x2b: {  	v7 =	vsel vm2, $0x7E70, v7;
	v6 =	vsel vm1, $0x5EF0, v6;
	v5 =	vsel vm0, $0x3F70, v5  }
0x2c: {  	v8 =	vsel vm8, $0x4F7F, v8;
	v7 =	vsel vm1, $0x7EF0, v7;
	[tilespmem:$0x1FF30] =	vst v5;
	v5 =	vsel vm0, $0x5F70, v6  }
0x2d: {  	v9 =	vsel vm8, $0x6F7F, v9;
	v1 =	vsel vm7, $0x380, v1;
	[tilespmem:$0x1FF40] =	vst v5;
	v5 =	vsel vm0, $0x7F70, v7  }
0x2e: {  	v2 =	vsel vm7, $0x2380, v2;
	v3 =	vsel vm7, $0x4380, v3;
	[tilespmem:$0x1FF50] =	vst v5;
	v5 =	vimm.s32 $0x1FF1  }
0x2f: {  	v4 =	vsel vm7, $0x6380, v4;
	v6 =	vimm.s32 $0x3FF1;
	v5 =	vsel vm12, $0xC71, v5  }
0x30: {  	v7 =	vimm.s32 $0x5FF1;
	v6 =	vsel vm12, $0x2C71, v6;
	v5 =	vsel vm13, $0xCF1, v5  }
0x31: {  	v7 =	vsel vm12, $0x4C71, v7;
	v6 =	vsel vm13, $0x2CF1, v6;
	v5 =	vsel vm14, $0xD71, v5  }
0x32: {  	v7 =	vsel vm13, $0x4CF1, v7;
	v6 =	vsel vm14, $0x2D71, v6;
	v5 =	vsel vm11, $0xDF1, v5  }
0x33: {  	v7 =	vsel vm14, $0x4D71, v7;
	v6 =	vsel vm11, $0x2DF1, v6;
	v5 =	vsel vm10, $0xE71, v5  }
0x34: {  	v7 =	vsel vm11, $0x4DF1, v7;
	v6 =	vsel vm10, $0x2E71, v6;
	v5 =	vsel vm9, $0xEF1, v5  }
0x35: {  	v7 =	vsel vm10, $0x4E71, v7;
	v6 =	vsel vm9, $0x2EF1, v6;
	v5 =	vsel vm8, $0xF71, v5  }
0x36: {  	v7 =	vsel vm9, $0x4EF1, v7;
	v6 =	vsel vm8, $0x2F71, v6;
	v5 =	vsel vm7, $0xFF1, v5  }
0x37: {  	v7 =	vsel vm8, $0x4F71, v7;
	v6 =	vsel vm7, $0x2FF1, v6;
	v5 =	vsel vm6, $0x1C71, v5  }
0x38: {  	v7 =	vsel vm7, $0x4FF1, v7;
	v6 =	vsel vm6, $0x3C71, v6;
	v5 =	vsel vm5, $0x1CF1, v5  }
0x39: {  	v7 =	vsel vm6, $0x5C71, v7;
	v6 =	vsel vm5, $0x3CF1, v6;
	v5 =	vsel vm4, $0x1D71, v5  }
0x3a: {  	v7 =	vsel vm5, $0x5CF1, v7;
	v6 =	vsel vm4, $0x3D71, v6;
	v5 =	vsel vm3, $0x1DF1, v5  }
0x3b: {  	v7 =	vsel vm4, $0x5D71, v7;
	v6 =	vsel vm3, $0x3DF1, v6;
	v5 =	vsel vm2, $0x1E71, v5  }
0x3c: {  	v7 =	vsel vm3, $0x5DF1, v7;
	v6 =	vsel vm2, $0x3E71, v6;
	v5 =	vsel vm1, $0x1EF1, v5  }
0x3d: {  	v7 =	vsel vm2, $0x5E71, v7;
	v6 =	vsel vm1, $0x3EF1, v6;
	v5 =	vsel vm0, $0x1F71, v5  }
0x3e: {  	v8 =	vsel vm7, $0x4FFF, v8;
	v7 =	vsel vm1, $0x5EF1, v7;
	[tilespmem:$0x1FF60] =	vst v5;
	v5 =	vsel vm0, $0x3F71, v6  }
0x3f: {  	v9 =	vsel vm7, $0x6FFF, v9;
	v1 =	vsel vm6, $0x1000, v1;
	[tilespmem:$0x1FF70] =	vst v5;
	v5 =	vsel vm0, $0x5F71, v7  }
0x40: {  	v2 =	vsel vm6, $0x3000, v2;
	v3 =	vsel vm6, $0x5000, v3;
	[tilespmem:$0x1FF80] =	vst v5;
	v5 =	vimm.s32 $0x7FF1  }
0x41: {  	v4 =	vsel vm6, $0x7000, v4;
	v6 =	vimm.s32 $0x1FF2;
	v5 =	vsel vm12, $0x6C71, v5  }
0x42: {  	v7 =	vimm.s32 $0x3FF2;
	v6 =	vsel vm12, $0xC72, v6;
	v5 =	vsel vm13, $0x6CF1, v5  }
0x43: {  	v7 =	vsel vm12, $0x2C72, v7;
	v6 =	vsel vm13, $0xCF2, v6;
	v5 =	vsel vm14, $0x6D71, v5  }
0x44: {  	v7 =	vsel vm13, $0x2CF2, v7;
	v6 =	vsel vm14, $0xD72, v6;
	v5 =	vsel vm11, $0x6DF1, v5  }
0x45: {  	v7 =	vsel vm14, $0x2D72, v7;
	v6 =	vsel vm11, $0xDF2, v6;
	v5 =	vsel vm10, $0x6E71, v5  }
0x46: {  	v7 =	vsel vm11, $0x2DF2, v7;
	v6 =	vsel vm10, $0xE72, v6;
	v5 =	vsel vm9, $0x6EF1, v5  }
0x47: {  	v7 =	vsel vm10, $0x2E72, v7;
	v6 =	vsel vm9, $0xEF2, v6;
	v5 =	vsel vm8, $0x6F71, v5  }
0x48: {  	v7 =	vsel vm9, $0x2EF2, v7;
	v6 =	vsel vm8, $0xF72, v6;
	v5 =	vsel vm7, $0x6FF1, v5  }
0x49: {  	v7 =	vsel vm8, $0x2F72, v7;
	v6 =	vsel vm7, $0xFF2, v6;
	v5 =	vsel vm6, $0x7C71, v5  }
0x4a: {  	v7 =	vsel vm7, $0x2FF2, v7;
	v6 =	vsel vm6, $0x1C72, v6;
	v5 =	vsel vm5, $0x7CF1, v5  }
0x4b: {  	v7 =	vsel vm6, $0x3C72, v7;
	v6 =	vsel vm5, $0x1CF2, v6;
	v5 =	vsel vm4, $0x7D71, v5  }
0x4c: {  	v7 =	vsel vm5, $0x3CF2, v7;
	v6 =	vsel vm4, $0x1D72, v6;
	v5 =	vsel vm3, $0x7DF1, v5  }
0x4d: {  	v7 =	vsel vm4, $0x3D72, v7;
	v6 =	vsel vm3, $0x1DF2, v6;
	v5 =	vsel vm2, $0x7E71, v5  }
0x4e: {  	v7 =	vsel vm3, $0x3DF2, v7;
	v6 =	vsel vm2, $0x1E72, v6;
	v5 =	vsel vm1, $0x7EF1, v5  }
0x4f: {  	v7 =	vsel vm2, $0x3E72, v7;
	v6 =	vsel vm1, $0x1EF2, v6;
	v5 =	vsel vm0, $0x7F71, v5  }
0x50: {  	v8 =	vsel vm6, $0x5C7F, v8;
	v7 =	vsel vm1, $0x3EF2, v7;
	[tilespmem:$0x1FF90] =	vst v5;
	v5 =	vsel vm0, $0x1F72, v6  }
0x51: {  	v9 =	vsel vm6, $0x7C7F, v9;
	v1 =	vsel vm5, $0x1080, v1;
	[tilespmem:$0x1FFA0] =	vst v5;
	v5 =	vsel vm0, $0x3F72, v7  }
0x52: {  	v2 =	vsel vm5, $0x3080, v2;
	v3 =	vsel vm5, $0x5080, v3;
	[tilespmem:$0x1FFB0] =	vst v5;
	v5 =	vimm.s32 $0x5FF2  }
0x53: {  	v4 =	vsel vm5, $0x7080, v4;
	v6 =	vimm.s32 $0x7FF2;
	v5 =	vsel vm12, $0x4C72, v5  }
0x54: {  	v7 =	vimm.s32 $0x1FF3;
	v6 =	vsel vm12, $0x6C72, v6;
	v5 =	vsel vm13, $0x4CF2, v5  }
0x55: {  	v7 =	vsel vm12, $0xC73, v7;
	v6 =	vsel vm13, $0x6CF2, v6;
	v5 =	vsel vm14, $0x4D72, v5  }
0x56: {  	v7 =	vsel vm13, $0xCF3, v7;
	v6 =	vsel vm14, $0x6D72, v6;
	v5 =	vsel vm11, $0x4DF2, v5  }
0x57: {  	v7 =	vsel vm14, $0xD73, v7;
	v6 =	vsel vm11, $0x6DF2, v6;
	v5 =	vsel vm10, $0x4E72, v5  }
0x58: {  	v7 =	vsel vm11, $0xDF3, v7;
	v6 =	vsel vm10, $0x6E72, v6;
	v5 =	vsel vm9, $0x4EF2, v5  }
0x59: {  	v7 =	vsel vm10, $0xE73, v7;
	v6 =	vsel vm9, $0x6EF2, v6;
	v5 =	vsel vm8, $0x4F72, v5  }
0x5a: {  	v7 =	vsel vm9, $0xEF3, v7;
	v6 =	vsel vm8, $0x6F72, v6;
	v5 =	vsel vm7, $0x4FF2, v5  }
0x5b: {  	v7 =	vsel vm8, $0xF73, v7;
	v6 =	vsel vm7, $0x6FF2, v6;
	v5 =	vsel vm6, $0x5C72, v5  }
0x5c: {  	v7 =	vsel vm7, $0xFF3, v7;
	v6 =	vsel vm6, $0x7C72, v6;
	v5 =	vsel vm5, $0x5CF2, v5  }
0x5d: {  	v7 =	vsel vm6, $0x1C73, v7;
	v6 =	vsel vm5, $0x7CF2, v6;
	v5 =	vsel vm4, $0x5D72, v5  }
0x5e: {  	v7 =	vsel vm5, $0x1CF3, v7;
	v6 =	vsel vm4, $0x7D72, v6;
	v5 =	vsel vm3, $0x5DF2, v5  }
0x5f: {  	v7 =	vsel vm4, $0x1D73, v7;
	v6 =	vsel vm3, $0x7DF2, v6;
	v5 =	vsel vm2, $0x5E72, v5  }
0x60: {  	v7 =	vsel vm3, $0x1DF3, v7;
	v6 =	vsel vm2, $0x7E72, v6;
	v5 =	vsel vm1, $0x5EF2, v5  }
0x61: {  	v7 =	vsel vm2, $0x1E73, v7;
	v6 =	vsel vm1, $0x7EF2, v6;
	v5 =	vsel vm0, $0x5F72, v5  }
0x62: {  	v8 =	vsel vm5, $0x5CFF, v8;
	v7 =	vsel vm1, $0x1EF3, v7;
	[tilespmem:$0x1FFC0] =	vst v5;
	v5 =	vsel vm0, $0x7F72, v6  }
0x63: {  	v9 =	vsel vm5, $0x7CFF, v9;
	v6 =	vimm.s32 $0x5FF3;
	[tilespmem:$0x1FFD0] =	vst v5;
	v5 =	vsel vm0, $0x1F73, v7  }
0x64: {  	v7 =	vimm.s32 $0x7FF3;
	v6 =	vsel vm12, $0x4C73, v6;
	[tilespmem:$0x1FFE0] =	vst v5;
	v5 =	vimm.s32 $0x3FF3  }
0x65: {  	v7 =	vsel vm12, $0x6C73, v7;
	v6 =	vsel vm13, $0x4CF3, v6;
	v5 =	vsel vm12, $0x2C73, v5  }
0x66: {  	v7 =	vsel vm13, $0x6CF3, v7;
	v6 =	vsel vm14, $0x4D73, v6;
	v5 =	vsel vm13, $0x2CF3, v5  }
0x67: {  	v7 =	vsel vm14, $0x6D73, v7;
	v6 =	vsel vm11, $0x4DF3, v6;
	v5 =	vsel vm14, $0x2D73, v5  }
0x68: {  	v7 =	vsel vm11, $0x6DF3, v7;
	v6 =	vsel vm10, $0x4E73, v6;
	v5 =	vsel vm11, $0x2DF3, v5  }
0x69: {  	v7 =	vsel vm10, $0x6E73, v7;
	v6 =	vsel vm9, $0x4EF3, v6;
	v5 =	vsel vm10, $0x2E73, v5  }
0x6a: {  	v7 =	vsel vm9, $0x6EF3, v7;
	v6 =	vsel vm8, $0x4F73, v6;
	v5 =	vsel vm9, $0x2EF3, v5  }
0x6b: {  	v7 =	vsel vm8, $0x6F73, v7;
	v6 =	vsel vm7, $0x4FF3, v6;
	v5 =	vsel vm8, $0x2F73, v5  }
0x6c: {  	v7 =	vsel vm7, $0x6FF3, v7;
	v6 =	vsel vm6, $0x5C73, v6;
	v5 =	vsel vm7, $0x2FF3, v5  }
0x6d: {  	v7 =	vsel vm6, $0x7C73, v7;
	v6 =	vsel vm5, $0x5CF3, v6;
	v5 =	vsel vm6, $0x3C73, v5  }
0x6e: {  	v7 =	vsel vm5, $0x7CF3, v7;
	v6 =	vsel vm4, $0x5D73, v6;
	v5 =	vsel vm5, $0x3CF3, v5  }
0x6f: {  	v7 =	vsel vm4, $0x7D73, v7;
	v6 =	vsel vm3, $0x5DF3, v6;
	v5 =	vsel vm4, $0x3D73, v5  }
0x70: {  	v7 =	vsel vm3, $0x7DF3, v7;
	v6 =	vsel vm2, $0x5E73, v6;
	v5 =	vsel vm3, $0x3DF3, v5  }
0x71: {  	v7 =	vsel vm2, $0x7E73, v7;
	v6 =	vsel vm1, $0x5EF3, v6;
	v5 =	vsel vm2, $0x3E73, v5  }
0x72: {  	v7 =	vsel vm1, $0x7EF3, v7;
	v19 =	vsel vm0, $0x5F73, v6;
	v6 =	vimm.s32 $0x3FF4  }
0x73: {  	v5 =	vsel vm1, $0x3EF3, v5;
	v20 =	vsel vm0, $0x7F73, v7;
	v7 =	vimm.s32 $0x5FF4  }
0x74: {  	v6 =	vsel vm12, $0x2C74, v6;
	v5 =	vsel vm0, $0x3F73, v5;
	v7 =	vsel vm12, $0x4C74, v7  }
0x75: {  	v6 =	vsel vm13, $0x2CF4, v6;
	[tilespmem:$0x1FFF0] =	vst v5;
	v5 =	vimm.s32 $0x1FF4;
	v7 =	vsel vm13, $0x4CF4, v7  }
0x76: {  	v6 =	vsel vm14, $0x2D74, v6;
	v5 =	vsel vm12, $0xC74, v5;
	v7 =	vsel vm14, $0x4D74, v7  }
0x77: {  	v6 =	vsel vm11, $0x2DF4, v6;
	v5 =	vsel vm13, $0xCF4, v5;
	v7 =	vsel vm11, $0x4DF4, v7  }
0x78: {  	v6 =	vsel vm10, $0x2E74, v6;
	v5 =	vsel vm14, $0xD74, v5;
	v7 =	vsel vm10, $0x4E74, v7  }
0x79: {  	v6 =	vsel vm9, $0x2EF4, v6;
	v5 =	vsel vm11, $0xDF4, v5;
	v7 =	vsel vm9, $0x4EF4, v7  }
0x7a: {  	v6 =	vsel vm8, $0x2F74, v6;
	v5 =	vsel vm10, $0xE74, v5;
	v7 =	vsel vm8, $0x4F74, v7  }
0x7b: {  	v6 =	vsel vm7, $0x2FF4, v6;
	v5 =	vsel vm9, $0xEF4, v5;
	v7 =	vsel vm7, $0x4FF4, v7  }
0x7c: {  	v6 =	vsel vm6, $0x3C74, v6;
	v5 =	vsel vm8, $0xF74, v5;
	v7 =	vsel vm6, $0x5C74, v7  }
0x7d: {  	v6 =	vsel vm5, $0x3CF4, v6;
	v5 =	vsel vm7, $0xFF4, v5;
	v7 =	vsel vm5, $0x5CF4, v7  }
0x7e: {  	v6 =	vsel vm4, $0x3D74, v6;
	v5 =	vsel vm6, $0x1C74, v5;
	v7 =	vsel vm4, $0x5D74, v7  }
0x7f: {  	v6 =	vsel vm3, $0x3DF4, v6;
	v5 =	vsel vm5, $0x1CF4, v5;
	v7 =	vsel vm3, $0x5DF4, v7  }
0x80: {  	v6 =	vsel vm2, $0x3E74, v6;
	v5 =	vsel vm4, $0x1D74, v5;
	v7 =	vsel vm2, $0x5E74, v7  }
0x81: {  	v6 =	vsel vm1, $0x3EF4, v6;
	v5 =	vsel vm3, $0x1DF4, v5;
	v7 =	vsel vm1, $0x5EF4, v7  }
0x82: {  	v22 =	vsel vm0, $0x3F74, v6;
	v6 =	vimm.s32 $0x1FF5;
	v5 =	vsel vm2, $0x1E74, v5  }
0x83: {  	v23 =	vsel vm0, $0x5F74, v7;
	v7 =	vimm.s32 $0x3FF5;
	v6 =	vsel vm12, $0xC75, v6  }
0x84: {  	v5 =	vsel vm1, $0x1EF4, v5;
	v7 =	vsel vm12, $0x2C75, v7;
	v6 =	vsel vm13, $0xCF5, v6  }
0x85: {  	v21 =	vsel vm0, $0x1F74, v5;
	v5 =	vimm.s32 $0x7FF4;
	v7 =	vsel vm13, $0x2CF5, v7  }
0x86: {  	v6 =	vsel vm14, $0xD75, v6;
	v5 =	vsel vm12, $0x6C74, v5;
	v7 =	vsel vm14, $0x2D75, v7  }
0x87: {  	v6 =	vsel vm11, $0xDF5, v6;
	v5 =	vsel vm13, $0x6CF4, v5;
	v7 =	vsel vm11, $0x2DF5, v7  }
0x88: {  	v6 =	vsel vm10, $0xE75, v6;
	v5 =	vsel vm14, $0x6D74, v5;
	v7 =	vsel vm10, $0x2E75, v7  }
0x89: {  	v6 =	vsel vm9, $0xEF5, v6;
	v5 =	vsel vm11, $0x6DF4, v5;
	v7 =	vsel vm9, $0x2EF5, v7  }
0x8a: {  	v6 =	vsel vm8, $0xF75, v6;
	v5 =	vsel vm10, $0x6E74, v5;
	v7 =	vsel vm8, $0x2F75, v7  }
0x8b: {  	v6 =	vsel vm7, $0xFF5, v6;
	v5 =	vsel vm9, $0x6EF4, v5;
	v7 =	vsel vm7, $0x2FF5, v7  }
0x8c: {  	v6 =	vsel vm6, $0x1C75, v6;
	v5 =	vsel vm8, $0x6F74, v5;
	v7 =	vsel vm6, $0x3C75, v7  }
0x8d: {  	v6 =	vsel vm5, $0x1CF5, v6;
	v5 =	vsel vm7, $0x6FF4, v5;
	v7 =	vsel vm5, $0x3CF5, v7  }
0x8e: {  	v6 =	vsel vm4, $0x1D75, v6;
	v5 =	vsel vm6, $0x7C74, v5;
	v7 =	vsel vm4, $0x3D75, v7  }
0x8f: {  	v6 =	vsel vm3, $0x1DF5, v6;
	v5 =	vsel vm5, $0x7CF4, v5;
	v7 =	vsel vm3, $0x3DF5, v7  }
0x90: {  	v6 =	vsel vm2, $0x1E75, v6;
	v5 =	vsel vm4, $0x7D74, v5;
	v7 =	vsel vm2, $0x3E75, v7  }
0x91: {  	v6 =	vsel vm1, $0x1EF5, v6;
	v5 =	vsel vm3, $0x7DF4, v5;
	v7 =	vsel vm1, $0x3EF5, v7  }
0x92: {  	v25 =	vsel vm0, $0x1F75, v6;
	v6 =	vimm.s32 $0x7FF5;
	v5 =	vsel vm2, $0x7E74, v5  }
0x93: {  	v26 =	vsel vm0, $0x3F75, v7;
	v7 =	vimm.s32 $0x1FF6;
	v6 =	vsel vm12, $0x6C75, v6  }
0x94: {  	v5 =	vsel vm1, $0x7EF4, v5;
	v7 =	vsel vm12, $0xC76, v7;
	v6 =	vsel vm13, $0x6CF5, v6  }
0x95: {  	v24 =	vsel vm0, $0x7F74, v5;
	v5 =	vimm.s32 $0x5FF5;
	v7 =	vsel vm13, $0xCF6, v7  }
0x96: {  	v6 =	vsel vm14, $0x6D75, v6;
	v5 =	vsel vm12, $0x4C75, v5;
	v7 =	vsel vm14, $0xD76, v7  }
0x97: {  	v6 =	vsel vm11, $0x6DF5, v6;
	v5 =	vsel vm13, $0x4CF5, v5;
	v7 =	vsel vm11, $0xDF6, v7  }
0x98: {  	v6 =	vsel vm10, $0x6E75, v6;
	v5 =	vsel vm14, $0x4D75, v5;
	v7 =	vsel vm10, $0xE76, v7  }
0x99: {  	v6 =	vsel vm9, $0x6EF5, v6;
	v5 =	vsel vm11, $0x4DF5, v5;
	v7 =	vsel vm9, $0xEF6, v7  }
0x9a: {  	v6 =	vsel vm8, $0x6F75, v6;
	v5 =	vsel vm10, $0x4E75, v5;
	v7 =	vsel vm8, $0xF76, v7  }
0x9b: {  	v6 =	vsel vm7, $0x6FF5, v6;
	v5 =	vsel vm9, $0x4EF5, v5;
	v7 =	vsel vm7, $0xFF6, v7  }
0x9c: {  	v6 =	vsel vm6, $0x7C75, v6;
	v5 =	vsel vm8, $0x4F75, v5;
	v7 =	vsel vm6, $0x1C76, v7  }
0x9d: {  	v6 =	vsel vm5, $0x7CF5, v6;
	v5 =	vsel vm7, $0x4FF5, v5;
	v7 =	vsel vm5, $0x1CF6, v7  }
0x9e: {  	v6 =	vsel vm4, $0x7D75, v6;
	v5 =	vsel vm6, $0x5C75, v5;
	v7 =	vsel vm4, $0x1D76, v7  }
0x9f: {  	v6 =	vsel vm3, $0x7DF5, v6;
	v5 =	vsel vm5, $0x5CF5, v5;
	v7 =	vsel vm3, $0x1DF6, v7  }
0xa0: {  	v6 =	vsel vm2, $0x7E75, v6;
	v5 =	vsel vm4, $0x5D75, v5;
	v7 =	vsel vm2, $0x1E76, v7  }
0xa1: {  	v6 =	vsel vm1, $0x7EF5, v6;
	v5 =	vsel vm3, $0x5DF5, v5;
	v7 =	vsel vm1, $0x1EF6, v7  }
0xa2: {  	v28 =	vsel vm0, $0x7F75, v6;
	v6 =	vimm.s32 $0x5FF6;
	v5 =	vsel vm2, $0x5E75, v5  }
0xa3: {  	v29 =	vsel vm0, $0x1F76, v7;
	v7 =	vimm.s32 $0x7FF6;
	v6 =	vsel vm12, $0x4C76, v6  }
0xa4: {  	v5 =	vsel vm1, $0x5EF5, v5;
	v7 =	vsel vm12, $0x6C76, v7;
	v6 =	vsel vm13, $0x4CF6, v6  }
0xa5: {  	v27 =	vsel vm0, $0x5F75, v5;
	v5 =	vimm.s32 $0x3FF6;
	v7 =	vsel vm13, $0x6CF6, v7  }
0xa6: {  	v6 =	vsel vm14, $0x4D76, v6;
	v5 =	vsel vm12, $0x2C76, v5;
	v7 =	vsel vm14, $0x6D76, v7  }
0xa7: {  	v6 =	vsel vm11, $0x4DF6, v6;
	v5 =	vsel vm13, $0x2CF6, v5;
	v7 =	vsel vm11, $0x6DF6, v7  }
0xa8: {  	v6 =	vsel vm10, $0x4E76, v6;
	v5 =	vsel vm14, $0x2D76, v5;
	v7 =	vsel vm10, $0x6E76, v7  }
0xa9: {  	v6 =	vsel vm9, $0x4EF6, v6;
	v5 =	vsel vm11, $0x2DF6, v5;
	v7 =	vsel vm9, $0x6EF6, v7  }
0xaa: {  	v6 =	vsel vm8, $0x4F76, v6;
	v5 =	vsel vm10, $0x2E76, v5;
	v7 =	vsel vm8, $0x6F76, v7  }
0xab: {  	v6 =	vsel vm7, $0x4FF6, v6;
	v5 =	vsel vm9, $0x2EF6, v5;
	v7 =	vsel vm7, $0x6FF6, v7  }
0xac: {  	v6 =	vsel vm6, $0x5C76, v6;
	v5 =	vsel vm8, $0x2F76, v5;
	v7 =	vsel vm6, $0x7C76, v7  }
0xad: {  	v6 =	vsel vm5, $0x5CF6, v6;
	v5 =	vsel vm7, $0x2FF6, v5;
	v7 =	vsel vm5, $0x7CF6, v7  }
0xae: {  	v6 =	vsel vm4, $0x5D76, v6;
	v5 =	vsel vm6, $0x3C76, v5;
	v7 =	vsel vm4, $0x7D76, v7  }
0xaf: {  	v6 =	vsel vm3, $0x5DF6, v6;
	v5 =	vsel vm5, $0x3CF6, v5;
	v7 =	vsel vm3, $0x7DF6, v7  }
0xb0: {  	v6 =	vsel vm2, $0x5E76, v6;
	v5 =	vsel vm4, $0x3D76, v5;
	v7 =	vsel vm2, $0x7E76, v7  }
0xb1: {  	v6 =	vsel vm1, $0x5EF6, v6;
	v5 =	vsel vm3, $0x3DF6, v5;
	v7 =	vsel vm1, $0x7EF6, v7  }
0xb2: {  	v31 =	vsel vm0, $0x5F76, v6;
	v6 =	vimm.s32 $0x3FF7;
	v5 =	vsel vm2, $0x3E76, v5  }
0xb3: {  	v32 =	vsel vm0, $0x7F76, v7;
	v7 =	vimm.s32 $0x5FF7;
	v6 =	vsel vm12, $0x2C77, v6  }
0xb4: {  	v5 =	vsel vm1, $0x3EF6, v5;
	v7 =	vsel vm12, $0x4C77, v7;
	v6 =	vsel vm13, $0x2CF7, v6  }
0xb5: {  	v30 =	vsel vm0, $0x3F76, v5;
	v5 =	vimm.s32 $0x1FF7;
	v7 =	vsel vm13, $0x4CF7, v7  }
0xb6: {  	v6 =	vsel vm14, $0x2D77, v6;
	v5 =	vsel vm12, $0xC77, v5;
	v7 =	vsel vm14, $0x4D77, v7  }
0xb7: {  	v6 =	vsel vm11, $0x2DF7, v6;
	v5 =	vsel vm13, $0xCF7, v5;
	v7 =	vsel vm11, $0x4DF7, v7  }
0xb8: {  	v6 =	vsel vm10, $0x2E77, v6;
	v5 =	vsel vm14, $0xD77, v5;
	v7 =	vsel vm10, $0x4E77, v7  }
0xb9: {  	v6 =	vsel vm9, $0x2EF7, v6;
	v5 =	vsel vm11, $0xDF7, v5;
	v7 =	vsel vm9, $0x4EF7, v7  }
0xba: {  	v6 =	vsel vm8, $0x2F77, v6;
	v5 =	vsel vm10, $0xE77, v5;
	v7 =	vsel vm8, $0x4F77, v7  }
0xbb: {  	v6 =	vsel vm7, $0x2FF7, v6;
	v5 =	vsel vm9, $0xEF7, v5;
	v7 =	vsel vm7, $0x4FF7, v7  }
0xbc: {  	v6 =	vsel vm6, $0x3C77, v6;
	v5 =	vsel vm8, $0xF77, v5;
	v7 =	vsel vm6, $0x5C77, v7  }
0xbd: {  	v6 =	vsel vm5, $0x3CF7, v6;
	v5 =	vsel vm7, $0xFF7, v5;
	v7 =	vsel vm5, $0x5CF7, v7  }
0xbe: {  	v6 =	vsel vm4, $0x3D77, v6;
	v5 =	vsel vm6, $0x1C77, v5;
	v7 =	vsel vm4, $0x5D77, v7  }
0xbf: {  	v6 =	vsel vm3, $0x3DF7, v6;
	v5 =	vsel vm5, $0x1CF7, v5;
	v7 =	vsel vm3, $0x5DF7, v7  }
0xc0: {  	v6 =	vsel vm2, $0x3E77, v6;
	v5 =	vsel vm4, $0x1D77, v5;
	v7 =	vsel vm2, $0x5E77, v7  }
0xc1: {  	v6 =	vsel vm1, $0x3EF7, v6;
	v5 =	vsel vm3, $0x1DF7, v5;
	v7 =	vsel vm1, $0x5EF7, v7  }
0xc2: {  	v34 =	vsel vm0, $0x3F77, v6;
	v6 =	vimm.s32 $0x1FF8;
	v5 =	vsel vm2, $0x1E77, v5  }
0xc3: {  	v35 =	vsel vm0, $0x5F77, v7;
	v7 =	vimm.s32 $0x3FF8;
	v6 =	vsel vm12, $0xC78, v6  }
0xc4: {  	v5 =	vsel vm1, $0x1EF7, v5;
	v7 =	vsel vm12, $0x2C78, v7;
	v6 =	vsel vm13, $0xCF8, v6  }
0xc5: {  	v33 =	vsel vm0, $0x1F77, v5;
	v5 =	vimm.s32 $0x7FF7;
	v7 =	vsel vm13, $0x2CF8, v7  }
0xc6: {  	v6 =	vsel vm14, $0xD78, v6;
	v5 =	vsel vm12, $0x6C77, v5;
	v7 =	vsel vm14, $0x2D78, v7  }
0xc7: {  	v6 =	vsel vm11, $0xDF8, v6;
	v5 =	vsel vm13, $0x6CF7, v5;
	v7 =	vsel vm11, $0x2DF8, v7  }
0xc8: {  	v6 =	vsel vm10, $0xE78, v6;
	v5 =	vsel vm14, $0x6D77, v5;
	v7 =	vsel vm10, $0x2E78, v7  }
0xc9: {  	v6 =	vsel vm9, $0xEF8, v6;
	v5 =	vsel vm11, $0x6DF7, v5;
	v7 =	vsel vm9, $0x2EF8, v7  }
0xca: {  	v6 =	vsel vm8, $0xF78, v6;
	v5 =	vsel vm10, $0x6E77, v5;
	v7 =	vsel vm8, $0x2F78, v7  }
0xcb: {  	v6 =	vsel vm7, $0xFF8, v6;
	v5 =	vsel vm9, $0x6EF7, v5;
	v7 =	vsel vm7, $0x2FF8, v7  }
0xcc: {  	v6 =	vsel vm6, $0x1C78, v6;
	v5 =	vsel vm8, $0x6F77, v5;
	v7 =	vsel vm6, $0x3C78, v7  }
0xcd: {  	v6 =	vsel vm5, $0x1CF8, v6;
	v5 =	vsel vm7, $0x6FF7, v5;
	v7 =	vsel vm5, $0x3CF8, v7  }
0xce: {  	v6 =	vsel vm4, $0x1D78, v6;
	v5 =	vsel vm6, $0x7C77, v5;
	v7 =	vsel vm4, $0x3D78, v7  }
0xcf: {  	v6 =	vsel vm3, $0x1DF8, v6;
	v5 =	vsel vm5, $0x7CF7, v5;
	v7 =	vsel vm3, $0x3DF8, v7  }
0xd0: {  	v6 =	vsel vm2, $0x1E78, v6;
	v5 =	vsel vm4, $0x7D77, v5;
	v7 =	vsel vm2, $0x3E78, v7  }
0xd1: {  	v6 =	vsel vm1, $0x1EF8, v6;
	v5 =	vsel vm3, $0x7DF7, v5;
	v7 =	vsel vm1, $0x3EF8, v7  }
0xd2: {  	v37 =	vsel vm0, $0x1F78, v6;
	v6 =	vimm.s32 $0x7FF8;
	v5 =	vsel vm2, $0x7E77, v5  }
0xd3: {  	v38 =	vsel vm0, $0x3F78, v7;
	v7 =	vimm.s32 $0x1FF9;
	v6 =	vsel vm12, $0x6C78, v6  }
0xd4: {  	v5 =	vsel vm1, $0x7EF7, v5;
	v7 =	vsel vm12, $0xC79, v7;
	v6 =	vsel vm13, $0x6CF8, v6  }
0xd5: {  	v36 =	vsel vm0, $0x7F77, v5;
	v5 =	vimm.s32 $0x5FF8;
	v7 =	vsel vm13, $0xCF9, v7  }
0xd6: {  	v6 =	vsel vm14, $0x6D78, v6;
	v5 =	vsel vm12, $0x4C78, v5;
	v7 =	vsel vm14, $0xD79, v7  }
0xd7: {  	v6 =	vsel vm11, $0x6DF8, v6;
	v5 =	vsel vm13, $0x4CF8, v5;
	v7 =	vsel vm11, $0xDF9, v7  }
0xd8: {  	v6 =	vsel vm10, $0x6E78, v6;
	v5 =	vsel vm14, $0x4D78, v5;
	v7 =	vsel vm10, $0xE79, v7  }
0xd9: {  	v6 =	vsel vm9, $0x6EF8, v6;
	v5 =	vsel vm11, $0x4DF8, v5;
	v7 =	vsel vm9, $0xEF9, v7  }
0xda: {  	v6 =	vsel vm8, $0x6F78, v6;
	v5 =	vsel vm10, $0x4E78, v5;
	v7 =	vsel vm8, $0xF79, v7  }
0xdb: {  	v6 =	vsel vm7, $0x6FF8, v6;
	v5 =	vsel vm9, $0x4EF8, v5;
	v7 =	vsel vm7, $0xFF9, v7  }
0xdc: {  	v6 =	vsel vm6, $0x7C78, v6;
	v5 =	vsel vm8, $0x4F78, v5;
	v7 =	vsel vm6, $0x1C79, v7  }
0xdd: {  	v6 =	vsel vm5, $0x7CF8, v6;
	v5 =	vsel vm7, $0x4FF8, v5;
	v7 =	vsel vm5, $0x1CF9, v7  }
0xde: {  	v6 =	vsel vm4, $0x7D78, v6;
	v5 =	vsel vm6, $0x5C78, v5;
	v7 =	vsel vm4, $0x1D79, v7  }
0xdf: {  	v6 =	vsel vm3, $0x7DF8, v6;
	v5 =	vsel vm5, $0x5CF8, v5;
	v7 =	vsel vm3, $0x1DF9, v7  }
0xe0: {  	v6 =	vsel vm2, $0x7E78, v6;
	v5 =	vsel vm4, $0x5D78, v5;
	v7 =	vsel vm2, $0x1E79, v7  }
0xe1: {  	v6 =	vsel vm1, $0x7EF8, v6;
	v5 =	vsel vm3, $0x5DF8, v5;
	v7 =	vsel vm1, $0x1EF9, v7  }
0xe2: {  	v40 =	vsel vm0, $0x7F78, v6;
	v6 =	vimm.s32 $0x5FF9;
	v5 =	vsel vm2, $0x5E78, v5  }
0xe3: {  	v41 =	vsel vm0, $0x1F79, v7;
	v7 =	vimm.s32 $0x7FF9;
	v6 =	vsel vm12, $0x4C79, v6  }
0xe4: {  	v5 =	vsel vm1, $0x5EF8, v5;
	v7 =	vsel vm12, $0x6C79, v7;
	v6 =	vsel vm13, $0x4CF9, v6  }
0xe5: {  	v39 =	vsel vm0, $0x5F78, v5;
	v5 =	vimm.s32 $0x3FF9;
	v7 =	vsel vm13, $0x6CF9, v7  }
0xe6: {  	v6 =	vsel vm14, $0x4D79, v6;
	v5 =	vsel vm12, $0x2C79, v5;
	v7 =	vsel vm14, $0x6D79, v7  }
0xe7: {  	v6 =	vsel vm11, $0x4DF9, v6;
	v5 =	vsel vm13, $0x2CF9, v5;
	v7 =	vsel vm11, $0x6DF9, v7  }
0xe8: {  	v6 =	vsel vm10, $0x4E79, v6;
	v5 =	vsel vm14, $0x2D79, v5;
	v7 =	vsel vm10, $0x6E79, v7  }
0xe9: {  	v6 =	vsel vm9, $0x4EF9, v6;
	v5 =	vsel vm11, $0x2DF9, v5;
	v7 =	vsel vm9, $0x6EF9, v7  }
0xea: {  	v6 =	vsel vm8, $0x4F79, v6;
	v5 =	vsel vm10, $0x2E79, v5;
	v7 =	vsel vm8, $0x6F79, v7  }
0xeb: {  	v6 =	vsel vm7, $0x4FF9, v6;
	v5 =	vsel vm9, $0x2EF9, v5;
	v7 =	vsel vm7, $0x6FF9, v7  }
0xec: {  	v6 =	vsel vm6, $0x5C79, v6;
	v5 =	vsel vm8, $0x2F79, v5;
	v7 =	vsel vm6, $0x7C79, v7  }
0xed: {  	v6 =	vsel vm5, $0x5CF9, v6;
	v5 =	vsel vm7, $0x2FF9, v5;
	v7 =	vsel vm5, $0x7CF9, v7  }
0xee: {  	v6 =	vsel vm4, $0x5D79, v6;
	v5 =	vsel vm6, $0x3C79, v5;
	v7 =	vsel vm4, $0x7D79, v7  }
0xef: {  	v6 =	vsel vm3, $0x5DF9, v6;
	v5 =	vsel vm5, $0x3CF9, v5;
	v7 =	vsel vm3, $0x7DF9, v7  }
0xf0: {  	v6 =	vsel vm2, $0x5E79, v6;
	v5 =	vsel vm4, $0x3D79, v5;
	v7 =	vsel vm2, $0x7E79, v7  }
0xf1: {  	v6 =	vsel vm1, $0x5EF9, v6;
	v5 =	vsel vm3, $0x3DF9, v5;
	v7 =	vsel vm1, $0x7EF9, v7  }
0xf2: {  	v43 =	vsel vm0, $0x5F79, v6;
	v6 =	vimm.s32 $0x3FFA;
	v5 =	vsel vm2, $0x3E79, v5  }
0xf3: {  	v44 =	vsel vm0, $0x7F79, v7;
	v7 =	vimm.s32 $0x5FFA;
	v6 =	vsel vm12, $0x2C7A, v6  }
0xf4: {  	v5 =	vsel vm1, $0x3EF9, v5;
	v7 =	vsel vm12, $0x4C7A, v7;
	v6 =	vsel vm13, $0x2CFA, v6  }
0xf5: {  	v42 =	vsel vm0, $0x3F79, v5;
	v5 =	vimm.s32 $0x1FFA;
	v7 =	vsel vm13, $0x4CFA, v7  }
0xf6: {  	v6 =	vsel vm14, $0x2D7A, v6;
	v5 =	vsel vm12, $0xC7A, v5;
	v7 =	vsel vm14, $0x4D7A, v7  }
0xf7: {  	v6 =	vsel vm11, $0x2DFA, v6;
	v5 =	vsel vm13, $0xCFA, v5;
	v7 =	vsel vm11, $0x4DFA, v7  }
0xf8: {  	v6 =	vsel vm10, $0x2E7A, v6;
	v5 =	vsel vm14, $0xD7A, v5;
	v7 =	vsel vm10, $0x4E7A, v7  }
0xf9: {  	v6 =	vsel vm9, $0x2EFA, v6;
	v5 =	vsel vm11, $0xDFA, v5;
	v7 =	vsel vm9, $0x4EFA, v7  }
0xfa: {  	v6 =	vsel vm8, $0x2F7A, v6;
	v5 =	vsel vm10, $0xE7A, v5;
	v7 =	vsel vm8, $0x4F7A, v7  }
0xfb: {  	v6 =	vsel vm7, $0x2FFA, v6;
	v5 =	vsel vm9, $0xEFA, v5;
	v7 =	vsel vm7, $0x4FFA, v7  }
0xfc: {  	v6 =	vsel vm6, $0x3C7A, v6;
	v5 =	vsel vm8, $0xF7A, v5;
	v7 =	vsel vm6, $0x5C7A, v7  }
0xfd: {  	v6 =	vsel vm5, $0x3CFA, v6;
	v5 =	vsel vm7, $0xFFA, v5;
	v7 =	vsel vm5, $0x5CFA, v7  }
0xfe: {  	v6 =	vsel vm4, $0x3D7A, v6;
	v5 =	vsel vm6, $0x1C7A, v5;
	v7 =	vsel vm4, $0x5D7A, v7  }
0xff: {  	v6 =	vsel vm3, $0x3DFA, v6;
	v5 =	vsel vm5, $0x1CFA, v5;
	v7 =	vsel vm3, $0x5DFA, v7  }
0x100: {  	v6 =	vsel vm2, $0x3E7A, v6;
	v5 =	vsel vm4, $0x1D7A, v5;
	v7 =	vsel vm2, $0x5E7A, v7  }
0x101: {  	v6 =	vsel vm1, $0x3EFA, v6;
	v5 =	vsel vm3, $0x1DFA, v5;
	v7 =	vsel vm1, $0x5EFA, v7  }
0x102: {  	v46 =	vsel vm0, $0x3F7A, v6;
	v6 =	vimm.s32 $0x1FFB;
	v5 =	vsel vm2, $0x1E7A, v5  }
0x103: {  	v47 =	vsel vm0, $0x5F7A, v7;
	v7 =	vimm.s32 $0x3FFB;
	v6 =	vsel vm12, $0xC7B, v6  }
0x104: {  	v5 =	vsel vm1, $0x1EFA, v5;
	v7 =	vsel vm12, $0x2C7B, v7;
	v6 =	vsel vm13, $0xCFB, v6  }
0x105: {  	v45 =	vsel vm0, $0x1F7A, v5;
	v5 =	vimm.s32 $0x7FFA;
	v7 =	vsel vm13, $0x2CFB, v7  }
0x106: {  	v6 =	vsel vm14, $0xD7B, v6;
	v5 =	vsel vm12, $0x6C7A, v5;
	v7 =	vsel vm14, $0x2D7B, v7  }
0x107: {  	v6 =	vsel vm11, $0xDFB, v6;
	v5 =	vsel vm13, $0x6CFA, v5;
	v7 =	vsel vm11, $0x2DFB, v7  }
0x108: {  	v6 =	vsel vm10, $0xE7B, v6;
	v5 =	vsel vm14, $0x6D7A, v5;
	v7 =	vsel vm10, $0x2E7B, v7  }
0x109: {  	v6 =	vsel vm9, $0xEFB, v6;
	v5 =	vsel vm11, $0x6DFA, v5;
	v7 =	vsel vm9, $0x2EFB, v7  }
0x10a: {  	v6 =	vsel vm8, $0xF7B, v6;
	v5 =	vsel vm10, $0x6E7A, v5;
	v7 =	vsel vm8, $0x2F7B, v7  }
0x10b: {  	v6 =	vsel vm7, $0xFFB, v6;
	v5 =	vsel vm9, $0x6EFA, v5;
	v7 =	vsel vm7, $0x2FFB, v7  }
0x10c: {  	v6 =	vsel vm6, $0x1C7B, v6;
	v5 =	vsel vm8, $0x6F7A, v5;
	v7 =	vsel vm6, $0x3C7B, v7  }
0x10d: {  	v6 =	vsel vm5, $0x1CFB, v6;
	v5 =	vsel vm7, $0x6FFA, v5;
	v7 =	vsel vm5, $0x3CFB, v7  }
0x10e: {  	v6 =	vsel vm4, $0x1D7B, v6;
	v5 =	vsel vm6, $0x7C7A, v5;
	v7 =	vsel vm4, $0x3D7B, v7  }
0x10f: {  	v6 =	vsel vm3, $0x1DFB, v6;
	v5 =	vsel vm5, $0x7CFA, v5;
	v7 =	vsel vm3, $0x3DFB, v7  }
0x110: {  	v6 =	vsel vm2, $0x1E7B, v6;
	v5 =	vsel vm4, $0x7D7A, v5;
	v7 =	vsel vm2, $0x3E7B, v7  }
0x111: {  	v6 =	vsel vm1, $0x1EFB, v6;
	v5 =	vsel vm3, $0x7DFA, v5;
	v7 =	vsel vm1, $0x3EFB, v7  }
0x112: {  	v49 =	vsel vm0, $0x1F7B, v6;
	v6 =	vimm.s32 $0x7FFB;
	v5 =	vsel vm2, $0x7E7A, v5  }
0x113: {  	v50 =	vsel vm0, $0x3F7B, v7;
	v7 =	vimm.s32 $0x1FFC;
	v6 =	vsel vm12, $0x6C7B, v6  }
0x114: {  	v5 =	vsel vm1, $0x7EFA, v5;
	v7 =	vsel vm12, $0xC7C, v7;
	v6 =	vsel vm13, $0x6CFB, v6  }
0x115: {  	v48 =	vsel vm0, $0x7F7A, v5;
	v5 =	vimm.s32 $0x5FFB;
	v7 =	vsel vm13, $0xCFC, v7  }
0x116: {  	v6 =	vsel vm14, $0x6D7B, v6;
	v5 =	vsel vm12, $0x4C7B, v5;
	v7 =	vsel vm14, $0xD7C, v7  }
0x117: {  	v6 =	vsel vm11, $0x6DFB, v6;
	v5 =	vsel vm13, $0x4CFB, v5;
	v7 =	vsel vm11, $0xDFC, v7  }
0x118: {  	v6 =	vsel vm10, $0x6E7B, v6;
	v5 =	vsel vm14, $0x4D7B, v5;
	v7 =	vsel vm10, $0xE7C, v7  }
0x119: {  	v6 =	vsel vm9, $0x6EFB, v6;
	v5 =	vsel vm11, $0x4DFB, v5;
	v7 =	vsel vm9, $0xEFC, v7  }
0x11a: {  	v6 =	vsel vm8, $0x6F7B, v6;
	v5 =	vsel vm10, $0x4E7B, v5;
	v7 =	vsel vm8, $0xF7C, v7  }
0x11b: {  	v6 =	vsel vm7, $0x6FFB, v6;
	v5 =	vsel vm9, $0x4EFB, v5;
	v7 =	vsel vm7, $0xFFC, v7  }
0x11c: {  	v6 =	vsel vm6, $0x7C7B, v6;
	v5 =	vsel vm8, $0x4F7B, v5;
	v7 =	vsel vm6, $0x1C7C, v7  }
0x11d: {  	v6 =	vsel vm5, $0x7CFB, v6;
	v5 =	vsel vm7, $0x4FFB, v5;
	v7 =	vsel vm5, $0x1CFC, v7  }
0x11e: {  	v6 =	vsel vm4, $0x7D7B, v6;
	v5 =	vsel vm6, $0x5C7B, v5;
	v7 =	vsel vm4, $0x1D7C, v7  }
0x11f: {  	v6 =	vsel vm3, $0x7DFB, v6;
	v5 =	vsel vm5, $0x5CFB, v5;
	v7 =	vsel vm3, $0x1DFC, v7  }
0x120: {  	v6 =	vsel vm2, $0x7E7B, v6;
	v5 =	vsel vm4, $0x5D7B, v5;
	v7 =	vsel vm2, $0x1E7C, v7  }
0x121: {  	v6 =	vsel vm1, $0x7EFB, v6;
	v5 =	vsel vm3, $0x5DFB, v5;
	v7 =	vsel vm1, $0x1EFC, v7  }
0x122: {  	v52 =	vsel vm0, $0x7F7B, v6;
	v6 =	vimm.s32 $0x5FFC;
	v5 =	vsel vm2, $0x5E7B, v5  }
0x123: {  	v53 =	vsel vm0, $0x1F7C, v7;
	v7 =	vimm.s32 $0x7FFC;
	v6 =	vsel vm12, $0x4C7C, v6  }
0x124: {  	v5 =	vsel vm1, $0x5EFB, v5;
	v7 =	vsel vm12, $0x6C7C, v7;
	v6 =	vsel vm13, $0x4CFC, v6  }
0x125: {  	v51 =	vsel vm0, $0x5F7B, v5;
	v5 =	vimm.s32 $0x3FFC;
	v7 =	vsel vm13, $0x6CFC, v7  }
0x126: {  	v6 =	vsel vm14, $0x4D7C, v6;
	v5 =	vsel vm12, $0x2C7C, v5;
	v7 =	vsel vm14, $0x6D7C, v7  }
0x127: {  	v6 =	vsel vm11, $0x4DFC, v6;
	v5 =	vsel vm13, $0x2CFC, v5;
	v7 =	vsel vm11, $0x6DFC, v7  }
0x128: {  	v6 =	vsel vm10, $0x4E7C, v6;
	v5 =	vsel vm14, $0x2D7C, v5;
	v7 =	vsel vm10, $0x6E7C, v7  }
0x129: {  	v6 =	vsel vm9, $0x4EFC, v6;
	v5 =	vsel vm11, $0x2DFC, v5;
	v7 =	vsel vm9, $0x6EFC, v7  }
0x12a: {  	v6 =	vsel vm8, $0x4F7C, v6;
	v5 =	vsel vm10, $0x2E7C, v5;
	v7 =	vsel vm8, $0x6F7C, v7  }
0x12b: {  	v6 =	vsel vm7, $0x4FFC, v6;
	v5 =	vsel vm9, $0x2EFC, v5;
	v7 =	vsel vm7, $0x6FFC, v7  }
0x12c: {  	v6 =	vsel vm6, $0x5C7C, v6;
	v5 =	vsel vm8, $0x2F7C, v5;
	v7 =	vsel vm6, $0x7C7C, v7  }
0x12d: {  	v6 =	vsel vm5, $0x5CFC, v6;
	v5 =	vsel vm7, $0x2FFC, v5;
	v7 =	vsel vm5, $0x7CFC, v7  }
0x12e: {  	v6 =	vsel vm4, $0x5D7C, v6;
	v5 =	vsel vm6, $0x3C7C, v5;
	v7 =	vsel vm4, $0x7D7C, v7  }
0x12f: {  	v6 =	vsel vm3, $0x5DFC, v6;
	v5 =	vsel vm5, $0x3CFC, v5;
	v7 =	vsel vm3, $0x7DFC, v7  }
0x130: {  	v6 =	vsel vm2, $0x5E7C, v6;
	v5 =	vsel vm4, $0x3D7C, v5;
	v7 =	vsel vm2, $0x7E7C, v7  }
0x131: {  	v6 =	vsel vm1, $0x5EFC, v6;
	v5 =	vsel vm3, $0x3DFC, v5;
	v7 =	vsel vm1, $0x7EFC, v7  }
0x132: {  	v55 =	vsel vm0, $0x5F7C, v6;
	v6 =	vimm.s32 $0x3FFD;
	v5 =	vsel vm2, $0x3E7C, v5  }
0x133: {  	v56 =	vsel vm0, $0x7F7C, v7;
	v7 =	vimm.s32 $0x5FFD;
	v6 =	vsel vm12, $0x2C7D, v6  }
0x134: {  	v5 =	vsel vm1, $0x3EFC, v5;
	v7 =	vsel vm12, $0x4C7D, v7;
	v6 =	vsel vm13, $0x2CFD, v6  }
0x135: {  	v54 =	vsel vm0, $0x3F7C, v5;
	v5 =	vimm.s32 $0x1FFD;
	v7 =	vsel vm13, $0x4CFD, v7  }
0x136: {  	v6 =	vsel vm14, $0x2D7D, v6;
	v5 =	vsel vm12, $0xC7D, v5;
	v7 =	vsel vm14, $0x4D7D, v7  }
0x137: {  	v6 =	vsel vm11, $0x2DFD, v6;
	v5 =	vsel vm13, $0xCFD, v5;
	v7 =	vsel vm11, $0x4DFD, v7  }
0x138: {  	v6 =	vsel vm10, $0x2E7D, v6;
	v5 =	vsel vm14, $0xD7D, v5;
	v7 =	vsel vm10, $0x4E7D, v7  }
0x139: {  	v6 =	vsel vm9, $0x2EFD, v6;
	v5 =	vsel vm11, $0xDFD, v5;
	v7 =	vsel vm9, $0x4EFD, v7  }
0x13a: {  	v6 =	vsel vm8, $0x2F7D, v6;
	v5 =	vsel vm10, $0xE7D, v5;
	v7 =	vsel vm8, $0x4F7D, v7  }
0x13b: {  	v6 =	vsel vm7, $0x2FFD, v6;
	v5 =	vsel vm9, $0xEFD, v5;
	v7 =	vsel vm7, $0x4FFD, v7  }
0x13c: {  	v6 =	vsel vm6, $0x3C7D, v6;
	v5 =	vsel vm8, $0xF7D, v5;
	v7 =	vsel vm6, $0x5C7D, v7  }
0x13d: {  	v6 =	vsel vm5, $0x3CFD, v6;
	v5 =	vsel vm7, $0xFFD, v5;
	v7 =	vsel vm5, $0x5CFD, v7  }
0x13e: {  	v6 =	vsel vm4, $0x3D7D, v6;
	v5 =	vsel vm6, $0x1C7D, v5;
	v7 =	vsel vm4, $0x5D7D, v7  }
0x13f: {  	v6 =	vsel vm3, $0x3DFD, v6;
	v5 =	vsel vm5, $0x1CFD, v5;
	v7 =	vsel vm3, $0x5DFD, v7  }
0x140: {  	v6 =	vsel vm2, $0x3E7D, v6;
	v5 =	vsel vm4, $0x1D7D, v5;
	v7 =	vsel vm2, $0x5E7D, v7  }
0x141: {  	v6 =	vsel vm1, $0x3EFD, v6;
	v5 =	vsel vm3, $0x1DFD, v5;
	v7 =	vsel vm1, $0x5EFD, v7  }
0x142: {  	v58 =	vsel vm0, $0x3F7D, v6;
	v6 =	vimm.s32 $0x1FFE;
	v5 =	vsel vm2, $0x1E7D, v5  }
0x143: {  	v59 =	vsel vm0, $0x5F7D, v7;
	v7 =	vimm.s32 $0x3FFE;
	v5 =	vsel vm1, $0x1EFD, v5  }
0x144: {  	v6 =	vsel vm12, $0xC7E, v6;
	v57 =	vsel vm0, $0x1F7D, v5;
	v5 =	vimm.s32 $0x7FFD  }
0x145: {  	v7 =	vsel vm12, $0x2C7E, v7;
	v6 =	vsel vm13, $0xCFE, v6;
	v5 =	vsel vm12, $0x6C7D, v5  }
0x146: {  	v7 =	vsel vm13, $0x2CFE, v7;
	v6 =	vsel vm14, $0xD7E, v6;
	v5 =	vsel vm13, $0x6CFD, v5  }
0x147: {  	v7 =	vsel vm14, $0x2D7E, v7;
	v6 =	vsel vm11, $0xDFE, v6;
	v5 =	vsel vm14, $0x6D7D, v5  }
0x148: {  	v7 =	vsel vm11, $0x2DFE, v7;
	v6 =	vsel vm10, $0xE7E, v6;
	v5 =	vsel vm11, $0x6DFD, v5  }
0x149: {  	v7 =	vsel vm10, $0x2E7E, v7;
	v6 =	vsel vm9, $0xEFE, v6;
	v5 =	vsel vm10, $0x6E7D, v5  }
0x14a: {  	v7 =	vsel vm9, $0x2EFE, v7;
	v6 =	vsel vm8, $0xF7E, v6;
	v5 =	vsel vm9, $0x6EFD, v5  }
0x14b: {  	v7 =	vsel vm8, $0x2F7E, v7;
	v6 =	vsel vm7, $0xFFE, v6;
	v5 =	vsel vm8, $0x6F7D, v5  }
0x14c: {  	v7 =	vsel vm7, $0x2FFE, v7;
	v6 =	vsel vm6, $0x1C7E, v6;
	v5 =	vsel vm7, $0x6FFD, v5  }
0x14d: {  	v7 =	vsel vm6, $0x3C7E, v7;
	v6 =	vsel vm5, $0x1CFE, v6;
	v5 =	vsel vm6, $0x7C7D, v5  }
0x14e: {  	v7 =	vsel vm5, $0x3CFE, v7;
	v6 =	vsel vm4, $0x1D7E, v6;
	v5 =	vsel vm5, $0x7CFD, v5  }
0x14f: {  	v7 =	vsel vm4, $0x3D7E, v7;
	v6 =	vsel vm3, $0x1DFE, v6;
	v5 =	vsel vm4, $0x7D7D, v5  }
0x150: {  	v7 =	vsel vm3, $0x3DFE, v7;
	v6 =	vsel vm2, $0x1E7E, v6;
	v5 =	vsel vm3, $0x7DFD, v5  }
0x151: {  	v7 =	vsel vm2, $0x3E7E, v7;
	v6 =	vsel vm1, $0x1EFE, v6;
	v5 =	vsel vm2, $0x7E7D, v5  }
0x152: {  	v7 =	vsel vm1, $0x3EFE, v7;
	v61 =	vsel vm0, $0x1F7E, v6;
	v5 =	vsel vm1, $0x7EFD, v5  }
0x153: {  	v6 =	vimm.s32 $0x7FFE;
	v60 =	vsel vm0, $0x7F7D, v5;
	v5 =	vimm.s32 $0x5FFE  }
0x154: {  	v62 =	vsel vm0, $0x3F7E, v7;
	v7 =	vimm.s32 $0x1FFF;
	v5 =	vsel vm12, $0x4C7E, v5  }
0x155: {  	v6 =	vsel vm12, $0x6C7E, v6;
	v7 =	vsel vm12, $0xC7F, v7;
	v5 =	vsel vm13, $0x4CFE, v5  }
0x156: {  	v6 =	vsel vm13, $0x6CFE, v6;
	v7 =	vsel vm13, $0xCFF, v7;
	v5 =	vsel vm14, $0x4D7E, v5  }
0x157: {  	v6 =	vsel vm14, $0x6D7E, v6;
	v7 =	vsel vm14, $0xD7F, v7;
	v5 =	vsel vm11, $0x4DFE, v5  }
0x158: {  	v6 =	vsel vm11, $0x6DFE, v6;
	v7 =	vsel vm11, $0xDFF, v7;
	v5 =	vsel vm10, $0x4E7E, v5  }
0x159: {  	v6 =	vsel vm10, $0x6E7E, v6;
	v7 =	vsel vm10, $0xE7F, v7;
	v5 =	vsel vm9, $0x4EFE, v5  }
0x15a: {  	v6 =	vsel vm9, $0x6EFE, v6;
	v7 =	vsel vm9, $0xEFF, v7;
	v5 =	vsel vm8, $0x4F7E, v5  }
0x15b: {  	v6 =	vsel vm8, $0x6F7E, v6;
	v7 =	vsel vm8, $0xF7F, v7;
	v5 =	vsel vm7, $0x4FFE, v5  }
0x15c: {  	v6 =	vsel vm7, $0x6FFE, v6;
	v7 =	vsel vm7, $0xFFF, v7;
	v5 =	vsel vm6, $0x5C7E, v5  }
0x15d: {  	v6 =	vsel vm6, $0x7C7E, v6;
	v7 =	vsel vm6, $0x1C7F, v7;
	v5 =	vsel vm5, $0x5CFE, v5  }
0x15e: {  	v6 =	vsel vm5, $0x7CFE, v6;
	v7 =	vsel vm5, $0x1CFF, v7;
	v5 =	vsel vm4, $0x5D7E, v5  }
0x15f: {  	v6 =	vsel vm4, $0x7D7E, v6;
	v7 =	vsel vm4, $0x1D7F, v7;
	v5 =	vsel vm3, $0x5DFE, v5  }
0x160: {  	v6 =	vsel vm3, $0x7DFE, v6;
	v7 =	vsel vm3, $0x1DFF, v7;
	v5 =	vsel vm2, $0x5E7E, v5  }
0x161: {  	v6 =	vsel vm2, $0x7E7E, v6;
	v7 =	vsel vm2, $0x1E7F, v7;
	v5 =	vsel vm1, $0x5EFE, v5  }
0x162: {  	v6 =	vsel vm1, $0x7EFE, v6;
	v7 =	vsel vm1, $0x1EFF, v7;
	v63 =	vsel vm0, $0x5F7E, v5  }
0x163: {  	v5 =	vsel vm0, $0x7F7E, v6;
	v6 =	vsel vm0, $0x1F7F, v7;
	v7 =	vimm.s32 $0x3FFF  }
0x164: {  	v1 =	vsel vm4, $0x1100, v1;
	v2 =	vsel vm4, $0x3100, v2;
	v7 =	vsel vm12, $0x2C7F, v7  }
0x165: {  	v3 =	vsel vm4, $0x5100, v3;
	v4 =	vsel vm4, $0x7100, v4;
	v7 =	vsel vm13, $0x2CFF, v7  }
0x166: {  	s0 =	rddreg [dreg:$0x0];
	v8 =	vsel vm4, $0x5D7F, v8;
	v9 =	vsel vm4, $0x7D7F, v9;
	v7 =	vsel vm14, $0x2D7F, v7  }
0x167: {  	s1 =	rddreg [dreg:$0x1];
	v1 =	vsel vm3, $0x1180, v1;
	v2 =	vsel vm3, $0x3180, v2;
	v7 =	vsel vm11, $0x2DFF, v7  }
0x168: {  	s2 =	srdreg.scid;
	s5 =	rddreg [dreg:$0x2];
	v3 =	vsel vm3, $0x5180, v3;
	v4 =	vsel vm3, $0x7180, v4;
	v7 =	vsel vm10, $0x2E7F, v7  }
0x169: {  	s3 =	stileid.u32;
	s30 =	simm.s32 $0x0;
	s9 =	simm.s32 $0x7A1400;
	v8 =	vsel vm3, $0x5DFF, v8;
	v9 =	vsel vm3, $0x7DFF, v9;
	v7 =	vsel vm9, $0x2EFF, v7  }
0x16a: {  	s8 =	simm.s32 $0x2;
	s10 =	simm.s32 $0x200;
	s11 =	simm.s32 $0x2200;
	v1 =	vsel vm2, $0x1200, v1;
	v2 =	vsel vm2, $0x3200, v2;
	v7 =	vsel vm8, $0x2F7F, v7  }
0x16b: {  	s12 =	simm.s32 $0x4200;
	s13 =	simm.s32 $0x6200;
	s14 =	simm.s32 $0x8200;
	v3 =	vsel vm2, $0x5200, v3;
	v4 =	vsel vm2, $0x7200, v4;
	v7 =	vsel vm7, $0x2FFF, v7  }
0x16c: {  	s15 =	simm.s32 $0xA200;
	s16 =	simm.s32 $0xC200;
	s17 =	simm.s32 $0xE200;
	v8 =	vsel vm2, $0x5E7F, v8;
	v9 =	vsel vm2, $0x7E7F, v9;
	v7 =	vsel vm6, $0x3C7F, v7  }
0x16d: {  	s18 =	simm.s32 $0x1;
	s19 =	simm.s32 $0x10200;
	s2 =	sand.u32 $0x1, s2;
	v1 =	vsel vm1, $0x1280, v1;
	v2 =	vsel vm1, $0x3280, v2;
	v7 =	vsel vm5, $0x3CFF, v7  }
0x16e: {  	s21 =	simm.s32 $0x20000;
	s4 =	sshll.u32 s3, $0xA;
	s6 =	sshll.u32 s2, $0x9;
	v3 =	vsel vm1, $0x5280, v3;
	v4 =	vsel vm1, $0x7280, v4;
	v7 =	vsel vm4, $0x3D7F, v7  }
0x16f: {  	s22 =	simm.s32 $0x0;
	s2 =	ssub.s32 $0x2, s2;
	s6 =	sor.u32 s6, s4;
	v8 =	vsel vm1, $0x5EFF, v8;
	v9 =	vsel vm1, $0x7EFF, v9;
	v7 =	vsel vm3, $0x3DFF, v7  }
0x170: {  	[smem:$0x7FF] =	sst s30;
	s31 =	sshrl.u32 s2, $0x1;
	s7 =	sshrl.u32 s6, $0x3;
	v1 =	vsel vm0, $0x1300, v1;
	v2 =	vsel vm0, $0x3300, v2;
	v7 =	vsel vm2, $0x3E7F, v7  }
0x171: {  	s2 =	ssub.s32 s2, s31;
	s5 =	sadd.s32 s5, s6;
	s4 =	sadd.s32 s1, s7;
	v3 =	vsel vm0, $0x5300, v3;
	v4 =	vsel vm0, $0x7300, v4;
	v7 =	vsel vm1, $0x3EFF, v7  }
0x172: {  	s6 =	smax.u32 s2, $0x1;
	s7 =	simm.s32 $0x400;
	v8 =	vsel vm0, $0x5F7F, v8;
	v9 =	vsel vm0, $0x7F7F, v9;
	_ =	strace $0x80000047;
	v7 =	vsel vm0, $0x3F7F, v7  }
.LBB2_1:
0x173: {  	s1 =	simm.s32 $0x0  }
0x174: {  	[tilespmem:s1], [sflag:$0x2] =	stream.linear.gather [hbm4b:s4+s1], $0x200, $0x38;
	[tilespmem:$0x18200] =	vst v63  }
0x175: {  	_ =	swait.ge [sflag:s8], $0x200  }
0x176: {  	[sflag:s8] =	ssyncset.done $0x0  }
0x177: {  	[sflag:s8] =	ssyncadd.s32 $0xFFFFFE00  }
0x178: {  	v14 =	vld [tilespmem:$0x0];
	_ =	sdelay $0x4  }
0x179: {  	(v2sf) =	vpush v14, $0x0  }
0x17a: {  	(v2sf) =	vpush v14, $0x1;
	_ =	sdelay $0x1  }
0x17b: {  	(v2sf) =	vpush v14, $0x2;
	_ =	sdelay $0x4  }
0x17c: {  	(v2sf) =	vpush v14, $0x3  }
0x17d: {  	(v2sf) =	vpush v14, $0x4;
	_ =	sdelay $0x5  }
0x17e: {  	s2 =	spop (v2sf);
	(v2sf) =	vpush v14, $0x5  }
0x17f: {  	s3 =	spop (v2sf);
	(v2sf) =	vpush v14, $0x6  }
0x180: {  	s1 =	sand.u32 $0xFFFFF80, s2  }
0x181: {  	s1 =	sadd.s32 s0, s1;
	s20 =	spop (v2sf)  }
0x182: {  	(v2sf) =	vpush v14, $0x7;
	[tilespmem:s10], [sflag:$0x1] =	stream.strided.gather [hbm4b:s1+s7], $0x2000, s9, s7, $0x38;
	[tilespmem:$0x18200] =	vst v63  }
0x183: {  	s1 =	sand.u32 $0xFFFFF80, s3  }
0x184: {  	s1 =	sadd.s32 s0, s1  }
0x185: {  	[tilespmem:s11], [sflag:$0x1] =	stream.strided.gather [hbm4b:s1+s7], $0x2000, s9, s7, $0x38;
	[tilespmem:$0x18200] =	vst v63  }
0x186: {  	s2 =	spop (v2sf);
	s1 =	sand.u32 $0xFFFFF80, s20  }
0x187: {  	s23 =	sand.u32 $0xFFFFF80, s2;
	s24 =	spop (v2sf);
	s1 =	sadd.s32 s0, s1  }
0x188: {  	[tilespmem:s12], [sflag:$0x1] =	stream.strided.gather [hbm4b:s1+s7], $0x2000, s9, s7, $0x38;
	[tilespmem:$0x18200] =	vst v63  }
0x189: {  	s25 =	sand.u32 $0xFFFFF80, s24;
	s1 =	sadd.s32 s0, s23  }
0x18a: {  	[tilespmem:s13], [sflag:$0x1] =	stream.strided.gather [hbm4b:s1+s7], $0x2000, s9, s7, $0x38;
	[tilespmem:$0x18200] =	vst v63  }
0x18b: {  	s1 =	sadd.s32 s0, s25  }
0x18c: {  	[tilespmem:s14], [sflag:$0x1] =	stream.strided.gather [hbm4b:s1+s7], $0x2000, s9, s7, $0x38;
	[tilespmem:$0x18200] =	vst v63  }
0x18d: {  	s26 =	spop (v2sf)  }
0x18e: {  	s28 =	sand.u32 $0xFFFFF80, s26;
	s29 =	spop (v2sf)  }
0x18f: {  	s1 =	sadd.s32 s0, s28;
	s30 =	sand.u32 $0xFFFFF80, s29  }
0x190: {  	[tilespmem:s15], [sflag:$0x1] =	stream.strided.gather [hbm4b:s1+s7], $0x2000, s9, s7, $0x38;
	[tilespmem:$0x18200] =	vst v63  }
0x191: {  	s31 =	spop (v2sf);
	s1 =	sadd.s32 s0, s30  }
0x192: {  	[tilespmem:s16], [sflag:$0x1] =	stream.strided.gather [hbm4b:s1+s7], $0x2000, s9, s7, $0x38;
	[tilespmem:$0x18200] =	vst v63  }
0x193: {  	s1 =	sand.u32 $0xFFFFF80, s31  }
0x194: {  	s24 =	simm.s32 $0x10;
	s23 =	simm.s32 $0xF;
	s1 =	sadd.s32 s0, s1  }
0x195: {  	[tilespmem:s17], [sflag:$0x1] =	stream.strided.gather [hbm4b:s1+s7], $0x2000, s9, s7, $0x38;
	[tilespmem:$0x18200] =	vst v63  }
.LBB2_2:
0x196: {  	v13 =	vmov v14;
	v14 =	vld [tilespmem:s24+$0x0];
	_ =	swait.ge [sflag:s18], $0x2000  }
0x197: {  	(v2sf) =	vpush v13, $0x0;
	_ =	sdelay $0xe  }
0x198: {  	s1 =	spop (v2sf)  }
0x199: {  	s1 =	sand.u32 $0x7F, s1  }
0x19a: {  	s2 =	sadd.s32 $0xFFFFFFF1, s23;
	v15 =	vor.u32 s1, v0  }
0x19b: {  	v16 =	vmov s2  }
0x19c: {  	v17 =	vshll.u32 v16, $0x3  }
0x19d: {  	[sflag:s18] =	ssyncset.done $0x0;
	v16 =	vand.u32 $0x70, v16;
	v17 =	vand.u32 $0xC00, v17  }
0x19e: {  	[sflag:s18] =	ssyncadd.s32 $0xFFFFE000;
	v16 =	vor.u32 v16, v17  }
0x19f: {  	v17 =	vor.u32 v1, v16;
	v15 =	vld.idx.msk [tilespmem:v15+s10+$0x0], $0xffff  }
0x1a0: {  	v18 =	vor.u32 s1, v10;
	_ =	sdelay $0x3  }
0x1a1: {  	[tilespmem:v17+s19+$0x0] =	vst.idx.msk $0xffff, v15  }
0x1a2: {  	(v2sf) =	vpush v13, $0x8;
	v17 =	vor.u32 v2, v16;
	v15 =	vld.idx.msk [tilespmem:v18+s10+$0x0], $0xffff  }
0x1a3: {  	v18 =	vor.u32 s1, v11;
	_ =	sdelay $0x3  }
0x1a4: {  	[tilespmem:v17+s19+$0x0] =	vst.idx.msk $0xffff, v15  }
0x1a5: {  	v17 =	vor.u32 v3, v16;
	v15 =	vld.idx.msk [tilespmem:v18+s10+$0x0], $0xffff  }
0x1a6: {  	v18 =	vor.u32 s1, v12;
	_ =	sdelay $0x3  }
0x1a7: {  	[tilespmem:v17+s19+$0x0] =	vst.idx.msk $0xffff, v15  }
0x1a8: {  	v16 =	vor.u32 v4, v16;
	v15 =	vld.idx.msk [tilespmem:v18+s10+$0x0], $0xffff;
	_ =	sdelay $0x2  }
0x1a9: {  	s25 =	spop (v2sf)  }
0x1aa: {  	s26 =	sand.u32 $0xFFFFF80, s25  }
0x1ab: {  	s1 =	sadd.s32 s0, s26;
	[tilespmem:v16+s19+$0x0] =	vst.idx.msk $0xffff, v15  }
0x1ac: {  	[tilespmem:s10], [sflag:$0x1] =	stream.strided.gather [hbm4b:s1+s7], $0x2000, s9, s7, $0x38;
	[tilespmem:$0x18200] =	vst v63  }
0x1ad: {  	_ =	swait.ge [sflag:s18], $0x2000  }
0x1ae: {  	(v2sf) =	vpush v13, $0x1;
	_ =	sdelay $0xe  }
0x1af: {  	s2 =	spop (v2sf)  }
0x1b0: {  	s1 =	sand.u32 $0x7F, s2  }
0x1b1: {  	s3 =	sadd.s32 $0xFFFFFFF2, s23;
	v15 =	vor.u32 s1, v0  }
0x1b2: {  	v16 =	vmov s3  }
0x1b3: {  	v17 =	vshll.u32 v16, $0x3  }
0x1b4: {  	v16 =	vand.u32 $0x71, v16;
	v17 =	vand.u32 $0xC00, v17;
	[sflag:s18] =	ssyncset.done $0x0  }
0x1b5: {  	v16 =	vor.u32 v16, v17;
	[sflag:s18] =	ssyncadd.s32 $0xFFFFE000  }
0x1b6: {  	v17 =	vor.u32 v1, v16;
	v15 =	vld.idx.msk [tilespmem:v15+s11+$0x0], $0xffff  }
0x1b7: {  	v18 =	vor.u32 s1, v10;
	_ =	sdelay $0x3  }
0x1b8: {  	[tilespmem:v17+s19+$0x0] =	vst.idx.msk $0xffff, v15  }
0x1b9: {  	(v2sf) =	vpush v13, $0x9;
	v17 =	vor.u32 v2, v16;
	v15 =	vld.idx.msk [tilespmem:v18+s11+$0x0], $0xffff  }
0x1ba: {  	v18 =	vor.u32 s1, v11;
	_ =	sdelay $0x3  }
0x1bb: {  	[tilespmem:v17+s19+$0x0] =	vst.idx.msk $0xffff, v15  }
0x1bc: {  	v17 =	vor.u32 v3, v16;
	v15 =	vld.idx.msk [tilespmem:v18+s11+$0x0], $0xffff  }
0x1bd: {  	v18 =	vor.u32 s1, v12;
	_ =	sdelay $0x3  }
0x1be: {  	[tilespmem:v17+s19+$0x0] =	vst.idx.msk $0xffff, v15  }
0x1bf: {  	v16 =	vor.u32 v4, v16;
	v15 =	vld.idx.msk [tilespmem:v18+s11+$0x0], $0xffff;
	_ =	sdelay $0x2  }
0x1c0: {  	s26 =	spop (v2sf)  }
0x1c1: {  	s20 =	sand.u32 $0xFFFFF80, s26  }
0x1c2: {  	s1 =	sadd.s32 s0, s20;
	[tilespmem:v16+s19+$0x0] =	vst.idx.msk $0xffff, v15  }
0x1c3: {  	[tilespmem:s11], [sflag:$0x1] =	stream.strided.gather [hbm4b:s1+s7], $0x2000, s9, s7, $0x38;
	[tilespmem:$0x18200] =	vst v63  }
0x1c4: {  	_ =	swait.ge [sflag:s18], $0x2000  }
0x1c5: {  	(v2sf) =	vpush v13, $0x2;
	_ =	sdelay $0xe  }
0x1c6: {  	s2 =	spop (v2sf)  }
0x1c7: {  	s1 =	sand.u32 $0x7F, s2  }
0x1c8: {  	s3 =	sadd.s32 $0xFFFFFFF3, s23;
	v15 =	vor.u32 s1, v0  }
0x1c9: {  	v16 =	vmov s3  }
0x1ca: {  	v17 =	vshll.u32 v16, $0x3  }
0x1cb: {  	v16 =	vand.u32 $0x72, v16;
	v17 =	vand.u32 $0xC00, v17;
	[sflag:s18] =	ssyncset.done $0x0  }
0x1cc: {  	v16 =	vor.u32 v16, v17;
	[sflag:s18] =	ssyncadd.s32 $0xFFFFE000  }
0x1cd: {  	v17 =	vor.u32 v1, v16;
	v15 =	vld.idx.msk [tilespmem:v15+s12+$0x0], $0xffff  }
0x1ce: {  	v18 =	vor.u32 s1, v10;
	_ =	sdelay $0x3  }
0x1cf: {  	[tilespmem:v17+s19+$0x0] =	vst.idx.msk $0xffff, v15  }
0x1d0: {  	(v2sf) =	vpush v13, $0xA;
	v17 =	vor.u32 v2, v16;
	v15 =	vld.idx.msk [tilespmem:v18+s12+$0x0], $0xffff  }
0x1d1: {  	v18 =	vor.u32 s1, v11;
	_ =	sdelay $0x3  }
0x1d2: {  	[tilespmem:v17+s19+$0x0] =	vst.idx.msk $0xffff, v15  }
0x1d3: {  	v17 =	vor.u32 v3, v16;
	v15 =	vld.idx.msk [tilespmem:v18+s12+$0x0], $0xffff  }
0x1d4: {  	v18 =	vor.u32 s1, v12;
	_ =	sdelay $0x3  }
0x1d5: {  	[tilespmem:v17+s19+$0x0] =	vst.idx.msk $0xffff, v15  }
0x1d6: {  	v16 =	vor.u32 v4, v16;
	v15 =	vld.idx.msk [tilespmem:v18+s12+$0x0], $0xffff;
	_ =	sdelay $0x2  }
0x1d7: {  	s28 =	spop (v2sf)  }
0x1d8: {  	s20 =	sand.u32 $0xFFFFF80, s28  }
0x1d9: {  	s1 =	sadd.s32 s0, s20;
	[tilespmem:v16+s19+$0x0] =	vst.idx.msk $0xffff, v15  }
0x1da: {  	[tilespmem:s12], [sflag:$0x1] =	stream.strided.gather [hbm4b:s1+s7], $0x2000, s9, s7, $0x38;
	[tilespmem:$0x18200] =	vst v63  }
0x1db: {  	_ =	swait.ge [sflag:s18], $0x2000  }
0x1dc: {  	(v2sf) =	vpush v13, $0x3;
	_ =	sdelay $0xe  }
0x1dd: {  	s2 =	spop (v2sf)  }
0x1de: {  	s1 =	sand.u32 $0x7F, s2  }
0x1df: {  	s3 =	sadd.s32 $0xFFFFFFF4, s23;
	v15 =	vor.u32 s1, v0  }
0x1e0: {  	v16 =	vmov s3  }
0x1e1: {  	v17 =	vshll.u32 v16, $0x3  }
0x1e2: {  	v16 =	vand.u32 $0x73, v16;
	v17 =	vand.u32 $0xC00, v17;
	[sflag:s18] =	ssyncset.done $0x0  }
0x1e3: {  	v16 =	vor.u32 v16, v17;
	[sflag:s18] =	ssyncadd.s32 $0xFFFFE000  }
0x1e4: {  	v17 =	vor.u32 v1, v16;
	v15 =	vld.idx.msk [tilespmem:v15+s13+$0x0], $0xffff  }
0x1e5: {  	v18 =	vor.u32 s1, v10;
	_ =	sdelay $0x3  }
0x1e6: {  	[tilespmem:v17+s19+$0x0] =	vst.idx.msk $0xffff, v15  }
0x1e7: {  	(v2sf) =	vpush v13, $0xB;
	v17 =	vor.u32 v2, v16;
	v15 =	vld.idx.msk [tilespmem:v18+s13+$0x0], $0xffff  }
0x1e8: {  	v18 =	vor.u32 s1, v11;
	_ =	sdelay $0x3  }
0x1e9: {  	[tilespmem:v17+s19+$0x0] =	vst.idx.msk $0xffff, v15  }
0x1ea: {  	v17 =	vor.u32 v3, v16;
	v15 =	vld.idx.msk [tilespmem:v18+s13+$0x0], $0xffff  }
0x1eb: {  	v18 =	vor.u32 s1, v12;
	_ =	sdelay $0x3  }
0x1ec: {  	[tilespmem:v17+s19+$0x0] =	vst.idx.msk $0xffff, v15  }
0x1ed: {  	v16 =	vor.u32 v4, v16;
	v15 =	vld.idx.msk [tilespmem:v18+s13+$0x0], $0xffff;
	_ =	sdelay $0x2  }
0x1ee: {  	s29 =	spop (v2sf)  }
0x1ef: {  	s20 =	sand.u32 $0xFFFFF80, s29  }
0x1f0: {  	s1 =	sadd.s32 s0, s20;
	[tilespmem:v16+s19+$0x0] =	vst.idx.msk $0xffff, v15  }
0x1f1: {  	[tilespmem:s13], [sflag:$0x1] =	stream.strided.gather [hbm4b:s1+s7], $0x2000, s9, s7, $0x38;
	[tilespmem:$0x18200] =	vst v63  }
0x1f2: {  	_ =	swait.ge [sflag:s18], $0x2000  }
0x1f3: {  	(v2sf) =	vpush v13, $0x4;
	_ =	sdelay $0xe  }
0x1f4: {  	s2 =	spop (v2sf)  }
0x1f5: {  	s1 =	sand.u32 $0x7F, s2  }
0x1f6: {  	s3 =	sadd.s32 $0xFFFFFFF5, s23;
	v15 =	vor.u32 s1, v0  }
0x1f7: {  	v16 =	vmov s3  }
0x1f8: {  	v17 =	vshll.u32 v16, $0x3  }
0x1f9: {  	v16 =	vand.u32 $0x74, v16;
	v17 =	vand.u32 $0xC00, v17;
	[sflag:s18] =	ssyncset.done $0x0  }
0x1fa: {  	v16 =	vor.u32 v16, v17;
	[sflag:s18] =	ssyncadd.s32 $0xFFFFE000  }
0x1fb: {  	v17 =	vor.u32 v1, v16;
	v15 =	vld.idx.msk [tilespmem:v15+s14+$0x0], $0xffff  }
0x1fc: {  	v18 =	vor.u32 s1, v10;
	_ =	sdelay $0x3  }
0x1fd: {  	[tilespmem:v17+s19+$0x0] =	vst.idx.msk $0xffff, v15  }
0x1fe: {  	(v2sf) =	vpush v13, $0xC;
	v17 =	vor.u32 v2, v16;
	v15 =	vld.idx.msk [tilespmem:v18+s14+$0x0], $0xffff  }
0x1ff: {  	v18 =	vor.u32 s1, v11;
	_ =	sdelay $0x3  }
0x200: {  	[tilespmem:v17+s19+$0x0] =	vst.idx.msk $0xffff, v15  }
0x201: {  	v17 =	vor.u32 v3, v16;
	v15 =	vld.idx.msk [tilespmem:v18+s14+$0x0], $0xffff  }
0x202: {  	v18 =	vor.u32 s1, v12;
	_ =	sdelay $0x3  }
0x203: {  	[tilespmem:v17+s19+$0x0] =	vst.idx.msk $0xffff, v15  }
0x204: {  	v16 =	vor.u32 v4, v16;
	v15 =	vld.idx.msk [tilespmem:v18+s14+$0x0], $0xffff;
	_ =	sdelay $0x2  }
0x205: {  	s30 =	spop (v2sf)  }
0x206: {  	s20 =	sand.u32 $0xFFFFF80, s30  }
0x207: {  	s1 =	sadd.s32 s0, s20;
	[tilespmem:v16+s19+$0x0] =	vst.idx.msk $0xffff, v15  }
0x208: {  	[tilespmem:s14], [sflag:$0x1] =	stream.strided.gather [hbm4b:s1+s7], $0x2000, s9, s7, $0x38;
	[tilespmem:$0x18200] =	vst v63  }
0x209: {  	_ =	swait.ge [sflag:s18], $0x2000  }
0x20a: {  	(v2sf) =	vpush v13, $0x5;
	_ =	sdelay $0xe  }
0x20b: {  	s2 =	spop (v2sf)  }
0x20c: {  	s1 =	sand.u32 $0x7F, s2  }
0x20d: {  	s3 =	sadd.s32 $0xFFFFFFF6, s23;
	v15 =	vor.u32 s1, v0  }
0x20e: {  	v16 =	vmov s3  }
0x20f: {  	v17 =	vshll.u32 v16, $0x3  }
0x210: {  	v16 =	vand.u32 $0x75, v16;
	v17 =	vand.u32 $0xC00, v17;
	[sflag:s18] =	ssyncset.done $0x0  }
0x211: {  	v16 =	vor.u32 v16, v17;
	[sflag:s18] =	ssyncadd.s32 $0xFFFFE000  }
0x212: {  	v17 =	vor.u32 v1, v16;
	v15 =	vld.idx.msk [tilespmem:v15+s15+$0x0], $0xffff  }
0x213: {  	v18 =	vor.u32 s1, v10;
	_ =	sdelay $0x3  }
0x214: {  	[tilespmem:v17+s19+$0x0] =	vst.idx.msk $0xffff, v15  }
0x215: {  	(v2sf) =	vpush v13, $0xD;
	v17 =	vor.u32 v2, v16;
	v15 =	vld.idx.msk [tilespmem:v18+s15+$0x0], $0xffff  }
0x216: {  	v18 =	vor.u32 s1, v11;
	_ =	sdelay $0x3  }
0x217: {  	[tilespmem:v17+s19+$0x0] =	vst.idx.msk $0xffff, v15  }
0x218: {  	v17 =	vor.u32 v3, v16;
	v15 =	vld.idx.msk [tilespmem:v18+s15+$0x0], $0xffff  }
0x219: {  	v18 =	vor.u32 s1, v12;
	_ =	sdelay $0x3  }
0x21a: {  	[tilespmem:v17+s19+$0x0] =	vst.idx.msk $0xffff, v15  }
0x21b: {  	v16 =	vor.u32 v4, v16;
	v15 =	vld.idx.msk [tilespmem:v18+s15+$0x0], $0xffff;
	_ =	sdelay $0x2  }
0x21c: {  	s31 =	spop (v2sf)  }
0x21d: {  	s20 =	sand.u32 $0xFFFFF80, s31  }
0x21e: {  	s1 =	sadd.s32 s0, s20;
	[tilespmem:v16+s19+$0x0] =	vst.idx.msk $0xffff, v15  }
0x21f: {  	[tilespmem:s15], [sflag:$0x1] =	stream.strided.gather [hbm4b:s1+s7], $0x2000, s9, s7, $0x38;
	[tilespmem:$0x18200] =	vst v63  }
0x220: {  	_ =	swait.ge [sflag:s18], $0x2000  }
0x221: {  	(v2sf) =	vpush v13, $0x6;
	_ =	sdelay $0xe  }
0x222: {  	s2 =	spop (v2sf)  }
0x223: {  	s1 =	sand.u32 $0x7F, s2  }
0x224: {  	s3 =	sadd.s32 $0xFFFFFFF7, s23;
	v15 =	vor.u32 s1, v0  }
0x225: {  	v16 =	vmov s3  }
0x226: {  	v17 =	vshll.u32 v16, $0x3  }
0x227: {  	v16 =	vand.u32 $0x76, v16;
	v17 =	vand.u32 $0xC00, v17;
	[sflag:s18] =	ssyncset.done $0x0  }
0x228: {  	v16 =	vor.u32 v16, v17;
	[sflag:s18] =	ssyncadd.s32 $0xFFFFE000  }
0x229: {  	v17 =	vor.u32 v1, v16;
	v15 =	vld.idx.msk [tilespmem:v15+s16+$0x0], $0xffff  }
0x22a: {  	v18 =	vor.u32 s1, v10;
	_ =	sdelay $0x3  }
0x22b: {  	[tilespmem:v17+s19+$0x0] =	vst.idx.msk $0xffff, v15  }
0x22c: {  	(v2sf) =	vpush v13, $0xE;
	v17 =	vor.u32 v2, v16;
	v15 =	vld.idx.msk [tilespmem:v18+s16+$0x0], $0xffff  }
0x22d: {  	v18 =	vor.u32 s1, v11;
	_ =	sdelay $0x3  }
0x22e: {  	[tilespmem:v17+s19+$0x0] =	vst.idx.msk $0xffff, v15  }
0x22f: {  	v17 =	vor.u32 v3, v16;
	v15 =	vld.idx.msk [tilespmem:v18+s16+$0x0], $0xffff  }
0x230: {  	v18 =	vor.u32 s1, v12;
	_ =	sdelay $0x3  }
0x231: {  	[tilespmem:v17+s19+$0x0] =	vst.idx.msk $0xffff, v15  }
0x232: {  	v16 =	vor.u32 v4, v16;
	v15 =	vld.idx.msk [tilespmem:v18+s16+$0x0], $0xffff;
	_ =	sdelay $0x2  }
0x233: {  	s2 =	spop (v2sf)  }
0x234: {  	s20 =	sand.u32 $0xFFFFF80, s2  }
0x235: {  	s1 =	sadd.s32 s0, s20;
	[tilespmem:v16+s19+$0x0] =	vst.idx.msk $0xffff, v15  }
0x236: {  	[tilespmem:s16], [sflag:$0x1] =	stream.strided.gather [hbm4b:s1+s7], $0x2000, s9, s7, $0x38;
	[tilespmem:$0x18200] =	vst v63  }
0x237: {  	_ =	swait.ge [sflag:s18], $0x2000  }
0x238: {  	(v2sf) =	vpush v13, $0x7;
	_ =	sdelay $0xe  }
0x239: {  	s3 =	spop (v2sf)  }
0x23a: {  	s1 =	sand.u32 $0x7F, s3  }
0x23b: {  	s3 =	sadd.s32 $0xFFFFFFF8, s23;
	v15 =	vor.u32 s1, v0  }
0x23c: {  	v16 =	vmov s3  }
0x23d: {  	v17 =	vshll.u32 v16, $0x3  }
0x23e: {  	[sflag:s18] =	ssyncset.done $0x0;
	v16 =	vand.u32 $0x77, v16;
	v17 =	vand.u32 $0xC00, v17  }
0x23f: {  	[sflag:s18] =	ssyncadd.s32 $0xFFFFE000;
	v16 =	vor.u32 v16, v17  }
0x240: {  	v17 =	vor.u32 v1, v16;
	v15 =	vld.idx.msk [tilespmem:v15+s17+$0x0], $0xffff  }
0x241: {  	v18 =	vor.u32 s1, v10;
	_ =	sdelay $0x3  }
0x242: {  	[tilespmem:v17+s19+$0x0] =	vst.idx.msk $0xffff, v15  }
0x243: {  	(v2sf) =	vpush v13, $0xF;
	v17 =	vor.u32 v2, v16;
	v15 =	vld.idx.msk [tilespmem:v18+s17+$0x0], $0xffff  }
0x244: {  	v13 =	vor.u32 s1, v11;
	_ =	sdelay $0x3  }
0x245: {  	[tilespmem:v17+s19+$0x0] =	vst.idx.msk $0xffff, v15  }
0x246: {  	v15 =	vor.u32 v3, v16;
	v13 =	vld.idx.msk [tilespmem:v13+s17+$0x0], $0xffff  }
0x247: {  	v17 =	vor.u32 s1, v12;
	_ =	sdelay $0x3  }
0x248: {  	[tilespmem:v15+s19+$0x0] =	vst.idx.msk $0xffff, v13  }
0x249: {  	v15 =	vor.u32 v4, v16;
	v13 =	vld.idx.msk [tilespmem:v17+s17+$0x0], $0xffff;
	_ =	sdelay $0x2  }
0x24a: {  	s1 =	spop (v2sf)  }
0x24b: {  	s25 =	sand.u32 $0x7F, s25;
	s20 =	sand.u32 $0xFFFFF80, s1  }
0x24c: {  	s3 =	sadd.s32 s0, s20;
	s20 =	sadd.s32 $0xFFFFFFF9, s23;
	[tilespmem:v15+s19+$0x0] =	vst.idx.msk $0xffff, v13;
	v13 =	vor.u32 s25, v0  }
0x24d: {  	v15 =	vmov s20;
	[tilespmem:s17], [sflag:$0x1] =	stream.strided.gather [hbm4b:s3+s7], $0x2000, s9, s7, $0x38;
	[tilespmem:$0x18200] =	vst v63  }
0x24e: {  	v16 =	vshll.u32 v15, $0x3;
	_ =	swait.ge [sflag:s18], $0x2000  }
0x24f: {  	v15 =	vand.u32 $0x78, v15;
	v16 =	vand.u32 $0xC00, v16;
	[sflag:s18] =	ssyncset.done $0x0  }
0x250: {  	v15 =	vor.u32 v15, v16;
	[sflag:s18] =	ssyncadd.s32 $0xFFFFE000  }
0x251: {  	v16 =	vor.u32 v1, v15;
	v13 =	vld.idx.msk [tilespmem:v13+s10+$0x0], $0xffff  }
0x252: {  	v17 =	vor.u32 s25, v10;
	_ =	sdelay $0x3  }
0x253: {  	[tilespmem:v16+s19+$0x0] =	vst.idx.msk $0xffff, v13  }
0x254: {  	(v2sf) =	vpush v14, $0x0;
	v16 =	vor.u32 v2, v15;
	v13 =	vld.idx.msk [tilespmem:v17+s10+$0x0], $0xffff  }
0x255: {  	v17 =	vor.u32 s25, v11;
	_ =	sdelay $0x3  }
0x256: {  	[tilespmem:v16+s19+$0x0] =	vst.idx.msk $0xffff, v13  }
0x257: {  	v16 =	vor.u32 v3, v15;
	v13 =	vld.idx.msk [tilespmem:v17+s10+$0x0], $0xffff  }
0x258: {  	v17 =	vor.u32 s25, v12;
	_ =	sdelay $0x3  }
0x259: {  	[tilespmem:v16+s19+$0x0] =	vst.idx.msk $0xffff, v13  }
0x25a: {  	v15 =	vor.u32 v4, v15;
	v13 =	vld.idx.msk [tilespmem:v17+s10+$0x0], $0xffff;
	_ =	sdelay $0x2  }
0x25b: {  	s25 =	spop (v2sf)  }
0x25c: {  	s20 =	sand.u32 $0x7F, s26;
	s3 =	sand.u32 $0xFFFFF80, s25  }
0x25d: {  	s26 =	sadd.s32 $0xFFFFFFFA, s23;
	s3 =	sadd.s32 s0, s3;
	[tilespmem:v15+s19+$0x0] =	vst.idx.msk $0xffff, v13;
	v13 =	vor.u32 s20, v0  }
0x25e: {  	v15 =	vmov s26;
	[tilespmem:s10], [sflag:$0x1] =	stream.strided.gather [hbm4b:s3+s7], $0x2000, s9, s7, $0x38;
	[tilespmem:$0x18200] =	vst v63  }
0x25f: {  	v16 =	vshll.u32 v15, $0x3;
	_ =	swait.ge [sflag:s18], $0x2000  }
0x260: {  	v15 =	vand.u32 $0x79, v15;
	v16 =	vand.u32 $0xC00, v16;
	[sflag:s18] =	ssyncset.done $0x0  }
0x261: {  	v15 =	vor.u32 v15, v16;
	[sflag:s18] =	ssyncadd.s32 $0xFFFFE000  }
0x262: {  	v16 =	vor.u32 v1, v15;
	v13 =	vld.idx.msk [tilespmem:v13+s11+$0x0], $0xffff  }
0x263: {  	v17 =	vor.u32 s20, v10;
	_ =	sdelay $0x3  }
0x264: {  	[tilespmem:v16+s19+$0x0] =	vst.idx.msk $0xffff, v13  }
0x265: {  	(v2sf) =	vpush v14, $0x1;
	v16 =	vor.u32 v2, v15;
	v13 =	vld.idx.msk [tilespmem:v17+s11+$0x0], $0xffff  }
0x266: {  	v17 =	vor.u32 s20, v11;
	_ =	sdelay $0x3  }
0x267: {  	[tilespmem:v16+s19+$0x0] =	vst.idx.msk $0xffff, v13  }
0x268: {  	v16 =	vor.u32 v3, v15;
	v13 =	vld.idx.msk [tilespmem:v17+s11+$0x0], $0xffff  }
0x269: {  	v17 =	vor.u32 s20, v12;
	_ =	sdelay $0x3  }
0x26a: {  	[tilespmem:v16+s19+$0x0] =	vst.idx.msk $0xffff, v13  }
0x26b: {  	v15 =	vor.u32 v4, v15;
	v13 =	vld.idx.msk [tilespmem:v17+s11+$0x0], $0xffff;
	_ =	sdelay $0x2  }
0x26c: {  	s26 =	spop (v2sf)  }
0x26d: {  	s20 =	sand.u32 $0x7F, s28;
	s3 =	sand.u32 $0xFFFFF80, s26  }
0x26e: {  	s28 =	sadd.s32 $0xFFFFFFFB, s23;
	s3 =	sadd.s32 s0, s3;
	[tilespmem:v15+s19+$0x0] =	vst.idx.msk $0xffff, v13;
	v13 =	vor.u32 s20, v0  }
0x26f: {  	v15 =	vmov s28;
	[tilespmem:s11], [sflag:$0x1] =	stream.strided.gather [hbm4b:s3+s7], $0x2000, s9, s7, $0x38;
	[tilespmem:$0x18200] =	vst v63  }
0x270: {  	v16 =	vshll.u32 v15, $0x3;
	_ =	swait.ge [sflag:s18], $0x2000  }
0x271: {  	v15 =	vand.u32 $0x7A, v15;
	v16 =	vand.u32 $0xC00, v16;
	[sflag:s18] =	ssyncset.done $0x0  }
0x272: {  	v15 =	vor.u32 v15, v16;
	[sflag:s18] =	ssyncadd.s32 $0xFFFFE000  }
0x273: {  	v16 =	vor.u32 v1, v15;
	v13 =	vld.idx.msk [tilespmem:v13+s12+$0x0], $0xffff  }
0x274: {  	v17 =	vor.u32 s20, v10;
	_ =	sdelay $0x3  }
0x275: {  	[tilespmem:v16+s19+$0x0] =	vst.idx.msk $0xffff, v13  }
0x276: {  	(v2sf) =	vpush v14, $0x2;
	v16 =	vor.u32 v2, v15;
	v13 =	vld.idx.msk [tilespmem:v17+s12+$0x0], $0xffff  }
0x277: {  	v17 =	vor.u32 s20, v11;
	_ =	sdelay $0x3  }
0x278: {  	[tilespmem:v16+s19+$0x0] =	vst.idx.msk $0xffff, v13  }
0x279: {  	v16 =	vor.u32 v3, v15;
	v13 =	vld.idx.msk [tilespmem:v17+s12+$0x0], $0xffff  }
0x27a: {  	v17 =	vor.u32 s20, v12;
	_ =	sdelay $0x3  }
0x27b: {  	[tilespmem:v16+s19+$0x0] =	vst.idx.msk $0xffff, v13  }
0x27c: {  	v15 =	vor.u32 v4, v15;
	v13 =	vld.idx.msk [tilespmem:v17+s12+$0x0], $0xffff;
	_ =	sdelay $0x2  }
0x27d: {  	s28 =	spop (v2sf)  }
0x27e: {  	s20 =	sand.u32 $0x7F, s29;
	s3 =	sand.u32 $0xFFFFF80, s28  }
0x27f: {  	s29 =	sadd.s32 $0xFFFFFFFC, s23;
	s3 =	sadd.s32 s0, s3;
	[tilespmem:v15+s19+$0x0] =	vst.idx.msk $0xffff, v13;
	v13 =	vor.u32 s20, v0  }
0x280: {  	v15 =	vmov s29;
	[tilespmem:s12], [sflag:$0x1] =	stream.strided.gather [hbm4b:s3+s7], $0x2000, s9, s7, $0x38;
	[tilespmem:$0x18200] =	vst v63  }
0x281: {  	v16 =	vshll.u32 v15, $0x3;
	_ =	swait.ge [sflag:s18], $0x2000  }
0x282: {  	v15 =	vand.u32 $0x7B, v15;
	v16 =	vand.u32 $0xC00, v16;
	[sflag:s18] =	ssyncset.done $0x0  }
0x283: {  	v15 =	vor.u32 v15, v16;
	[sflag:s18] =	ssyncadd.s32 $0xFFFFE000  }
0x284: {  	v16 =	vor.u32 v1, v15;
	v13 =	vld.idx.msk [tilespmem:v13+s13+$0x0], $0xffff  }
0x285: {  	v17 =	vor.u32 s20, v10;
	_ =	sdelay $0x3  }
0x286: {  	[tilespmem:v16+s19+$0x0] =	vst.idx.msk $0xffff, v13  }
0x287: {  	(v2sf) =	vpush v14, $0x3;
	v16 =	vor.u32 v2, v15;
	v13 =	vld.idx.msk [tilespmem:v17+s13+$0x0], $0xffff  }
0x288: {  	v17 =	vor.u32 s20, v11;
	_ =	sdelay $0x3  }
0x289: {  	[tilespmem:v16+s19+$0x0] =	vst.idx.msk $0xffff, v13  }
0x28a: {  	v16 =	vor.u32 v3, v15;
	v13 =	vld.idx.msk [tilespmem:v17+s13+$0x0], $0xffff  }
0x28b: {  	v17 =	vor.u32 s20, v12;
	_ =	sdelay $0x3  }
0x28c: {  	[tilespmem:v16+s19+$0x0] =	vst.idx.msk $0xffff, v13  }
0x28d: {  	v15 =	vor.u32 v4, v15;
	v13 =	vld.idx.msk [tilespmem:v17+s13+$0x0], $0xffff;
	_ =	sdelay $0x2  }
0x28e: {  	s29 =	spop (v2sf)  }
0x28f: {  	s20 =	sand.u32 $0x7F, s30;
	s3 =	sand.u32 $0xFFFFF80, s29  }
0x290: {  	s30 =	sadd.s32 $0xFFFFFFFD, s23;
	s3 =	sadd.s32 s0, s3;
	[tilespmem:v15+s19+$0x0] =	vst.idx.msk $0xffff, v13;
	v13 =	vor.u32 s20, v0  }
0x291: {  	v15 =	vmov s30;
	[tilespmem:s13], [sflag:$0x1] =	stream.strided.gather [hbm4b:s3+s7], $0x2000, s9, s7, $0x38;
	[tilespmem:$0x18200] =	vst v63  }
0x292: {  	v16 =	vshll.u32 v15, $0x3;
	_ =	swait.ge [sflag:s18], $0x2000  }
0x293: {  	v15 =	vand.u32 $0x7C, v15;
	v16 =	vand.u32 $0xC00, v16;
	[sflag:s18] =	ssyncset.done $0x0  }
0x294: {  	v15 =	vor.u32 v15, v16;
	[sflag:s18] =	ssyncadd.s32 $0xFFFFE000  }
0x295: {  	v16 =	vor.u32 v1, v15;
	v13 =	vld.idx.msk [tilespmem:v13+s14+$0x0], $0xffff  }
0x296: {  	v17 =	vor.u32 s20, v10;
	_ =	sdelay $0x3  }
0x297: {  	[tilespmem:v16+s19+$0x0] =	vst.idx.msk $0xffff, v13  }
0x298: {  	(v2sf) =	vpush v14, $0x4;
	v16 =	vor.u32 v2, v15;
	v13 =	vld.idx.msk [tilespmem:v17+s14+$0x0], $0xffff  }
0x299: {  	v17 =	vor.u32 s20, v11;
	_ =	sdelay $0x3  }
0x29a: {  	[tilespmem:v16+s19+$0x0] =	vst.idx.msk $0xffff, v13  }
0x29b: {  	v16 =	vor.u32 v3, v15;
	v13 =	vld.idx.msk [tilespmem:v17+s14+$0x0], $0xffff  }
0x29c: {  	v17 =	vor.u32 s20, v12;
	_ =	sdelay $0x3  }
0x29d: {  	[tilespmem:v16+s19+$0x0] =	vst.idx.msk $0xffff, v13  }
0x29e: {  	v15 =	vor.u32 v4, v15;
	v13 =	vld.idx.msk [tilespmem:v17+s14+$0x0], $0xffff;
	_ =	sdelay $0x2  }
0x29f: {  	s30 =	spop (v2sf)  }
0x2a0: {  	s20 =	sand.u32 $0x7F, s31;
	s3 =	sand.u32 $0xFFFFF80, s30  }
0x2a1: {  	s31 =	sadd.s32 $0xFFFFFFFE, s23;
	s3 =	sadd.s32 s0, s3;
	[tilespmem:v15+s19+$0x0] =	vst.idx.msk $0xffff, v13;
	v13 =	vor.u32 s20, v0  }
0x2a2: {  	v15 =	vmov s31;
	[tilespmem:s14], [sflag:$0x1] =	stream.strided.gather [hbm4b:s3+s7], $0x2000, s9, s7, $0x38;
	[tilespmem:$0x18200] =	vst v63  }
0x2a3: {  	v16 =	vshll.u32 v15, $0x3;
	_ =	swait.ge [sflag:s18], $0x2000  }
0x2a4: {  	v15 =	vand.u32 $0x7D, v15;
	v16 =	vand.u32 $0xC00, v16;
	[sflag:s18] =	ssyncset.done $0x0  }
0x2a5: {  	v15 =	vor.u32 v15, v16;
	[sflag:s18] =	ssyncadd.s32 $0xFFFFE000  }
0x2a6: {  	v16 =	vor.u32 v1, v15;
	v13 =	vld.idx.msk [tilespmem:v13+s15+$0x0], $0xffff  }
0x2a7: {  	v17 =	vor.u32 s20, v10;
	_ =	sdelay $0x3  }
0x2a8: {  	[tilespmem:v16+s19+$0x0] =	vst.idx.msk $0xffff, v13  }
0x2a9: {  	(v2sf) =	vpush v14, $0x5;
	v16 =	vor.u32 v2, v15;
	v13 =	vld.idx.msk [tilespmem:v17+s15+$0x0], $0xffff  }
0x2aa: {  	v17 =	vor.u32 s20, v11;
	_ =	sdelay $0x3  }
0x2ab: {  	[tilespmem:v16+s19+$0x0] =	vst.idx.msk $0xffff, v13  }
0x2ac: {  	v16 =	vor.u32 v3, v15;
	v13 =	vld.idx.msk [tilespmem:v17+s15+$0x0], $0xffff  }
0x2ad: {  	v17 =	vor.u32 s20, v12;
	_ =	sdelay $0x3  }
0x2ae: {  	[tilespmem:v16+s19+$0x0] =	vst.idx.msk $0xffff, v13  }
0x2af: {  	v15 =	vor.u32 v4, v15;
	v13 =	vld.idx.msk [tilespmem:v17+s15+$0x0], $0xffff;
	_ =	sdelay $0x2  }
0x2b0: {  	s31 =	spop (v2sf)  }
0x2b1: {  	s2 =	sand.u32 $0x7F, s2;
	s20 =	sand.u32 $0xFFFFF80, s31  }
0x2b2: {  	s3 =	sadd.s32 s0, s20;
	s20 =	sadd.s32 $0xFFFFFFFF, s23;
	[tilespmem:v15+s19+$0x0] =	vst.idx.msk $0xffff, v13;
	v13 =	vor.u32 s2, v0  }
0x2b3: {  	v15 =	vmov s20;
	[tilespmem:s15], [sflag:$0x1] =	stream.strided.gather [hbm4b:s3+s7], $0x2000, s9, s7, $0x38;
	[tilespmem:$0x18200] =	vst v63  }
0x2b4: {  	v16 =	vshll.u32 v15, $0x3;
	_ =	swait.ge [sflag:s18], $0x2000  }
0x2b5: {  	v15 =	vand.u32 $0x7E, v15;
	v16 =	vand.u32 $0xC00, v16;
	[sflag:s18] =	ssyncset.done $0x0  }
0x2b6: {  	v15 =	vor.u32 v15, v16;
	[sflag:s18] =	ssyncadd.s32 $0xFFFFE000  }
0x2b7: {  	v16 =	vor.u32 v1, v15;
	v13 =	vld.idx.msk [tilespmem:v13+s16+$0x0], $0xffff  }
0x2b8: {  	v17 =	vor.u32 s2, v10;
	_ =	sdelay $0x3  }
0x2b9: {  	[tilespmem:v16+s19+$0x0] =	vst.idx.msk $0xffff, v13  }
0x2ba: {  	(v2sf) =	vpush v14, $0x6;
	v16 =	vor.u32 v2, v15;
	v13 =	vld.idx.msk [tilespmem:v17+s16+$0x0], $0xffff  }
0x2bb: {  	v17 =	vor.u32 s2, v11;
	_ =	sdelay $0x3  }
0x2bc: {  	[tilespmem:v16+s19+$0x0] =	vst.idx.msk $0xffff, v13  }
0x2bd: {  	v16 =	vor.u32 v3, v15;
	v13 =	vld.idx.msk [tilespmem:v17+s16+$0x0], $0xffff  }
0x2be: {  	v17 =	vor.u32 s2, v12;
	_ =	sdelay $0x3  }
0x2bf: {  	[tilespmem:v16+s19+$0x0] =	vst.idx.msk $0xffff, v13  }
0x2c0: {  	v15 =	vor.u32 v4, v15;
	v13 =	vld.idx.msk [tilespmem:v17+s16+$0x0], $0xffff;
	_ =	sdelay $0x2  }
0x2c1: {  	s2 =	spop (v2sf)  }
0x2c2: {  	s1 =	sand.u32 $0x7F, s1;
	s20 =	sand.u32 $0xFFFFF80, s2  }
0x2c3: {  	s3 =	sadd.s32 s0, s20;
	[tilespmem:v15+s19+$0x0] =	vst.idx.msk $0xffff, v13;
	v13 =	vor.u32 s1, v0  }
0x2c4: {  	v15 =	vmov s23;
	[tilespmem:s16], [sflag:$0x1] =	stream.strided.gather [hbm4b:s3+s7], $0x2000, s9, s7, $0x38;
	[tilespmem:$0x18200] =	vst v63  }
0x2c5: {  	v16 =	vshll.u32 v15, $0x3;
	_ =	swait.ge [sflag:s18], $0x2000  }
0x2c6: {  	v15 =	vand.u32 $0x7F, v15;
	v16 =	vand.u32 $0xC00, v16;
	[sflag:s18] =	ssyncset.done $0x0  }
0x2c7: {  	v15 =	vor.u32 v15, v16;
	[sflag:s18] =	ssyncadd.s32 $0xFFFFE000  }
0x2c8: {  	v16 =	vor.u32 v1, v15;
	v13 =	vld.idx.msk [tilespmem:v13+s17+$0x0], $0xffff  }
0x2c9: {  	v17 =	vor.u32 s1, v10;
	_ =	sdelay $0x3  }
0x2ca: {  	[tilespmem:v16+s19+$0x0] =	vst.idx.msk $0xffff, v13  }
0x2cb: {  	(v2sf) =	vpush v14, $0x7;
	v16 =	vor.u32 v2, v15;
	v13 =	vld.idx.msk [tilespmem:v17+s17+$0x0], $0xffff  }
0x2cc: {  	v17 =	vor.u32 s1, v11;
	_ =	sdelay $0x3  }
0x2cd: {  	[tilespmem:v16+s19+$0x0] =	vst.idx.msk $0xffff, v13  }
0x2ce: {  	v16 =	vor.u32 v3, v15;
	v13 =	vld.idx.msk [tilespmem:v17+s17+$0x0], $0xffff  }
0x2cf: {  	v17 =	vor.u32 s1, v12;
	_ =	sdelay $0x3  }
0x2d0: {  	[tilespmem:v16+s19+$0x0] =	vst.idx.msk $0xffff, v13  }
0x2d1: {  	v15 =	vor.u32 v4, v15;
	v13 =	vld.idx.msk [tilespmem:v17+s17+$0x0], $0xffff  }
0x2d2: {  	p0 =	sne.s32 s23, $0x1EF  }
.Ltmp0:
0x2d3: {  	_ = 	snop;
	(pc) =	sbr.rel @p0 .LBB2_2-.Ltmp0, $4  }
0x2d4: {  	s1 =	spop (v2sf)  }
0x2d5: {  	s20 =	sand.u32 $0xFFFFF80, s1  }
0x2d6: {  	s24 =	sadd.s32 $0x10, s24;
	s23 =	sadd.s32 $0x10, s23;
	s3 =	sadd.s32 s0, s20;
	[tilespmem:v15+s19+$0x0] =	vst.idx.msk $0xffff, v13  }
0x2d7: {  	[tilespmem:s17], [sflag:$0x1] =	stream.strided.gather [hbm4b:s3+s7], $0x2000, s9, s7, $0x38;
	[tilespmem:$0x18200] =	vst v63  }
0x2d8: {  	s3 =	sand.u32 $0x7F, s25  }
0x2d9: {  	v13 =	vor.u32 s3, v0  }
0x2da: {  	_ =	swait.ge [sflag:s18], $0x2000  }
0x2db: {  	v16 =	vld [tilespmem:$0x1FF20]  }
0x2dc: {  	[sflag:s18] =	ssyncset.done $0x0  }
0x2dd: {  	[sflag:s18] =	ssyncadd.s32 $0xFFFFE000  }
0x2de: {  	v13 =	vld.idx.msk [tilespmem:v13+s10+$0x0], $0xffff;
	_ =	sdelay $0x2  }
0x2df: {  	v15 =	vor.u32 s3, v10;
	_ =	sdelay $0x1  }
0x2e0: {  	[tilespmem:v16+s19+$0x0] =	vst.idx.msk $0xffff, v13;
	v16 =	vld [tilespmem:$0x1FF30];
	_ =	sdelay $0x2  }
0x2e1: {  	v13 =	vld.idx.msk [tilespmem:v15+s10+$0x0], $0xffff;
	_ =	sdelay $0x2  }
0x2e2: {  	v15 =	vor.u32 s3, v11;
	_ =	sdelay $0x1  }
0x2e3: {  	[tilespmem:v16+s19+$0x0] =	vst.idx.msk $0xffff, v13;
	v16 =	vld [tilespmem:$0x1FF40]  }
0x2e4: {  	(v2sf) =	vpush v14, $0x8;
	_ =	sdelay $0x1  }
0x2e5: {  	v13 =	vld.idx.msk [tilespmem:v15+s10+$0x0], $0xffff  }
0x2e6: {  	v15 =	vor.u32 s3, v12;
	_ =	sdelay $0x3  }
0x2e7: {  	[tilespmem:v16+s19+$0x0] =	vst.idx.msk $0xffff, v13  }
0x2e8: {  	v13 =	vld.idx.msk [tilespmem:v15+s10+$0x0], $0xffff  }
0x2e9: {  	v15 =	vld [tilespmem:$0x1FF50];
	_ =	sdelay $0x5  }
0x2ea: {  	s23 =	spop (v2sf)  }
0x2eb: {  	s25 =	sand.u32 $0xFFFFF80, s23  }
0x2ec: {  	s20 =	sand.u32 $0x7F, s26;
	s3 =	sadd.s32 s0, s25;
	[tilespmem:v15+s19+$0x0] =	vst.idx.msk $0xffff, v13  }
0x2ed: {  	v13 =	vor.u32 s20, v0;
	[tilespmem:s10], [sflag:$0x1] =	stream.strided.gather [hbm4b:s3+s7], $0x2000, s9, s7, $0x38;
	[tilespmem:$0x18200] =	vst v63  }
0x2ee: {  	_ =	swait.ge [sflag:s18], $0x2000  }
0x2ef: {  	v16 =	vld [tilespmem:$0x1FF60]  }
0x2f0: {  	[sflag:s18] =	ssyncset.done $0x0  }
0x2f1: {  	[sflag:s18] =	ssyncadd.s32 $0xFFFFE000  }
0x2f2: {  	v13 =	vld.idx.msk [tilespmem:v13+s11+$0x0], $0xffff;
	_ =	sdelay $0x2  }
0x2f3: {  	v15 =	vor.u32 s20, v10;
	_ =	sdelay $0x1  }
0x2f4: {  	[tilespmem:v16+s19+$0x0] =	vst.idx.msk $0xffff, v13;
	v16 =	vld [tilespmem:$0x1FF70];
	_ =	sdelay $0x2  }
0x2f5: {  	v13 =	vld.idx.msk [tilespmem:v15+s11+$0x0], $0xffff;
	_ =	sdelay $0x2  }
0x2f6: {  	v15 =	vor.u32 s20, v11;
	_ =	sdelay $0x1  }
0x2f7: {  	[tilespmem:v16+s19+$0x0] =	vst.idx.msk $0xffff, v13;
	v16 =	vld [tilespmem:$0x1FF80]  }
0x2f8: {  	(v2sf) =	vpush v14, $0x9;
	_ =	sdelay $0x1  }
0x2f9: {  	v13 =	vld.idx.msk [tilespmem:v15+s11+$0x0], $0xffff  }
0x2fa: {  	v15 =	vor.u32 s20, v12;
	_ =	sdelay $0x3  }
0x2fb: {  	[tilespmem:v16+s19+$0x0] =	vst.idx.msk $0xffff, v13  }
0x2fc: {  	v13 =	vld.idx.msk [tilespmem:v15+s11+$0x0], $0xffff  }
0x2fd: {  	v15 =	vld [tilespmem:$0x1FF90];
	_ =	sdelay $0x5  }
0x2fe: {  	s24 =	spop (v2sf)  }
0x2ff: {  	s26 =	sand.u32 $0xFFFFF80, s24  }
0x300: {  	s28 =	sand.u32 $0x7F, s28;
	s3 =	sadd.s32 s0, s26;
	[tilespmem:v15+s19+$0x0] =	vst.idx.msk $0xffff, v13  }
0x301: {  	v13 =	vor.u32 s28, v0;
	[tilespmem:s11], [sflag:$0x1] =	stream.strided.gather [hbm4b:s3+s7], $0x2000, s9, s7, $0x38;
	[tilespmem:$0x18200] =	vst v63  }
0x302: {  	_ =	swait.ge [sflag:s18], $0x2000  }
0x303: {  	v16 =	vld [tilespmem:$0x1FFA0]  }
0x304: {  	[sflag:s18] =	ssyncset.done $0x0  }
0x305: {  	[sflag:s18] =	ssyncadd.s32 $0xFFFFE000  }
0x306: {  	v13 =	vld.idx.msk [tilespmem:v13+s12+$0x0], $0xffff;
	_ =	sdelay $0x2  }
0x307: {  	v15 =	vor.u32 s28, v10;
	_ =	sdelay $0x1  }
0x308: {  	[tilespmem:v16+s19+$0x0] =	vst.idx.msk $0xffff, v13;
	v16 =	vld [tilespmem:$0x1FFB0];
	_ =	sdelay $0x2  }
0x309: {  	v13 =	vld.idx.msk [tilespmem:v15+s12+$0x0], $0xffff;
	_ =	sdelay $0x2  }
0x30a: {  	v15 =	vor.u32 s28, v11;
	_ =	sdelay $0x1  }
0x30b: {  	[tilespmem:v16+s19+$0x0] =	vst.idx.msk $0xffff, v13;
	v16 =	vld [tilespmem:$0x1FFC0]  }
0x30c: {  	(v2sf) =	vpush v14, $0xA;
	_ =	sdelay $0x1  }
0x30d: {  	v13 =	vld.idx.msk [tilespmem:v15+s12+$0x0], $0xffff  }
0x30e: {  	v15 =	vor.u32 s28, v12;
	_ =	sdelay $0x3  }
0x30f: {  	[tilespmem:v16+s19+$0x0] =	vst.idx.msk $0xffff, v13  }
0x310: {  	v13 =	vld.idx.msk [tilespmem:v15+s12+$0x0], $0xffff  }
0x311: {  	v15 =	vld [tilespmem:$0x1FFD0];
	_ =	sdelay $0x5  }
0x312: {  	s25 =	spop (v2sf)  }
0x313: {  	s20 =	sand.u32 $0xFFFFF80, s25  }
0x314: {  	s26 =	sand.u32 $0x7F, s29;
	s3 =	sadd.s32 s0, s20;
	[tilespmem:v15+s19+$0x0] =	vst.idx.msk $0xffff, v13  }
0x315: {  	v13 =	vor.u32 s26, v0;
	[tilespmem:s12], [sflag:$0x1] =	stream.strided.gather [hbm4b:s3+s7], $0x2000, s9, s7, $0x38;
	[tilespmem:$0x18200] =	vst v63  }
0x316: {  	_ =	swait.ge [sflag:s18], $0x2000  }
0x317: {  	v16 =	vld [tilespmem:$0x1FFE0]  }
0x318: {  	[sflag:s18] =	ssyncset.done $0x0  }
0x319: {  	[sflag:s18] =	ssyncadd.s32 $0xFFFFE000  }
0x31a: {  	v13 =	vld.idx.msk [tilespmem:v13+s13+$0x0], $0xffff;
	_ =	sdelay $0x2  }
0x31b: {  	v15 =	vor.u32 s26, v10;
	_ =	sdelay $0x1  }
0x31c: {  	[tilespmem:v16+s19+$0x0] =	vst.idx.msk $0xffff, v13;
	v16 =	vld [tilespmem:$0x1FFF0];
	_ =	sdelay $0x2  }
0x31d: {  	(v2sf) =	vpush v14, $0xB;
	v13 =	vld.idx.msk [tilespmem:v15+s13+$0x0], $0xffff  }
0x31e: {  	v15 =	vor.u32 s26, v11;
	_ =	sdelay $0x3  }
0x31f: {  	[tilespmem:v16+s19+$0x0] =	vst.idx.msk $0xffff, v13  }
0x320: {  	v13 =	vld.idx.msk [tilespmem:v15+s13+$0x0], $0xffff  }
0x321: {  	v15 =	vor.u32 s26, v12;
	_ =	sdelay $0x3  }
0x322: {  	[tilespmem:v19+s19+$0x0] =	vst.idx.msk $0xffff, v13  }
0x323: {  	v13 =	vld.idx.msk [tilespmem:v15+s13+$0x0], $0xffff;
	_ =	sdelay $0x2  }
0x324: {  	s26 =	spop (v2sf)  }
0x325: {  	s29 =	sand.u32 $0x7F, s30;
	s28 =	sand.u32 $0xFFFFF80, s26  }
0x326: {  	s3 =	sadd.s32 s0, s28;
	[tilespmem:v20+s19+$0x0] =	vst.idx.msk $0xffff, v13;
	v13 =	vor.u32 s29, v0  }
0x327: {  	[tilespmem:s13], [sflag:$0x1] =	stream.strided.gather [hbm4b:s3+s7], $0x2000, s9, s7, $0x38;
	[tilespmem:$0x18200] =	vst v63  }
0x328: {  	_ =	swait.ge [sflag:s18], $0x2000  }
0x329: {  	[sflag:s18] =	ssyncset.done $0x0  }
0x32a: {  	[sflag:s18] =	ssyncadd.s32 $0xFFFFE000  }
0x32b: {  	v13 =	vld.idx.msk [tilespmem:v13+s14+$0x0], $0xffff  }
0x32c: {  	v15 =	vor.u32 s29, v10;
	_ =	sdelay $0x3  }
0x32d: {  	[tilespmem:v21+s19+$0x0] =	vst.idx.msk $0xffff, v13  }
0x32e: {  	(v2sf) =	vpush v14, $0xC;
	v13 =	vld.idx.msk [tilespmem:v15+s14+$0x0], $0xffff  }
0x32f: {  	v15 =	vor.u32 s29, v11;
	_ =	sdelay $0x3  }
0x330: {  	[tilespmem:v22+s19+$0x0] =	vst.idx.msk $0xffff, v13  }
0x331: {  	v13 =	vld.idx.msk [tilespmem:v15+s14+$0x0], $0xffff  }
0x332: {  	v15 =	vor.u32 s29, v12;
	_ =	sdelay $0x3  }
0x333: {  	[tilespmem:v23+s19+$0x0] =	vst.idx.msk $0xffff, v13  }
0x334: {  	v13 =	vld.idx.msk [tilespmem:v15+s14+$0x0], $0xffff;
	_ =	sdelay $0x2  }
0x335: {  	s28 =	spop (v2sf)  }
0x336: {  	s31 =	sand.u32 $0x7F, s31;
	s30 =	sand.u32 $0xFFFFF80, s28  }
0x337: {  	s3 =	sadd.s32 s0, s30;
	[tilespmem:v24+s19+$0x0] =	vst.idx.msk $0xffff, v13;
	v13 =	vor.u32 s31, v0  }
0x338: {  	[tilespmem:s14], [sflag:$0x1] =	stream.strided.gather [hbm4b:s3+s7], $0x2000, s9, s7, $0x38;
	[tilespmem:$0x18200] =	vst v63  }
0x339: {  	_ =	swait.ge [sflag:s18], $0x2000  }
0x33a: {  	[sflag:s18] =	ssyncset.done $0x0  }
0x33b: {  	[sflag:s18] =	ssyncadd.s32 $0xFFFFE000  }
0x33c: {  	v13 =	vld.idx.msk [tilespmem:v13+s15+$0x0], $0xffff  }
0x33d: {  	v15 =	vor.u32 s31, v10;
	_ =	sdelay $0x3  }
0x33e: {  	[tilespmem:v25+s19+$0x0] =	vst.idx.msk $0xffff, v13  }
0x33f: {  	(v2sf) =	vpush v14, $0xD;
	v13 =	vld.idx.msk [tilespmem:v15+s15+$0x0], $0xffff  }
0x340: {  	v15 =	vor.u32 s31, v11;
	_ =	sdelay $0x3  }
0x341: {  	[tilespmem:v26+s19+$0x0] =	vst.idx.msk $0xffff, v13  }
0x342: {  	v13 =	vld.idx.msk [tilespmem:v15+s15+$0x0], $0xffff  }
0x343: {  	v15 =	vor.u32 s31, v12;
	_ =	sdelay $0x3  }
0x344: {  	[tilespmem:v27+s19+$0x0] =	vst.idx.msk $0xffff, v13  }
0x345: {  	v13 =	vld.idx.msk [tilespmem:v15+s15+$0x0], $0xffff;
	_ =	sdelay $0x2  }
0x346: {  	s29 =	spop (v2sf)  }
0x347: {  	s2 =	sand.u32 $0x7F, s2;
	s20 =	sand.u32 $0xFFFFF80, s29  }
0x348: {  	s3 =	sadd.s32 s0, s20;
	[tilespmem:v28+s19+$0x0] =	vst.idx.msk $0xffff, v13;
	v13 =	vor.u32 s2, v0  }
0x349: {  	[tilespmem:s15], [sflag:$0x1] =	stream.strided.gather [hbm4b:s3+s7], $0x2000, s9, s7, $0x38;
	[tilespmem:$0x18200] =	vst v63  }
0x34a: {  	_ =	swait.ge [sflag:s18], $0x2000  }
0x34b: {  	[sflag:s18] =	ssyncset.done $0x0  }
0x34c: {  	[sflag:s18] =	ssyncadd.s32 $0xFFFFE000  }
0x34d: {  	v13 =	vld.idx.msk [tilespmem:v13+s16+$0x0], $0xffff  }
0x34e: {  	v15 =	vor.u32 s2, v10;
	_ =	sdelay $0x3  }
0x34f: {  	[tilespmem:v29+s19+$0x0] =	vst.idx.msk $0xffff, v13  }
0x350: {  	(v2sf) =	vpush v14, $0xE;
	v13 =	vld.idx.msk [tilespmem:v15+s16+$0x0], $0xffff  }
0x351: {  	v15 =	vor.u32 s2, v11;
	_ =	sdelay $0x3  }
0x352: {  	[tilespmem:v30+s19+$0x0] =	vst.idx.msk $0xffff, v13  }
0x353: {  	v13 =	vld.idx.msk [tilespmem:v15+s16+$0x0], $0xffff  }
0x354: {  	v15 =	vor.u32 s2, v12;
	_ =	sdelay $0x3  }
0x355: {  	[tilespmem:v31+s19+$0x0] =	vst.idx.msk $0xffff, v13  }
0x356: {  	v13 =	vld.idx.msk [tilespmem:v15+s16+$0x0], $0xffff;
	_ =	sdelay $0x2  }
0x357: {  	s2 =	spop (v2sf)  }
0x358: {  	s1 =	sand.u32 $0x7F, s1;
	s30 =	sand.u32 $0xFFFFF80, s2  }
0x359: {  	s3 =	sadd.s32 s0, s30;
	[tilespmem:v32+s19+$0x0] =	vst.idx.msk $0xffff, v13;
	v13 =	vor.u32 s1, v0  }
0x35a: {  	[tilespmem:s16], [sflag:$0x1] =	stream.strided.gather [hbm4b:s3+s7], $0x2000, s9, s7, $0x38;
	[tilespmem:$0x18200] =	vst v63  }
0x35b: {  	_ =	swait.ge [sflag:s18], $0x2000  }
0x35c: {  	[sflag:s18] =	ssyncset.done $0x0  }
0x35d: {  	[sflag:s18] =	ssyncadd.s32 $0xFFFFE000  }
0x35e: {  	v13 =	vld.idx.msk [tilespmem:v13+s17+$0x0], $0xffff  }
0x35f: {  	v15 =	vor.u32 s1, v10;
	_ =	sdelay $0x3  }
0x360: {  	[tilespmem:v33+s19+$0x0] =	vst.idx.msk $0xffff, v13  }
0x361: {  	(v2sf) =	vpush v14, $0xF;
	v13 =	vld.idx.msk [tilespmem:v15+s17+$0x0], $0xffff  }
0x362: {  	v14 =	vor.u32 s1, v11;
	_ =	sdelay $0x3  }
0x363: {  	[tilespmem:v34+s19+$0x0] =	vst.idx.msk $0xffff, v13  }
0x364: {  	v13 =	vld.idx.msk [tilespmem:v14+s17+$0x0], $0xffff  }
0x365: {  	v14 =	vor.u32 s1, v12;
	_ =	sdelay $0x3  }
0x366: {  	[tilespmem:v35+s19+$0x0] =	vst.idx.msk $0xffff, v13  }
0x367: {  	v13 =	vld.idx.msk [tilespmem:v14+s17+$0x0], $0xffff;
	_ =	sdelay $0x2  }
0x368: {  	s31 =	spop (v2sf)  }
0x369: {  	s23 =	sand.u32 $0x7F, s23;
	s20 =	sand.u32 $0xFFFFF80, s31  }
0x36a: {  	s3 =	sadd.s32 s0, s20;
	[tilespmem:v36+s19+$0x0] =	vst.idx.msk $0xffff, v13;
	v13 =	vor.u32 s23, v0  }
0x36b: {  	[tilespmem:s17], [sflag:$0x1] =	stream.strided.gather [hbm4b:s3+s7], $0x2000, s9, s7, $0x38;
	[tilespmem:$0x18200] =	vst v63  }
0x36c: {  	_ =	swait.ge [sflag:s18], $0x2000  }
0x36d: {  	[sflag:s18] =	ssyncset.done $0x0  }
0x36e: {  	[sflag:s18] =	ssyncadd.s32 $0xFFFFE000  }
0x36f: {  	v13 =	vld.idx.msk [tilespmem:v13+s10+$0x0], $0xffff  }
0x370: {  	v14 =	vor.u32 s23, v10;
	_ =	sdelay $0x3  }
0x371: {  	[tilespmem:v37+s19+$0x0] =	vst.idx.msk $0xffff, v13  }
0x372: {  	v13 =	vld.idx.msk [tilespmem:v14+s10+$0x0], $0xffff  }
0x373: {  	v14 =	vor.u32 s23, v11;
	_ =	sdelay $0x3  }
0x374: {  	[tilespmem:v38+s19+$0x0] =	vst.idx.msk $0xffff, v13  }
0x375: {  	v13 =	vld.idx.msk [tilespmem:v14+s10+$0x0], $0xffff  }
0x376: {  	v14 =	vor.u32 s23, v12;
	_ =	sdelay $0x3  }
0x377: {  	[tilespmem:v39+s19+$0x0] =	vst.idx.msk $0xffff, v13  }
0x378: {  	v13 =	vld.idx.msk [tilespmem:v14+s10+$0x0], $0xffff;
	_ =	sdelay $0x2  }
0x379: {  	s24 =	sand.u32 $0x7F, s24  }
0x37a: {  	v14 =	vor.u32 s24, v0  }
0x37b: {  	[tilespmem:v40+s19+$0x0] =	vst.idx.msk $0xffff, v13  }
0x37c: {  	_ =	swait.ge [sflag:s18], $0x2000  }
0x37d: {  	[sflag:s18] =	ssyncset.done $0x0  }
0x37e: {  	[sflag:s18] =	ssyncadd.s32 $0xFFFFE000  }
0x37f: {  	v13 =	vld.idx.msk [tilespmem:v14+s11+$0x0], $0xffff  }
0x380: {  	v14 =	vor.u32 s24, v10;
	_ =	sdelay $0x3  }
0x381: {  	[tilespmem:v41+s19+$0x0] =	vst.idx.msk $0xffff, v13  }
0x382: {  	v13 =	vld.idx.msk [tilespmem:v14+s11+$0x0], $0xffff  }
0x383: {  	v14 =	vor.u32 s24, v11;
	_ =	sdelay $0x3  }
0x384: {  	[tilespmem:v42+s19+$0x0] =	vst.idx.msk $0xffff, v13  }
0x385: {  	v13 =	vld.idx.msk [tilespmem:v14+s11+$0x0], $0xffff  }
0x386: {  	v14 =	vor.u32 s24, v12;
	_ =	sdelay $0x3  }
0x387: {  	[tilespmem:v43+s19+$0x0] =	vst.idx.msk $0xffff, v13  }
0x388: {  	v13 =	vld.idx.msk [tilespmem:v14+s11+$0x0], $0xffff;
	_ =	sdelay $0x2  }
0x389: {  	s25 =	sand.u32 $0x7F, s25  }
0x38a: {  	v14 =	vor.u32 s25, v0  }
0x38b: {  	[tilespmem:v44+s19+$0x0] =	vst.idx.msk $0xffff, v13  }
0x38c: {  	_ =	swait.ge [sflag:s18], $0x2000  }
0x38d: {  	[sflag:s18] =	ssyncset.done $0x0  }
0x38e: {  	[sflag:s18] =	ssyncadd.s32 $0xFFFFE000  }
0x38f: {  	v13 =	vld.idx.msk [tilespmem:v14+s12+$0x0], $0xffff  }
0x390: {  	v14 =	vor.u32 s25, v10;
	_ =	sdelay $0x3  }
0x391: {  	[tilespmem:v45+s19+$0x0] =	vst.idx.msk $0xffff, v13  }
0x392: {  	v13 =	vld.idx.msk [tilespmem:v14+s12+$0x0], $0xffff  }
0x393: {  	v14 =	vor.u32 s25, v11;
	_ =	sdelay $0x3  }
0x394: {  	[tilespmem:v46+s19+$0x0] =	vst.idx.msk $0xffff, v13  }
0x395: {  	v13 =	vld.idx.msk [tilespmem:v14+s12+$0x0], $0xffff  }
0x396: {  	v14 =	vor.u32 s25, v12;
	_ =	sdelay $0x3  }
0x397: {  	[tilespmem:v47+s19+$0x0] =	vst.idx.msk $0xffff, v13  }
0x398: {  	v13 =	vld.idx.msk [tilespmem:v14+s12+$0x0], $0xffff;
	_ =	sdelay $0x2  }
0x399: {  	s26 =	sand.u32 $0x7F, s26  }
0x39a: {  	v14 =	vor.u32 s26, v0  }
0x39b: {  	[tilespmem:v48+s19+$0x0] =	vst.idx.msk $0xffff, v13  }
0x39c: {  	_ =	swait.ge [sflag:s18], $0x2000  }
0x39d: {  	[sflag:s18] =	ssyncset.done $0x0  }
0x39e: {  	[sflag:s18] =	ssyncadd.s32 $0xFFFFE000  }
0x39f: {  	v13 =	vld.idx.msk [tilespmem:v14+s13+$0x0], $0xffff  }
0x3a0: {  	v14 =	vor.u32 s26, v10;
	_ =	sdelay $0x3  }
0x3a1: {  	[tilespmem:v49+s19+$0x0] =	vst.idx.msk $0xffff, v13  }
0x3a2: {  	v13 =	vld.idx.msk [tilespmem:v14+s13+$0x0], $0xffff  }
0x3a3: {  	v14 =	vor.u32 s26, v11;
	_ =	sdelay $0x3  }
0x3a4: {  	[tilespmem:v50+s19+$0x0] =	vst.idx.msk $0xffff, v13  }
0x3a5: {  	v13 =	vld.idx.msk [tilespmem:v14+s13+$0x0], $0xffff  }
0x3a6: {  	v14 =	vor.u32 s26, v12;
	_ =	sdelay $0x3  }
0x3a7: {  	[tilespmem:v51+s19+$0x0] =	vst.idx.msk $0xffff, v13  }
0x3a8: {  	v13 =	vld.idx.msk [tilespmem:v14+s13+$0x0], $0xffff;
	_ =	sdelay $0x2  }
0x3a9: {  	s28 =	sand.u32 $0x7F, s28  }
0x3aa: {  	v14 =	vor.u32 s28, v0  }
0x3ab: {  	[tilespmem:v52+s19+$0x0] =	vst.idx.msk $0xffff, v13  }
0x3ac: {  	_ =	swait.ge [sflag:s18], $0x2000  }
0x3ad: {  	[sflag:s18] =	ssyncset.done $0x0  }
0x3ae: {  	[sflag:s18] =	ssyncadd.s32 $0xFFFFE000  }
0x3af: {  	v13 =	vld.idx.msk [tilespmem:v14+s14+$0x0], $0xffff  }
0x3b0: {  	v14 =	vor.u32 s28, v10;
	_ =	sdelay $0x3  }
0x3b1: {  	[tilespmem:v53+s19+$0x0] =	vst.idx.msk $0xffff, v13  }
0x3b2: {  	v13 =	vld.idx.msk [tilespmem:v14+s14+$0x0], $0xffff  }
0x3b3: {  	v14 =	vor.u32 s28, v11;
	_ =	sdelay $0x3  }
0x3b4: {  	[tilespmem:v54+s19+$0x0] =	vst.idx.msk $0xffff, v13  }
0x3b5: {  	v13 =	vld.idx.msk [tilespmem:v14+s14+$0x0], $0xffff  }
0x3b6: {  	v14 =	vor.u32 s28, v12;
	_ =	sdelay $0x3  }
0x3b7: {  	[tilespmem:v55+s19+$0x0] =	vst.idx.msk $0xffff, v13  }
0x3b8: {  	v13 =	vld.idx.msk [tilespmem:v14+s14+$0x0], $0xffff;
	_ =	sdelay $0x2  }
0x3b9: {  	s30 =	sand.u32 $0x7F, s29  }
0x3ba: {  	v14 =	vor.u32 s30, v0  }
0x3bb: {  	[tilespmem:v56+s19+$0x0] =	vst.idx.msk $0xffff, v13  }
0x3bc: {  	_ =	swait.ge [sflag:s18], $0x2000  }
0x3bd: {  	[sflag:s18] =	ssyncset.done $0x0  }
0x3be: {  	[sflag:s18] =	ssyncadd.s32 $0xFFFFE000  }
0x3bf: {  	v13 =	vld.idx.msk [tilespmem:v14+s15+$0x0], $0xffff  }
0x3c0: {  	v14 =	vor.u32 s30, v10;
	_ =	sdelay $0x3  }
0x3c1: {  	[tilespmem:v57+s19+$0x0] =	vst.idx.msk $0xffff, v13  }
0x3c2: {  	v13 =	vld.idx.msk [tilespmem:v14+s15+$0x0], $0xffff  }
0x3c3: {  	v14 =	vor.u32 s30, v11;
	_ =	sdelay $0x3  }
0x3c4: {  	[tilespmem:v58+s19+$0x0] =	vst.idx.msk $0xffff, v13  }
0x3c5: {  	v13 =	vld.idx.msk [tilespmem:v14+s15+$0x0], $0xffff  }
0x3c6: {  	v14 =	vor.u32 s30, v12;
	_ =	sdelay $0x3  }
0x3c7: {  	[tilespmem:v59+s19+$0x0] =	vst.idx.msk $0xffff, v13  }
0x3c8: {  	v13 =	vld.idx.msk [tilespmem:v14+s15+$0x0], $0xffff;
	_ =	sdelay $0x2  }
0x3c9: {  	s2 =	sand.u32 $0x7F, s2  }
0x3ca: {  	v14 =	vor.u32 s2, v0  }
0x3cb: {  	[tilespmem:v60+s19+$0x0] =	vst.idx.msk $0xffff, v13  }
0x3cc: {  	_ =	swait.ge [sflag:s18], $0x2000  }
0x3cd: {  	[sflag:s18] =	ssyncset.done $0x0  }
0x3ce: {  	[sflag:s18] =	ssyncadd.s32 $0xFFFFE000  }
0x3cf: {  	v13 =	vld.idx.msk [tilespmem:v14+s16+$0x0], $0xffff  }
0x3d0: {  	v14 =	vor.u32 s2, v10;
	_ =	sdelay $0x3  }
0x3d1: {  	[tilespmem:v61+s19+$0x0] =	vst.idx.msk $0xffff, v13  }
0x3d2: {  	v13 =	vld.idx.msk [tilespmem:v14+s16+$0x0], $0xffff  }
0x3d3: {  	v14 =	vor.u32 s2, v11;
	_ =	sdelay $0x3  }
0x3d4: {  	[tilespmem:v62+s19+$0x0] =	vst.idx.msk $0xffff, v13  }
0x3d5: {  	v13 =	vld.idx.msk [tilespmem:v14+s16+$0x0], $0xffff  }
0x3d6: {  	v14 =	vor.u32 s2, v12;
	_ =	sdelay $0x3  }
0x3d7: {  	[tilespmem:v63+s19+$0x0] =	vst.idx.msk $0xffff, v13  }
0x3d8: {  	v13 =	vld.idx.msk [tilespmem:v14+s16+$0x0], $0xffff;
	_ =	sdelay $0x2  }
0x3d9: {  	s1 =	sand.u32 $0x7F, s31  }
0x3da: {  	v14 =	vor.u32 s1, v0  }
0x3db: {  	[tilespmem:v5+s19+$0x0] =	vst.idx.msk $0xffff, v13  }
0x3dc: {  	_ =	swait.ge [sflag:s18], $0x2000  }
0x3dd: {  	[sflag:s18] =	ssyncset.done $0x0  }
0x3de: {  	[sflag:s18] =	ssyncadd.s32 $0xFFFFE000  }
0x3df: {  	v13 =	vld.idx.msk [tilespmem:v14+s17+$0x0], $0xffff  }
0x3e0: {  	v14 =	vor.u32 s1, v10;
	_ =	sdelay $0x3  }
0x3e1: {  	[tilespmem:v6+s19+$0x0] =	vst.idx.msk $0xffff, v13  }
0x3e2: {  	v13 =	vld.idx.msk [tilespmem:v14+s17+$0x0], $0xffff  }
0x3e3: {  	v14 =	vor.u32 s1, v11;
	_ =	sdelay $0x3  }
0x3e4: {  	[tilespmem:v7+s19+$0x0] =	vst.idx.msk $0xffff, v13  }
0x3e5: {  	v13 =	vld.idx.msk [tilespmem:v14+s17+$0x0], $0xffff  }
0x3e6: {  	v14 =	vor.u32 s1, v12;
	_ =	sdelay $0x3  }
0x3e7: {  	[tilespmem:v8+s19+$0x0] =	vst.idx.msk $0xffff, v13  }
0x3e8: {  	v13 =	vld.idx.msk [tilespmem:v14+s17+$0x0], $0xffff;
	_ =	sdelay $0x2  }
0x3e9: {  	s22 =	sadd.s32 $0x1, s22  }
0x3ea: {  	p0 =	sne.s32 s22, s6  }
.Ltmp1:
0x3eb: {  	s31 =	simm.s32 $0x1000;
	[tilespmem:v9+s19+$0x0] =	vst.idx.msk $0xffff, v13;
	(pc) =	sbr.rel @p0 .LBB2_1-.Ltmp1, $4  }
0x3ec: {  	[hbm4b:s5+s31] =	stream.strided.scatter [tilespmem:s19], [sflag:$0x2], $0x8000, s21, s31, $0x38;
	[tilespmem:$0x18200] =	vst v63  }
0x3ed: {  	_ =	swait.ge [sflag:s8], $0x8000  }
0x3ee: {  	[sflag:s8] =	ssyncset.done $0x0  }
0x3ef: {  	[sflag:s8] =	ssyncadd.s32 $0xFFFF8000  }
0x3f0: {  	_ =	sfence.sel $0x180000  }
0x3f1: {  	[bflag:$0x0] =	sbarrier.arrive $0xFFFF  }
0x3f2: {  	_ =	strace $0x90000047  }
0x3f3: {  	s0 =	stileid.u32;
	[bflag:$0x2] =	sbarrier.arrive $0xFFFF  }
0x3f4: {  	p0 =	sne.s32 s0, $0x0;
	s0 =	rddreg [dreg:$0x3]  }
0x3f5: {  	s0 =	sadd.s32 @!p0 $0x100000, s0  }
0x3f6: {  	[sflag:s0] =	ssyncadd.tile.s32 @!p0 $0x1;
	_ =	shalt  }
.Lfunc_end2:
_tile_overlayer_lowered:
.L_overlay_start_2:
0x3f7: {  	(tag) =	ssettag $0x2  }
0x3f8: {  	s0 =	rddreg [dreg:$0x0];
	s2 =	stileid.u32  }
0x3f9: {  	s1 =	rddreg [dreg:$0x1];
	p0 =	sne.s32 s2, $0x0  }
0x3fa: {  	s3 =	rddreg [dreg:$0x2];
	[bflag:$0x3] =	sbarrier.arrive $0xFFFF;
	s2 =	simm.s32 @!p0 $0x1C02  }
0x3fb: {  	[timem:s3], [sflag:s2] =	dma.local @!p0 [hbm:s0], s1  }
0x3fc: {  	s0 =	simm.s32 @!p0 $0x2  }
0x3fd: {  	_ =	swait.ge @!p0 [sflag:s0], s1  }
0x3fe: {  	s1 =	ssub.s32 @!p0 $0x0, s1;
	[sflag:s0] =	ssyncset.done @!p0 $0x0  }
0x3ff: {  	[sflag:s0] =	ssyncadd.s32 @!p0 s1  }
0x400: {  	[bflag:$0x3] =	sbarrier.arrive $0xFFFF  }
0x401: {  	_ =	shalt  }

</sc_bundles>
